<compile_context>
chip_gen: v7x
topology: tpu7x:2x2x1
jax: 0.10.2.dev20260603
libtpu: 0.0.44.dev20260713+nightly
codegen_flags: <defaults>
</compile_context>

<pallas_src>
import functools

import jax
import jax.numpy as jnp
from jax import lax
from jax.experimental import pallas as pl
from jax.experimental.pallas import tpu as pltpu
from jax.experimental.pallas import tpu_sc as plsc

_NC, _NS = 2, 16
_NW = _NC * _NS
_L = 16
_TM = 2048
_TB = 16


def _sc_gather(user_table_t, item_table_t, uidx, iidx):
    B = uidx.shape[0]
    D = user_table_t.shape[0]
    bpw = B // _NW
    nb = bpw // _TB
    mesh = plsc.VectorSubcoreMesh(core_axis_name="c", subcore_axis_name="s")

    @functools.partial(
        pl.kernel,
        mesh=mesh,
        compiler_params=pltpu.CompilerParams(needs_layout_passes=False),
        out_type=(
            jax.ShapeDtypeStruct((D, B), jnp.float32),
            jax.ShapeDtypeStruct((D, B), jnp.float32),
        ),
        scratch_types=[
            pltpu.VMEM((bpw + _L,), jnp.int32),
            pltpu.VMEM((bpw,), jnp.int32),
            pltpu.VMEM((bpw + _L,), jnp.int32),
            pltpu.VMEM((bpw,), jnp.int32),
            pltpu.VMEM((D, _TB * 128), jnp.float32),
            pltpu.VMEM((D, _TB * 128), jnp.float32),
            pltpu.VMEM((D, bpw), jnp.float32),
            pltpu.VMEM((D, bpw), jnp.float32),
            pltpu.SemaphoreType.DMA,
            pltpu.SemaphoreType.DMA,
        ],
    )
    def gather(ut_hbm, it_hbm, ui_hbm, ii_hbm, uo_hbm, io_hbm,
               t_u, l_u, t_i, l_i, tiles_u, tiles_i, cols_u, cols_i,
               sem_u, sem_i):
        wid = lax.axis_index("s") * _NC + lax.axis_index("c")
        base = pl.multiple_of(wid * bpw, 128)
        lanes = lax.iota(jnp.int32, _L)

        for i_hbm, t_v, l_v in ((ui_hbm, t_u, l_u), (ii_hbm, t_i, l_i)):
            pltpu.sync_copy(i_hbm.at[pl.ds(base, bpw)], t_v.at[pl.ds(0, bpw)])

            def split_idx(k, _, t_v=t_v, l_v=l_v):
                v = t_v[pl.ds(k * _L, _L)]
                l_v[pl.ds(k * _L, _L)] = lax.bitwise_and(v, 127)
                t_v[pl.ds(k * _L, _L)] = lax.shift_right_logical(v, 7)
                return 0

            lax.fori_loop(0, bpw // _L, split_idx, 0)

        def params(s):
            tab, t_v, tiles, sem = (
                (ut_hbm, t_u, tiles_u, sem_u) if s % 2 == 0
                else (it_hbm, t_i, tiles_i, sem_i))
            return tab, t_v, tiles, sem, (s // 2) * _TB

        def tile_copy(tab, t_v, tiles, sem, row0, j):
            t = t_v[pl.ds(row0 + j, _L)][0]
            return pltpu.make_async_copy(
                tab.at[:, pl.ds(pl.multiple_of(t * 128, 128), 128)],
                tiles.at[:, pl.ds(pl.multiple_of(j * 128, 128), 128)],
                sem)

        def fire(s):
            tab, t_v, tiles, sem, row0 = params(s)
            lax.fori_loop(
                0, _TB,
                lambda j, _: (tile_copy(tab, t_v, tiles, sem, row0, j)
                              .start(), 0)[1],
                0)

        def drain_extract(s):
            tab, t_v, tiles, sem, row0 = params(s)
            l_v = l_u if s % 2 == 0 else l_i
            cols = cols_u if s % 2 == 0 else cols_i
            lax.fori_loop(
                0, _TB,
                lambda j, _: (tile_copy(tab, t_v, tiles, sem, row0, j)
                              .wait(), 0)[1],
                0)
            lane_vec = l_v[pl.ds(row0, _L)]
            src1 = lanes * 128 + lane_vec
            dst1 = lanes + row0
            for d in range(D):
                d_vec = jnp.full((_L,), d, jnp.int32)
                vals = plsc.load_gather(tiles, [d_vec, src1])
                plsc.store_scatter(cols, [d_vec, dst1], vals)

        fire(0)
        for s in range(2 * nb):
            if s + 1 < 2 * nb:
                fire(s + 1)
            drain_extract(s)

        pltpu.sync_copy(cols_u, uo_hbm.at[:, pl.ds(base, bpw)])
        pltpu.sync_copy(cols_i, io_hbm.at[:, pl.ds(base, bpw)])

    return gather(user_table_t, item_table_t, uidx, iidx)


_LOG2E = 1.4426950408889634
_LN2 = 0.6931471805599453


def _make_loss_body(col0):
    def _loss_body(ut_ref, vt_ref, out_ref):
        i = pl.program_id(0)
        tm = ut_ref.shape[1]
        u = ut_ref[...] * _LOG2E
        logits2 = lax.dot_general(u, vt_ref[...],
                                  (((0,), (0,)), ((), ())),
                                  preferred_element_type=jnp.float32)
        sp = lax.log(1.0 + lax.exp2(logits2))
        diag2 = jnp.sum(u * vt_ref[:, pl.ds(col0 + i * tm, tm)])
        part = jnp.sum(sp) - diag2 * _LN2

        @pl.when(i == 0)
        def _init():
            out_ref[0, 0] = 0.0

        out_ref[0, 0] += part

    return _loss_body


def _loss_tc(u_emb_t, v_emb_t, col0):
    D, M = u_emb_t.shape
    B = v_emb_t.shape[1]
    out = pl.pallas_call(
        _make_loss_body(col0),
        grid=(M // _TM,),
        in_specs=[
            pl.BlockSpec((D, _TM), lambda i: (0, i)),
            pl.BlockSpec((D, B), lambda i: (0, 0)),
        ],
        out_specs=pl.BlockSpec(block_shape=(1, 1), index_map=lambda i: (0, 0),
                               memory_space=pltpu.SMEM),
        out_shape=jax.ShapeDtypeStruct((1, 1), jnp.float32),
    )(u_emb_t, v_emb_t)
    return out[0, 0]


def kernel(userid, itemid, user_feature, item_feature, user_table, item_table):
    B = userid.shape[0]
    uidx = userid.reshape(-1)
    iidx = itemid.reshape(-1)
    u_emb_t, i_emb_t = _sc_gather(user_table.T, item_table.T, uidx, iidx)
    total = _loss_tc(u_emb_t, i_emb_t, 0)
    return total / jnp.float32(B)

# --- scband reference (transcript-rebuilt; emitter-appended) ---
"""Pipeline reference for scband-dssmmodel-15375982920168 (READ-ONLY COPY).

The authoritative reference and input builder live on the scoring server;
editing this copy changes nothing except your own understanding.
"""

import jax, jax.numpy as jnp
import numpy as np

USER_NUM = 1000000
ITEM_NUM = 1000000
DIM = 16
BATCH = 4096


def setup_inputs(seed: int = 0) -> dict:
    key = jax.random.key(seed)
    k1, k2, k3, k4, k5, k6 = jax.random.split(key, 6)
    userid = jax.random.randint(k1, (BATCH, 1), 0, USER_NUM, dtype=jnp.int64 if jax.config.jax_enable_x64 else jnp.int32).astype(jnp.int32)
    itemid = jax.random.randint(k2, (BATCH, 1), 0, ITEM_NUM, dtype=jnp.int64 if jax.config.jax_enable_x64 else jnp.int32).astype(jnp.int32)
    user_feature = jax.random.normal(k3, (BATCH, 64), dtype=jnp.float32)
    item_feature = jax.random.normal(k4, (BATCH, 64), dtype=jnp.float32)
    user_table = jax.random.normal(k5, (USER_NUM, DIM), dtype=jnp.float32)
    item_table = jax.random.normal(k6, (ITEM_NUM, DIM), dtype=jnp.float32)
    return {
        "userid": userid,
        "itemid": itemid,
        "user_feature": user_feature,
        "item_feature": item_feature,
        "user_table": user_table,
        "item_table": item_table,
    }


def _in_batch_loss(user_emb, item_emb):
    dot_product_all = jnp.matmul(user_emb, item_emb.T)
    b = dot_product_all.shape[0]
    help_mat = jnp.ones_like(dot_product_all) - 2.0 * jnp.eye(b, dtype=dot_product_all.dtype)
    loss = dot_product_all * help_mat
    loss = jnp.log(1.0 + jnp.exp(loss))
    loss = loss.sum()
    return loss / b


def reference(userid, itemid, user_feature, item_feature, user_table, item_table):
    # embedding lookup (gather) then squeeze(1)
    user_emb = jnp.take(user_table, userid, axis=0).squeeze(1)  # [B, 1, D] -> [B, D]
    item_emb = jnp.take(item_table, itemid, axis=0).squeeze(1)
    loss = _in_batch_loss(user_emb, item_emb)
    return loss

if __name__ == "__main__":
    import jax
    _d = setup_inputs()
    print(jax.jit(kernel)(*tuple(_d.values())))

</pallas_src>

<mosaic_0001>
#map = affine_map<(d0, d1) -> (0, 0)>
#map1 = affine_map<(d0, d1) -> (0)>
module attributes {stable_mosaic.version = 14 : i64} {
  func.func @gather(%arg0: i32, %arg1: i32, %arg2: memref<16x1000000xf32, #tpu.memory_space<hbm>>, %arg3: memref<16x1000000xf32, #tpu.memory_space<hbm>>, %arg4: memref<4096xi32, #tpu.memory_space<hbm>>, %arg5: memref<4096xi32, #tpu.memory_space<hbm>>, %arg6: memref<16x4096xf32, #tpu.memory_space<hbm>>, %arg7: memref<16x4096xf32, #tpu.memory_space<hbm>>, %arg8: memref<144xi32, #tpu.memory_space<vmem>>, %arg9: memref<128xi32, #tpu.memory_space<vmem>>, %arg10: memref<144xi32, #tpu.memory_space<vmem>>, %arg11: memref<128xi32, #tpu.memory_space<vmem>>, %arg12: memref<16x2048xf32, #tpu.memory_space<vmem>>, %arg13: memref<16x2048xf32, #tpu.memory_space<vmem>>, %arg14: memref<16x128xf32, #tpu.memory_space<vmem>>, %arg15: memref<16x128xf32, #tpu.memory_space<vmem>>, %arg16: memref<!tpu.dma_semaphore, #tpu.memory_space<semaphore_mem>>, %arg17: memref<!tpu.dma_semaphore, #tpu.memory_space<semaphore_mem>>) attributes {dimension_semantics = [#tpu.dimension_semantics<core_parallel>, #tpu.dimension_semantics<subcore_parallel>], iteration_bounds = array<i64: 2, 16>, scalar_prefetch = 0 : i64, scratch_operands = 10 : i64, tpu.core_type = #tpu.core_type<sc_vector_subcore>, window_params = [{transform_indices = #map}, {transform_indices = #map}, {transform_indices = #map1}, {transform_indices = #map1}, {transform_indices = #map}, {transform_indices = #map}]} {
    %mul3A = arith.constant 2 : i32
    %mul3A_0 = arith.muli %arg1, %mul3A : i32
    %add3A = arith.addi %mul3A_0, %arg0 : i32
    %mul3A_1 = arith.constant 128 : i32
    %mul3A_2 = arith.muli %add3A, %mul3A_1 : i32
    %multiple_of3A = tpu.assume_multiple %mul3A_2, 128 : i32
    %iota3A = tpu.iota {dimensions = array<i32: 0>} : vector<16xi32>
    "tpu.region"() ({
      %run_scoped3A = tpu.sem_alloc : memref<!tpu.dma_semaphore, #tpu.memory_space<semaphore_mem>>
      %dma_start3A = arith.constant 0 : i32
      %dma_start3A_1149 = tpu.memref_slice %arg8[%dma_start3A] : memref<144xi32, #tpu.memory_space<vmem>> -> memref<128xi32, #tpu.memory_space<vmem>>
      %dma_start3A_1150 = tpu.memref_slice %arg4[%multiple_of3A] : memref<4096xi32, #tpu.memory_space<hbm>> -> memref<128xi32, #tpu.memory_space<hbm>>
      %dma_start3A_1151 = arith.constant 0 : i32
      %dma_start3A_1152 = tpu.memref_slice %arg8[%dma_start3A_1151] : memref<144xi32, #tpu.memory_space<vmem>> -> memref<128xi32, #tpu.memory_space<vmem>>
      %dma_start3A_1153 = tpu.memref_slice %arg4[%multiple_of3A] : memref<4096xi32, #tpu.memory_space<hbm>> -> memref<128xi32, #tpu.memory_space<hbm>>
      tpu.enqueue_dma source(%dma_start3A_1153 : memref<128xi32, #tpu.memory_space<hbm>>) target(%dma_start3A_1152 : memref<128xi32, #tpu.memory_space<vmem>>) target_semaphore(%run_scoped3A : memref<!tpu.dma_semaphore, #tpu.memory_space<semaphore_mem>>)
      %dma_wait3A = arith.constant 0 : i32
      %dma_wait3A_1154 = tpu.memref_slice %arg8[%dma_wait3A] : memref<144xi32, #tpu.memory_space<vmem>> -> memref<128xi32, #tpu.memory_space<vmem>>
      %dma_wait3A_1155 = tpu.memref_slice %arg4[%multiple_of3A] : memref<4096xi32, #tpu.memory_space<hbm>> -> memref<128xi32, #tpu.memory_space<hbm>>
      %dma_wait3A_1156 = arith.constant 0 : i32
      %dma_wait3A_1157 = tpu.memref_slice %arg8[%dma_wait3A_1156] : memref<144xi32, #tpu.memory_space<vmem>> -> memref<128xi32, #tpu.memory_space<vmem>>
      %dma_wait3A_1158 = tpu.memref_slice %arg4[%multiple_of3A] : memref<4096xi32, #tpu.memory_space<hbm>> -> memref<128xi32, #tpu.memory_space<hbm>>
      tpu.wait_dma2 semaphore(%run_scoped3A : memref<!tpu.dma_semaphore, #tpu.memory_space<semaphore_mem>>) src(%dma_wait3A_1158 : memref<128xi32, #tpu.memory_space<hbm>>) dst(%dma_wait3A_1157 : memref<128xi32, #tpu.memory_space<vmem>>)
      tpu.yield
    }) : () -> ()
    %scan3A = arith.constant 0 : i32
    %scan3A_3 = arith.constant 0 : i32
    %scan3A_4 = arith.constant 8 : i32
    %scan3A_5 = arith.addi %scan3A_3, %scan3A_4 : i32
    %scan3A_6 = arith.constant 1 : i32
    %scan3A_7 = scf.for %scan3A_1149 = %scan3A_3 to %scan3A_5 step %scan3A_6 iter_args(%scan3A_1150 = %scan3A) -> (i32)  : i32 {
      %mul3A_1151 = arith.constant 16 : i32
      %mul3A_1152 = arith.muli %scan3A_1149, %mul3A_1151 : i32
      %get3A_1153 = arith.index_cast %mul3A_1152 : i32 to index
      %get3A_1154 = tpu.vector_load %arg8[%get3A_1153] {strides = array<i32>} : memref<144xi32, #tpu.memory_space<vmem>>, vector<16xi32>,
      %and3A = arith.constant 127 : i32
      %and3A_1155 = vector.broadcast %and3A : i32 to vector<16xi32>
      %and3A_1156 = arith.andi %get3A_1154, %and3A_1155 : vector<16xi32>
      %mul3A_1157 = arith.constant 16 : i32
      %mul3A_1158 = arith.muli %scan3A_1149, %mul3A_1157 : i32
      %swap3A = arith.index_cast %mul3A_1158 : i32 to index
      %swap3A_1159 = tpu.vector_load %arg9[%swap3A] {strides = array<i32>} : memref<128xi32, #tpu.memory_space<vmem>>, vector<16xi32>,
      tpu.vector_store %arg9[%swap3A], %and3A_1156 {strides = array<i32>} : memref<128xi32, #tpu.memory_space<vmem>>, vector<16xi32>,
      %shift_right_logical3A = arith.constant 7 : i32
      %shift_right_logical3A_1160 = vector.broadcast %shift_right_logical3A : i32 to vector<16xi32>
      %shift_right_logical3A_1161 = arith.shrui %get3A_1154, %shift_right_logical3A_1160 : vector<16xi32>
      %mul3A_1162 = arith.constant 16 : i32
      %mul3A_1163 = arith.muli %scan3A_1149, %mul3A_1162 : i32
      %swap3A_1164 = arith.index_cast %mul3A_1163 : i32 to index
      %swap3A_1165 = tpu.vector_load %arg8[%swap3A_1164] {strides = array<i32>} : memref<144xi32, #tpu.memory_space<vmem>>, vector<16xi32>,
      tpu.vector_store %arg8[%swap3A_1164], %shift_right_logical3A_1161 {strides = array<i32>} : memref<144xi32, #tpu.memory_space<vmem>>, vector<16xi32>,
      %scan3A_1166 = arith.constant 0 : i32
      scf.yield %scan3A_1166 : i32
    }
    %scan3A_8 = arith.constant 8 : i32
    "tpu.region"() ({
      %run_scoped3A = tpu.sem_alloc : memref<!tpu.dma_semaphore, #tpu.memory_space<semaphore_mem>>
      %dma_start3A = arith.constant 0 : i32
      %dma_start3A_1149 = tpu.memref_slice %arg10[%dma_start3A] : memref<144xi32, #tpu.memory_space<vmem>> -> memref<128xi32, #tpu.memory_space<vmem>>
      %dma_start3A_1150 = tpu.memref_slice %arg5[%multiple_of3A] : memref<4096xi32, #tpu.memory_space<hbm>> -> memref<128xi32, #tpu.memory_space<hbm>>
      %dma_start3A_1151 = arith.constant 0 : i32
      %dma_start3A_1152 = tpu.memref_slice %arg10[%dma_start3A_1151] : memref<144xi32, #tpu.memory_space<vmem>> -> memref<128xi32, #tpu.memory_space<vmem>>
      %dma_start3A_1153 = tpu.memref_slice %arg5[%multiple_of3A] : memref<4096xi32, #tpu.memory_space<hbm>> -> memref<128xi32, #tpu.memory_space<hbm>>
      tpu.enqueue_dma source(%dma_start3A_1153 : memref<128xi32, #tpu.memory_space<hbm>>) target(%dma_start3A_1152 : memref<128xi32, #tpu.memory_space<vmem>>) target_semaphore(%run_scoped3A : memref<!tpu.dma_semaphore, #tpu.memory_space<semaphore_mem>>)
      %dma_wait3A = arith.constant 0 : i32
      %dma_wait3A_1154 = tpu.memref_slice %arg10[%dma_wait3A] : memref<144xi32, #tpu.memory_space<vmem>> -> memref<128xi32, #tpu.memory_space<vmem>>
      %dma_wait3A_1155 = tpu.memref_slice %arg5[%multiple_of3A] : memref<4096xi32, #tpu.memory_space<hbm>> -> memref<128xi32, #tpu.memory_space<hbm>>
      %dma_wait3A_1156 = arith.constant 0 : i32
      %dma_wait3A_1157 = tpu.memref_slice %arg10[%dma_wait3A_1156] : memref<144xi32, #tpu.memory_space<vmem>> -> memref<128xi32, #tpu.memory_space<vmem>>
      %dma_wait3A_1158 = tpu.memref_slice %arg5[%multiple_of3A] : memref<4096xi32, #tpu.memory_space<hbm>> -> memref<128xi32, #tpu.memory_space<hbm>>
      tpu.wait_dma2 semaphore(%run_scoped3A : memref<!tpu.dma_semaphore, #tpu.memory_space<semaphore_mem>>) src(%dma_wait3A_1158 : memref<128xi32, #tpu.memory_space<hbm>>) dst(%dma_wait3A_1157 : memref<128xi32, #tpu.memory_space<vmem>>)
      tpu.yield
    }) : () -> ()
    %scan3A_9 = arith.constant 0 : i32
    %scan3A_10 = arith.constant 0 : i32
    %scan3A_11 = arith.constant 8 : i32
    %scan3A_12 = arith.addi %scan3A_10, %scan3A_11 : i32
    %scan3A_13 = arith.constant 1 : i32
    %scan3A_14 = scf.for %scan3A_1149 = %scan3A_10 to %scan3A_12 step %scan3A_13 iter_args(%scan3A_1150 = %scan3A_9) -> (i32)  : i32 {
      %mul3A_1151 = arith.constant 16 : i32
      %mul3A_1152 = arith.muli %scan3A_1149, %mul3A_1151 : i32
      %get3A_1153 = arith.index_cast %mul3A_1152 : i32 to index
      %get3A_1154 = tpu.vector_load %arg10[%get3A_1153] {strides = array<i32>} : memref<144xi32, #tpu.memory_space<vmem>>, vector<16xi32>,
      %and3A = arith.constant 127 : i32
      %and3A_1155 = vector.broadcast %and3A : i32 to vector<16xi32>
      %and3A_1156 = arith.andi %get3A_1154, %and3A_1155 : vector<16xi32>
      %mul3A_1157 = arith.constant 16 : i32
      %mul3A_1158 = arith.muli %scan3A_1149, %mul3A_1157 : i32
      %swap3A = arith.index_cast %mul3A_1158 : i32 to index
      %swap3A_1159 = tpu.vector_load %arg11[%swap3A] {strides = array<i32>} : memref<128xi32, #tpu.memory_space<vmem>>, vector<16xi32>,
      tpu.vector_store %arg11[%swap3A], %and3A_1156 {strides = array<i32>} : memref<128xi32, #tpu.memory_space<vmem>>, vector<16xi32>,
      %shift_right_logical3A = arith.constant 7 : i32
      %shift_right_logical3A_1160 = vector.broadcast %shift_right_logical3A : i32 to vector<16xi32>
      %shift_right_logical3A_1161 = arith.shrui %get3A_1154, %shift_right_logical3A_1160 : vector<16xi32>
      %mul3A_1162 = arith.constant 16 : i32
      %mul3A_1163 = arith.muli %scan3A_1149, %mul3A_1162 : i32
      %swap3A_1164 = arith.index_cast %mul3A_1163 : i32 to index
      %swap3A_1165 = tpu.vector_load %arg10[%swap3A_1164] {strides = array<i32>} : memref<144xi32, #tpu.memory_space<vmem>>, vector<16xi32>,
      tpu.vector_store %arg10[%swap3A_1164], %shift_right_logical3A_1161 {strides = array<i32>} : memref<144xi32, #tpu.memory_space<vmem>>, vector<16xi32>,
      %scan3A_1166 = arith.constant 0 : i32
      scf.yield %scan3A_1166 : i32
    }
    %scan3A_15 = arith.constant 8 : i32
    %scan3A_16 = arith.constant 0 : i32
    %scan3A_17 = arith.constant 0 : i32
    %scan3A_18 = arith.constant 16 : i32
    %scan3A_19 = arith.addi %scan3A_17, %scan3A_18 : i32
    %scan3A_20 = arith.constant 1 : i32
    %scan3A_21 = scf.for %scan3A_1149 = %scan3A_17 to %scan3A_19 step %scan3A_20 iter_args(%scan3A_1150 = %scan3A_16) -> (i32)  : i32 {
      %add3A_1151 = arith.constant 0 : i32
      %add3A_1152 = arith.addi %add3A_1151, %scan3A_1149 : i32
      %get3A_1153 = arith.index_cast %add3A_1152 : i32 to index
      %get3A_1154 = tpu.vector_load %arg8[%get3A_1153] {strides = array<i32>} : memref<144xi32, #tpu.memory_space<vmem>>, vector<16xi32>,
      %slice3A = vector.extract_strided_slice %get3A_1154 {offsets = [0], sizes = [1], strides = [1]} : vector<16xi32> to vector<1xi32>
      %squeeze3A = vector.extract %slice3A[0] : i32 from vector<1xi32>
      %mul3A_1155 = arith.constant 128 : i32
      %mul3A_1156 = arith.muli %squeeze3A, %mul3A_1155 : i32
      %multiple_of3A_1157 = tpu.assume_multiple %mul3A_1156, 128 : i32
      %mul3A_1158 = arith.constant 128 : i32
      %mul3A_1159 = arith.muli %scan3A_1149, %mul3A_1158 : i32
      %multiple_of3A_1160 = tpu.assume_multiple %mul3A_1159, 128 : i32
      %dma_start3A = arith.constant 0 : i32
      %dma_start3A_1161 = tpu.memref_slice %arg12[%dma_start3A, %multiple_of3A_1160] : memref<16x2048xf32, #tpu.memory_space<vmem>> -> memref<16x128xf32, #tpu.memory_space<vmem>>
      %dma_start3A_1162 = arith.constant 0 : i32
      %dma_start3A_1163 = tpu.memref_slice %arg2[%dma_start3A_1162, %multiple_of3A_1157] : memref<16x1000000xf32, #tpu.memory_space<hbm>> -> memref<16x128xf32, #tpu.memory_space<hbm>>
      %dma_start3A_1164 = arith.constant 0 : i32
      %dma_start3A_1165 = tpu.memref_slice %arg12[%dma_start3A_1164, %multiple_of3A_1160] : memref<16x2048xf32, #tpu.memory_space<vmem>> -> memref<16x128xf32, #tpu.memory_space<vmem>>
      %dma_start3A_1166 = arith.constant 0 : i32
      %dma_start3A_1167 = tpu.memref_slice %arg2[%dma_start3A_1166, %multiple_of3A_1157] : memref<16x1000000xf32, #tpu.memory_space<hbm>> -> memref<16x128xf32, #tpu.memory_space<hbm>>
      tpu.enqueue_dma source(%dma_start3A_1167 : memref<16x128xf32, #tpu.memory_space<hbm>>) target(%dma_start3A_1165 : memref<16x128xf32, #tpu.memory_space<vmem>>) target_semaphore(%arg16 : memref<!tpu.dma_semaphore, #tpu.memory_space<semaphore_mem>>)
      %scan3A_1168 = arith.constant 0 : i32
      scf.yield %scan3A_1168 : i32
    }
    %scan3A_22 = arith.constant 16 : i32
    %scan3A_23 = arith.constant 0 : i32
    %scan3A_24 = arith.constant 0 : i32
    %scan3A_25 = arith.constant 16 : i32
    %scan3A_26 = arith.addi %scan3A_24, %scan3A_25 : i32
    %scan3A_27 = arith.constant 1 : i32
    %scan3A_28 = scf.for %scan3A_1149 = %scan3A_24 to %scan3A_26 step %scan3A_27 iter_args(%scan3A_1150 = %scan3A_23) -> (i32)  : i32 {
      %add3A_1151 = arith.constant 0 : i32
      %add3A_1152 = arith.addi %add3A_1151, %scan3A_1149 : i32
      %get3A_1153 = arith.index_cast %add3A_1152 : i32 to index
      %get3A_1154 = tpu.vector_load %arg10[%get3A_1153] {strides = array<i32>} : memref<144xi32, #tpu.memory_space<vmem>>, vector<16xi32>,
      %slice3A = vector.extract_strided_slice %get3A_1154 {offsets = [0], sizes = [1], strides = [1]} : vector<16xi32> to vector<1xi32>
      %squeeze3A = vector.extract %slice3A[0] : i32 from vector<1xi32>
      %mul3A_1155 = arith.constant 128 : i32
      %mul3A_1156 = arith.muli %squeeze3A, %mul3A_1155 : i32
      %multiple_of3A_1157 = tpu.assume_multiple %mul3A_1156, 128 : i32
      %mul3A_1158 = arith.constant 128 : i32
      %mul3A_1159 = arith.muli %scan3A_1149, %mul3A_1158 : i32
      %multiple_of3A_1160 = tpu.assume_multiple %mul3A_1159, 128 : i32
      %dma_start3A = arith.constant 0 : i32
      %dma_start3A_1161 = tpu.memref_slice %arg13[%dma_start3A, %multiple_of3A_1160] : memref<16x2048xf32, #tpu.memory_space<vmem>> -> memref<16x128xf32, #tpu.memory_space<vmem>>
      %dma_start3A_1162 = arith.constant 0 : i32
      %dma_start3A_1163 = tpu.memref_slice %arg3[%dma_start3A_1162, %multiple_of3A_1157] : memref<16x1000000xf32, #tpu.memory_space<hbm>> -> memref<16x128xf32, #tpu.memory_space<hbm>>
      %dma_start3A_1164 = arith.constant 0 : i32
      %dma_start3A_1165 = tpu.memref_slice %arg13[%dma_start3A_1164, %multiple_of3A_1160] : memref<16x2048xf32, #tpu.memory_space<vmem>> -> memref<16x128xf32, #tpu.memory_space<vmem>>
      %dma_start3A_1166 = arith.constant 0 : i32
      %dma_start3A_1167 = tpu.memref_slice %arg3[%dma_start3A_1166, %multiple_of3A_1157] : memref<16x1000000xf32, #tpu.memory_space<hbm>> -> memref<16x128xf32, #tpu.memory_space<hbm>>
      tpu.enqueue_dma source(%dma_start3A_1167 : memref<16x128xf32, #tpu.memory_space<hbm>>) target(%dma_start3A_1165 : memref<16x128xf32, #tpu.memory_space<vmem>>) target_semaphore(%arg17 : memref<!tpu.dma_semaphore, #tpu.memory_space<semaphore_mem>>)
      %scan3A_1168 = arith.constant 0 : i32
      scf.yield %scan3A_1168 : i32
    }
    %scan3A_29 = arith.constant 16 : i32
    %scan3A_30 = arith.constant 0 : i32
    %scan3A_31 = arith.constant 0 : i32
    %scan3A_32 = arith.constant 16 : i32
    %scan3A_33 = arith.addi %scan3A_31, %scan3A_32 : i32
    %scan3A_34 = arith.constant 1 : i32
    %scan3A_35 = scf.for %scan3A_1149 = %scan3A_31 to %scan3A_33 step %scan3A_34 iter_args(%scan3A_1150 = %scan3A_30) -> (i32)  : i32 {
      %add3A_1151 = arith.constant 0 : i32
      %add3A_1152 = arith.addi %add3A_1151, %scan3A_1149 : i32
      %get3A_1153 = arith.index_cast %add3A_1152 : i32 to index
      %get3A_1154 = tpu.vector_load %arg8[%get3A_1153] {strides = array<i32>} : memref<144xi32, #tpu.memory_space<vmem>>, vector<16xi32>,
      %slice3A = vector.extract_strided_slice %get3A_1154 {offsets = [0], sizes = [1], strides = [1]} : vector<16xi32> to vector<1xi32>
      %squeeze3A = vector.extract %slice3A[0] : i32 from vector<1xi32>
      %mul3A_1155 = arith.constant 128 : i32
      %mul3A_1156 = arith.muli %squeeze3A, %mul3A_1155 : i32
      %multiple_of3A_1157 = tpu.assume_multiple %mul3A_1156, 128 : i32
      %mul3A_1158 = arith.constant 128 : i32
      %mul3A_1159 = arith.muli %scan3A_1149, %mul3A_1158 : i32
      %multiple_of3A_1160 = tpu.assume_multiple %mul3A_1159, 128 : i32
      %dma_wait3A = arith.constant 0 : i32
      %dma_wait3A_1161 = tpu.memref_slice %arg12[%dma_wait3A, %multiple_of3A_1160] : memref<16x2048xf32, #tpu.memory_space<vmem>> -> memref<16x128xf32, #tpu.memory_space<vmem>>
      %dma_wait3A_1162 = arith.constant 0 : i32
      %dma_wait3A_1163 = tpu.memref_slice %arg2[%dma_wait3A_1162, %multiple_of3A_1157] : memref<16x1000000xf32, #tpu.memory_space<hbm>> -> memref<16x128xf32, #tpu.memory_space<hbm>>
      %dma_wait3A_1164 = arith.constant 0 : i32
      %dma_wait3A_1165 = tpu.memref_slice %arg12[%dma_wait3A_1164, %multiple_of3A_1160] : memref<16x2048xf32, #tpu.memory_space<vmem>> -> memref<16x128xf32, #tpu.memory_space<vmem>>
      %dma_wait3A_1166 = arith.constant 0 : i32
      %dma_wait3A_1167 = tpu.memref_slice %arg2[%dma_wait3A_1166, %multiple_of3A_1157] : memref<16x1000000xf32, #tpu.memory_space<hbm>> -> memref<16x128xf32, #tpu.memory_space<hbm>>
      tpu.wait_dma2 semaphore(%arg16 : memref<!tpu.dma_semaphore, #tpu.memory_space<semaphore_mem>>) src(%dma_wait3A_1167 : memref<16x128xf32, #tpu.memory_space<hbm>>) dst(%dma_wait3A_1165 : memref<16x128xf32, #tpu.memory_space<vmem>>)
      %scan3A_1168 = arith.constant 0 : i32
      scf.yield %scan3A_1168 : i32
    }
    %scan3A_36 = arith.constant 16 : i32
    %get3A = arith.constant 0 : index
    %get3A_37 = tpu.vector_load %arg9[%get3A] {strides = array<i32>} : memref<128xi32, #tpu.memory_space<vmem>>, vector<16xi32>,
    %mul3A_38 = arith.constant 128 : i32
    %mul3A_39 = vector.broadcast %mul3A_38 : i32 to vector<16xi32>
    %mul3A_40 = arith.muli %iota3A, %mul3A_39 : vector<16xi32>
    %add3A_41 = arith.addi %mul3A_40, %get3A_37 : vector<16xi32>
    %add3A_42 = arith.constant 0 : i32
    %add3A_43 = vector.broadcast %add3A_42 : i32 to vector<16xi32>
    %add3A_44 = arith.addi %iota3A, %add3A_43 : vector<16xi32>
    %broadcast_in_dim3A = arith.constant 0 : i32
    %broadcast_in_dim3A_45 = vector.broadcast %broadcast_in_dim3A : i32 to vector<16xi32>
    %gather3A = tpu.vector_load_idx %arg12[%broadcast_in_dim3A_45, %add3A_41] : memref<16x2048xf32, #tpu.memory_space<vmem>>[vector<16xi32>, vector<16xi32>], vector<16xf32>,
    tpu.vector_store_idx %arg14[%broadcast_in_dim3A_45, %add3A_44], %gather3A : memref<16x128xf32, #tpu.memory_space<vmem>>[vector<16xi32>, vector<16xi32>], vector<16xf32>,
    %broadcast_in_dim3A_46 = arith.constant 1 : i32
    %broadcast_in_dim3A_47 = vector.broadcast %broadcast_in_dim3A_46 : i32 to vector<16xi32>
    %gather3A_48 = tpu.vector_load_idx %arg12[%broadcast_in_dim3A_47, %add3A_41] : memref<16x2048xf32, #tpu.memory_space<vmem>>[vector<16xi32>, vector<16xi32>], vector<16xf32>,
    tpu.vector_store_idx %arg14[%broadcast_in_dim3A_47, %add3A_44], %gather3A_48 : memref<16x128xf32, #tpu.memory_space<vmem>>[vector<16xi32>, vector<16xi32>], vector<16xf32>,
    %broadcast_in_dim3A_49 = arith.constant 2 : i32
    %broadcast_in_dim3A_50 = vector.broadcast %broadcast_in_dim3A_49 : i32 to vector<16xi32>
    %gather3A_51 = tpu.vector_load_idx %arg12[%broadcast_in_dim3A_50, %add3A_41] : memref<16x2048xf32, #tpu.memory_space<vmem>>[vector<16xi32>, vector<16xi32>], vector<16xf32>,
    tpu.vector_store_idx %arg14[%broadcast_in_dim3A_50, %add3A_44], %gather3A_51 : memref<16x128xf32, #tpu.memory_space<vmem>>[vector<16xi32>, vector<16xi32>], vector<16xf32>,
    %broadcast_in_dim3A_52 = arith.constant 3 : i32
    %broadcast_in_dim3A_53 = vector.broadcast %broadcast_in_dim3A_52 : i32 to vector<16xi32>
    %gather3A_54 = tpu.vector_load_idx %arg12[%broadcast_in_dim3A_53, %add3A_41] : memref<16x2048xf32, #tpu.memory_space<vmem>>[vector<16xi32>, vector<16xi32>], vector<16xf32>,
    tpu.vector_store_idx %arg14[%broadcast_in_dim3A_53, %add3A_44], %gather3A_54 : memref<16x128xf32, #tpu.memory_space<vmem>>[vector<16xi32>, vector<16xi32>], vector<16xf32>,
    %broadcast_in_dim3A_55 = arith.constant 4 : i32
    %broadcast_in_dim3A_56 = vector.broadcast %broadcast_in_dim3A_55 : i32 to vector<16xi32>
    %gather3A_57 = tpu.vector_load_idx %arg12[%broadcast_in_dim3A_56, %add3A_41] : memref<16x2048xf32, #tpu.memory_space<vmem>>[vector<16xi32>, vector<16xi32>], vector<16xf32>,
    tpu.vector_store_idx %arg14[%broadcast_in_dim3A_56, %add3A_44], %gather3A_57 : memref<16x128xf32, #tpu.memory_space<vmem>>[vector<16xi32>, vector<16xi32>], vector<16xf32>,
    %broadcast_in_dim3A_58 = arith.constant 5 : i32
    %broadcast_in_dim3A_59 = vector.broadcast %broadcast_in_dim3A_58 : i32 to vector<16xi32>
    %gather3A_60 = tpu.vector_load_idx %arg12[%broadcast_in_dim3A_59, %add3A_41] : memref<16x2048xf32, #tpu.memory_space<vmem>>[vector<16xi32>, vector<16xi32>], vector<16xf32>,
    tpu.vector_store_idx %arg14[%broadcast_in_dim3A_59, %add3A_44], %gather3A_60 : memref<16x128xf32, #tpu.memory_space<vmem>>[vector<16xi32>, vector<16xi32>], vector<16xf32>,
    %broadcast_in_dim3A_61 = arith.constant 6 : i32
    %broadcast_in_dim3A_62 = vector.broadcast %broadcast_in_dim3A_61 : i32 to vector<16xi32>
    %gather3A_63 = tpu.vector_load_idx %arg12[%broadcast_in_dim3A_62, %add3A_41] : memref<16x2048xf32, #tpu.memory_space<vmem>>[vector<16xi32>, vector<16xi32>], vector<16xf32>,
    tpu.vector_store_idx %arg14[%broadcast_in_dim3A_62, %add3A_44], %gather3A_63 : memref<16x128xf32, #tpu.memory_space<vmem>>[vector<16xi32>, vector<16xi32>], vector<16xf32>,
    %broadcast_in_dim3A_64 = arith.constant 7 : i32
    %broadcast_in_dim3A_65 = vector.broadcast %broadcast_in_dim3A_64 : i32 to vector<16xi32>
    %gather3A_66 = tpu.vector_load_idx %arg12[%broadcast_in_dim3A_65, %add3A_41] : memref<16x2048xf32, #tpu.memory_space<vmem>>[vector<16xi32>, vector<16xi32>], vector<16xf32>,
    tpu.vector_store_idx %arg14[%broadcast_in_dim3A_65, %add3A_44], %gather3A_66 : memref<16x128xf32, #tpu.memory_space<vmem>>[vector<16xi32>, vector<16xi32>], vector<16xf32>,
    %broadcast_in_dim3A_67 = arith.constant 8 : i32
    %broadcast_in_dim3A_68 = vector.broadcast %broadcast_in_dim3A_67 : i32 to vector<16xi32>
    %gather3A_69 = tpu.vector_load_idx %arg12[%broadcast_in_dim3A_68, %add3A_41] : memref<16x2048xf32, #tpu.memory_space<vmem>>[vector<16xi32>, vector<16xi32>], vector<16xf32>,
    tpu.vector_store_idx %arg14[%broadcast_in_dim3A_68, %add3A_44], %gather3A_69 : memref<16x128xf32, #tpu.memory_space<vmem>>[vector<16xi32>, vector<16xi32>], vector<16xf32>,
    %broadcast_in_dim3A_70 = arith.constant 9 : i32
    %broadcast_in_dim3A_71 = vector.broadcast %broadcast_in_dim3A_70 : i32 to vector<16xi32>
    %gather3A_72 = tpu.vector_load_idx %arg12[%broadcast_in_dim3A_71, %add3A_41] : memref<16x2048xf32, #tpu.memory_space<vmem>>[vector<16xi32>, vector<16xi32>], vector<16xf32>,
    tpu.vector_store_idx %arg14[%broadcast_in_dim3A_71, %add3A_44], %gather3A_72 : memref<16x128xf32, #tpu.memory_space<vmem>>[vector<16xi32>, vector<16xi32>], vector<16xf32>,
    %broadcast_in_dim3A_73 = arith.constant 10 : i32
    %broadcast_in_dim3A_74 = vector.broadcast %broadcast_in_dim3A_73 : i32 to vector<16xi32>
    %gather3A_75 = tpu.vector_load_idx %arg12[%broadcast_in_dim3A_74, %add3A_41] : memref<16x2048xf32, #tpu.memory_space<vmem>>[vector<16xi32>, vector<16xi32>], vector<16xf32>,
    tpu.vector_store_idx %arg14[%broadcast_in_dim3A_74, %add3A_44], %gather3A_75 : memref<16x128xf32, #tpu.memory_space<vmem>>[vector<16xi32>, vector<16xi32>], vector<16xf32>,
    %broadcast_in_dim3A_76 = arith.constant 11 : i32
    %broadcast_in_dim3A_77 = vector.broadcast %broadcast_in_dim3A_76 : i32 to vector<16xi32>
    %gather3A_78 = tpu.vector_load_idx %arg12[%broadcast_in_dim3A_77, %add3A_41] : memref<16x2048xf32, #tpu.memory_space<vmem>>[vector<16xi32>, vector<16xi32>], vector<16xf32>,
    tpu.vector_store_idx %arg14[%broadcast_in_dim3A_77, %add3A_44], %gather3A_78 : memref<16x128xf32, #tpu.memory_space<vmem>>[vector<16xi32>, vector<16xi32>], vector<16xf32>,
    %broadcast_in_dim3A_79 = arith.constant 12 : i32
    %broadcast_in_dim3A_80 = vector.broadcast %broadcast_in_dim3A_79 : i32 to vector<16xi32>
    %gather3A_81 = tpu.vector_load_idx %arg12[%broadcast_in_dim3A_80, %add3A_41] : memref<16x2048xf32, #tpu.memory_space<vmem>>[vector<16xi32>, vector<16xi32>], vector<16xf32>,
    tpu.vector_store_idx %arg14[%broadcast_in_dim3A_80, %add3A_44], %gather3A_81 : memref<16x128xf32, #tpu.memory_space<vmem>>[vector<16xi32>, vector<16xi32>], vector<16xf32>,
    %broadcast_in_dim3A_82 = arith.constant 13 : i32
    %broadcast_in_dim3A_83 = vector.broadcast %broadcast_in_dim3A_82 : i32 to vector<16xi32>
    %gather3A_84 = tpu.vector_load_idx %arg12[%broadcast_in_dim3A_83, %add3A_41] : memref<16x2048xf32, #tpu.memory_space<vmem>>[vector<16xi32>, vector<16xi32>], vector<16xf32>,
    tpu.vector_store_idx %arg14[%broadcast_in_dim3A_83, %add3A_44], %gather3A_84 : memref<16x128xf32, #tpu.memory_space<vmem>>[vector<16xi32>, vector<16xi32>], vector<16xf32>,
    %broadcast_in_dim3A_85 = arith.constant 14 : i32
    %broadcast_in_dim3A_86 = vector.broadcast %broadcast_in_dim3A_85 : i32 to vector<16xi32>
    %gather3A_87 = tpu.vector_load_idx %arg12[%broadcast_in_dim3A_86, %add3A_41] : memref<16x2048xf32, #tpu.memory_space<vmem>>[vector<16xi32>, vector<16xi32>], vector<16xf32>,
    tpu.vector_store_idx %arg14[%broadcast_in_dim3A_86, %add3A_44], %gather3A_87 : memref<16x128xf32, #tpu.memory_space<vmem>>[vector<16xi32>, vector<16xi32>], vector<16xf32>,
    %broadcast_in_dim3A_88 = arith.constant 15 : i32
    %broadcast_in_dim3A_89 = vector.broadcast %broadcast_in_dim3A_88 : i32 to vector<16xi32>
    %gather3A_90 = tpu.vector_load_idx %arg12[%broadcast_in_dim3A_89, %add3A_41] : memref<16x2048xf32, #tpu.memory_space<vmem>>[vector<16xi32>, vector<16xi32>], vector<16xf32>,
    tpu.vector_store_idx %arg14[%broadcast_in_dim3A_89, %add3A_44], %gather3A_90 : memref<16x128xf32, #tpu.memory_space<vmem>>[vector<16xi32>, vector<16xi32>], vector<16xf32>,
    %scan3A_91 = arith.constant 0 : i32
    %scan3A_92 = arith.constant 0 : i32
    %scan3A_93 = arith.constant 16 : i32
    %scan3A_94 = arith.addi %scan3A_92, %scan3A_93 : i32
    %scan3A_95 = arith.constant 1 : i32
    %scan3A_96 = scf.for %scan3A_1149 = %scan3A_92 to %scan3A_94 step %scan3A_95 iter_args(%scan3A_1150 = %scan3A_91) -> (i32)  : i32 {
      %add3A_1151 = arith.constant 16 : i32
      %add3A_1152 = arith.addi %add3A_1151, %scan3A_1149 : i32
      %get3A_1153 = arith.index_cast %add3A_1152 : i32 to index
      %get3A_1154 = tpu.vector_load %arg8[%get3A_1153] {strides = array<i32>} : memref<144xi32, #tpu.memory_space<vmem>>, vector<16xi32>,
      %slice3A = vector.extract_strided_slice %get3A_1154 {offsets = [0], sizes = [1], strides = [1]} : vector<16xi32> to vector<1xi32>
      %squeeze3A = vector.extract %slice3A[0] : i32 from vector<1xi32>
      %mul3A_1155 = arith.constant 128 : i32
      %mul3A_1156 = arith.muli %squeeze3A, %mul3A_1155 : i32
      %multiple_of3A_1157 = tpu.assume_multiple %mul3A_1156, 128 : i32
      %mul3A_1158 = arith.constant 128 : i32
      %mul3A_1159 = arith.muli %scan3A_1149, %mul3A_1158 : i32
      %multiple_of3A_1160 = tpu.assume_multiple %mul3A_1159, 128 : i32
      %dma_start3A = arith.constant 0 : i32
      %dma_start3A_1161 = tpu.memref_slice %arg12[%dma_start3A, %multiple_of3A_1160] : memref<16x2048xf32, #tpu.memory_space<vmem>> -> memref<16x128xf32, #tpu.memory_space<vmem>>
      %dma_start3A_1162 = arith.constant 0 : i32
      %dma_start3A_1163 = tpu.memref_slice %arg2[%dma_start3A_1162, %multiple_of3A_1157] : memref<16x1000000xf32, #tpu.memory_space<hbm>> -> memref<16x128xf32, #tpu.memory_space<hbm>>
      %dma_start3A_1164 = arith.constant 0 : i32
      %dma_start3A_1165 = tpu.memref_slice %arg12[%dma_start3A_1164, %multiple_of3A_1160] : memref<16x2048xf32, #tpu.memory_space<vmem>> -> memref<16x128xf32, #tpu.memory_space<vmem>>
      %dma_start3A_1166 = arith.constant 0 : i32
      %dma_start3A_1167 = tpu.memref_slice %arg2[%dma_start3A_1166, %multiple_of3A_1157] : memref<16x1000000xf32, #tpu.memory_space<hbm>> -> memref<16x128xf32, #tpu.memory_space<hbm>>
      tpu.enqueue_dma source(%dma_start3A_1167 : memref<16x128xf32, #tpu.memory_space<hbm>>) target(%dma_start3A_1165 : memref<16x128xf32, #tpu.memory_space<vmem>>) target_semaphore(%arg16 : memref<!tpu.dma_semaphore, #tpu.memory_space<semaphore_mem>>)
      %scan3A_1168 = arith.constant 0 : i32
      scf.yield %scan3A_1168 : i32
    }
    %scan3A_97 = arith.constant 16 : i32
    %scan3A_98 = arith.constant 0 : i32
    %scan3A_99 = arith.constant 0 : i32
    %scan3A_100 = arith.constant 16 : i32
    %scan3A_101 = arith.addi %scan3A_99, %scan3A_100 : i32
    %scan3A_102 = arith.constant 1 : i32
    %scan3A_103 = scf.for %scan3A_1149 = %scan3A_99 to %scan3A_101 step %scan3A_102 iter_args(%scan3A_1150 = %scan3A_98) -> (i32)  : i32 {
      %add3A_1151 = arith.constant 0 : i32
      %add3A_1152 = arith.addi %add3A_1151, %scan3A_1149 : i32
      %get3A_1153 = arith.index_cast %add3A_1152 : i32 to index
      %get3A_1154 = tpu.vector_load %arg10[%get3A_1153] {strides = array<i32>} : memref<144xi32, #tpu.memory_space<vmem>>, vector<16xi32>,
      %slice3A = vector.extract_strided_slice %get3A_1154 {offsets = [0], sizes = [1], strides = [1]} : vector<16xi32> to vector<1xi32>
      %squeeze3A = vector.extract %slice3A[0] : i32 from vector<1xi32>
      %mul3A_1155 = arith.constant 128 : i32
      %mul3A_1156 = arith.muli %squeeze3A, %mul3A_1155 : i32
      %multiple_of3A_1157 = tpu.assume_multiple %mul3A_1156, 128 : i32
      %mul3A_1158 = arith.constant 128 : i32
      %mul3A_1159 = arith.muli %scan3A_1149, %mul3A_1158 : i32
      %multiple_of3A_1160 = tpu.assume_multiple %mul3A_1159, 128 : i32
      %dma_wait3A = arith.constant 0 : i32
      %dma_wait3A_1161 = tpu.memref_slice %arg13[%dma_wait3A, %multiple_of3A_1160] : memref<16x2048xf32, #tpu.memory_space<vmem>> -> memref<16x128xf32, #tpu.memory_space<vmem>>
      %dma_wait3A_1162 = arith.constant 0 : i32
      %dma_wait3A_1163 = tpu.memref_slice %arg3[%dma_wait3A_1162, %multiple_of3A_1157] : memref<16x1000000xf32, #tpu.memory_space<hbm>> -> memref<16x128xf32, #tpu.memory_space<hbm>>
      %dma_wait3A_1164 = arith.constant 0 : i32
      %dma_wait3A_1165 = tpu.memref_slice %arg13[%dma_wait3A_1164, %multiple_of3A_1160] : memref<16x2048xf32, #tpu.memory_space<vmem>> -> memref<16x128xf32, #tpu.memory_space<vmem>>
      %dma_wait3A_1166 = arith.constant 0 : i32
      %dma_wait3A_1167 = tpu.memref_slice %arg3[%dma_wait3A_1166, %multiple_of3A_1157] : memref<16x1000000xf32, #tpu.memory_space<hbm>> -> memref<16x128xf32, #tpu.memory_space<hbm>>
      tpu.wait_dma2 semaphore(%arg17 : memref<!tpu.dma_semaphore, #tpu.memory_space<semaphore_mem>>) src(%dma_wait3A_1167 : memref<16x128xf32, #tpu.memory_space<hbm>>) dst(%dma_wait3A_1165 : memref<16x128xf32, #tpu.memory_space<vmem>>)
      %scan3A_1168 = arith.constant 0 : i32
      scf.yield %scan3A_1168 : i32
    }
    %scan3A_104 = arith.constant 16 : i32
    %get3A_105 = arith.constant 0 : index
    %get3A_106 = tpu.vector_load %arg11[%get3A_105] {strides = array<i32>} : memref<128xi32, #tpu.memory_space<vmem>>, vector<16xi32>,
    %mul3A_107 = arith.constant 128 : i32
    %mul3A_108 = vector.broadcast %mul3A_107 : i32 to vector<16xi32>
    %mul3A_109 = arith.muli %iota3A, %mul3A_108 : vector<16xi32>
    %add3A_110 = arith.addi %mul3A_109, %get3A_106 : vector<16xi32>
    %add3A_111 = arith.constant 0 : i32
    %add3A_112 = vector.broadcast %add3A_111 : i32 to vector<16xi32>
    %add3A_113 = arith.addi %iota3A, %add3A_112 : vector<16xi32>
    %broadcast_in_dim3A_114 = arith.constant 0 : i32
    %broadcast_in_dim3A_115 = vector.broadcast %broadcast_in_dim3A_114 : i32 to vector<16xi32>
    %gather3A_116 = tpu.vector_load_idx %arg13[%broadcast_in_dim3A_115, %add3A_110] : memref<16x2048xf32, #tpu.memory_space<vmem>>[vector<16xi32>, vector<16xi32>], vector<16xf32>,
    tpu.vector_store_idx %arg15[%broadcast_in_dim3A_115, %add3A_113], %gather3A_116 : memref<16x128xf32, #tpu.memory_space<vmem>>[vector<16xi32>, vector<16xi32>], vector<16xf32>,
    %broadcast_in_dim3A_117 = arith.constant 1 : i32
    %broadcast_in_dim3A_118 = vector.broadcast %broadcast_in_dim3A_117 : i32 to vector<16xi32>
    %gather3A_119 = tpu.vector_load_idx %arg13[%broadcast_in_dim3A_118, %add3A_110] : memref<16x2048xf32, #tpu.memory_space<vmem>>[vector<16xi32>, vector<16xi32>], vector<16xf32>,
    tpu.vector_store_idx %arg15[%broadcast_in_dim3A_118, %add3A_113], %gather3A_119 : memref<16x128xf32, #tpu.memory_space<vmem>>[vector<16xi32>, vector<16xi32>], vector<16xf32>,
    %broadcast_in_dim3A_120 = arith.constant 2 : i32
    %broadcast_in_dim3A_121 = vector.broadcast %broadcast_in_dim3A_120 : i32 to vector<16xi32>
    %gather3A_122 = tpu.vector_load_idx %arg13[%broadcast_in_dim3A_121, %add3A_110] : memref<16x2048xf32, #tpu.memory_space<vmem>>[vector<16xi32>, vector<16xi32>], vector<16xf32>,
    tpu.vector_store_idx %arg15[%broadcast_in_dim3A_121, %add3A_113], %gather3A_122 : memref<16x128xf32, #tpu.memory_space<vmem>>[vector<16xi32>, vector<16xi32>], vector<16xf32>,
    %broadcast_in_dim3A_123 = arith.constant 3 : i32
    %broadcast_in_dim3A_124 = vector.broadcast %broadcast_in_dim3A_123 : i32 to vector<16xi32>
    %gather3A_125 = tpu.vector_load_idx %arg13[%broadcast_in_dim3A_124, %add3A_110] : memref<16x2048xf32, #tpu.memory_space<vmem>>[vector<16xi32>, vector<16xi32>], vector<16xf32>,
    tpu.vector_store_idx %arg15[%broadcast_in_dim3A_124, %add3A_113], %gather3A_125 : memref<16x128xf32, #tpu.memory_space<vmem>>[vector<16xi32>, vector<16xi32>], vector<16xf32>,
    %broadcast_in_dim3A_126 = arith.constant 4 : i32
    %broadcast_in_dim3A_127 = vector.broadcast %broadcast_in_dim3A_126 : i32 to vector<16xi32>
    %gather3A_128 = tpu.vector_load_idx %arg13[%broadcast_in_dim3A_127, %add3A_110] : memref<16x2048xf32, #tpu.memory_space<vmem>>[vector<16xi32>, vector<16xi32>], vector<16xf32>,
    tpu.vector_store_idx %arg15[%broadcast_in_dim3A_127, %add3A_113], %gather3A_128 : memref<16x128xf32, #tpu.memory_space<vmem>>[vector<16xi32>, vector<16xi32>], vector<16xf32>,
    %broadcast_in_dim3A_129 = arith.constant 5 : i32
    %broadcast_in_dim3A_130 = vector.broadcast %broadcast_in_dim3A_129 : i32 to vector<16xi32>
    %gather3A_131 = tpu.vector_load_idx %arg13[%broadcast_in_dim3A_130, %add3A_110] : memref<16x2048xf32, #tpu.memory_space<vmem>>[vector<16xi32>, vector<16xi32>], vector<16xf32>,
    tpu.vector_store_idx %arg15[%broadcast_in_dim3A_130, %add3A_113], %gather3A_131 : memref<16x128xf32, #tpu.memory_space<vmem>>[vector<16xi32>, vector<16xi32>], vector<16xf32>,
    %broadcast_in_dim3A_132 = arith.constant 6 : i32
    %broadcast_in_dim3A_133 = vector.broadcast %broadcast_in_dim3A_132 : i32 to vector<16xi32>
    %gather3A_134 = tpu.vector_load_idx %arg13[%broadcast_in_dim3A_133, %add3A_110] : memref<16x2048xf32, #tpu.memory_space<vmem>>[vector<16xi32>, vector<16xi32>], vector<16xf32>,
    tpu.vector_store_idx %arg15[%broadcast_in_dim3A_133, %add3A_113], %gather3A_134 : memref<16x128xf32, #tpu.memory_space<vmem>>[vector<16xi32>, vector<16xi32>], vector<16xf32>,
    %broadcast_in_dim3A_135 = arith.constant 7 : i32
    %broadcast_in_dim3A_136 = vector.broadcast %broadcast_in_dim3A_135 : i32 to vector<16xi32>
    %gather3A_137 = tpu.vector_load_idx %arg13[%broadcast_in_dim3A_136, %add3A_110] : memref<16x2048xf32, #tpu.memory_space<vmem>>[vector<16xi32>, vector<16xi32>], vector<16xf32>,
    tpu.vector_store_idx %arg15[%broadcast_in_dim3A_136, %add3A_113], %gather3A_137 : memref<16x128xf32, #tpu.memory_space<vmem>>[vector<16xi32>, vector<16xi32>], vector<16xf32>,
    %broadcast_in_dim3A_138 = arith.constant 8 : i32
    %broadcast_in_dim3A_139 = vector.broadcast %broadcast_in_dim3A_138 : i32 to vector<16xi32>
    %gather3A_140 = tpu.vector_load_idx %arg13[%broadcast_in_dim3A_139, %add3A_110] : memref<16x2048xf32, #tpu.memory_space<vmem>>[vector<16xi32>, vector<16xi32>], vector<16xf32>,
    tpu.vector_store_idx %arg15[%broadcast_in_dim3A_139, %add3A_113], %gather3A_140 : memref<16x128xf32, #tpu.memory_space<vmem>>[vector<16xi32>, vector<16xi32>], vector<16xf32>,
    %broadcast_in_dim3A_141 = arith.constant 9 : i32
    %broadcast_in_dim3A_142 = vector.broadcast %broadcast_in_dim3A_141 : i32 to vector<16xi32>
    %gather3A_143 = tpu.vector_load_idx %arg13[%broadcast_in_dim3A_142, %add3A_110] : memref<16x2048xf32, #tpu.memory_space<vmem>>[vector<16xi32>, vector<16xi32>], vector<16xf32>,
    tpu.vector_store_idx %arg15[%broadcast_in_dim3A_142, %add3A_113], %gather3A_143 : memref<16x128xf32, #tpu.memory_space<vmem>>[vector<16xi32>, vector<16xi32>], vector<16xf32>,
    %broadcast_in_dim3A_144 = arith.constant 10 : i32
    %broadcast_in_dim3A_145 = vector.broadcast %broadcast_in_dim3A_144 : i32 to vector<16xi32>
    %gather3A_146 = tpu.vector_load_idx %arg13[%broadcast_in_dim3A_145, %add3A_110] : memref<16x2048xf32, #tpu.memory_space<vmem>>[vector<16xi32>, vector<16xi32>], vector<16xf32>,
    tpu.vector_store_idx %arg15[%broadcast_in_dim3A_145, %add3A_113], %gather3A_146 : memref<16x128xf32, #tpu.memory_space<vmem>>[vector<16xi32>, vector<16xi32>], vector<16xf32>,
    %broadcast_in_dim3A_147 = arith.constant 11 : i32
    %broadcast_in_dim3A_148 = vector.broadcast %broadcast_in_dim3A_147 : i32 to vector<16xi32>
    %gather3A_149 = tpu.vector_load_idx %arg13[%broadcast_in_dim3A_148, %add3A_110] : memref<16x2048xf32, #tpu.memory_space<vmem>>[vector<16xi32>, vector<16xi32>], vector<16xf32>,
    tpu.vector_store_idx %arg15[%broadcast_in_dim3A_148, %add3A_113], %gather3A_149 : memref<16x128xf32, #tpu.memory_space<vmem>>[vector<16xi32>, vector<16xi32>], vector<16xf32>,
    %broadcast_in_dim3A_150 = arith.constant 12 : i32
    %broadcast_in_dim3A_151 = vector.broadcast %broadcast_in_dim3A_150 : i32 to vector<16xi32>
    %gather3A_152 = tpu.vector_load_idx %arg13[%broadcast_in_dim3A_151, %add3A_110] : memref<16x2048xf32, #tpu.memory_space<vmem>>[vector<16xi32>, vector<16xi32>], vector<16xf32>,
    tpu.vector_store_idx %arg15[%broadcast_in_dim3A_151, %add3A_113], %gather3A_152 : memref<16x128xf32, #tpu.memory_space<vmem>>[vector<16xi32>, vector<16xi32>], vector<16xf32>,
    %broadcast_in_dim3A_153 = arith.constant 13 : i32
    %broadcast_in_dim3A_154 = vector.broadcast %broadcast_in_dim3A_153 : i32 to vector<16xi32>
    %gather3A_155 = tpu.vector_load_idx %arg13[%broadcast_in_dim3A_154, %add3A_110] : memref<16x2048xf32, #tpu.memory_space<vmem>>[vector<16xi32>, vector<16xi32>], vector<16xf32>,
    tpu.vector_store_idx %arg15[%broadcast_in_dim3A_154, %add3A_113], %gather3A_155 : memref<16x128xf32, #tpu.memory_space<vmem>>[vector<16xi32>, vector<16xi32>], vector<16xf32>,
    %broadcast_in_dim3A_156 = arith.constant 14 : i32
    %broadcast_in_dim3A_157 = vector.broadcast %broadcast_in_dim3A_156 : i32 to vector<16xi32>
    %gather3A_158 = tpu.vector_load_idx %arg13[%broadcast_in_dim3A_157, %add3A_110] : memref<16x2048xf32, #tpu.memory_space<vmem>>[vector<16xi32>, vector<16xi32>], vector<16xf32>,
    tpu.vector_store_idx %arg15[%broadcast_in_dim3A_157, %add3A_113], %gather3A_158 : memref<16x128xf32, #tpu.memory_space<vmem>>[vector<16xi32>, vector<16xi32>], vector<16xf32>,
    %broadcast_in_dim3A_159 = arith.constant 15 : i32
    %broadcast_in_dim3A_160 = vector.broadcast %broadcast_in_dim3A_159 : i32 to vector<16xi32>
    %gather3A_161 = tpu.vector_load_idx %arg13[%broadcast_in_dim3A_160, %add3A_110] : memref<16x2048xf32, #tpu.memory_space<vmem>>[vector<16xi32>, vector<16xi32>], vector<16xf32>,
    tpu.vector_store_idx %arg15[%broadcast_in_dim3A_160, %add3A_113], %gather3A_161 : memref<16x128xf32, #tpu.memory_space<vmem>>[vector<16xi32>, vector<16xi32>], vector<16xf32>,
    %scan3A_162 = arith.constant 0 : i32
    %scan3A_163 = arith.constant 0 : i32
    %scan3A_164 = arith.constant 16 : i32
    %scan3A_165 = arith.addi %scan3A_163, %scan3A_164 : i32
    %scan3A_166 = arith.constant 1 : i32
    %scan3A_167 = scf.for %scan3A_1149 = %scan3A_163 to %scan3A_165 step %scan3A_166 iter_args(%scan3A_1150 = %scan3A_162) -> (i32)  : i32 {
      %add3A_1151 = arith.constant 16 : i32
      %add3A_1152 = arith.addi %add3A_1151, %scan3A_1149 : i32
      %get3A_1153 = arith.index_cast %add3A_1152 : i32 to index
      %get3A_1154 = tpu.vector_load %arg10[%get3A_1153] {strides = array<i32>} : memref<144xi32, #tpu.memory_space<vmem>>, vector<16xi32>,
      %slice3A = vector.extract_strided_slice %get3A_1154 {offsets = [0], sizes = [1], strides = [1]} : vector<16xi32> to vector<1xi32>
      %squeeze3A = vector.extract %slice3A[0] : i32 from vector<1xi32>
      %mul3A_1155 = arith.constant 128 : i32
      %mul3A_1156 = arith.muli %squeeze3A, %mul3A_1155 : i32
      %multiple_of3A_1157 = tpu.assume_multiple %mul3A_1156, 128 : i32
      %mul3A_1158 = arith.constant 128 : i32
      %mul3A_1159 = arith.muli %scan3A_1149, %mul3A_1158 : i32
      %multiple_of3A_1160 = tpu.assume_multiple %mul3A_1159, 128 : i32
      %dma_start3A = arith.constant 0 : i32
      %dma_start3A_1161 = tpu.memref_slice %arg13[%dma_start3A, %multiple_of3A_1160] : memref<16x2048xf32, #tpu.memory_space<vmem>> -> memref<16x128xf32, #tpu.memory_space<vmem>>
      %dma_start3A_1162 = arith.constant 0 : i32
      %dma_start3A_1163 = tpu.memref_slice %arg3[%dma_start3A_1162, %multiple_of3A_1157] : memref<16x1000000xf32, #tpu.memory_space<hbm>> -> memref<16x128xf32, #tpu.memory_space<hbm>>
      %dma_start3A_1164 = arith.constant 0 : i32
      %dma_start3A_1165 = tpu.memref_slice %arg13[%dma_start3A_1164, %multiple_of3A_1160] : memref<16x2048xf32, #tpu.memory_space<vmem>> -> memref<16x128xf32, #tpu.memory_space<vmem>>
      %dma_start3A_1166 = arith.constant 0 : i32
      %dma_start3A_1167 = tpu.memref_slice %arg3[%dma_start3A_1166, %multiple_of3A_1157] : memref<16x1000000xf32, #tpu.memory_space<hbm>> -> memref<16x128xf32, #tpu.memory_space<hbm>>
      tpu.enqueue_dma source(%dma_start3A_1167 : memref<16x128xf32, #tpu.memory_space<hbm>>) target(%dma_start3A_1165 : memref<16x128xf32, #tpu.memory_space<vmem>>) target_semaphore(%arg17 : memref<!tpu.dma_semaphore, #tpu.memory_space<semaphore_mem>>)
      %scan3A_1168 = arith.constant 0 : i32
      scf.yield %scan3A_1168 : i32
    }
    %scan3A_168 = arith.constant 16 : i32
    %scan3A_169 = arith.constant 0 : i32
    %scan3A_170 = arith.constant 0 : i32
    %scan3A_171 = arith.constant 16 : i32
    %scan3A_172 = arith.addi %scan3A_170, %scan3A_171 : i32
    %scan3A_173 = arith.constant 1 : i32
    %scan3A_174 = scf.for %scan3A_1149 = %scan3A_170 to %scan3A_172 step %scan3A_173 iter_args(%scan3A_1150 = %scan3A_169) -> (i32)  : i32 {
      %add3A_1151 = arith.constant 16 : i32
      %add3A_1152 = arith.addi %add3A_1151, %scan3A_1149 : i32
      %get3A_1153 = arith.index_cast %add3A_1152 : i32 to index
      %get3A_1154 = tpu.vector_load %arg8[%get3A_1153] {strides = array<i32>} : memref<144xi32, #tpu.memory_space<vmem>>, vector<16xi32>,
      %slice3A = vector.extract_strided_slice %get3A_1154 {offsets = [0], sizes = [1], strides = [1]} : vector<16xi32> to vector<1xi32>
      %squeeze3A = vector.extract %slice3A[0] : i32 from vector<1xi32>
      %mul3A_1155 = arith.constant 128 : i32
      %mul3A_1156 = arith.muli %squeeze3A, %mul3A_1155 : i32
      %multiple_of3A_1157 = tpu.assume_multiple %mul3A_1156, 128 : i32
      %mul3A_1158 = arith.constant 128 : i32
      %mul3A_1159 = arith.muli %scan3A_1149, %mul3A_1158 : i32
      %multiple_of3A_1160 = tpu.assume_multiple %mul3A_1159, 128 : i32
      %dma_wait3A = arith.constant 0 : i32
      %dma_wait3A_1161 = tpu.memref_slice %arg12[%dma_wait3A, %multiple_of3A_1160] : memref<16x2048xf32, #tpu.memory_space<vmem>> -> memref<16x128xf32, #tpu.memory_space<vmem>>
      %dma_wait3A_1162 = arith.constant 0 : i32
      %dma_wait3A_1163 = tpu.memref_slice %arg2[%dma_wait3A_1162, %multiple_of3A_1157] : memref<16x1000000xf32, #tpu.memory_space<hbm>> -> memref<16x128xf32, #tpu.memory_space<hbm>>
      %dma_wait3A_1164 = arith.constant 0 : i32
      %dma_wait3A_1165 = tpu.memref_slice %arg12[%dma_wait3A_1164, %multiple_of3A_1160] : memref<16x2048xf32, #tpu.memory_space<vmem>> -> memref<16x128xf32, #tpu.memory_space<vmem>>
      %dma_wait3A_1166 = arith.constant 0 : i32
      %dma_wait3A_1167 = tpu.memref_slice %arg2[%dma_wait3A_1166, %multiple_of3A_1157] : memref<16x1000000xf32, #tpu.memory_space<hbm>> -> memref<16x128xf32, #tpu.memory_space<hbm>>
      tpu.wait_dma2 semaphore(%arg16 : memref<!tpu.dma_semaphore, #tpu.memory_space<semaphore_mem>>) src(%dma_wait3A_1167 : memref<16x128xf32, #tpu.memory_space<hbm>>) dst(%dma_wait3A_1165 : memref<16x128xf32, #tpu.memory_space<vmem>>)
      %scan3A_1168 = arith.constant 0 : i32
      scf.yield %scan3A_1168 : i32
    }
    %scan3A_175 = arith.constant 16 : i32
    %get3A_176 = arith.constant 16 : index
    %get3A_177 = tpu.vector_load %arg9[%get3A_176] {strides = array<i32>} : memref<128xi32, #tpu.memory_space<vmem>>, vector<16xi32>,
    %mul3A_178 = arith.constant 128 : i32
    %mul3A_179 = vector.broadcast %mul3A_178 : i32 to vector<16xi32>
    %mul3A_180 = arith.muli %iota3A, %mul3A_179 : vector<16xi32>
    %add3A_181 = arith.addi %mul3A_180, %get3A_177 : vector<16xi32>
    %add3A_182 = arith.constant 16 : i32
    %add3A_183 = vector.broadcast %add3A_182 : i32 to vector<16xi32>
    %add3A_184 = arith.addi %iota3A, %add3A_183 : vector<16xi32>
    %broadcast_in_dim3A_185 = arith.constant 0 : i32
    %broadcast_in_dim3A_186 = vector.broadcast %broadcast_in_dim3A_185 : i32 to vector<16xi32>
    %gather3A_187 = tpu.vector_load_idx %arg12[%broadcast_in_dim3A_186, %add3A_181] : memref<16x2048xf32, #tpu.memory_space<vmem>>[vector<16xi32>, vector<16xi32>], vector<16xf32>,
    tpu.vector_store_idx %arg14[%broadcast_in_dim3A_186, %add3A_184], %gather3A_187 : memref<16x128xf32, #tpu.memory_space<vmem>>[vector<16xi32>, vector<16xi32>], vector<16xf32>,
    %broadcast_in_dim3A_188 = arith.constant 1 : i32
    %broadcast_in_dim3A_189 = vector.broadcast %broadcast_in_dim3A_188 : i32 to vector<16xi32>
    %gather3A_190 = tpu.vector_load_idx %arg12[%broadcast_in_dim3A_189, %add3A_181] : memref<16x2048xf32, #tpu.memory_space<vmem>>[vector<16xi32>, vector<16xi32>], vector<16xf32>,
    tpu.vector_store_idx %arg14[%broadcast_in_dim3A_189, %add3A_184], %gather3A_190 : memref<16x128xf32, #tpu.memory_space<vmem>>[vector<16xi32>, vector<16xi32>], vector<16xf32>,
    %broadcast_in_dim3A_191 = arith.constant 2 : i32
    %broadcast_in_dim3A_192 = vector.broadcast %broadcast_in_dim3A_191 : i32 to vector<16xi32>
    %gather3A_193 = tpu.vector_load_idx %arg12[%broadcast_in_dim3A_192, %add3A_181] : memref<16x2048xf32, #tpu.memory_space<vmem>>[vector<16xi32>, vector<16xi32>], vector<16xf32>,
    tpu.vector_store_idx %arg14[%broadcast_in_dim3A_192, %add3A_184], %gather3A_193 : memref<16x128xf32, #tpu.memory_space<vmem>>[vector<16xi32>, vector<16xi32>], vector<16xf32>,
    %broadcast_in_dim3A_194 = arith.constant 3 : i32
    %broadcast_in_dim3A_195 = vector.broadcast %broadcast_in_dim3A_194 : i32 to vector<16xi32>
    %gather3A_196 = tpu.vector_load_idx %arg12[%broadcast_in_dim3A_195, %add3A_181] : memref<16x2048xf32, #tpu.memory_space<vmem>>[vector<16xi32>, vector<16xi32>], vector<16xf32>,
    tpu.vector_store_idx %arg14[%broadcast_in_dim3A_195, %add3A_184], %gather3A_196 : memref<16x128xf32, #tpu.memory_space<vmem>>[vector<16xi32>, vector<16xi32>], vector<16xf32>,
    %broadcast_in_dim3A_197 = arith.constant 4 : i32
    %broadcast_in_dim3A_198 = vector.broadcast %broadcast_in_dim3A_197 : i32 to vector<16xi32>
    %gather3A_199 = tpu.vector_load_idx %arg12[%broadcast_in_dim3A_198, %add3A_181] : memref<16x2048xf32, #tpu.memory_space<vmem>>[vector<16xi32>, vector<16xi32>], vector<16xf32>,
    tpu.vector_store_idx %arg14[%broadcast_in_dim3A_198, %add3A_184], %gather3A_199 : memref<16x128xf32, #tpu.memory_space<vmem>>[vector<16xi32>, vector<16xi32>], vector<16xf32>,
    %broadcast_in_dim3A_200 = arith.constant 5 : i32
    %broadcast_in_dim3A_201 = vector.broadcast %broadcast_in_dim3A_200 : i32 to vector<16xi32>
    %gather3A_202 = tpu.vector_load_idx %arg12[%broadcast_in_dim3A_201, %add3A_181] : memref<16x2048xf32, #tpu.memory_space<vmem>>[vector<16xi32>, vector<16xi32>], vector<16xf32>,
    tpu.vector_store_idx %arg14[%broadcast_in_dim3A_201, %add3A_184], %gather3A_202 : memref<16x128xf32, #tpu.memory_space<vmem>>[vector<16xi32>, vector<16xi32>], vector<16xf32>,
    %broadcast_in_dim3A_203 = arith.constant 6 : i32
    %broadcast_in_dim3A_204 = vector.broadcast %broadcast_in_dim3A_203 : i32 to vector<16xi32>
    %gather3A_205 = tpu.vector_load_idx %arg12[%broadcast_in_dim3A_204, %add3A_181] : memref<16x2048xf32, #tpu.memory_space<vmem>>[vector<16xi32>, vector<16xi32>], vector<16xf32>,
    tpu.vector_store_idx %arg14[%broadcast_in_dim3A_204, %add3A_184], %gather3A_205 : memref<16x128xf32, #tpu.memory_space<vmem>>[vector<16xi32>, vector<16xi32>], vector<16xf32>,
    %broadcast_in_dim3A_206 = arith.constant 7 : i32
    %broadcast_in_dim3A_207 = vector.broadcast %broadcast_in_dim3A_206 : i32 to vector<16xi32>
    %gather3A_208 = tpu.vector_load_idx %arg12[%broadcast_in_dim3A_207, %add3A_181] : memref<16x2048xf32, #tpu.memory_space<vmem>>[vector<16xi32>, vector<16xi32>], vector<16xf32>,
    tpu.vector_store_idx %arg14[%broadcast_in_dim3A_207, %add3A_184], %gather3A_208 : memref<16x128xf32, #tpu.memory_space<vmem>>[vector<16xi32>, vector<16xi32>], vector<16xf32>,
    %broadcast_in_dim3A_209 = arith.constant 8 : i32
    %broadcast_in_dim3A_210 = vector.broadcast %broadcast_in_dim3A_209 : i32 to vector<16xi32>
    %gather3A_211 = tpu.vector_load_idx %arg12[%broadcast_in_dim3A_210, %add3A_181] : memref<16x2048xf32, #tpu.memory_space<vmem>>[vector<16xi32>, vector<16xi32>], vector<16xf32>,
    tpu.vector_store_idx %arg14[%broadcast_in_dim3A_210, %add3A_184], %gather3A_211 : memref<16x128xf32, #tpu.memory_space<vmem>>[vector<16xi32>, vector<16xi32>], vector<16xf32>,
    %broadcast_in_dim3A_212 = arith.constant 9 : i32
    %broadcast_in_dim3A_213 = vector.broadcast %broadcast_in_dim3A_212 : i32 to vector<16xi32>
    %gather3A_214 = tpu.vector_load_idx %arg12[%broadcast_in_dim3A_213, %add3A_181] : memref<16x2048xf32, #tpu.memory_space<vmem>>[vector<16xi32>, vector<16xi32>], vector<16xf32>,
    tpu.vector_store_idx %arg14[%broadcast_in_dim3A_213, %add3A_184], %gather3A_214 : memref<16x128xf32, #tpu.memory_space<vmem>>[vector<16xi32>, vector<16xi32>], vector<16xf32>,
    %broadcast_in_dim3A_215 = arith.constant 10 : i32
    %broadcast_in_dim3A_216 = vector.broadcast %broadcast_in_dim3A_215 : i32 to vector<16xi32>
    %gather3A_217 = tpu.vector_load_idx %arg12[%broadcast_in_dim3A_216, %add3A_181] : memref<16x2048xf32, #tpu.memory_space<vmem>>[vector<16xi32>, vector<16xi32>], vector<16xf32>,
    tpu.vector_store_idx %arg14[%broadcast_in_dim3A_216, %add3A_184], %gather3A_217 : memref<16x128xf32, #tpu.memory_space<vmem>>[vector<16xi32>, vector<16xi32>], vector<16xf32>,
    %broadcast_in_dim3A_218 = arith.constant 11 : i32
    %broadcast_in_dim3A_219 = vector.broadcast %broadcast_in_dim3A_218 : i32 to vector<16xi32>
    %gather3A_220 = tpu.vector_load_idx %arg12[%broadcast_in_dim3A_219, %add3A_181] : memref<16x2048xf32, #tpu.memory_space<vmem>>[vector<16xi32>, vector<16xi32>], vector<16xf32>,
    tpu.vector_store_idx %arg14[%broadcast_in_dim3A_219, %add3A_184], %gather3A_220 : memref<16x128xf32, #tpu.memory_space<vmem>>[vector<16xi32>, vector<16xi32>], vector<16xf32>,
    %broadcast_in_dim3A_221 = arith.constant 12 : i32
    %broadcast_in_dim3A_222 = vector.broadcast %broadcast_in_dim3A_221 : i32 to vector<16xi32>
    %gather3A_223 = tpu.vector_load_idx %arg12[%broadcast_in_dim3A_222, %add3A_181] : memref<16x2048xf32, #tpu.memory_space<vmem>>[vector<16xi32>, vector<16xi32>], vector<16xf32>,
    tpu.vector_store_idx %arg14[%broadcast_in_dim3A_222, %add3A_184], %gather3A_223 : memref<16x128xf32, #tpu.memory_space<vmem>>[vector<16xi32>, vector<16xi32>], vector<16xf32>,
    %broadcast_in_dim3A_224 = arith.constant 13 : i32
    %broadcast_in_dim3A_225 = vector.broadcast %broadcast_in_dim3A_224 : i32 to vector<16xi32>
    %gather3A_226 = tpu.vector_load_idx %arg12[%broadcast_in_dim3A_225, %add3A_181] : memref<16x2048xf32, #tpu.memory_space<vmem>>[vector<16xi32>, vector<16xi32>], vector<16xf32>,
    tpu.vector_store_idx %arg14[%broadcast_in_dim3A_225, %add3A_184], %gather3A_226 : memref<16x128xf32, #tpu.memory_space<vmem>>[vector<16xi32>, vector<16xi32>], vector<16xf32>,
    %broadcast_in_dim3A_227 = arith.constant 14 : i32
    %broadcast_in_dim3A_228 = vector.broadcast %broadcast_in_dim3A_227 : i32 to vector<16xi32>
    %gather3A_229 = tpu.vector_load_idx %arg12[%broadcast_in_dim3A_228, %add3A_181] : memref<16x2048xf32, #tpu.memory_space<vmem>>[vector<16xi32>, vector<16xi32>], vector<16xf32>,
    tpu.vector_store_idx %arg14[%broadcast_in_dim3A_228, %add3A_184], %gather3A_229 : memref<16x128xf32, #tpu.memory_space<vmem>>[vector<16xi32>, vector<16xi32>], vector<16xf32>,
    %broadcast_in_dim3A_230 = arith.constant 15 : i32
    %broadcast_in_dim3A_231 = vector.broadcast %broadcast_in_dim3A_230 : i32 to vector<16xi32>
    %gather3A_232 = tpu.vector_load_idx %arg12[%broadcast_in_dim3A_231, %add3A_181] : memref<16x2048xf32, #tpu.memory_space<vmem>>[vector<16xi32>, vector<16xi32>], vector<16xf32>,
    tpu.vector_store_idx %arg14[%broadcast_in_dim3A_231, %add3A_184], %gather3A_232 : memref<16x128xf32, #tpu.memory_space<vmem>>[vector<16xi32>, vector<16xi32>], vector<16xf32>,
    %scan3A_233 = arith.constant 0 : i32
    %scan3A_234 = arith.constant 0 : i32
    %scan3A_235 = arith.constant 16 : i32
    %scan3A_236 = arith.addi %scan3A_234, %scan3A_235 : i32
    %scan3A_237 = arith.constant 1 : i32
    %scan3A_238 = scf.for %scan3A_1149 = %scan3A_234 to %scan3A_236 step %scan3A_237 iter_args(%scan3A_1150 = %scan3A_233) -> (i32)  : i32 {
      %add3A_1151 = arith.constant 32 : i32
      %add3A_1152 = arith.addi %add3A_1151, %scan3A_1149 : i32
      %get3A_1153 = arith.index_cast %add3A_1152 : i32 to index
      %get3A_1154 = tpu.vector_load %arg8[%get3A_1153] {strides = array<i32>} : memref<144xi32, #tpu.memory_space<vmem>>, vector<16xi32>,
      %slice3A = vector.extract_strided_slice %get3A_1154 {offsets = [0], sizes = [1], strides = [1]} : vector<16xi32> to vector<1xi32>
      %squeeze3A = vector.extract %slice3A[0] : i32 from vector<1xi32>
      %mul3A_1155 = arith.constant 128 : i32
      %mul3A_1156 = arith.muli %squeeze3A, %mul3A_1155 : i32
      %multiple_of3A_1157 = tpu.assume_multiple %mul3A_1156, 128 : i32
      %mul3A_1158 = arith.constant 128 : i32
      %mul3A_1159 = arith.muli %scan3A_1149, %mul3A_1158 : i32
      %multiple_of3A_1160 = tpu.assume_multiple %mul3A_1159, 128 : i32
      %dma_start3A = arith.constant 0 : i32
      %dma_start3A_1161 = tpu.memref_slice %arg12[%dma_start3A, %multiple_of3A_1160] : memref<16x2048xf32, #tpu.memory_space<vmem>> -> memref<16x128xf32, #tpu.memory_space<vmem>>
      %dma_start3A_1162 = arith.constant 0 : i32
      %dma_start3A_1163 = tpu.memref_slice %arg2[%dma_start3A_1162, %multiple_of3A_1157] : memref<16x1000000xf32, #tpu.memory_space<hbm>> -> memref<16x128xf32, #tpu.memory_space<hbm>>
      %dma_start3A_1164 = arith.constant 0 : i32
      %dma_start3A_1165 = tpu.memref_slice %arg12[%dma_start3A_1164, %multiple_of3A_1160] : memref<16x2048xf32, #tpu.memory_space<vmem>> -> memref<16x128xf32, #tpu.memory_space<vmem>>
      %dma_start3A_1166 = arith.constant 0 : i32
      %dma_start3A_1167 = tpu.memref_slice %arg2[%dma_start3A_1166, %multiple_of3A_1157] : memref<16x1000000xf32, #tpu.memory_space<hbm>> -> memref<16x128xf32, #tpu.memory_space<hbm>>
      tpu.enqueue_dma source(%dma_start3A_1167 : memref<16x128xf32, #tpu.memory_space<hbm>>) target(%dma_start3A_1165 : memref<16x128xf32, #tpu.memory_space<vmem>>) target_semaphore(%arg16 : memref<!tpu.dma_semaphore, #tpu.memory_space<semaphore_mem>>)
      %scan3A_1168 = arith.constant 0 : i32
      scf.yield %scan3A_1168 : i32
    }
    %scan3A_239 = arith.constant 16 : i32
    %scan3A_240 = arith.constant 0 : i32
    %scan3A_241 = arith.constant 0 : i32
    %scan3A_242 = arith.constant 16 : i32
    %scan3A_243 = arith.addi %scan3A_241, %scan3A_242 : i32
    %scan3A_244 = arith.constant 1 : i32
    %scan3A_245 = scf.for %scan3A_1149 = %scan3A_241 to %scan3A_243 step %scan3A_244 iter_args(%scan3A_1150 = %scan3A_240) -> (i32)  : i32 {
      %add3A_1151 = arith.constant 16 : i32
      %add3A_1152 = arith.addi %add3A_1151, %scan3A_1149 : i32
      %get3A_1153 = arith.index_cast %add3A_1152 : i32 to index
      %get3A_1154 = tpu.vector_load %arg10[%get3A_1153] {strides = array<i32>} : memref<144xi32, #tpu.memory_space<vmem>>, vector<16xi32>,
      %slice3A = vector.extract_strided_slice %get3A_1154 {offsets = [0], sizes = [1], strides = [1]} : vector<16xi32> to vector<1xi32>
      %squeeze3A = vector.extract %slice3A[0] : i32 from vector<1xi32>
      %mul3A_1155 = arith.constant 128 : i32
      %mul3A_1156 = arith.muli %squeeze3A, %mul3A_1155 : i32
      %multiple_of3A_1157 = tpu.assume_multiple %mul3A_1156, 128 : i32
      %mul3A_1158 = arith.constant 128 : i32
      %mul3A_1159 = arith.muli %scan3A_1149, %mul3A_1158 : i32
      %multiple_of3A_1160 = tpu.assume_multiple %mul3A_1159, 128 : i32
      %dma_wait3A = arith.constant 0 : i32
      %dma_wait3A_1161 = tpu.memref_slice %arg13[%dma_wait3A, %multiple_of3A_1160] : memref<16x2048xf32, #tpu.memory_space<vmem>> -> memref<16x128xf32, #tpu.memory_space<vmem>>
      %dma_wait3A_1162 = arith.constant 0 : i32
      %dma_wait3A_1163 = tpu.memref_slice %arg3[%dma_wait3A_1162, %multiple_of3A_1157] : memref<16x1000000xf32, #tpu.memory_space<hbm>> -> memref<16x128xf32, #tpu.memory_space<hbm>>
      %dma_wait3A_1164 = arith.constant 0 : i32
      %dma_wait3A_1165 = tpu.memref_slice %arg13[%dma_wait3A_1164, %multiple_of3A_1160] : memref<16x2048xf32, #tpu.memory_space<vmem>> -> memref<16x128xf32, #tpu.memory_space<vmem>>
      %dma_wait3A_1166 = arith.constant 0 : i32
      %dma_wait3A_1167 = tpu.memref_slice %arg3[%dma_wait3A_1166, %multiple_of3A_1157] : memref<16x1000000xf32, #tpu.memory_space<hbm>> -> memref<16x128xf32, #tpu.memory_space<hbm>>
      tpu.wait_dma2 semaphore(%arg17 : memref<!tpu.dma_semaphore, #tpu.memory_space<semaphore_mem>>) src(%dma_wait3A_1167 : memref<16x128xf32, #tpu.memory_space<hbm>>) dst(%dma_wait3A_1165 : memref<16x128xf32, #tpu.memory_space<vmem>>)
      %scan3A_1168 = arith.constant 0 : i32
      scf.yield %scan3A_1168 : i32
    }
    %scan3A_246 = arith.constant 16 : i32
    %get3A_247 = arith.constant 16 : index
    %get3A_248 = tpu.vector_load %arg11[%get3A_247] {strides = array<i32>} : memref<128xi32, #tpu.memory_space<vmem>>, vector<16xi32>,
    %mul3A_249 = arith.constant 128 : i32
    %mul3A_250 = vector.broadcast %mul3A_249 : i32 to vector<16xi32>
    %mul3A_251 = arith.muli %iota3A, %mul3A_250 : vector<16xi32>
    %add3A_252 = arith.addi %mul3A_251, %get3A_248 : vector<16xi32>
    %add3A_253 = arith.constant 16 : i32
    %add3A_254 = vector.broadcast %add3A_253 : i32 to vector<16xi32>
    %add3A_255 = arith.addi %iota3A, %add3A_254 : vector<16xi32>
    %broadcast_in_dim3A_256 = arith.constant 0 : i32
    %broadcast_in_dim3A_257 = vector.broadcast %broadcast_in_dim3A_256 : i32 to vector<16xi32>
    %gather3A_258 = tpu.vector_load_idx %arg13[%broadcast_in_dim3A_257, %add3A_252] : memref<16x2048xf32, #tpu.memory_space<vmem>>[vector<16xi32>, vector<16xi32>], vector<16xf32>,
    tpu.vector_store_idx %arg15[%broadcast_in_dim3A_257, %add3A_255], %gather3A_258 : memref<16x128xf32, #tpu.memory_space<vmem>>[vector<16xi32>, vector<16xi32>], vector<16xf32>,
    %broadcast_in_dim3A_259 = arith.constant 1 : i32
    %broadcast_in_dim3A_260 = vector.broadcast %broadcast_in_dim3A_259 : i32 to vector<16xi32>
    %gather3A_261 = tpu.vector_load_idx %arg13[%broadcast_in_dim3A_260, %add3A_252] : memref<16x2048xf32, #tpu.memory_space<vmem>>[vector<16xi32>, vector<16xi32>], vector<16xf32>,
    tpu.vector_store_idx %arg15[%broadcast_in_dim3A_260, %add3A_255], %gather3A_261 : memref<16x128xf32, #tpu.memory_space<vmem>>[vector<16xi32>, vector<16xi32>], vector<16xf32>,
    %broadcast_in_dim3A_262 = arith.constant 2 : i32
    %broadcast_in_dim3A_263 = vector.broadcast %broadcast_in_dim3A_262 : i32 to vector<16xi32>
    %gather3A_264 = tpu.vector_load_idx %arg13[%broadcast_in_dim3A_263, %add3A_252] : memref<16x2048xf32, #tpu.memory_space<vmem>>[vector<16xi32>, vector<16xi32>], vector<16xf32>,
    tpu.vector_store_idx %arg15[%broadcast_in_dim3A_263, %add3A_255], %gather3A_264 : memref<16x128xf32, #tpu.memory_space<vmem>>[vector<16xi32>, vector<16xi32>], vector<16xf32>,
    %broadcast_in_dim3A_265 = arith.constant 3 : i32
    %broadcast_in_dim3A_266 = vector.broadcast %broadcast_in_dim3A_265 : i32 to vector<16xi32>
    %gather3A_267 = tpu.vector_load_idx %arg13[%broadcast_in_dim3A_266, %add3A_252] : memref<16x2048xf32, #tpu.memory_space<vmem>>[vector<16xi32>, vector<16xi32>], vector<16xf32>,
    tpu.vector_store_idx %arg15[%broadcast_in_dim3A_266, %add3A_255], %gather3A_267 : memref<16x128xf32, #tpu.memory_space<vmem>>[vector<16xi32>, vector<16xi32>], vector<16xf32>,
    %broadcast_in_dim3A_268 = arith.constant 4 : i32
    %broadcast_in_dim3A_269 = vector.broadcast %broadcast_in_dim3A_268 : i32 to vector<16xi32>
    %gather3A_270 = tpu.vector_load_idx %arg13[%broadcast_in_dim3A_269, %add3A_252] : memref<16x2048xf32, #tpu.memory_space<vmem>>[vector<16xi32>, vector<16xi32>], vector<16xf32>,
    tpu.vector_store_idx %arg15[%broadcast_in_dim3A_269, %add3A_255], %gather3A_270 : memref<16x128xf32, #tpu.memory_space<vmem>>[vector<16xi32>, vector<16xi32>], vector<16xf32>,
    %broadcast_in_dim3A_271 = arith.constant 5 : i32
    %broadcast_in_dim3A_272 = vector.broadcast %broadcast_in_dim3A_271 : i32 to vector<16xi32>
    %gather3A_273 = tpu.vector_load_idx %arg13[%broadcast_in_dim3A_272, %add3A_252] : memref<16x2048xf32, #tpu.memory_space<vmem>>[vector<16xi32>, vector<16xi32>], vector<16xf32>,
    tpu.vector_store_idx %arg15[%broadcast_in_dim3A_272, %add3A_255], %gather3A_273 : memref<16x128xf32, #tpu.memory_space<vmem>>[vector<16xi32>, vector<16xi32>], vector<16xf32>,
    %broadcast_in_dim3A_274 = arith.constant 6 : i32
    %broadcast_in_dim3A_275 = vector.broadcast %broadcast_in_dim3A_274 : i32 to vector<16xi32>
    %gather3A_276 = tpu.vector_load_idx %arg13[%broadcast_in_dim3A_275, %add3A_252] : memref<16x2048xf32, #tpu.memory_space<vmem>>[vector<16xi32>, vector<16xi32>], vector<16xf32>,
    tpu.vector_store_idx %arg15[%broadcast_in_dim3A_275, %add3A_255], %gather3A_276 : memref<16x128xf32, #tpu.memory_space<vmem>>[vector<16xi32>, vector<16xi32>], vector<16xf32>,
    %broadcast_in_dim3A_277 = arith.constant 7 : i32
    %broadcast_in_dim3A_278 = vector.broadcast %broadcast_in_dim3A_277 : i32 to vector<16xi32>
    %gather3A_279 = tpu.vector_load_idx %arg13[%broadcast_in_dim3A_278, %add3A_252] : memref<16x2048xf32, #tpu.memory_space<vmem>>[vector<16xi32>, vector<16xi32>], vector<16xf32>,
    tpu.vector_store_idx %arg15[%broadcast_in_dim3A_278, %add3A_255], %gather3A_279 : memref<16x128xf32, #tpu.memory_space<vmem>>[vector<16xi32>, vector<16xi32>], vector<16xf32>,
    %broadcast_in_dim3A_280 = arith.constant 8 : i32
    %broadcast_in_dim3A_281 = vector.broadcast %broadcast_in_dim3A_280 : i32 to vector<16xi32>
    %gather3A_282 = tpu.vector_load_idx %arg13[%broadcast_in_dim3A_281, %add3A_252] : memref<16x2048xf32, #tpu.memory_space<vmem>>[vector<16xi32>, vector<16xi32>], vector<16xf32>,
    tpu.vector_store_idx %arg15[%broadcast_in_dim3A_281, %add3A_255], %gather3A_282 : memref<16x128xf32, #tpu.memory_space<vmem>>[vector<16xi32>, vector<16xi32>], vector<16xf32>,
    %broadcast_in_dim3A_283 = arith.constant 9 : i32
    %broadcast_in_dim3A_284 = vector.broadcast %broadcast_in_dim3A_283 : i32 to vector<16xi32>
    %gather3A_285 = tpu.vector_load_idx %arg13[%broadcast_in_dim3A_284, %add3A_252] : memref<16x2048xf32, #tpu.memory_space<vmem>>[vector<16xi32>, vector<16xi32>], vector<16xf32>,
    tpu.vector_store_idx %arg15[%broadcast_in_dim3A_284, %add3A_255], %gather3A_285 : memref<16x128xf32, #tpu.memory_space<vmem>>[vector<16xi32>, vector<16xi32>], vector<16xf32>,
    %broadcast_in_dim3A_286 = arith.constant 10 : i32
    %broadcast_in_dim3A_287 = vector.broadcast %broadcast_in_dim3A_286 : i32 to vector<16xi32>
    %gather3A_288 = tpu.vector_load_idx %arg13[%broadcast_in_dim3A_287, %add3A_252] : memref<16x2048xf32, #tpu.memory_space<vmem>>[vector<16xi32>, vector<16xi32>], vector<16xf32>,
    tpu.vector_store_idx %arg15[%broadcast_in_dim3A_287, %add3A_255], %gather3A_288 : memref<16x128xf32, #tpu.memory_space<vmem>>[vector<16xi32>, vector<16xi32>], vector<16xf32>,
    %broadcast_in_dim3A_289 = arith.constant 11 : i32
    %broadcast_in_dim3A_290 = vector.broadcast %broadcast_in_dim3A_289 : i32 to vector<16xi32>
    %gather3A_291 = tpu.vector_load_idx %arg13[%broadcast_in_dim3A_290, %add3A_252] : memref<16x2048xf32, #tpu.memory_space<vmem>>[vector<16xi32>, vector<16xi32>], vector<16xf32>,
    tpu.vector_store_idx %arg15[%broadcast_in_dim3A_290, %add3A_255], %gather3A_291 : memref<16x128xf32, #tpu.memory_space<vmem>>[vector<16xi32>, vector<16xi32>], vector<16xf32>,
    %broadcast_in_dim3A_292 = arith.constant 12 : i32
    %broadcast_in_dim3A_293 = vector.broadcast %broadcast_in_dim3A_292 : i32 to vector<16xi32>
    %gather3A_294 = tpu.vector_load_idx %arg13[%broadcast_in_dim3A_293, %add3A_252] : memref<16x2048xf32, #tpu.memory_space<vmem>>[vector<16xi32>, vector<16xi32>], vector<16xf32>,
    tpu.vector_store_idx %arg15[%broadcast_in_dim3A_293, %add3A_255], %gather3A_294 : memref<16x128xf32, #tpu.memory_space<vmem>>[vector<16xi32>, vector<16xi32>], vector<16xf32>,
    %broadcast_in_dim3A_295 = arith.constant 13 : i32
    %broadcast_in_dim3A_296 = vector.broadcast %broadcast_in_dim3A_295 : i32 to vector<16xi32>
    %gather3A_297 = tpu.vector_load_idx %arg13[%broadcast_in_dim3A_296, %add3A_252] : memref<16x2048xf32, #tpu.memory_space<vmem>>[vector<16xi32>, vector<16xi32>], vector<16xf32>,
    tpu.vector_store_idx %arg15[%broadcast_in_dim3A_296, %add3A_255], %gather3A_297 : memref<16x128xf32, #tpu.memory_space<vmem>>[vector<16xi32>, vector<16xi32>], vector<16xf32>,
    %broadcast_in_dim3A_298 = arith.constant 14 : i32
    %broadcast_in_dim3A_299 = vector.broadcast %broadcast_in_dim3A_298 : i32 to vector<16xi32>
    %gather3A_300 = tpu.vector_load_idx %arg13[%broadcast_in_dim3A_299, %add3A_252] : memref<16x2048xf32, #tpu.memory_space<vmem>>[vector<16xi32>, vector<16xi32>], vector<16xf32>,
    tpu.vector_store_idx %arg15[%broadcast_in_dim3A_299, %add3A_255], %gather3A_300 : memref<16x128xf32, #tpu.memory_space<vmem>>[vector<16xi32>, vector<16xi32>], vector<16xf32>,
    %broadcast_in_dim3A_301 = arith.constant 15 : i32
    %broadcast_in_dim3A_302 = vector.broadcast %broadcast_in_dim3A_301 : i32 to vector<16xi32>
    %gather3A_303 = tpu.vector_load_idx %arg13[%broadcast_in_dim3A_302, %add3A_252] : memref<16x2048xf32, #tpu.memory_space<vmem>>[vector<16xi32>, vector<16xi32>], vector<16xf32>,
    tpu.vector_store_idx %arg15[%broadcast_in_dim3A_302, %add3A_255], %gather3A_303 : memref<16x128xf32, #tpu.memory_space<vmem>>[vector<16xi32>, vector<16xi32>], vector<16xf32>,
    %scan3A_304 = arith.constant 0 : i32
    %scan3A_305 = arith.constant 0 : i32
    %scan3A_306 = arith.constant 16 : i32
    %scan3A_307 = arith.addi %scan3A_305, %scan3A_306 : i32
    %scan3A_308 = arith.constant 1 : i32
    %scan3A_309 = scf.for %scan3A_1149 = %scan3A_305 to %scan3A_307 step %scan3A_308 iter_args(%scan3A_1150 = %scan3A_304) -> (i32)  : i32 {
      %add3A_1151 = arith.constant 32 : i32
      %add3A_1152 = arith.addi %add3A_1151, %scan3A_1149 : i32
      %get3A_1153 = arith.index_cast %add3A_1152 : i32 to index
      %get3A_1154 = tpu.vector_load %arg10[%get3A_1153] {strides = array<i32>} : memref<144xi32, #tpu.memory_space<vmem>>, vector<16xi32>,
      %slice3A = vector.extract_strided_slice %get3A_1154 {offsets = [0], sizes = [1], strides = [1]} : vector<16xi32> to vector<1xi32>
      %squeeze3A = vector.extract %slice3A[0] : i32 from vector<1xi32>
      %mul3A_1155 = arith.constant 128 : i32
      %mul3A_1156 = arith.muli %squeeze3A, %mul3A_1155 : i32
      %multiple_of3A_1157 = tpu.assume_multiple %mul3A_1156, 128 : i32
      %mul3A_1158 = arith.constant 128 : i32
      %mul3A_1159 = arith.muli %scan3A_1149, %mul3A_1158 : i32
      %multiple_of3A_1160 = tpu.assume_multiple %mul3A_1159, 128 : i32
      %dma_start3A = arith.constant 0 : i32
      %dma_start3A_1161 = tpu.memref_slice %arg13[%dma_start3A, %multiple_of3A_1160] : memref<16x2048xf32, #tpu.memory_space<vmem>> -> memref<16x128xf32, #tpu.memory_space<vmem>>
      %dma_start3A_1162 = arith.constant 0 : i32
      %dma_start3A_1163 = tpu.memref_slice %arg3[%dma_start3A_1162, %multiple_of3A_1157] : memref<16x1000000xf32, #tpu.memory_space<hbm>> -> memref<16x128xf32, #tpu.memory_space<hbm>>
      %dma_start3A_1164 = arith.constant 0 : i32
      %dma_start3A_1165 = tpu.memref_slice %arg13[%dma_start3A_1164, %multiple_of3A_1160] : memref<16x2048xf32, #tpu.memory_space<vmem>> -> memref<16x128xf32, #tpu.memory_space<vmem>>
      %dma_start3A_1166 = arith.constant 0 : i32
      %dma_start3A_1167 = tpu.memref_slice %arg3[%dma_start3A_1166, %multiple_of3A_1157] : memref<16x1000000xf32, #tpu.memory_space<hbm>> -> memref<16x128xf32, #tpu.memory_space<hbm>>
      tpu.enqueue_dma source(%dma_start3A_1167 : memref<16x128xf32, #tpu.memory_space<hbm>>) target(%dma_start3A_1165 : memref<16x128xf32, #tpu.memory_space<vmem>>) target_semaphore(%arg17 : memref<!tpu.dma_semaphore, #tpu.memory_space<semaphore_mem>>)
      %scan3A_1168 = arith.constant 0 : i32
      scf.yield %scan3A_1168 : i32
    }
    %scan3A_310 = arith.constant 16 : i32
    %scan3A_311 = arith.constant 0 : i32
    %scan3A_312 = arith.constant 0 : i32
    %scan3A_313 = arith.constant 16 : i32
    %scan3A_314 = arith.addi %scan3A_312, %scan3A_313 : i32
    %scan3A_315 = arith.constant 1 : i32
    %scan3A_316 = scf.for %scan3A_1149 = %scan3A_312 to %scan3A_314 step %scan3A_315 iter_args(%scan3A_1150 = %scan3A_311) -> (i32)  : i32 {
      %add3A_1151 = arith.constant 32 : i32
      %add3A_1152 = arith.addi %add3A_1151, %scan3A_1149 : i32
      %get3A_1153 = arith.index_cast %add3A_1152 : i32 to index
      %get3A_1154 = tpu.vector_load %arg8[%get3A_1153] {strides = array<i32>} : memref<144xi32, #tpu.memory_space<vmem>>, vector<16xi32>,
      %slice3A = vector.extract_strided_slice %get3A_1154 {offsets = [0], sizes = [1], strides = [1]} : vector<16xi32> to vector<1xi32>
      %squeeze3A = vector.extract %slice3A[0] : i32 from vector<1xi32>
      %mul3A_1155 = arith.constant 128 : i32
      %mul3A_1156 = arith.muli %squeeze3A, %mul3A_1155 : i32
      %multiple_of3A_1157 = tpu.assume_multiple %mul3A_1156, 128 : i32
      %mul3A_1158 = arith.constant 128 : i32
      %mul3A_1159 = arith.muli %scan3A_1149, %mul3A_1158 : i32
      %multiple_of3A_1160 = tpu.assume_multiple %mul3A_1159, 128 : i32
      %dma_wait3A = arith.constant 0 : i32
      %dma_wait3A_1161 = tpu.memref_slice %arg12[%dma_wait3A, %multiple_of3A_1160] : memref<16x2048xf32, #tpu.memory_space<vmem>> -> memref<16x128xf32, #tpu.memory_space<vmem>>
      %dma_wait3A_1162 = arith.constant 0 : i32
      %dma_wait3A_1163 = tpu.memref_slice %arg2[%dma_wait3A_1162, %multiple_of3A_1157] : memref<16x1000000xf32, #tpu.memory_space<hbm>> -> memref<16x128xf32, #tpu.memory_space<hbm>>
      %dma_wait3A_1164 = arith.constant 0 : i32
      %dma_wait3A_1165 = tpu.memref_slice %arg12[%dma_wait3A_1164, %multiple_of3A_1160] : memref<16x2048xf32, #tpu.memory_space<vmem>> -> memref<16x128xf32, #tpu.memory_space<vmem>>
      %dma_wait3A_1166 = arith.constant 0 : i32
      %dma_wait3A_1167 = tpu.memref_slice %arg2[%dma_wait3A_1166, %multiple_of3A_1157] : memref<16x1000000xf32, #tpu.memory_space<hbm>> -> memref<16x128xf32, #tpu.memory_space<hbm>>
      tpu.wait_dma2 semaphore(%arg16 : memref<!tpu.dma_semaphore, #tpu.memory_space<semaphore_mem>>) src(%dma_wait3A_1167 : memref<16x128xf32, #tpu.memory_space<hbm>>) dst(%dma_wait3A_1165 : memref<16x128xf32, #tpu.memory_space<vmem>>)
      %scan3A_1168 = arith.constant 0 : i32
      scf.yield %scan3A_1168 : i32
    }
    %scan3A_317 = arith.constant 16 : i32
    %get3A_318 = arith.constant 32 : index
    %get3A_319 = tpu.vector_load %arg9[%get3A_318] {strides = array<i32>} : memref<128xi32, #tpu.memory_space<vmem>>, vector<16xi32>,
    %mul3A_320 = arith.constant 128 : i32
    %mul3A_321 = vector.broadcast %mul3A_320 : i32 to vector<16xi32>
    %mul3A_322 = arith.muli %iota3A, %mul3A_321 : vector<16xi32>
    %add3A_323 = arith.addi %mul3A_322, %get3A_319 : vector<16xi32>
    %add3A_324 = arith.constant 32 : i32
    %add3A_325 = vector.broadcast %add3A_324 : i32 to vector<16xi32>
    %add3A_326 = arith.addi %iota3A, %add3A_325 : vector<16xi32>
    %broadcast_in_dim3A_327 = arith.constant 0 : i32
    %broadcast_in_dim3A_328 = vector.broadcast %broadcast_in_dim3A_327 : i32 to vector<16xi32>
    %gather3A_329 = tpu.vector_load_idx %arg12[%broadcast_in_dim3A_328, %add3A_323] : memref<16x2048xf32, #tpu.memory_space<vmem>>[vector<16xi32>, vector<16xi32>], vector<16xf32>,
    tpu.vector_store_idx %arg14[%broadcast_in_dim3A_328, %add3A_326], %gather3A_329 : memref<16x128xf32, #tpu.memory_space<vmem>>[vector<16xi32>, vector<16xi32>], vector<16xf32>,
    %broadcast_in_dim3A_330 = arith.constant 1 : i32
    %broadcast_in_dim3A_331 = vector.broadcast %broadcast_in_dim3A_330 : i32 to vector<16xi32>
    %gather3A_332 = tpu.vector_load_idx %arg12[%broadcast_in_dim3A_331, %add3A_323] : memref<16x2048xf32, #tpu.memory_space<vmem>>[vector<16xi32>, vector<16xi32>], vector<16xf32>,
    tpu.vector_store_idx %arg14[%broadcast_in_dim3A_331, %add3A_326], %gather3A_332 : memref<16x128xf32, #tpu.memory_space<vmem>>[vector<16xi32>, vector<16xi32>], vector<16xf32>,
    %broadcast_in_dim3A_333 = arith.constant 2 : i32
    %broadcast_in_dim3A_334 = vector.broadcast %broadcast_in_dim3A_333 : i32 to vector<16xi32>
    %gather3A_335 = tpu.vector_load_idx %arg12[%broadcast_in_dim3A_334, %add3A_323] : memref<16x2048xf32, #tpu.memory_space<vmem>>[vector<16xi32>, vector<16xi32>], vector<16xf32>,
    tpu.vector_store_idx %arg14[%broadcast_in_dim3A_334, %add3A_326], %gather3A_335 : memref<16x128xf32, #tpu.memory_space<vmem>>[vector<16xi32>, vector<16xi32>], vector<16xf32>,
    %broadcast_in_dim3A_336 = arith.constant 3 : i32
    %broadcast_in_dim3A_337 = vector.broadcast %broadcast_in_dim3A_336 : i32 to vector<16xi32>
    %gather3A_338 = tpu.vector_load_idx %arg12[%broadcast_in_dim3A_337, %add3A_323] : memref<16x2048xf32, #tpu.memory_space<vmem>>[vector<16xi32>, vector<16xi32>], vector<16xf32>,
    tpu.vector_store_idx %arg14[%broadcast_in_dim3A_337, %add3A_326], %gather3A_338 : memref<16x128xf32, #tpu.memory_space<vmem>>[vector<16xi32>, vector<16xi32>], vector<16xf32>,
    %broadcast_in_dim3A_339 = arith.constant 4 : i32
    %broadcast_in_dim3A_340 = vector.broadcast %broadcast_in_dim3A_339 : i32 to vector<16xi32>
    %gather3A_341 = tpu.vector_load_idx %arg12[%broadcast_in_dim3A_340, %add3A_323] : memref<16x2048xf32, #tpu.memory_space<vmem>>[vector<16xi32>, vector<16xi32>], vector<16xf32>,
    tpu.vector_store_idx %arg14[%broadcast_in_dim3A_340, %add3A_326], %gather3A_341 : memref<16x128xf32, #tpu.memory_space<vmem>>[vector<16xi32>, vector<16xi32>], vector<16xf32>,
    %broadcast_in_dim3A_342 = arith.constant 5 : i32
    %broadcast_in_dim3A_343 = vector.broadcast %broadcast_in_dim3A_342 : i32 to vector<16xi32>
    %gather3A_344 = tpu.vector_load_idx %arg12[%broadcast_in_dim3A_343, %add3A_323] : memref<16x2048xf32, #tpu.memory_space<vmem>>[vector<16xi32>, vector<16xi32>], vector<16xf32>,
    tpu.vector_store_idx %arg14[%broadcast_in_dim3A_343, %add3A_326], %gather3A_344 : memref<16x128xf32, #tpu.memory_space<vmem>>[vector<16xi32>, vector<16xi32>], vector<16xf32>,
    %broadcast_in_dim3A_345 = arith.constant 6 : i32
    %broadcast_in_dim3A_346 = vector.broadcast %broadcast_in_dim3A_345 : i32 to vector<16xi32>
    %gather3A_347 = tpu.vector_load_idx %arg12[%broadcast_in_dim3A_346, %add3A_323] : memref<16x2048xf32, #tpu.memory_space<vmem>>[vector<16xi32>, vector<16xi32>], vector<16xf32>,
    tpu.vector_store_idx %arg14[%broadcast_in_dim3A_346, %add3A_326], %gather3A_347 : memref<16x128xf32, #tpu.memory_space<vmem>>[vector<16xi32>, vector<16xi32>], vector<16xf32>,
    %broadcast_in_dim3A_348 = arith.constant 7 : i32
    %broadcast_in_dim3A_349 = vector.broadcast %broadcast_in_dim3A_348 : i32 to vector<16xi32>
    %gather3A_350 = tpu.vector_load_idx %arg12[%broadcast_in_dim3A_349, %add3A_323] : memref<16x2048xf32, #tpu.memory_space<vmem>>[vector<16xi32>, vector<16xi32>], vector<16xf32>,
    tpu.vector_store_idx %arg14[%broadcast_in_dim3A_349, %add3A_326], %gather3A_350 : memref<16x128xf32, #tpu.memory_space<vmem>>[vector<16xi32>, vector<16xi32>], vector<16xf32>,
    %broadcast_in_dim3A_351 = arith.constant 8 : i32
    %broadcast_in_dim3A_352 = vector.broadcast %broadcast_in_dim3A_351 : i32 to vector<16xi32>
    %gather3A_353 = tpu.vector_load_idx %arg12[%broadcast_in_dim3A_352, %add3A_323] : memref<16x2048xf32, #tpu.memory_space<vmem>>[vector<16xi32>, vector<16xi32>], vector<16xf32>,
    tpu.vector_store_idx %arg14[%broadcast_in_dim3A_352, %add3A_326], %gather3A_353 : memref<16x128xf32, #tpu.memory_space<vmem>>[vector<16xi32>, vector<16xi32>], vector<16xf32>,
    %broadcast_in_dim3A_354 = arith.constant 9 : i32
    %broadcast_in_dim3A_355 = vector.broadcast %broadcast_in_dim3A_354 : i32 to vector<16xi32>
    %gather3A_356 = tpu.vector_load_idx %arg12[%broadcast_in_dim3A_355, %add3A_323] : memref<16x2048xf32, #tpu.memory_space<vmem>>[vector<16xi32>, vector<16xi32>], vector<16xf32>,
    tpu.vector_store_idx %arg14[%broadcast_in_dim3A_355, %add3A_326], %gather3A_356 : memref<16x128xf32, #tpu.memory_space<vmem>>[vector<16xi32>, vector<16xi32>], vector<16xf32>,
    %broadcast_in_dim3A_357 = arith.constant 10 : i32
    %broadcast_in_dim3A_358 = vector.broadcast %broadcast_in_dim3A_357 : i32 to vector<16xi32>
    %gather3A_359 = tpu.vector_load_idx %arg12[%broadcast_in_dim3A_358, %add3A_323] : memref<16x2048xf32, #tpu.memory_space<vmem>>[vector<16xi32>, vector<16xi32>], vector<16xf32>,
    tpu.vector_store_idx %arg14[%broadcast_in_dim3A_358, %add3A_326], %gather3A_359 : memref<16x128xf32, #tpu.memory_space<vmem>>[vector<16xi32>, vector<16xi32>], vector<16xf32>,
    %broadcast_in_dim3A_360 = arith.constant 11 : i32
    %broadcast_in_dim3A_361 = vector.broadcast %broadcast_in_dim3A_360 : i32 to vector<16xi32>
    %gather3A_362 = tpu.vector_load_idx %arg12[%broadcast_in_dim3A_361, %add3A_323] : memref<16x2048xf32, #tpu.memory_space<vmem>>[vector<16xi32>, vector<16xi32>], vector<16xf32>,
    tpu.vector_store_idx %arg14[%broadcast_in_dim3A_361, %add3A_326], %gather3A_362 : memref<16x128xf32, #tpu.memory_space<vmem>>[vector<16xi32>, vector<16xi32>], vector<16xf32>,
    %broadcast_in_dim3A_363 = arith.constant 12 : i32
    %broadcast_in_dim3A_364 = vector.broadcast %broadcast_in_dim3A_363 : i32 to vector<16xi32>
    %gather3A_365 = tpu.vector_load_idx %arg12[%broadcast_in_dim3A_364, %add3A_323] : memref<16x2048xf32, #tpu.memory_space<vmem>>[vector<16xi32>, vector<16xi32>], vector<16xf32>,
    tpu.vector_store_idx %arg14[%broadcast_in_dim3A_364, %add3A_326], %gather3A_365 : memref<16x128xf32, #tpu.memory_space<vmem>>[vector<16xi32>, vector<16xi32>], vector<16xf32>,
    %broadcast_in_dim3A_366 = arith.constant 13 : i32
    %broadcast_in_dim3A_367 = vector.broadcast %broadcast_in_dim3A_366 : i32 to vector<16xi32>
    %gather3A_368 = tpu.vector_load_idx %arg12[%broadcast_in_dim3A_367, %add3A_323] : memref<16x2048xf32, #tpu.memory_space<vmem>>[vector<16xi32>, vector<16xi32>], vector<16xf32>,
    tpu.vector_store_idx %arg14[%broadcast_in_dim3A_367, %add3A_326], %gather3A_368 : memref<16x128xf32, #tpu.memory_space<vmem>>[vector<16xi32>, vector<16xi32>], vector<16xf32>,
    %broadcast_in_dim3A_369 = arith.constant 14 : i32
    %broadcast_in_dim3A_370 = vector.broadcast %broadcast_in_dim3A_369 : i32 to vector<16xi32>
    %gather3A_371 = tpu.vector_load_idx %arg12[%broadcast_in_dim3A_370, %add3A_323] : memref<16x2048xf32, #tpu.memory_space<vmem>>[vector<16xi32>, vector<16xi32>], vector<16xf32>,
    tpu.vector_store_idx %arg14[%broadcast_in_dim3A_370, %add3A_326], %gather3A_371 : memref<16x128xf32, #tpu.memory_space<vmem>>[vector<16xi32>, vector<16xi32>], vector<16xf32>,
    %broadcast_in_dim3A_372 = arith.constant 15 : i32
    %broadcast_in_dim3A_373 = vector.broadcast %broadcast_in_dim3A_372 : i32 to vector<16xi32>
    %gather3A_374 = tpu.vector_load_idx %arg12[%broadcast_in_dim3A_373, %add3A_323] : memref<16x2048xf32, #tpu.memory_space<vmem>>[vector<16xi32>, vector<16xi32>], vector<16xf32>,
    tpu.vector_store_idx %arg14[%broadcast_in_dim3A_373, %add3A_326], %gather3A_374 : memref<16x128xf32, #tpu.memory_space<vmem>>[vector<16xi32>, vector<16xi32>], vector<16xf32>,
    %scan3A_375 = arith.constant 0 : i32
    %scan3A_376 = arith.constant 0 : i32
    %scan3A_377 = arith.constant 16 : i32
    %scan3A_378 = arith.addi %scan3A_376, %scan3A_377 : i32
    %scan3A_379 = arith.constant 1 : i32
    %scan3A_380 = scf.for %scan3A_1149 = %scan3A_376 to %scan3A_378 step %scan3A_379 iter_args(%scan3A_1150 = %scan3A_375) -> (i32)  : i32 {
      %add3A_1151 = arith.constant 48 : i32
      %add3A_1152 = arith.addi %add3A_1151, %scan3A_1149 : i32
      %get3A_1153 = arith.index_cast %add3A_1152 : i32 to index
      %get3A_1154 = tpu.vector_load %arg8[%get3A_1153] {strides = array<i32>} : memref<144xi32, #tpu.memory_space<vmem>>, vector<16xi32>,
      %slice3A = vector.extract_strided_slice %get3A_1154 {offsets = [0], sizes = [1], strides = [1]} : vector<16xi32> to vector<1xi32>
      %squeeze3A = vector.extract %slice3A[0] : i32 from vector<1xi32>
      %mul3A_1155 = arith.constant 128 : i32
      %mul3A_1156 = arith.muli %squeeze3A, %mul3A_1155 : i32
      %multiple_of3A_1157 = tpu.assume_multiple %mul3A_1156, 128 : i32
      %mul3A_1158 = arith.constant 128 : i32
      %mul3A_1159 = arith.muli %scan3A_1149, %mul3A_1158 : i32
      %multiple_of3A_1160 = tpu.assume_multiple %mul3A_1159, 128 : i32
      %dma_start3A = arith.constant 0 : i32
      %dma_start3A_1161 = tpu.memref_slice %arg12[%dma_start3A, %multiple_of3A_1160] : memref<16x2048xf32, #tpu.memory_space<vmem>> -> memref<16x128xf32, #tpu.memory_space<vmem>>
      %dma_start3A_1162 = arith.constant 0 : i32
      %dma_start3A_1163 = tpu.memref_slice %arg2[%dma_start3A_1162, %multiple_of3A_1157] : memref<16x1000000xf32, #tpu.memory_space<hbm>> -> memref<16x128xf32, #tpu.memory_space<hbm>>
      %dma_start3A_1164 = arith.constant 0 : i32
      %dma_start3A_1165 = tpu.memref_slice %arg12[%dma_start3A_1164, %multiple_of3A_1160] : memref<16x2048xf32, #tpu.memory_space<vmem>> -> memref<16x128xf32, #tpu.memory_space<vmem>>
      %dma_start3A_1166 = arith.constant 0 : i32
      %dma_start3A_1167 = tpu.memref_slice %arg2[%dma_start3A_1166, %multiple_of3A_1157] : memref<16x1000000xf32, #tpu.memory_space<hbm>> -> memref<16x128xf32, #tpu.memory_space<hbm>>
      tpu.enqueue_dma source(%dma_start3A_1167 : memref<16x128xf32, #tpu.memory_space<hbm>>) target(%dma_start3A_1165 : memref<16x128xf32, #tpu.memory_space<vmem>>) target_semaphore(%arg16 : memref<!tpu.dma_semaphore, #tpu.memory_space<semaphore_mem>>)
      %scan3A_1168 = arith.constant 0 : i32
      scf.yield %scan3A_1168 : i32
    }
    %scan3A_381 = arith.constant 16 : i32
    %scan3A_382 = arith.constant 0 : i32
    %scan3A_383 = arith.constant 0 : i32
    %scan3A_384 = arith.constant 16 : i32
    %scan3A_385 = arith.addi %scan3A_383, %scan3A_384 : i32
    %scan3A_386 = arith.constant 1 : i32
    %scan3A_387 = scf.for %scan3A_1149 = %scan3A_383 to %scan3A_385 step %scan3A_386 iter_args(%scan3A_1150 = %scan3A_382) -> (i32)  : i32 {
      %add3A_1151 = arith.constant 32 : i32
      %add3A_1152 = arith.addi %add3A_1151, %scan3A_1149 : i32
      %get3A_1153 = arith.index_cast %add3A_1152 : i32 to index
      %get3A_1154 = tpu.vector_load %arg10[%get3A_1153] {strides = array<i32>} : memref<144xi32, #tpu.memory_space<vmem>>, vector<16xi32>,
      %slice3A = vector.extract_strided_slice %get3A_1154 {offsets = [0], sizes = [1], strides = [1]} : vector<16xi32> to vector<1xi32>
      %squeeze3A = vector.extract %slice3A[0] : i32 from vector<1xi32>
      %mul3A_1155 = arith.constant 128 : i32
      %mul3A_1156 = arith.muli %squeeze3A, %mul3A_1155 : i32
      %multiple_of3A_1157 = tpu.assume_multiple %mul3A_1156, 128 : i32
      %mul3A_1158 = arith.constant 128 : i32
      %mul3A_1159 = arith.muli %scan3A_1149, %mul3A_1158 : i32
      %multiple_of3A_1160 = tpu.assume_multiple %mul3A_1159, 128 : i32
      %dma_wait3A = arith.constant 0 : i32
      %dma_wait3A_1161 = tpu.memref_slice %arg13[%dma_wait3A, %multiple_of3A_1160] : memref<16x2048xf32, #tpu.memory_space<vmem>> -> memref<16x128xf32, #tpu.memory_space<vmem>>
      %dma_wait3A_1162 = arith.constant 0 : i32
      %dma_wait3A_1163 = tpu.memref_slice %arg3[%dma_wait3A_1162, %multiple_of3A_1157] : memref<16x1000000xf32, #tpu.memory_space<hbm>> -> memref<16x128xf32, #tpu.memory_space<hbm>>
      %dma_wait3A_1164 = arith.constant 0 : i32
      %dma_wait3A_1165 = tpu.memref_slice %arg13[%dma_wait3A_1164, %multiple_of3A_1160] : memref<16x2048xf32, #tpu.memory_space<vmem>> -> memref<16x128xf32, #tpu.memory_space<vmem>>
      %dma_wait3A_1166 = arith.constant 0 : i32
      %dma_wait3A_1167 = tpu.memref_slice %arg3[%dma_wait3A_1166, %multiple_of3A_1157] : memref<16x1000000xf32, #tpu.memory_space<hbm>> -> memref<16x128xf32, #tpu.memory_space<hbm>>
      tpu.wait_dma2 semaphore(%arg17 : memref<!tpu.dma_semaphore, #tpu.memory_space<semaphore_mem>>) src(%dma_wait3A_1167 : memref<16x128xf32, #tpu.memory_space<hbm>>) dst(%dma_wait3A_1165 : memref<16x128xf32, #tpu.memory_space<vmem>>)
      %scan3A_1168 = arith.constant 0 : i32
      scf.yield %scan3A_1168 : i32
    }
    %scan3A_388 = arith.constant 16 : i32
    %get3A_389 = arith.constant 32 : index
    %get3A_390 = tpu.vector_load %arg11[%get3A_389] {strides = array<i32>} : memref<128xi32, #tpu.memory_space<vmem>>, vector<16xi32>,
    %mul3A_391 = arith.constant 128 : i32
    %mul3A_392 = vector.broadcast %mul3A_391 : i32 to vector<16xi32>
    %mul3A_393 = arith.muli %iota3A, %mul3A_392 : vector<16xi32>
    %add3A_394 = arith.addi %mul3A_393, %get3A_390 : vector<16xi32>
    %add3A_395 = arith.constant 32 : i32
    %add3A_396 = vector.broadcast %add3A_395 : i32 to vector<16xi32>
    %add3A_397 = arith.addi %iota3A, %add3A_396 : vector<16xi32>
    %broadcast_in_dim3A_398 = arith.constant 0 : i32
    %broadcast_in_dim3A_399 = vector.broadcast %broadcast_in_dim3A_398 : i32 to vector<16xi32>
    %gather3A_400 = tpu.vector_load_idx %arg13[%broadcast_in_dim3A_399, %add3A_394] : memref<16x2048xf32, #tpu.memory_space<vmem>>[vector<16xi32>, vector<16xi32>], vector<16xf32>,
    tpu.vector_store_idx %arg15[%broadcast_in_dim3A_399, %add3A_397], %gather3A_400 : memref<16x128xf32, #tpu.memory_space<vmem>>[vector<16xi32>, vector<16xi32>], vector<16xf32>,
    %broadcast_in_dim3A_401 = arith.constant 1 : i32
    %broadcast_in_dim3A_402 = vector.broadcast %broadcast_in_dim3A_401 : i32 to vector<16xi32>
    %gather3A_403 = tpu.vector_load_idx %arg13[%broadcast_in_dim3A_402, %add3A_394] : memref<16x2048xf32, #tpu.memory_space<vmem>>[vector<16xi32>, vector<16xi32>], vector<16xf32>,
    tpu.vector_store_idx %arg15[%broadcast_in_dim3A_402, %add3A_397], %gather3A_403 : memref<16x128xf32, #tpu.memory_space<vmem>>[vector<16xi32>, vector<16xi32>], vector<16xf32>,
    %broadcast_in_dim3A_404 = arith.constant 2 : i32
    %broadcast_in_dim3A_405 = vector.broadcast %broadcast_in_dim3A_404 : i32 to vector<16xi32>
    %gather3A_406 = tpu.vector_load_idx %arg13[%broadcast_in_dim3A_405, %add3A_394] : memref<16x2048xf32, #tpu.memory_space<vmem>>[vector<16xi32>, vector<16xi32>], vector<16xf32>,
    tpu.vector_store_idx %arg15[%broadcast_in_dim3A_405, %add3A_397], %gather3A_406 : memref<16x128xf32, #tpu.memory_space<vmem>>[vector<16xi32>, vector<16xi32>], vector<16xf32>,
    %broadcast_in_dim3A_407 = arith.constant 3 : i32
    %broadcast_in_dim3A_408 = vector.broadcast %broadcast_in_dim3A_407 : i32 to vector<16xi32>
    %gather3A_409 = tpu.vector_load_idx %arg13[%broadcast_in_dim3A_408, %add3A_394] : memref<16x2048xf32, #tpu.memory_space<vmem>>[vector<16xi32>, vector<16xi32>], vector<16xf32>,
    tpu.vector_store_idx %arg15[%broadcast_in_dim3A_408, %add3A_397], %gather3A_409 : memref<16x128xf32, #tpu.memory_space<vmem>>[vector<16xi32>, vector<16xi32>], vector<16xf32>,
    %broadcast_in_dim3A_410 = arith.constant 4 : i32
    %broadcast_in_dim3A_411 = vector.broadcast %broadcast_in_dim3A_410 : i32 to vector<16xi32>
    %gather3A_412 = tpu.vector_load_idx %arg13[%broadcast_in_dim3A_411, %add3A_394] : memref<16x2048xf32, #tpu.memory_space<vmem>>[vector<16xi32>, vector<16xi32>], vector<16xf32>,
    tpu.vector_store_idx %arg15[%broadcast_in_dim3A_411, %add3A_397], %gather3A_412 : memref<16x128xf32, #tpu.memory_space<vmem>>[vector<16xi32>, vector<16xi32>], vector<16xf32>,
    %broadcast_in_dim3A_413 = arith.constant 5 : i32
    %broadcast_in_dim3A_414 = vector.broadcast %broadcast_in_dim3A_413 : i32 to vector<16xi32>
    %gather3A_415 = tpu.vector_load_idx %arg13[%broadcast_in_dim3A_414, %add3A_394] : memref<16x2048xf32, #tpu.memory_space<vmem>>[vector<16xi32>, vector<16xi32>], vector<16xf32>,
    tpu.vector_store_idx %arg15[%broadcast_in_dim3A_414, %add3A_397], %gather3A_415 : memref<16x128xf32, #tpu.memory_space<vmem>>[vector<16xi32>, vector<16xi32>], vector<16xf32>,
    %broadcast_in_dim3A_416 = arith.constant 6 : i32
    %broadcast_in_dim3A_417 = vector.broadcast %broadcast_in_dim3A_416 : i32 to vector<16xi32>
    %gather3A_418 = tpu.vector_load_idx %arg13[%broadcast_in_dim3A_417, %add3A_394] : memref<16x2048xf32, #tpu.memory_space<vmem>>[vector<16xi32>, vector<16xi32>], vector<16xf32>,
    tpu.vector_store_idx %arg15[%broadcast_in_dim3A_417, %add3A_397], %gather3A_418 : memref<16x128xf32, #tpu.memory_space<vmem>>[vector<16xi32>, vector<16xi32>], vector<16xf32>,
    %broadcast_in_dim3A_419 = arith.constant 7 : i32
    %broadcast_in_dim3A_420 = vector.broadcast %broadcast_in_dim3A_419 : i32 to vector<16xi32>
    %gather3A_421 = tpu.vector_load_idx %arg13[%broadcast_in_dim3A_420, %add3A_394] : memref<16x2048xf32, #tpu.memory_space<vmem>>[vector<16xi32>, vector<16xi32>], vector<16xf32>,
    tpu.vector_store_idx %arg15[%broadcast_in_dim3A_420, %add3A_397], %gather3A_421 : memref<16x128xf32, #tpu.memory_space<vmem>>[vector<16xi32>, vector<16xi32>], vector<16xf32>,
    %broadcast_in_dim3A_422 = arith.constant 8 : i32
    %broadcast_in_dim3A_423 = vector.broadcast %broadcast_in_dim3A_422 : i32 to vector<16xi32>
    %gather3A_424 = tpu.vector_load_idx %arg13[%broadcast_in_dim3A_423, %add3A_394] : memref<16x2048xf32, #tpu.memory_space<vmem>>[vector<16xi32>, vector<16xi32>], vector<16xf32>,
    tpu.vector_store_idx %arg15[%broadcast_in_dim3A_423, %add3A_397], %gather3A_424 : memref<16x128xf32, #tpu.memory_space<vmem>>[vector<16xi32>, vector<16xi32>], vector<16xf32>,
    %broadcast_in_dim3A_425 = arith.constant 9 : i32
    %broadcast_in_dim3A_426 = vector.broadcast %broadcast_in_dim3A_425 : i32 to vector<16xi32>
    %gather3A_427 = tpu.vector_load_idx %arg13[%broadcast_in_dim3A_426, %add3A_394] : memref<16x2048xf32, #tpu.memory_space<vmem>>[vector<16xi32>, vector<16xi32>], vector<16xf32>,
    tpu.vector_store_idx %arg15[%broadcast_in_dim3A_426, %add3A_397], %gather3A_427 : memref<16x128xf32, #tpu.memory_space<vmem>>[vector<16xi32>, vector<16xi32>], vector<16xf32>,
    %broadcast_in_dim3A_428 = arith.constant 10 : i32
    %broadcast_in_dim3A_429 = vector.broadcast %broadcast_in_dim3A_428 : i32 to vector<16xi32>
    %gather3A_430 = tpu.vector_load_idx %arg13[%broadcast_in_dim3A_429, %add3A_394] : memref<16x2048xf32, #tpu.memory_space<vmem>>[vector<16xi32>, vector<16xi32>], vector<16xf32>,
    tpu.vector_store_idx %arg15[%broadcast_in_dim3A_429, %add3A_397], %gather3A_430 : memref<16x128xf32, #tpu.memory_space<vmem>>[vector<16xi32>, vector<16xi32>], vector<16xf32>,
    %broadcast_in_dim3A_431 = arith.constant 11 : i32
    %broadcast_in_dim3A_432 = vector.broadcast %broadcast_in_dim3A_431 : i32 to vector<16xi32>
    %gather3A_433 = tpu.vector_load_idx %arg13[%broadcast_in_dim3A_432, %add3A_394] : memref<16x2048xf32, #tpu.memory_space<vmem>>[vector<16xi32>, vector<16xi32>], vector<16xf32>,
    tpu.vector_store_idx %arg15[%broadcast_in_dim3A_432, %add3A_397], %gather3A_433 : memref<16x128xf32, #tpu.memory_space<vmem>>[vector<16xi32>, vector<16xi32>], vector<16xf32>,
    %broadcast_in_dim3A_434 = arith.constant 12 : i32
    %broadcast_in_dim3A_435 = vector.broadcast %broadcast_in_dim3A_434 : i32 to vector<16xi32>
    %gather3A_436 = tpu.vector_load_idx %arg13[%broadcast_in_dim3A_435, %add3A_394] : memref<16x2048xf32, #tpu.memory_space<vmem>>[vector<16xi32>, vector<16xi32>], vector<16xf32>,
    tpu.vector_store_idx %arg15[%broadcast_in_dim3A_435, %add3A_397], %gather3A_436 : memref<16x128xf32, #tpu.memory_space<vmem>>[vector<16xi32>, vector<16xi32>], vector<16xf32>,
    %broadcast_in_dim3A_437 = arith.constant 13 : i32
    %broadcast_in_dim3A_438 = vector.broadcast %broadcast_in_dim3A_437 : i32 to vector<16xi32>
    %gather3A_439 = tpu.vector_load_idx %arg13[%broadcast_in_dim3A_438, %add3A_394] : memref<16x2048xf32, #tpu.memory_space<vmem>>[vector<16xi32>, vector<16xi32>], vector<16xf32>,
    tpu.vector_store_idx %arg15[%broadcast_in_dim3A_438, %add3A_397], %gather3A_439 : memref<16x128xf32, #tpu.memory_space<vmem>>[vector<16xi32>, vector<16xi32>], vector<16xf32>,
    %broadcast_in_dim3A_440 = arith.constant 14 : i32
    %broadcast_in_dim3A_441 = vector.broadcast %broadcast_in_dim3A_440 : i32 to vector<16xi32>
    %gather3A_442 = tpu.vector_load_idx %arg13[%broadcast_in_dim3A_441, %add3A_394] : memref<16x2048xf32, #tpu.memory_space<vmem>>[vector<16xi32>, vector<16xi32>], vector<16xf32>,
    tpu.vector_store_idx %arg15[%broadcast_in_dim3A_441, %add3A_397], %gather3A_442 : memref<16x128xf32, #tpu.memory_space<vmem>>[vector<16xi32>, vector<16xi32>], vector<16xf32>,
    %broadcast_in_dim3A_443 = arith.constant 15 : i32
    %broadcast_in_dim3A_444 = vector.broadcast %broadcast_in_dim3A_443 : i32 to vector<16xi32>
    %gather3A_445 = tpu.vector_load_idx %arg13[%broadcast_in_dim3A_444, %add3A_394] : memref<16x2048xf32, #tpu.memory_space<vmem>>[vector<16xi32>, vector<16xi32>], vector<16xf32>,
    tpu.vector_store_idx %arg15[%broadcast_in_dim3A_444, %add3A_397], %gather3A_445 : memref<16x128xf32, #tpu.memory_space<vmem>>[vector<16xi32>, vector<16xi32>], vector<16xf32>,
    %scan3A_446 = arith.constant 0 : i32
    %scan3A_447 = arith.constant 0 : i32
    %scan3A_448 = arith.constant 16 : i32
    %scan3A_449 = arith.addi %scan3A_447, %scan3A_448 : i32
    %scan3A_450 = arith.constant 1 : i32
    %scan3A_451 = scf.for %scan3A_1149 = %scan3A_447 to %scan3A_449 step %scan3A_450 iter_args(%scan3A_1150 = %scan3A_446) -> (i32)  : i32 {
      %add3A_1151 = arith.constant 48 : i32
      %add3A_1152 = arith.addi %add3A_1151, %scan3A_1149 : i32
      %get3A_1153 = arith.index_cast %add3A_1152 : i32 to index
      %get3A_1154 = tpu.vector_load %arg10[%get3A_1153] {strides = array<i32>} : memref<144xi32, #tpu.memory_space<vmem>>, vector<16xi32>,
      %slice3A = vector.extract_strided_slice %get3A_1154 {offsets = [0], sizes = [1], strides = [1]} : vector<16xi32> to vector<1xi32>
      %squeeze3A = vector.extract %slice3A[0] : i32 from vector<1xi32>
      %mul3A_1155 = arith.constant 128 : i32
      %mul3A_1156 = arith.muli %squeeze3A, %mul3A_1155 : i32
      %multiple_of3A_1157 = tpu.assume_multiple %mul3A_1156, 128 : i32
      %mul3A_1158 = arith.constant 128 : i32
      %mul3A_1159 = arith.muli %scan3A_1149, %mul3A_1158 : i32
      %multiple_of3A_1160 = tpu.assume_multiple %mul3A_1159, 128 : i32
      %dma_start3A = arith.constant 0 : i32
      %dma_start3A_1161 = tpu.memref_slice %arg13[%dma_start3A, %multiple_of3A_1160] : memref<16x2048xf32, #tpu.memory_space<vmem>> -> memref<16x128xf32, #tpu.memory_space<vmem>>
      %dma_start3A_1162 = arith.constant 0 : i32
      %dma_start3A_1163 = tpu.memref_slice %arg3[%dma_start3A_1162, %multiple_of3A_1157] : memref<16x1000000xf32, #tpu.memory_space<hbm>> -> memref<16x128xf32, #tpu.memory_space<hbm>>
      %dma_start3A_1164 = arith.constant 0 : i32
      %dma_start3A_1165 = tpu.memref_slice %arg13[%dma_start3A_1164, %multiple_of3A_1160] : memref<16x2048xf32, #tpu.memory_space<vmem>> -> memref<16x128xf32, #tpu.memory_space<vmem>>
      %dma_start3A_1166 = arith.constant 0 : i32
      %dma_start3A_1167 = tpu.memref_slice %arg3[%dma_start3A_1166, %multiple_of3A_1157] : memref<16x1000000xf32, #tpu.memory_space<hbm>> -> memref<16x128xf32, #tpu.memory_space<hbm>>
      tpu.enqueue_dma source(%dma_start3A_1167 : memref<16x128xf32, #tpu.memory_space<hbm>>) target(%dma_start3A_1165 : memref<16x128xf32, #tpu.memory_space<vmem>>) target_semaphore(%arg17 : memref<!tpu.dma_semaphore, #tpu.memory_space<semaphore_mem>>)
      %scan3A_1168 = arith.constant 0 : i32
      scf.yield %scan3A_1168 : i32
    }
    %scan3A_452 = arith.constant 16 : i32
    %scan3A_453 = arith.constant 0 : i32
    %scan3A_454 = arith.constant 0 : i32
    %scan3A_455 = arith.constant 16 : i32
    %scan3A_456 = arith.addi %scan3A_454, %scan3A_455 : i32
    %scan3A_457 = arith.constant 1 : i32
    %scan3A_458 = scf.for %scan3A_1149 = %scan3A_454 to %scan3A_456 step %scan3A_457 iter_args(%scan3A_1150 = %scan3A_453) -> (i32)  : i32 {
      %add3A_1151 = arith.constant 48 : i32
      %add3A_1152 = arith.addi %add3A_1151, %scan3A_1149 : i32
      %get3A_1153 = arith.index_cast %add3A_1152 : i32 to index
      %get3A_1154 = tpu.vector_load %arg8[%get3A_1153] {strides = array<i32>} : memref<144xi32, #tpu.memory_space<vmem>>, vector<16xi32>,
      %slice3A = vector.extract_strided_slice %get3A_1154 {offsets = [0], sizes = [1], strides = [1]} : vector<16xi32> to vector<1xi32>
      %squeeze3A = vector.extract %slice3A[0] : i32 from vector<1xi32>
      %mul3A_1155 = arith.constant 128 : i32
      %mul3A_1156 = arith.muli %squeeze3A, %mul3A_1155 : i32
      %multiple_of3A_1157 = tpu.assume_multiple %mul3A_1156, 128 : i32
      %mul3A_1158 = arith.constant 128 : i32
      %mul3A_1159 = arith.muli %scan3A_1149, %mul3A_1158 : i32
      %multiple_of3A_1160 = tpu.assume_multiple %mul3A_1159, 128 : i32
      %dma_wait3A = arith.constant 0 : i32
      %dma_wait3A_1161 = tpu.memref_slice %arg12[%dma_wait3A, %multiple_of3A_1160] : memref<16x2048xf32, #tpu.memory_space<vmem>> -> memref<16x128xf32, #tpu.memory_space<vmem>>
      %dma_wait3A_1162 = arith.constant 0 : i32
      %dma_wait3A_1163 = tpu.memref_slice %arg2[%dma_wait3A_1162, %multiple_of3A_1157] : memref<16x1000000xf32, #tpu.memory_space<hbm>> -> memref<16x128xf32, #tpu.memory_space<hbm>>
      %dma_wait3A_1164 = arith.constant 0 : i32
      %dma_wait3A_1165 = tpu.memref_slice %arg12[%dma_wait3A_1164, %multiple_of3A_1160] : memref<16x2048xf32, #tpu.memory_space<vmem>> -> memref<16x128xf32, #tpu.memory_space<vmem>>
      %dma_wait3A_1166 = arith.constant 0 : i32
      %dma_wait3A_1167 = tpu.memref_slice %arg2[%dma_wait3A_1166, %multiple_of3A_1157] : memref<16x1000000xf32, #tpu.memory_space<hbm>> -> memref<16x128xf32, #tpu.memory_space<hbm>>
      tpu.wait_dma2 semaphore(%arg16 : memref<!tpu.dma_semaphore, #tpu.memory_space<semaphore_mem>>) src(%dma_wait3A_1167 : memref<16x128xf32, #tpu.memory_space<hbm>>) dst(%dma_wait3A_1165 : memref<16x128xf32, #tpu.memory_space<vmem>>)
      %scan3A_1168 = arith.constant 0 : i32
      scf.yield %scan3A_1168 : i32
    }
    %scan3A_459 = arith.constant 16 : i32
    %get3A_460 = arith.constant 48 : index
    %get3A_461 = tpu.vector_load %arg9[%get3A_460] {strides = array<i32>} : memref<128xi32, #tpu.memory_space<vmem>>, vector<16xi32>,
    %mul3A_462 = arith.constant 128 : i32
    %mul3A_463 = vector.broadcast %mul3A_462 : i32 to vector<16xi32>
    %mul3A_464 = arith.muli %iota3A, %mul3A_463 : vector<16xi32>
    %add3A_465 = arith.addi %mul3A_464, %get3A_461 : vector<16xi32>
    %add3A_466 = arith.constant 48 : i32
    %add3A_467 = vector.broadcast %add3A_466 : i32 to vector<16xi32>
    %add3A_468 = arith.addi %iota3A, %add3A_467 : vector<16xi32>
    %broadcast_in_dim3A_469 = arith.constant 0 : i32
    %broadcast_in_dim3A_470 = vector.broadcast %broadcast_in_dim3A_469 : i32 to vector<16xi32>
    %gather3A_471 = tpu.vector_load_idx %arg12[%broadcast_in_dim3A_470, %add3A_465] : memref<16x2048xf32, #tpu.memory_space<vmem>>[vector<16xi32>, vector<16xi32>], vector<16xf32>,
    tpu.vector_store_idx %arg14[%broadcast_in_dim3A_470, %add3A_468], %gather3A_471 : memref<16x128xf32, #tpu.memory_space<vmem>>[vector<16xi32>, vector<16xi32>], vector<16xf32>,
    %broadcast_in_dim3A_472 = arith.constant 1 : i32
    %broadcast_in_dim3A_473 = vector.broadcast %broadcast_in_dim3A_472 : i32 to vector<16xi32>
    %gather3A_474 = tpu.vector_load_idx %arg12[%broadcast_in_dim3A_473, %add3A_465] : memref<16x2048xf32, #tpu.memory_space<vmem>>[vector<16xi32>, vector<16xi32>], vector<16xf32>,
    tpu.vector_store_idx %arg14[%broadcast_in_dim3A_473, %add3A_468], %gather3A_474 : memref<16x128xf32, #tpu.memory_space<vmem>>[vector<16xi32>, vector<16xi32>], vector<16xf32>,
    %broadcast_in_dim3A_475 = arith.constant 2 : i32
    %broadcast_in_dim3A_476 = vector.broadcast %broadcast_in_dim3A_475 : i32 to vector<16xi32>
    %gather3A_477 = tpu.vector_load_idx %arg12[%broadcast_in_dim3A_476, %add3A_465] : memref<16x2048xf32, #tpu.memory_space<vmem>>[vector<16xi32>, vector<16xi32>], vector<16xf32>,
    tpu.vector_store_idx %arg14[%broadcast_in_dim3A_476, %add3A_468], %gather3A_477 : memref<16x128xf32, #tpu.memory_space<vmem>>[vector<16xi32>, vector<16xi32>], vector<16xf32>,
    %broadcast_in_dim3A_478 = arith.constant 3 : i32
    %broadcast_in_dim3A_479 = vector.broadcast %broadcast_in_dim3A_478 : i32 to vector<16xi32>
    %gather3A_480 = tpu.vector_load_idx %arg12[%broadcast_in_dim3A_479, %add3A_465] : memref<16x2048xf32, #tpu.memory_space<vmem>>[vector<16xi32>, vector<16xi32>], vector<16xf32>,
    tpu.vector_store_idx %arg14[%broadcast_in_dim3A_479, %add3A_468], %gather3A_480 : memref<16x128xf32, #tpu.memory_space<vmem>>[vector<16xi32>, vector<16xi32>], vector<16xf32>,
    %broadcast_in_dim3A_481 = arith.constant 4 : i32
    %broadcast_in_dim3A_482 = vector.broadcast %broadcast_in_dim3A_481 : i32 to vector<16xi32>
    %gather3A_483 = tpu.vector_load_idx %arg12[%broadcast_in_dim3A_482, %add3A_465] : memref<16x2048xf32, #tpu.memory_space<vmem>>[vector<16xi32>, vector<16xi32>], vector<16xf32>,
    tpu.vector_store_idx %arg14[%broadcast_in_dim3A_482, %add3A_468], %gather3A_483 : memref<16x128xf32, #tpu.memory_space<vmem>>[vector<16xi32>, vector<16xi32>], vector<16xf32>,
    %broadcast_in_dim3A_484 = arith.constant 5 : i32
    %broadcast_in_dim3A_485 = vector.broadcast %broadcast_in_dim3A_484 : i32 to vector<16xi32>
    %gather3A_486 = tpu.vector_load_idx %arg12[%broadcast_in_dim3A_485, %add3A_465] : memref<16x2048xf32, #tpu.memory_space<vmem>>[vector<16xi32>, vector<16xi32>], vector<16xf32>,
    tpu.vector_store_idx %arg14[%broadcast_in_dim3A_485, %add3A_468], %gather3A_486 : memref<16x128xf32, #tpu.memory_space<vmem>>[vector<16xi32>, vector<16xi32>], vector<16xf32>,
    %broadcast_in_dim3A_487 = arith.constant 6 : i32
    %broadcast_in_dim3A_488 = vector.broadcast %broadcast_in_dim3A_487 : i32 to vector<16xi32>
    %gather3A_489 = tpu.vector_load_idx %arg12[%broadcast_in_dim3A_488, %add3A_465] : memref<16x2048xf32, #tpu.memory_space<vmem>>[vector<16xi32>, vector<16xi32>], vector<16xf32>,
    tpu.vector_store_idx %arg14[%broadcast_in_dim3A_488, %add3A_468], %gather3A_489 : memref<16x128xf32, #tpu.memory_space<vmem>>[vector<16xi32>, vector<16xi32>], vector<16xf32>,
    %broadcast_in_dim3A_490 = arith.constant 7 : i32
    %broadcast_in_dim3A_491 = vector.broadcast %broadcast_in_dim3A_490 : i32 to vector<16xi32>
    %gather3A_492 = tpu.vector_load_idx %arg12[%broadcast_in_dim3A_491, %add3A_465] : memref<16x2048xf32, #tpu.memory_space<vmem>>[vector<16xi32>, vector<16xi32>], vector<16xf32>,
    tpu.vector_store_idx %arg14[%broadcast_in_dim3A_491, %add3A_468], %gather3A_492 : memref<16x128xf32, #tpu.memory_space<vmem>>[vector<16xi32>, vector<16xi32>], vector<16xf32>,
    %broadcast_in_dim3A_493 = arith.constant 8 : i32
    %broadcast_in_dim3A_494 = vector.broadcast %broadcast_in_dim3A_493 : i32 to vector<16xi32>
    %gather3A_495 = tpu.vector_load_idx %arg12[%broadcast_in_dim3A_494, %add3A_465] : memref<16x2048xf32, #tpu.memory_space<vmem>>[vector<16xi32>, vector<16xi32>], vector<16xf32>,
    tpu.vector_store_idx %arg14[%broadcast_in_dim3A_494, %add3A_468], %gather3A_495 : memref<16x128xf32, #tpu.memory_space<vmem>>[vector<16xi32>, vector<16xi32>], vector<16xf32>,
    %broadcast_in_dim3A_496 = arith.constant 9 : i32
    %broadcast_in_dim3A_497 = vector.broadcast %broadcast_in_dim3A_496 : i32 to vector<16xi32>
    %gather3A_498 = tpu.vector_load_idx %arg12[%broadcast_in_dim3A_497, %add3A_465] : memref<16x2048xf32, #tpu.memory_space<vmem>>[vector<16xi32>, vector<16xi32>], vector<16xf32>,
    tpu.vector_store_idx %arg14[%broadcast_in_dim3A_497, %add3A_468], %gather3A_498 : memref<16x128xf32, #tpu.memory_space<vmem>>[vector<16xi32>, vector<16xi32>], vector<16xf32>,
    %broadcast_in_dim3A_499 = arith.constant 10 : i32
    %broadcast_in_dim3A_500 = vector.broadcast %broadcast_in_dim3A_499 : i32 to vector<16xi32>
    %gather3A_501 = tpu.vector_load_idx %arg12[%broadcast_in_dim3A_500, %add3A_465] : memref<16x2048xf32, #tpu.memory_space<vmem>>[vector<16xi32>, vector<16xi32>], vector<16xf32>,
    tpu.vector_store_idx %arg14[%broadcast_in_dim3A_500, %add3A_468], %gather3A_501 : memref<16x128xf32, #tpu.memory_space<vmem>>[vector<16xi32>, vector<16xi32>], vector<16xf32>,
    %broadcast_in_dim3A_502 = arith.constant 11 : i32
    %broadcast_in_dim3A_503 = vector.broadcast %broadcast_in_dim3A_502 : i32 to vector<16xi32>
    %gather3A_504 = tpu.vector_load_idx %arg12[%broadcast_in_dim3A_503, %add3A_465] : memref<16x2048xf32, #tpu.memory_space<vmem>>[vector<16xi32>, vector<16xi32>], vector<16xf32>,
    tpu.vector_store_idx %arg14[%broadcast_in_dim3A_503, %add3A_468], %gather3A_504 : memref<16x128xf32, #tpu.memory_space<vmem>>[vector<16xi32>, vector<16xi32>], vector<16xf32>,
    %broadcast_in_dim3A_505 = arith.constant 12 : i32
    %broadcast_in_dim3A_506 = vector.broadcast %broadcast_in_dim3A_505 : i32 to vector<16xi32>
    %gather3A_507 = tpu.vector_load_idx %arg12[%broadcast_in_dim3A_506, %add3A_465] : memref<16x2048xf32, #tpu.memory_space<vmem>>[vector<16xi32>, vector<16xi32>], vector<16xf32>,
    tpu.vector_store_idx %arg14[%broadcast_in_dim3A_506, %add3A_468], %gather3A_507 : memref<16x128xf32, #tpu.memory_space<vmem>>[vector<16xi32>, vector<16xi32>], vector<16xf32>,
    %broadcast_in_dim3A_508 = arith.constant 13 : i32
    %broadcast_in_dim3A_509 = vector.broadcast %broadcast_in_dim3A_508 : i32 to vector<16xi32>
    %gather3A_510 = tpu.vector_load_idx %arg12[%broadcast_in_dim3A_509, %add3A_465] : memref<16x2048xf32, #tpu.memory_space<vmem>>[vector<16xi32>, vector<16xi32>], vector<16xf32>,
    tpu.vector_store_idx %arg14[%broadcast_in_dim3A_509, %add3A_468], %gather3A_510 : memref<16x128xf32, #tpu.memory_space<vmem>>[vector<16xi32>, vector<16xi32>], vector<16xf32>,
    %broadcast_in_dim3A_511 = arith.constant 14 : i32
    %broadcast_in_dim3A_512 = vector.broadcast %broadcast_in_dim3A_511 : i32 to vector<16xi32>
    %gather3A_513 = tpu.vector_load_idx %arg12[%broadcast_in_dim3A_512, %add3A_465] : memref<16x2048xf32, #tpu.memory_space<vmem>>[vector<16xi32>, vector<16xi32>], vector<16xf32>,
    tpu.vector_store_idx %arg14[%broadcast_in_dim3A_512, %add3A_468], %gather3A_513 : memref<16x128xf32, #tpu.memory_space<vmem>>[vector<16xi32>, vector<16xi32>], vector<16xf32>,
    %broadcast_in_dim3A_514 = arith.constant 15 : i32
    %broadcast_in_dim3A_515 = vector.broadcast %broadcast_in_dim3A_514 : i32 to vector<16xi32>
    %gather3A_516 = tpu.vector_load_idx %arg12[%broadcast_in_dim3A_515, %add3A_465] : memref<16x2048xf32, #tpu.memory_space<vmem>>[vector<16xi32>, vector<16xi32>], vector<16xf32>,
    tpu.vector_store_idx %arg14[%broadcast_in_dim3A_515, %add3A_468], %gather3A_516 : memref<16x128xf32, #tpu.memory_space<vmem>>[vector<16xi32>, vector<16xi32>], vector<16xf32>,
    %scan3A_517 = arith.constant 0 : i32
    %scan3A_518 = arith.constant 0 : i32
    %scan3A_519 = arith.constant 16 : i32
    %scan3A_520 = arith.addi %scan3A_518, %scan3A_519 : i32
    %scan3A_521 = arith.constant 1 : i32
    %scan3A_522 = scf.for %scan3A_1149 = %scan3A_518 to %scan3A_520 step %scan3A_521 iter_args(%scan3A_1150 = %scan3A_517) -> (i32)  : i32 {
      %add3A_1151 = arith.constant 64 : i32
      %add3A_1152 = arith.addi %add3A_1151, %scan3A_1149 : i32
      %get3A_1153 = arith.index_cast %add3A_1152 : i32 to index
      %get3A_1154 = tpu.vector_load %arg8[%get3A_1153] {strides = array<i32>} : memref<144xi32, #tpu.memory_space<vmem>>, vector<16xi32>,
      %slice3A = vector.extract_strided_slice %get3A_1154 {offsets = [0], sizes = [1], strides = [1]} : vector<16xi32> to vector<1xi32>
      %squeeze3A = vector.extract %slice3A[0] : i32 from vector<1xi32>
      %mul3A_1155 = arith.constant 128 : i32
      %mul3A_1156 = arith.muli %squeeze3A, %mul3A_1155 : i32
      %multiple_of3A_1157 = tpu.assume_multiple %mul3A_1156, 128 : i32
      %mul3A_1158 = arith.constant 128 : i32
      %mul3A_1159 = arith.muli %scan3A_1149, %mul3A_1158 : i32
      %multiple_of3A_1160 = tpu.assume_multiple %mul3A_1159, 128 : i32
      %dma_start3A = arith.constant 0 : i32
      %dma_start3A_1161 = tpu.memref_slice %arg12[%dma_start3A, %multiple_of3A_1160] : memref<16x2048xf32, #tpu.memory_space<vmem>> -> memref<16x128xf32, #tpu.memory_space<vmem>>
      %dma_start3A_1162 = arith.constant 0 : i32
      %dma_start3A_1163 = tpu.memref_slice %arg2[%dma_start3A_1162, %multiple_of3A_1157] : memref<16x1000000xf32, #tpu.memory_space<hbm>> -> memref<16x128xf32, #tpu.memory_space<hbm>>
      %dma_start3A_1164 = arith.constant 0 : i32
      %dma_start3A_1165 = tpu.memref_slice %arg12[%dma_start3A_1164, %multiple_of3A_1160] : memref<16x2048xf32, #tpu.memory_space<vmem>> -> memref<16x128xf32, #tpu.memory_space<vmem>>
      %dma_start3A_1166 = arith.constant 0 : i32
      %dma_start3A_1167 = tpu.memref_slice %arg2[%dma_start3A_1166, %multiple_of3A_1157] : memref<16x1000000xf32, #tpu.memory_space<hbm>> -> memref<16x128xf32, #tpu.memory_space<hbm>>
      tpu.enqueue_dma source(%dma_start3A_1167 : memref<16x128xf32, #tpu.memory_space<hbm>>) target(%dma_start3A_1165 : memref<16x128xf32, #tpu.memory_space<vmem>>) target_semaphore(%arg16 : memref<!tpu.dma_semaphore, #tpu.memory_space<semaphore_mem>>)
      %scan3A_1168 = arith.constant 0 : i32
      scf.yield %scan3A_1168 : i32
    }
    %scan3A_523 = arith.constant 16 : i32
    %scan3A_524 = arith.constant 0 : i32
    %scan3A_525 = arith.constant 0 : i32
    %scan3A_526 = arith.constant 16 : i32
    %scan3A_527 = arith.addi %scan3A_525, %scan3A_526 : i32
    %scan3A_528 = arith.constant 1 : i32
    %scan3A_529 = scf.for %scan3A_1149 = %scan3A_525 to %scan3A_527 step %scan3A_528 iter_args(%scan3A_1150 = %scan3A_524) -> (i32)  : i32 {
      %add3A_1151 = arith.constant 48 : i32
      %add3A_1152 = arith.addi %add3A_1151, %scan3A_1149 : i32
      %get3A_1153 = arith.index_cast %add3A_1152 : i32 to index
      %get3A_1154 = tpu.vector_load %arg10[%get3A_1153] {strides = array<i32>} : memref<144xi32, #tpu.memory_space<vmem>>, vector<16xi32>,
      %slice3A = vector.extract_strided_slice %get3A_1154 {offsets = [0], sizes = [1], strides = [1]} : vector<16xi32> to vector<1xi32>
      %squeeze3A = vector.extract %slice3A[0] : i32 from vector<1xi32>
      %mul3A_1155 = arith.constant 128 : i32
      %mul3A_1156 = arith.muli %squeeze3A, %mul3A_1155 : i32
      %multiple_of3A_1157 = tpu.assume_multiple %mul3A_1156, 128 : i32
      %mul3A_1158 = arith.constant 128 : i32
      %mul3A_1159 = arith.muli %scan3A_1149, %mul3A_1158 : i32
      %multiple_of3A_1160 = tpu.assume_multiple %mul3A_1159, 128 : i32
      %dma_wait3A = arith.constant 0 : i32
      %dma_wait3A_1161 = tpu.memref_slice %arg13[%dma_wait3A, %multiple_of3A_1160] : memref<16x2048xf32, #tpu.memory_space<vmem>> -> memref<16x128xf32, #tpu.memory_space<vmem>>
      %dma_wait3A_1162 = arith.constant 0 : i32
      %dma_wait3A_1163 = tpu.memref_slice %arg3[%dma_wait3A_1162, %multiple_of3A_1157] : memref<16x1000000xf32, #tpu.memory_space<hbm>> -> memref<16x128xf32, #tpu.memory_space<hbm>>
      %dma_wait3A_1164 = arith.constant 0 : i32
      %dma_wait3A_1165 = tpu.memref_slice %arg13[%dma_wait3A_1164, %multiple_of3A_1160] : memref<16x2048xf32, #tpu.memory_space<vmem>> -> memref<16x128xf32, #tpu.memory_space<vmem>>
      %dma_wait3A_1166 = arith.constant 0 : i32
      %dma_wait3A_1167 = tpu.memref_slice %arg3[%dma_wait3A_1166, %multiple_of3A_1157] : memref<16x1000000xf32, #tpu.memory_space<hbm>> -> memref<16x128xf32, #tpu.memory_space<hbm>>
      tpu.wait_dma2 semaphore(%arg17 : memref<!tpu.dma_semaphore, #tpu.memory_space<semaphore_mem>>) src(%dma_wait3A_1167 : memref<16x128xf32, #tpu.memory_space<hbm>>) dst(%dma_wait3A_1165 : memref<16x128xf32, #tpu.memory_space<vmem>>)
      %scan3A_1168 = arith.constant 0 : i32
      scf.yield %scan3A_1168 : i32
    }
    %scan3A_530 = arith.constant 16 : i32
    %get3A_531 = arith.constant 48 : index
    %get3A_532 = tpu.vector_load %arg11[%get3A_531] {strides = array<i32>} : memref<128xi32, #tpu.memory_space<vmem>>, vector<16xi32>,
    %mul3A_533 = arith.constant 128 : i32
    %mul3A_534 = vector.broadcast %mul3A_533 : i32 to vector<16xi32>
    %mul3A_535 = arith.muli %iota3A, %mul3A_534 : vector<16xi32>
    %add3A_536 = arith.addi %mul3A_535, %get3A_532 : vector<16xi32>
    %add3A_537 = arith.constant 48 : i32
    %add3A_538 = vector.broadcast %add3A_537 : i32 to vector<16xi32>
    %add3A_539 = arith.addi %iota3A, %add3A_538 : vector<16xi32>
    %broadcast_in_dim3A_540 = arith.constant 0 : i32
    %broadcast_in_dim3A_541 = vector.broadcast %broadcast_in_dim3A_540 : i32 to vector<16xi32>
    %gather3A_542 = tpu.vector_load_idx %arg13[%broadcast_in_dim3A_541, %add3A_536] : memref<16x2048xf32, #tpu.memory_space<vmem>>[vector<16xi32>, vector<16xi32>], vector<16xf32>,
    tpu.vector_store_idx %arg15[%broadcast_in_dim3A_541, %add3A_539], %gather3A_542 : memref<16x128xf32, #tpu.memory_space<vmem>>[vector<16xi32>, vector<16xi32>], vector<16xf32>,
    %broadcast_in_dim3A_543 = arith.constant 1 : i32
    %broadcast_in_dim3A_544 = vector.broadcast %broadcast_in_dim3A_543 : i32 to vector<16xi32>
    %gather3A_545 = tpu.vector_load_idx %arg13[%broadcast_in_dim3A_544, %add3A_536] : memref<16x2048xf32, #tpu.memory_space<vmem>>[vector<16xi32>, vector<16xi32>], vector<16xf32>,
    tpu.vector_store_idx %arg15[%broadcast_in_dim3A_544, %add3A_539], %gather3A_545 : memref<16x128xf32, #tpu.memory_space<vmem>>[vector<16xi32>, vector<16xi32>], vector<16xf32>,
    %broadcast_in_dim3A_546 = arith.constant 2 : i32
    %broadcast_in_dim3A_547 = vector.broadcast %broadcast_in_dim3A_546 : i32 to vector<16xi32>
    %gather3A_548 = tpu.vector_load_idx %arg13[%broadcast_in_dim3A_547, %add3A_536] : memref<16x2048xf32, #tpu.memory_space<vmem>>[vector<16xi32>, vector<16xi32>], vector<16xf32>,
    tpu.vector_store_idx %arg15[%broadcast_in_dim3A_547, %add3A_539], %gather3A_548 : memref<16x128xf32, #tpu.memory_space<vmem>>[vector<16xi32>, vector<16xi32>], vector<16xf32>,
    %broadcast_in_dim3A_549 = arith.constant 3 : i32
    %broadcast_in_dim3A_550 = vector.broadcast %broadcast_in_dim3A_549 : i32 to vector<16xi32>
    %gather3A_551 = tpu.vector_load_idx %arg13[%broadcast_in_dim3A_550, %add3A_536] : memref<16x2048xf32, #tpu.memory_space<vmem>>[vector<16xi32>, vector<16xi32>], vector<16xf32>,
    tpu.vector_store_idx %arg15[%broadcast_in_dim3A_550, %add3A_539], %gather3A_551 : memref<16x128xf32, #tpu.memory_space<vmem>>[vector<16xi32>, vector<16xi32>], vector<16xf32>,
    %broadcast_in_dim3A_552 = arith.constant 4 : i32
    %broadcast_in_dim3A_553 = vector.broadcast %broadcast_in_dim3A_552 : i32 to vector<16xi32>
    %gather3A_554 = tpu.vector_load_idx %arg13[%broadcast_in_dim3A_553, %add3A_536] : memref<16x2048xf32, #tpu.memory_space<vmem>>[vector<16xi32>, vector<16xi32>], vector<16xf32>,
    tpu.vector_store_idx %arg15[%broadcast_in_dim3A_553, %add3A_539], %gather3A_554 : memref<16x128xf32, #tpu.memory_space<vmem>>[vector<16xi32>, vector<16xi32>], vector<16xf32>,
    %broadcast_in_dim3A_555 = arith.constant 5 : i32
    %broadcast_in_dim3A_556 = vector.broadcast %broadcast_in_dim3A_555 : i32 to vector<16xi32>
    %gather3A_557 = tpu.vector_load_idx %arg13[%broadcast_in_dim3A_556, %add3A_536] : memref<16x2048xf32, #tpu.memory_space<vmem>>[vector<16xi32>, vector<16xi32>], vector<16xf32>,
    tpu.vector_store_idx %arg15[%broadcast_in_dim3A_556, %add3A_539], %gather3A_557 : memref<16x128xf32, #tpu.memory_space<vmem>>[vector<16xi32>, vector<16xi32>], vector<16xf32>,
    %broadcast_in_dim3A_558 = arith.constant 6 : i32
    %broadcast_in_dim3A_559 = vector.broadcast %broadcast_in_dim3A_558 : i32 to vector<16xi32>
    %gather3A_560 = tpu.vector_load_idx %arg13[%broadcast_in_dim3A_559, %add3A_536] : memref<16x2048xf32, #tpu.memory_space<vmem>>[vector<16xi32>, vector<16xi32>], vector<16xf32>,
    tpu.vector_store_idx %arg15[%broadcast_in_dim3A_559, %add3A_539], %gather3A_560 : memref<16x128xf32, #tpu.memory_space<vmem>>[vector<16xi32>, vector<16xi32>], vector<16xf32>,
    %broadcast_in_dim3A_561 = arith.constant 7 : i32
    %broadcast_in_dim3A_562 = vector.broadcast %broadcast_in_dim3A_561 : i32 to vector<16xi32>
    %gather3A_563 = tpu.vector_load_idx %arg13[%broadcast_in_dim3A_562, %add3A_536] : memref<16x2048xf32, #tpu.memory_space<vmem>>[vector<16xi32>, vector<16xi32>], vector<16xf32>,
    tpu.vector_store_idx %arg15[%broadcast_in_dim3A_562, %add3A_539], %gather3A_563 : memref<16x128xf32, #tpu.memory_space<vmem>>[vector<16xi32>, vector<16xi32>], vector<16xf32>,
    %broadcast_in_dim3A_564 = arith.constant 8 : i32
    %broadcast_in_dim3A_565 = vector.broadcast %broadcast_in_dim3A_564 : i32 to vector<16xi32>
    %gather3A_566 = tpu.vector_load_idx %arg13[%broadcast_in_dim3A_565, %add3A_536] : memref<16x2048xf32, #tpu.memory_space<vmem>>[vector<16xi32>, vector<16xi32>], vector<16xf32>,
    tpu.vector_store_idx %arg15[%broadcast_in_dim3A_565, %add3A_539], %gather3A_566 : memref<16x128xf32, #tpu.memory_space<vmem>>[vector<16xi32>, vector<16xi32>], vector<16xf32>,
    %broadcast_in_dim3A_567 = arith.constant 9 : i32
    %broadcast_in_dim3A_568 = vector.broadcast %broadcast_in_dim3A_567 : i32 to vector<16xi32>
    %gather3A_569 = tpu.vector_load_idx %arg13[%broadcast_in_dim3A_568, %add3A_536] : memref<16x2048xf32, #tpu.memory_space<vmem>>[vector<16xi32>, vector<16xi32>], vector<16xf32>,
    tpu.vector_store_idx %arg15[%broadcast_in_dim3A_568, %add3A_539], %gather3A_569 : memref<16x128xf32, #tpu.memory_space<vmem>>[vector<16xi32>, vector<16xi32>], vector<16xf32>,
    %broadcast_in_dim3A_570 = arith.constant 10 : i32
    %broadcast_in_dim3A_571 = vector.broadcast %broadcast_in_dim3A_570 : i32 to vector<16xi32>
    %gather3A_572 = tpu.vector_load_idx %arg13[%broadcast_in_dim3A_571, %add3A_536] : memref<16x2048xf32, #tpu.memory_space<vmem>>[vector<16xi32>, vector<16xi32>], vector<16xf32>,
    tpu.vector_store_idx %arg15[%broadcast_in_dim3A_571, %add3A_539], %gather3A_572 : memref<16x128xf32, #tpu.memory_space<vmem>>[vector<16xi32>, vector<16xi32>], vector<16xf32>,
    %broadcast_in_dim3A_573 = arith.constant 11 : i32
    %broadcast_in_dim3A_574 = vector.broadcast %broadcast_in_dim3A_573 : i32 to vector<16xi32>
    %gather3A_575 = tpu.vector_load_idx %arg13[%broadcast_in_dim3A_574, %add3A_536] : memref<16x2048xf32, #tpu.memory_space<vmem>>[vector<16xi32>, vector<16xi32>], vector<16xf32>,
    tpu.vector_store_idx %arg15[%broadcast_in_dim3A_574, %add3A_539], %gather3A_575 : memref<16x128xf32, #tpu.memory_space<vmem>>[vector<16xi32>, vector<16xi32>], vector<16xf32>,
    %broadcast_in_dim3A_576 = arith.constant 12 : i32
    %broadcast_in_dim3A_577 = vector.broadcast %broadcast_in_dim3A_576 : i32 to vector<16xi32>
    %gather3A_578 = tpu.vector_load_idx %arg13[%broadcast_in_dim3A_577, %add3A_536] : memref<16x2048xf32, #tpu.memory_space<vmem>>[vector<16xi32>, vector<16xi32>], vector<16xf32>,
    tpu.vector_store_idx %arg15[%broadcast_in_dim3A_577, %add3A_539], %gather3A_578 : memref<16x128xf32, #tpu.memory_space<vmem>>[vector<16xi32>, vector<16xi32>], vector<16xf32>,
    %broadcast_in_dim3A_579 = arith.constant 13 : i32
    %broadcast_in_dim3A_580 = vector.broadcast %broadcast_in_dim3A_579 : i32 to vector<16xi32>
    %gather3A_581 = tpu.vector_load_idx %arg13[%broadcast_in_dim3A_580, %add3A_536] : memref<16x2048xf32, #tpu.memory_space<vmem>>[vector<16xi32>, vector<16xi32>], vector<16xf32>,
    tpu.vector_store_idx %arg15[%broadcast_in_dim3A_580, %add3A_539], %gather3A_581 : memref<16x128xf32, #tpu.memory_space<vmem>>[vector<16xi32>, vector<16xi32>], vector<16xf32>,
    %broadcast_in_dim3A_582 = arith.constant 14 : i32
    %broadcast_in_dim3A_583 = vector.broadcast %broadcast_in_dim3A_582 : i32 to vector<16xi32>
    %gather3A_584 = tpu.vector_load_idx %arg13[%broadcast_in_dim3A_583, %add3A_536] : memref<16x2048xf32, #tpu.memory_space<vmem>>[vector<16xi32>, vector<16xi32>], vector<16xf32>,
    tpu.vector_store_idx %arg15[%broadcast_in_dim3A_583, %add3A_539], %gather3A_584 : memref<16x128xf32, #tpu.memory_space<vmem>>[vector<16xi32>, vector<16xi32>], vector<16xf32>,
    %broadcast_in_dim3A_585 = arith.constant 15 : i32
    %broadcast_in_dim3A_586 = vector.broadcast %broadcast_in_dim3A_585 : i32 to vector<16xi32>
    %gather3A_587 = tpu.vector_load_idx %arg13[%broadcast_in_dim3A_586, %add3A_536] : memref<16x2048xf32, #tpu.memory_space<vmem>>[vector<16xi32>, vector<16xi32>], vector<16xf32>,
    tpu.vector_store_idx %arg15[%broadcast_in_dim3A_586, %add3A_539], %gather3A_587 : memref<16x128xf32, #tpu.memory_space<vmem>>[vector<16xi32>, vector<16xi32>], vector<16xf32>,
    %scan3A_588 = arith.constant 0 : i32
    %scan3A_589 = arith.constant 0 : i32
    %scan3A_590 = arith.constant 16 : i32
    %scan3A_591 = arith.addi %scan3A_589, %scan3A_590 : i32
    %scan3A_592 = arith.constant 1 : i32
    %scan3A_593 = scf.for %scan3A_1149 = %scan3A_589 to %scan3A_591 step %scan3A_592 iter_args(%scan3A_1150 = %scan3A_588) -> (i32)  : i32 {
      %add3A_1151 = arith.constant 64 : i32
      %add3A_1152 = arith.addi %add3A_1151, %scan3A_1149 : i32
      %get3A_1153 = arith.index_cast %add3A_1152 : i32 to index
      %get3A_1154 = tpu.vector_load %arg10[%get3A_1153] {strides = array<i32>} : memref<144xi32, #tpu.memory_space<vmem>>, vector<16xi32>,
      %slice3A = vector.extract_strided_slice %get3A_1154 {offsets = [0], sizes = [1], strides = [1]} : vector<16xi32> to vector<1xi32>
      %squeeze3A = vector.extract %slice3A[0] : i32 from vector<1xi32>
      %mul3A_1155 = arith.constant 128 : i32
      %mul3A_1156 = arith.muli %squeeze3A, %mul3A_1155 : i32
      %multiple_of3A_1157 = tpu.assume_multiple %mul3A_1156, 128 : i32
      %mul3A_1158 = arith.constant 128 : i32
      %mul3A_1159 = arith.muli %scan3A_1149, %mul3A_1158 : i32
      %multiple_of3A_1160 = tpu.assume_multiple %mul3A_1159, 128 : i32
      %dma_start3A = arith.constant 0 : i32
      %dma_start3A_1161 = tpu.memref_slice %arg13[%dma_start3A, %multiple_of3A_1160] : memref<16x2048xf32, #tpu.memory_space<vmem>> -> memref<16x128xf32, #tpu.memory_space<vmem>>
      %dma_start3A_1162 = arith.constant 0 : i32
      %dma_start3A_1163 = tpu.memref_slice %arg3[%dma_start3A_1162, %multiple_of3A_1157] : memref<16x1000000xf32, #tpu.memory_space<hbm>> -> memref<16x128xf32, #tpu.memory_space<hbm>>
      %dma_start3A_1164 = arith.constant 0 : i32
      %dma_start3A_1165 = tpu.memref_slice %arg13[%dma_start3A_1164, %multiple_of3A_1160] : memref<16x2048xf32, #tpu.memory_space<vmem>> -> memref<16x128xf32, #tpu.memory_space<vmem>>
      %dma_start3A_1166 = arith.constant 0 : i32
      %dma_start3A_1167 = tpu.memref_slice %arg3[%dma_start3A_1166, %multiple_of3A_1157] : memref<16x1000000xf32, #tpu.memory_space<hbm>> -> memref<16x128xf32, #tpu.memory_space<hbm>>
      tpu.enqueue_dma source(%dma_start3A_1167 : memref<16x128xf32, #tpu.memory_space<hbm>>) target(%dma_start3A_1165 : memref<16x128xf32, #tpu.memory_space<vmem>>) target_semaphore(%arg17 : memref<!tpu.dma_semaphore, #tpu.memory_space<semaphore_mem>>)
      %scan3A_1168 = arith.constant 0 : i32
      scf.yield %scan3A_1168 : i32
    }
    %scan3A_594 = arith.constant 16 : i32
    %scan3A_595 = arith.constant 0 : i32
    %scan3A_596 = arith.constant 0 : i32
    %scan3A_597 = arith.constant 16 : i32
    %scan3A_598 = arith.addi %scan3A_596, %scan3A_597 : i32
    %scan3A_599 = arith.constant 1 : i32
    %scan3A_600 = scf.for %scan3A_1149 = %scan3A_596 to %scan3A_598 step %scan3A_599 iter_args(%scan3A_1150 = %scan3A_595) -> (i32)  : i32 {
      %add3A_1151 = arith.constant 64 : i32
      %add3A_1152 = arith.addi %add3A_1151, %scan3A_1149 : i32
      %get3A_1153 = arith.index_cast %add3A_1152 : i32 to index
      %get3A_1154 = tpu.vector_load %arg8[%get3A_1153] {strides = array<i32>} : memref<144xi32, #tpu.memory_space<vmem>>, vector<16xi32>,
      %slice3A = vector.extract_strided_slice %get3A_1154 {offsets = [0], sizes = [1], strides = [1]} : vector<16xi32> to vector<1xi32>
      %squeeze3A = vector.extract %slice3A[0] : i32 from vector<1xi32>
      %mul3A_1155 = arith.constant 128 : i32
      %mul3A_1156 = arith.muli %squeeze3A, %mul3A_1155 : i32
      %multiple_of3A_1157 = tpu.assume_multiple %mul3A_1156, 128 : i32
      %mul3A_1158 = arith.constant 128 : i32
      %mul3A_1159 = arith.muli %scan3A_1149, %mul3A_1158 : i32
      %multiple_of3A_1160 = tpu.assume_multiple %mul3A_1159, 128 : i32
      %dma_wait3A = arith.constant 0 : i32
      %dma_wait3A_1161 = tpu.memref_slice %arg12[%dma_wait3A, %multiple_of3A_1160] : memref<16x2048xf32, #tpu.memory_space<vmem>> -> memref<16x128xf32, #tpu.memory_space<vmem>>
      %dma_wait3A_1162 = arith.constant 0 : i32
      %dma_wait3A_1163 = tpu.memref_slice %arg2[%dma_wait3A_1162, %multiple_of3A_1157] : memref<16x1000000xf32, #tpu.memory_space<hbm>> -> memref<16x128xf32, #tpu.memory_space<hbm>>
      %dma_wait3A_1164 = arith.constant 0 : i32
      %dma_wait3A_1165 = tpu.memref_slice %arg12[%dma_wait3A_1164, %multiple_of3A_1160] : memref<16x2048xf32, #tpu.memory_space<vmem>> -> memref<16x128xf32, #tpu.memory_space<vmem>>
      %dma_wait3A_1166 = arith.constant 0 : i32
      %dma_wait3A_1167 = tpu.memref_slice %arg2[%dma_wait3A_1166, %multiple_of3A_1157] : memref<16x1000000xf32, #tpu.memory_space<hbm>> -> memref<16x128xf32, #tpu.memory_space<hbm>>
      tpu.wait_dma2 semaphore(%arg16 : memref<!tpu.dma_semaphore, #tpu.memory_space<semaphore_mem>>) src(%dma_wait3A_1167 : memref<16x128xf32, #tpu.memory_space<hbm>>) dst(%dma_wait3A_1165 : memref<16x128xf32, #tpu.memory_space<vmem>>)
      %scan3A_1168 = arith.constant 0 : i32
      scf.yield %scan3A_1168 : i32
    }
    %scan3A_601 = arith.constant 16 : i32
    %get3A_602 = arith.constant 64 : index
    %get3A_603 = tpu.vector_load %arg9[%get3A_602] {strides = array<i32>} : memref<128xi32, #tpu.memory_space<vmem>>, vector<16xi32>,
    %mul3A_604 = arith.constant 128 : i32
    %mul3A_605 = vector.broadcast %mul3A_604 : i32 to vector<16xi32>
    %mul3A_606 = arith.muli %iota3A, %mul3A_605 : vector<16xi32>
    %add3A_607 = arith.addi %mul3A_606, %get3A_603 : vector<16xi32>
    %add3A_608 = arith.constant 64 : i32
    %add3A_609 = vector.broadcast %add3A_608 : i32 to vector<16xi32>
    %add3A_610 = arith.addi %iota3A, %add3A_609 : vector<16xi32>
    %broadcast_in_dim3A_611 = arith.constant 0 : i32
    %broadcast_in_dim3A_612 = vector.broadcast %broadcast_in_dim3A_611 : i32 to vector<16xi32>
    %gather3A_613 = tpu.vector_load_idx %arg12[%broadcast_in_dim3A_612, %add3A_607] : memref<16x2048xf32, #tpu.memory_space<vmem>>[vector<16xi32>, vector<16xi32>], vector<16xf32>,
    tpu.vector_store_idx %arg14[%broadcast_in_dim3A_612, %add3A_610], %gather3A_613 : memref<16x128xf32, #tpu.memory_space<vmem>>[vector<16xi32>, vector<16xi32>], vector<16xf32>,
    %broadcast_in_dim3A_614 = arith.constant 1 : i32
    %broadcast_in_dim3A_615 = vector.broadcast %broadcast_in_dim3A_614 : i32 to vector<16xi32>
    %gather3A_616 = tpu.vector_load_idx %arg12[%broadcast_in_dim3A_615, %add3A_607] : memref<16x2048xf32, #tpu.memory_space<vmem>>[vector<16xi32>, vector<16xi32>], vector<16xf32>,
    tpu.vector_store_idx %arg14[%broadcast_in_dim3A_615, %add3A_610], %gather3A_616 : memref<16x128xf32, #tpu.memory_space<vmem>>[vector<16xi32>, vector<16xi32>], vector<16xf32>,
    %broadcast_in_dim3A_617 = arith.constant 2 : i32
    %broadcast_in_dim3A_618 = vector.broadcast %broadcast_in_dim3A_617 : i32 to vector<16xi32>
    %gather3A_619 = tpu.vector_load_idx %arg12[%broadcast_in_dim3A_618, %add3A_607] : memref<16x2048xf32, #tpu.memory_space<vmem>>[vector<16xi32>, vector<16xi32>], vector<16xf32>,
    tpu.vector_store_idx %arg14[%broadcast_in_dim3A_618, %add3A_610], %gather3A_619 : memref<16x128xf32, #tpu.memory_space<vmem>>[vector<16xi32>, vector<16xi32>], vector<16xf32>,
    %broadcast_in_dim3A_620 = arith.constant 3 : i32
    %broadcast_in_dim3A_621 = vector.broadcast %broadcast_in_dim3A_620 : i32 to vector<16xi32>
    %gather3A_622 = tpu.vector_load_idx %arg12[%broadcast_in_dim3A_621, %add3A_607] : memref<16x2048xf32, #tpu.memory_space<vmem>>[vector<16xi32>, vector<16xi32>], vector<16xf32>,
    tpu.vector_store_idx %arg14[%broadcast_in_dim3A_621, %add3A_610], %gather3A_622 : memref<16x128xf32, #tpu.memory_space<vmem>>[vector<16xi32>, vector<16xi32>], vector<16xf32>,
    %broadcast_in_dim3A_623 = arith.constant 4 : i32
    %broadcast_in_dim3A_624 = vector.broadcast %broadcast_in_dim3A_623 : i32 to vector<16xi32>
    %gather3A_625 = tpu.vector_load_idx %arg12[%broadcast_in_dim3A_624, %add3A_607] : memref<16x2048xf32, #tpu.memory_space<vmem>>[vector<16xi32>, vector<16xi32>], vector<16xf32>,
    tpu.vector_store_idx %arg14[%broadcast_in_dim3A_624, %add3A_610], %gather3A_625 : memref<16x128xf32, #tpu.memory_space<vmem>>[vector<16xi32>, vector<16xi32>], vector<16xf32>,
    %broadcast_in_dim3A_626 = arith.constant 5 : i32
    %broadcast_in_dim3A_627 = vector.broadcast %broadcast_in_dim3A_626 : i32 to vector<16xi32>
    %gather3A_628 = tpu.vector_load_idx %arg12[%broadcast_in_dim3A_627, %add3A_607] : memref<16x2048xf32, #tpu.memory_space<vmem>>[vector<16xi32>, vector<16xi32>], vector<16xf32>,
    tpu.vector_store_idx %arg14[%broadcast_in_dim3A_627, %add3A_610], %gather3A_628 : memref<16x128xf32, #tpu.memory_space<vmem>>[vector<16xi32>, vector<16xi32>], vector<16xf32>,
    %broadcast_in_dim3A_629 = arith.constant 6 : i32
    %broadcast_in_dim3A_630 = vector.broadcast %broadcast_in_dim3A_629 : i32 to vector<16xi32>
    %gather3A_631 = tpu.vector_load_idx %arg12[%broadcast_in_dim3A_630, %add3A_607] : memref<16x2048xf32, #tpu.memory_space<vmem>>[vector<16xi32>, vector<16xi32>], vector<16xf32>,
    tpu.vector_store_idx %arg14[%broadcast_in_dim3A_630, %add3A_610], %gather3A_631 : memref<16x128xf32, #tpu.memory_space<vmem>>[vector<16xi32>, vector<16xi32>], vector<16xf32>,
    %broadcast_in_dim3A_632 = arith.constant 7 : i32
    %broadcast_in_dim3A_633 = vector.broadcast %broadcast_in_dim3A_632 : i32 to vector<16xi32>
    %gather3A_634 = tpu.vector_load_idx %arg12[%broadcast_in_dim3A_633, %add3A_607] : memref<16x2048xf32, #tpu.memory_space<vmem>>[vector<16xi32>, vector<16xi32>], vector<16xf32>,
    tpu.vector_store_idx %arg14[%broadcast_in_dim3A_633, %add3A_610], %gather3A_634 : memref<16x128xf32, #tpu.memory_space<vmem>>[vector<16xi32>, vector<16xi32>], vector<16xf32>,
    %broadcast_in_dim3A_635 = arith.constant 8 : i32
    %broadcast_in_dim3A_636 = vector.broadcast %broadcast_in_dim3A_635 : i32 to vector<16xi32>
    %gather3A_637 = tpu.vector_load_idx %arg12[%broadcast_in_dim3A_636, %add3A_607] : memref<16x2048xf32, #tpu.memory_space<vmem>>[vector<16xi32>, vector<16xi32>], vector<16xf32>,
    tpu.vector_store_idx %arg14[%broadcast_in_dim3A_636, %add3A_610], %gather3A_637 : memref<16x128xf32, #tpu.memory_space<vmem>>[vector<16xi32>, vector<16xi32>], vector<16xf32>,
    %broadcast_in_dim3A_638 = arith.constant 9 : i32
    %broadcast_in_dim3A_639 = vector.broadcast %broadcast_in_dim3A_638 : i32 to vector<16xi32>
    %gather3A_640 = tpu.vector_load_idx %arg12[%broadcast_in_dim3A_639, %add3A_607] : memref<16x2048xf32, #tpu.memory_space<vmem>>[vector<16xi32>, vector<16xi32>], vector<16xf32>,
    tpu.vector_store_idx %arg14[%broadcast_in_dim3A_639, %add3A_610], %gather3A_640 : memref<16x128xf32, #tpu.memory_space<vmem>>[vector<16xi32>, vector<16xi32>], vector<16xf32>,
    %broadcast_in_dim3A_641 = arith.constant 10 : i32
    %broadcast_in_dim3A_642 = vector.broadcast %broadcast_in_dim3A_641 : i32 to vector<16xi32>
    %gather3A_643 = tpu.vector_load_idx %arg12[%broadcast_in_dim3A_642, %add3A_607] : memref<16x2048xf32, #tpu.memory_space<vmem>>[vector<16xi32>, vector<16xi32>], vector<16xf32>,
    tpu.vector_store_idx %arg14[%broadcast_in_dim3A_642, %add3A_610], %gather3A_643 : memref<16x128xf32, #tpu.memory_space<vmem>>[vector<16xi32>, vector<16xi32>], vector<16xf32>,
    %broadcast_in_dim3A_644 = arith.constant 11 : i32
    %broadcast_in_dim3A_645 = vector.broadcast %broadcast_in_dim3A_644 : i32 to vector<16xi32>
    %gather3A_646 = tpu.vector_load_idx %arg12[%broadcast_in_dim3A_645, %add3A_607] : memref<16x2048xf32, #tpu.memory_space<vmem>>[vector<16xi32>, vector<16xi32>], vector<16xf32>,
    tpu.vector_store_idx %arg14[%broadcast_in_dim3A_645, %add3A_610], %gather3A_646 : memref<16x128xf32, #tpu.memory_space<vmem>>[vector<16xi32>, vector<16xi32>], vector<16xf32>,
    %broadcast_in_dim3A_647 = arith.constant 12 : i32
    %broadcast_in_dim3A_648 = vector.broadcast %broadcast_in_dim3A_647 : i32 to vector<16xi32>
    %gather3A_649 = tpu.vector_load_idx %arg12[%broadcast_in_dim3A_648, %add3A_607] : memref<16x2048xf32, #tpu.memory_space<vmem>>[vector<16xi32>, vector<16xi32>], vector<16xf32>,
    tpu.vector_store_idx %arg14[%broadcast_in_dim3A_648, %add3A_610], %gather3A_649 : memref<16x128xf32, #tpu.memory_space<vmem>>[vector<16xi32>, vector<16xi32>], vector<16xf32>,
    %broadcast_in_dim3A_650 = arith.constant 13 : i32
    %broadcast_in_dim3A_651 = vector.broadcast %broadcast_in_dim3A_650 : i32 to vector<16xi32>
    %gather3A_652 = tpu.vector_load_idx %arg12[%broadcast_in_dim3A_651, %add3A_607] : memref<16x2048xf32, #tpu.memory_space<vmem>>[vector<16xi32>, vector<16xi32>], vector<16xf32>,
    tpu.vector_store_idx %arg14[%broadcast_in_dim3A_651, %add3A_610], %gather3A_652 : memref<16x128xf32, #tpu.memory_space<vmem>>[vector<16xi32>, vector<16xi32>], vector<16xf32>,
    %broadcast_in_dim3A_653 = arith.constant 14 : i32
    %broadcast_in_dim3A_654 = vector.broadcast %broadcast_in_dim3A_653 : i32 to vector<16xi32>
    %gather3A_655 = tpu.vector_load_idx %arg12[%broadcast_in_dim3A_654, %add3A_607] : memref<16x2048xf32, #tpu.memory_space<vmem>>[vector<16xi32>, vector<16xi32>], vector<16xf32>,
    tpu.vector_store_idx %arg14[%broadcast_in_dim3A_654, %add3A_610], %gather3A_655 : memref<16x128xf32, #tpu.memory_space<vmem>>[vector<16xi32>, vector<16xi32>], vector<16xf32>,
    %broadcast_in_dim3A_656 = arith.constant 15 : i32
    %broadcast_in_dim3A_657 = vector.broadcast %broadcast_in_dim3A_656 : i32 to vector<16xi32>
    %gather3A_658 = tpu.vector_load_idx %arg12[%broadcast_in_dim3A_657, %add3A_607] : memref<16x2048xf32, #tpu.memory_space<vmem>>[vector<16xi32>, vector<16xi32>], vector<16xf32>,
    tpu.vector_store_idx %arg14[%broadcast_in_dim3A_657, %add3A_610], %gather3A_658 : memref<16x128xf32, #tpu.memory_space<vmem>>[vector<16xi32>, vector<16xi32>], vector<16xf32>,
    %scan3A_659 = arith.constant 0 : i32
    %scan3A_660 = arith.constant 0 : i32
    %scan3A_661 = arith.constant 16 : i32
    %scan3A_662 = arith.addi %scan3A_660, %scan3A_661 : i32
    %scan3A_663 = arith.constant 1 : i32
    %scan3A_664 = scf.for %scan3A_1149 = %scan3A_660 to %scan3A_662 step %scan3A_663 iter_args(%scan3A_1150 = %scan3A_659) -> (i32)  : i32 {
      %add3A_1151 = arith.constant 80 : i32
      %add3A_1152 = arith.addi %add3A_1151, %scan3A_1149 : i32
      %get3A_1153 = arith.index_cast %add3A_1152 : i32 to index
      %get3A_1154 = tpu.vector_load %arg8[%get3A_1153] {strides = array<i32>} : memref<144xi32, #tpu.memory_space<vmem>>, vector<16xi32>,
      %slice3A = vector.extract_strided_slice %get3A_1154 {offsets = [0], sizes = [1], strides = [1]} : vector<16xi32> to vector<1xi32>
      %squeeze3A = vector.extract %slice3A[0] : i32 from vector<1xi32>
      %mul3A_1155 = arith.constant 128 : i32
      %mul3A_1156 = arith.muli %squeeze3A, %mul3A_1155 : i32
      %multiple_of3A_1157 = tpu.assume_multiple %mul3A_1156, 128 : i32
      %mul3A_1158 = arith.constant 128 : i32
      %mul3A_1159 = arith.muli %scan3A_1149, %mul3A_1158 : i32
      %multiple_of3A_1160 = tpu.assume_multiple %mul3A_1159, 128 : i32
      %dma_start3A = arith.constant 0 : i32
      %dma_start3A_1161 = tpu.memref_slice %arg12[%dma_start3A, %multiple_of3A_1160] : memref<16x2048xf32, #tpu.memory_space<vmem>> -> memref<16x128xf32, #tpu.memory_space<vmem>>
      %dma_start3A_1162 = arith.constant 0 : i32
      %dma_start3A_1163 = tpu.memref_slice %arg2[%dma_start3A_1162, %multiple_of3A_1157] : memref<16x1000000xf32, #tpu.memory_space<hbm>> -> memref<16x128xf32, #tpu.memory_space<hbm>>
      %dma_start3A_1164 = arith.constant 0 : i32
      %dma_start3A_1165 = tpu.memref_slice %arg12[%dma_start3A_1164, %multiple_of3A_1160] : memref<16x2048xf32, #tpu.memory_space<vmem>> -> memref<16x128xf32, #tpu.memory_space<vmem>>
      %dma_start3A_1166 = arith.constant 0 : i32
      %dma_start3A_1167 = tpu.memref_slice %arg2[%dma_start3A_1166, %multiple_of3A_1157] : memref<16x1000000xf32, #tpu.memory_space<hbm>> -> memref<16x128xf32, #tpu.memory_space<hbm>>
      tpu.enqueue_dma source(%dma_start3A_1167 : memref<16x128xf32, #tpu.memory_space<hbm>>) target(%dma_start3A_1165 : memref<16x128xf32, #tpu.memory_space<vmem>>) target_semaphore(%arg16 : memref<!tpu.dma_semaphore, #tpu.memory_space<semaphore_mem>>)
      %scan3A_1168 = arith.constant 0 : i32
      scf.yield %scan3A_1168 : i32
    }
    %scan3A_665 = arith.constant 16 : i32
    %scan3A_666 = arith.constant 0 : i32
    %scan3A_667 = arith.constant 0 : i32
    %scan3A_668 = arith.constant 16 : i32
    %scan3A_669 = arith.addi %scan3A_667, %scan3A_668 : i32
    %scan3A_670 = arith.constant 1 : i32
    %scan3A_671 = scf.for %scan3A_1149 = %scan3A_667 to %scan3A_669 step %scan3A_670 iter_args(%scan3A_1150 = %scan3A_666) -> (i32)  : i32 {
      %add3A_1151 = arith.constant 64 : i32
      %add3A_1152 = arith.addi %add3A_1151, %scan3A_1149 : i32
      %get3A_1153 = arith.index_cast %add3A_1152 : i32 to index
      %get3A_1154 = tpu.vector_load %arg10[%get3A_1153] {strides = array<i32>} : memref<144xi32, #tpu.memory_space<vmem>>, vector<16xi32>,
      %slice3A = vector.extract_strided_slice %get3A_1154 {offsets = [0], sizes = [1], strides = [1]} : vector<16xi32> to vector<1xi32>
      %squeeze3A = vector.extract %slice3A[0] : i32 from vector<1xi32>
      %mul3A_1155 = arith.constant 128 : i32
      %mul3A_1156 = arith.muli %squeeze3A, %mul3A_1155 : i32
      %multiple_of3A_1157 = tpu.assume_multiple %mul3A_1156, 128 : i32
      %mul3A_1158 = arith.constant 128 : i32
      %mul3A_1159 = arith.muli %scan3A_1149, %mul3A_1158 : i32
      %multiple_of3A_1160 = tpu.assume_multiple %mul3A_1159, 128 : i32
      %dma_wait3A = arith.constant 0 : i32
      %dma_wait3A_1161 = tpu.memref_slice %arg13[%dma_wait3A, %multiple_of3A_1160] : memref<16x2048xf32, #tpu.memory_space<vmem>> -> memref<16x128xf32, #tpu.memory_space<vmem>>
      %dma_wait3A_1162 = arith.constant 0 : i32
      %dma_wait3A_1163 = tpu.memref_slice %arg3[%dma_wait3A_1162, %multiple_of3A_1157] : memref<16x1000000xf32, #tpu.memory_space<hbm>> -> memref<16x128xf32, #tpu.memory_space<hbm>>
      %dma_wait3A_1164 = arith.constant 0 : i32
      %dma_wait3A_1165 = tpu.memref_slice %arg13[%dma_wait3A_1164, %multiple_of3A_1160] : memref<16x2048xf32, #tpu.memory_space<vmem>> -> memref<16x128xf32, #tpu.memory_space<vmem>>
      %dma_wait3A_1166 = arith.constant 0 : i32
      %dma_wait3A_1167 = tpu.memref_slice %arg3[%dma_wait3A_1166, %multiple_of3A_1157] : memref<16x1000000xf32, #tpu.memory_space<hbm>> -> memref<16x128xf32, #tpu.memory_space<hbm>>
      tpu.wait_dma2 semaphore(%arg17 : memref<!tpu.dma_semaphore, #tpu.memory_space<semaphore_mem>>) src(%dma_wait3A_1167 : memref<16x128xf32, #tpu.memory_space<hbm>>) dst(%dma_wait3A_1165 : memref<16x128xf32, #tpu.memory_space<vmem>>)
      %scan3A_1168 = arith.constant 0 : i32
      scf.yield %scan3A_1168 : i32
    }
    %scan3A_672 = arith.constant 16 : i32
    %get3A_673 = arith.constant 64 : index
    %get3A_674 = tpu.vector_load %arg11[%get3A_673] {strides = array<i32>} : memref<128xi32, #tpu.memory_space<vmem>>, vector<16xi32>,
    %mul3A_675 = arith.constant 128 : i32
    %mul3A_676 = vector.broadcast %mul3A_675 : i32 to vector<16xi32>
    %mul3A_677 = arith.muli %iota3A, %mul3A_676 : vector<16xi32>
    %add3A_678 = arith.addi %mul3A_677, %get3A_674 : vector<16xi32>
    %add3A_679 = arith.constant 64 : i32
    %add3A_680 = vector.broadcast %add3A_679 : i32 to vector<16xi32>
    %add3A_681 = arith.addi %iota3A, %add3A_680 : vector<16xi32>
    %broadcast_in_dim3A_682 = arith.constant 0 : i32
    %broadcast_in_dim3A_683 = vector.broadcast %broadcast_in_dim3A_682 : i32 to vector<16xi32>
    %gather3A_684 = tpu.vector_load_idx %arg13[%broadcast_in_dim3A_683, %add3A_678] : memref<16x2048xf32, #tpu.memory_space<vmem>>[vector<16xi32>, vector<16xi32>], vector<16xf32>,
    tpu.vector_store_idx %arg15[%broadcast_in_dim3A_683, %add3A_681], %gather3A_684 : memref<16x128xf32, #tpu.memory_space<vmem>>[vector<16xi32>, vector<16xi32>], vector<16xf32>,
    %broadcast_in_dim3A_685 = arith.constant 1 : i32
    %broadcast_in_dim3A_686 = vector.broadcast %broadcast_in_dim3A_685 : i32 to vector<16xi32>
    %gather3A_687 = tpu.vector_load_idx %arg13[%broadcast_in_dim3A_686, %add3A_678] : memref<16x2048xf32, #tpu.memory_space<vmem>>[vector<16xi32>, vector<16xi32>], vector<16xf32>,
    tpu.vector_store_idx %arg15[%broadcast_in_dim3A_686, %add3A_681], %gather3A_687 : memref<16x128xf32, #tpu.memory_space<vmem>>[vector<16xi32>, vector<16xi32>], vector<16xf32>,
    %broadcast_in_dim3A_688 = arith.constant 2 : i32
    %broadcast_in_dim3A_689 = vector.broadcast %broadcast_in_dim3A_688 : i32 to vector<16xi32>
    %gather3A_690 = tpu.vector_load_idx %arg13[%broadcast_in_dim3A_689, %add3A_678] : memref<16x2048xf32, #tpu.memory_space<vmem>>[vector<16xi32>, vector<16xi32>], vector<16xf32>,
    tpu.vector_store_idx %arg15[%broadcast_in_dim3A_689, %add3A_681], %gather3A_690 : memref<16x128xf32, #tpu.memory_space<vmem>>[vector<16xi32>, vector<16xi32>], vector<16xf32>,
    %broadcast_in_dim3A_691 = arith.constant 3 : i32
    %broadcast_in_dim3A_692 = vector.broadcast %broadcast_in_dim3A_691 : i32 to vector<16xi32>
    %gather3A_693 = tpu.vector_load_idx %arg13[%broadcast_in_dim3A_692, %add3A_678] : memref<16x2048xf32, #tpu.memory_space<vmem>>[vector<16xi32>, vector<16xi32>], vector<16xf32>,
    tpu.vector_store_idx %arg15[%broadcast_in_dim3A_692, %add3A_681], %gather3A_693 : memref<16x128xf32, #tpu.memory_space<vmem>>[vector<16xi32>, vector<16xi32>], vector<16xf32>,
    %broadcast_in_dim3A_694 = arith.constant 4 : i32
    %broadcast_in_dim3A_695 = vector.broadcast %broadcast_in_dim3A_694 : i32 to vector<16xi32>
    %gather3A_696 = tpu.vector_load_idx %arg13[%broadcast_in_dim3A_695, %add3A_678] : memref<16x2048xf32, #tpu.memory_space<vmem>>[vector<16xi32>, vector<16xi32>], vector<16xf32>,
    tpu.vector_store_idx %arg15[%broadcast_in_dim3A_695, %add3A_681], %gather3A_696 : memref<16x128xf32, #tpu.memory_space<vmem>>[vector<16xi32>, vector<16xi32>], vector<16xf32>,
    %broadcast_in_dim3A_697 = arith.constant 5 : i32
    %broadcast_in_dim3A_698 = vector.broadcast %broadcast_in_dim3A_697 : i32 to vector<16xi32>
    %gather3A_699 = tpu.vector_load_idx %arg13[%broadcast_in_dim3A_698, %add3A_678] : memref<16x2048xf32, #tpu.memory_space<vmem>>[vector<16xi32>, vector<16xi32>], vector<16xf32>,
    tpu.vector_store_idx %arg15[%broadcast_in_dim3A_698, %add3A_681], %gather3A_699 : memref<16x128xf32, #tpu.memory_space<vmem>>[vector<16xi32>, vector<16xi32>], vector<16xf32>,
    %broadcast_in_dim3A_700 = arith.constant 6 : i32
    %broadcast_in_dim3A_701 = vector.broadcast %broadcast_in_dim3A_700 : i32 to vector<16xi32>
    %gather3A_702 = tpu.vector_load_idx %arg13[%broadcast_in_dim3A_701, %add3A_678] : memref<16x2048xf32, #tpu.memory_space<vmem>>[vector<16xi32>, vector<16xi32>], vector<16xf32>,
    tpu.vector_store_idx %arg15[%broadcast_in_dim3A_701, %add3A_681], %gather3A_702 : memref<16x128xf32, #tpu.memory_space<vmem>>[vector<16xi32>, vector<16xi32>], vector<16xf32>,
    %broadcast_in_dim3A_703 = arith.constant 7 : i32
    %broadcast_in_dim3A_704 = vector.broadcast %broadcast_in_dim3A_703 : i32 to vector<16xi32>
    %gather3A_705 = tpu.vector_load_idx %arg13[%broadcast_in_dim3A_704, %add3A_678] : memref<16x2048xf32, #tpu.memory_space<vmem>>[vector<16xi32>, vector<16xi32>], vector<16xf32>,
    tpu.vector_store_idx %arg15[%broadcast_in_dim3A_704, %add3A_681], %gather3A_705 : memref<16x128xf32, #tpu.memory_space<vmem>>[vector<16xi32>, vector<16xi32>], vector<16xf32>,
    %broadcast_in_dim3A_706 = arith.constant 8 : i32
    %broadcast_in_dim3A_707 = vector.broadcast %broadcast_in_dim3A_706 : i32 to vector<16xi32>
    %gather3A_708 = tpu.vector_load_idx %arg13[%broadcast_in_dim3A_707, %add3A_678] : memref<16x2048xf32, #tpu.memory_space<vmem>>[vector<16xi32>, vector<16xi32>], vector<16xf32>,
    tpu.vector_store_idx %arg15[%broadcast_in_dim3A_707, %add3A_681], %gather3A_708 : memref<16x128xf32, #tpu.memory_space<vmem>>[vector<16xi32>, vector<16xi32>], vector<16xf32>,
    %broadcast_in_dim3A_709 = arith.constant 9 : i32
    %broadcast_in_dim3A_710 = vector.broadcast %broadcast_in_dim3A_709 : i32 to vector<16xi32>
    %gather3A_711 = tpu.vector_load_idx %arg13[%broadcast_in_dim3A_710, %add3A_678] : memref<16x2048xf32, #tpu.memory_space<vmem>>[vector<16xi32>, vector<16xi32>], vector<16xf32>,
    tpu.vector_store_idx %arg15[%broadcast_in_dim3A_710, %add3A_681], %gather3A_711 : memref<16x128xf32, #tpu.memory_space<vmem>>[vector<16xi32>, vector<16xi32>], vector<16xf32>,
    %broadcast_in_dim3A_712 = arith.constant 10 : i32
    %broadcast_in_dim3A_713 = vector.broadcast %broadcast_in_dim3A_712 : i32 to vector<16xi32>
    %gather3A_714 = tpu.vector_load_idx %arg13[%broadcast_in_dim3A_713, %add3A_678] : memref<16x2048xf32, #tpu.memory_space<vmem>>[vector<16xi32>, vector<16xi32>], vector<16xf32>,
    tpu.vector_store_idx %arg15[%broadcast_in_dim3A_713, %add3A_681], %gather3A_714 : memref<16x128xf32, #tpu.memory_space<vmem>>[vector<16xi32>, vector<16xi32>], vector<16xf32>,
    %broadcast_in_dim3A_715 = arith.constant 11 : i32
    %broadcast_in_dim3A_716 = vector.broadcast %broadcast_in_dim3A_715 : i32 to vector<16xi32>
    %gather3A_717 = tpu.vector_load_idx %arg13[%broadcast_in_dim3A_716, %add3A_678] : memref<16x2048xf32, #tpu.memory_space<vmem>>[vector<16xi32>, vector<16xi32>], vector<16xf32>,
    tpu.vector_store_idx %arg15[%broadcast_in_dim3A_716, %add3A_681], %gather3A_717 : memref<16x128xf32, #tpu.memory_space<vmem>>[vector<16xi32>, vector<16xi32>], vector<16xf32>,
    %broadcast_in_dim3A_718 = arith.constant 12 : i32
    %broadcast_in_dim3A_719 = vector.broadcast %broadcast_in_dim3A_718 : i32 to vector<16xi32>
    %gather3A_720 = tpu.vector_load_idx %arg13[%broadcast_in_dim3A_719, %add3A_678] : memref<16x2048xf32, #tpu.memory_space<vmem>>[vector<16xi32>, vector<16xi32>], vector<16xf32>,
    tpu.vector_store_idx %arg15[%broadcast_in_dim3A_719, %add3A_681], %gather3A_720 : memref<16x128xf32, #tpu.memory_space<vmem>>[vector<16xi32>, vector<16xi32>], vector<16xf32>,
    %broadcast_in_dim3A_721 = arith.constant 13 : i32
    %broadcast_in_dim3A_722 = vector.broadcast %broadcast_in_dim3A_721 : i32 to vector<16xi32>
    %gather3A_723 = tpu.vector_load_idx %arg13[%broadcast_in_dim3A_722, %add3A_678] : memref<16x2048xf32, #tpu.memory_space<vmem>>[vector<16xi32>, vector<16xi32>], vector<16xf32>,
    tpu.vector_store_idx %arg15[%broadcast_in_dim3A_722, %add3A_681], %gather3A_723 : memref<16x128xf32, #tpu.memory_space<vmem>>[vector<16xi32>, vector<16xi32>], vector<16xf32>,
    %broadcast_in_dim3A_724 = arith.constant 14 : i32
    %broadcast_in_dim3A_725 = vector.broadcast %broadcast_in_dim3A_724 : i32 to vector<16xi32>
    %gather3A_726 = tpu.vector_load_idx %arg13[%broadcast_in_dim3A_725, %add3A_678] : memref<16x2048xf32, #tpu.memory_space<vmem>>[vector<16xi32>, vector<16xi32>], vector<16xf32>,
    tpu.vector_store_idx %arg15[%broadcast_in_dim3A_725, %add3A_681], %gather3A_726 : memref<16x128xf32, #tpu.memory_space<vmem>>[vector<16xi32>, vector<16xi32>], vector<16xf32>,
    %broadcast_in_dim3A_727 = arith.constant 15 : i32
    %broadcast_in_dim3A_728 = vector.broadcast %broadcast_in_dim3A_727 : i32 to vector<16xi32>
    %gather3A_729 = tpu.vector_load_idx %arg13[%broadcast_in_dim3A_728, %add3A_678] : memref<16x2048xf32, #tpu.memory_space<vmem>>[vector<16xi32>, vector<16xi32>], vector<16xf32>,
    tpu.vector_store_idx %arg15[%broadcast_in_dim3A_728, %add3A_681], %gather3A_729 : memref<16x128xf32, #tpu.memory_space<vmem>>[vector<16xi32>, vector<16xi32>], vector<16xf32>,
    %scan3A_730 = arith.constant 0 : i32
    %scan3A_731 = arith.constant 0 : i32
    %scan3A_732 = arith.constant 16 : i32
    %scan3A_733 = arith.addi %scan3A_731, %scan3A_732 : i32
    %scan3A_734 = arith.constant 1 : i32
    %scan3A_735 = scf.for %scan3A_1149 = %scan3A_731 to %scan3A_733 step %scan3A_734 iter_args(%scan3A_1150 = %scan3A_730) -> (i32)  : i32 {
      %add3A_1151 = arith.constant 80 : i32
      %add3A_1152 = arith.addi %add3A_1151, %scan3A_1149 : i32
      %get3A_1153 = arith.index_cast %add3A_1152 : i32 to index
      %get3A_1154 = tpu.vector_load %arg10[%get3A_1153] {strides = array<i32>} : memref<144xi32, #tpu.memory_space<vmem>>, vector<16xi32>,
      %slice3A = vector.extract_strided_slice %get3A_1154 {offsets = [0], sizes = [1], strides = [1]} : vector<16xi32> to vector<1xi32>
      %squeeze3A = vector.extract %slice3A[0] : i32 from vector<1xi32>
      %mul3A_1155 = arith.constant 128 : i32
      %mul3A_1156 = arith.muli %squeeze3A, %mul3A_1155 : i32
      %multiple_of3A_1157 = tpu.assume_multiple %mul3A_1156, 128 : i32
      %mul3A_1158 = arith.constant 128 : i32
      %mul3A_1159 = arith.muli %scan3A_1149, %mul3A_1158 : i32
      %multiple_of3A_1160 = tpu.assume_multiple %mul3A_1159, 128 : i32
      %dma_start3A = arith.constant 0 : i32
      %dma_start3A_1161 = tpu.memref_slice %arg13[%dma_start3A, %multiple_of3A_1160] : memref<16x2048xf32, #tpu.memory_space<vmem>> -> memref<16x128xf32, #tpu.memory_space<vmem>>
      %dma_start3A_1162 = arith.constant 0 : i32
      %dma_start3A_1163 = tpu.memref_slice %arg3[%dma_start3A_1162, %multiple_of3A_1157] : memref<16x1000000xf32, #tpu.memory_space<hbm>> -> memref<16x128xf32, #tpu.memory_space<hbm>>
      %dma_start3A_1164 = arith.constant 0 : i32
      %dma_start3A_1165 = tpu.memref_slice %arg13[%dma_start3A_1164, %multiple_of3A_1160] : memref<16x2048xf32, #tpu.memory_space<vmem>> -> memref<16x128xf32, #tpu.memory_space<vmem>>
      %dma_start3A_1166 = arith.constant 0 : i32
      %dma_start3A_1167 = tpu.memref_slice %arg3[%dma_start3A_1166, %multiple_of3A_1157] : memref<16x1000000xf32, #tpu.memory_space<hbm>> -> memref<16x128xf32, #tpu.memory_space<hbm>>
      tpu.enqueue_dma source(%dma_start3A_1167 : memref<16x128xf32, #tpu.memory_space<hbm>>) target(%dma_start3A_1165 : memref<16x128xf32, #tpu.memory_space<vmem>>) target_semaphore(%arg17 : memref<!tpu.dma_semaphore, #tpu.memory_space<semaphore_mem>>)
      %scan3A_1168 = arith.constant 0 : i32
      scf.yield %scan3A_1168 : i32
    }
    %scan3A_736 = arith.constant 16 : i32
    %scan3A_737 = arith.constant 0 : i32
    %scan3A_738 = arith.constant 0 : i32
    %scan3A_739 = arith.constant 16 : i32
    %scan3A_740 = arith.addi %scan3A_738, %scan3A_739 : i32
    %scan3A_741 = arith.constant 1 : i32
    %scan3A_742 = scf.for %scan3A_1149 = %scan3A_738 to %scan3A_740 step %scan3A_741 iter_args(%scan3A_1150 = %scan3A_737) -> (i32)  : i32 {
      %add3A_1151 = arith.constant 80 : i32
      %add3A_1152 = arith.addi %add3A_1151, %scan3A_1149 : i32
      %get3A_1153 = arith.index_cast %add3A_1152 : i32 to index
      %get3A_1154 = tpu.vector_load %arg8[%get3A_1153] {strides = array<i32>} : memref<144xi32, #tpu.memory_space<vmem>>, vector<16xi32>,
      %slice3A = vector.extract_strided_slice %get3A_1154 {offsets = [0], sizes = [1], strides = [1]} : vector<16xi32> to vector<1xi32>
      %squeeze3A = vector.extract %slice3A[0] : i32 from vector<1xi32>
      %mul3A_1155 = arith.constant 128 : i32
      %mul3A_1156 = arith.muli %squeeze3A, %mul3A_1155 : i32
      %multiple_of3A_1157 = tpu.assume_multiple %mul3A_1156, 128 : i32
      %mul3A_1158 = arith.constant 128 : i32
      %mul3A_1159 = arith.muli %scan3A_1149, %mul3A_1158 : i32
      %multiple_of3A_1160 = tpu.assume_multiple %mul3A_1159, 128 : i32
      %dma_wait3A = arith.constant 0 : i32
      %dma_wait3A_1161 = tpu.memref_slice %arg12[%dma_wait3A, %multiple_of3A_1160] : memref<16x2048xf32, #tpu.memory_space<vmem>> -> memref<16x128xf32, #tpu.memory_space<vmem>>
      %dma_wait3A_1162 = arith.constant 0 : i32
      %dma_wait3A_1163 = tpu.memref_slice %arg2[%dma_wait3A_1162, %multiple_of3A_1157] : memref<16x1000000xf32, #tpu.memory_space<hbm>> -> memref<16x128xf32, #tpu.memory_space<hbm>>
      %dma_wait3A_1164 = arith.constant 0 : i32
      %dma_wait3A_1165 = tpu.memref_slice %arg12[%dma_wait3A_1164, %multiple_of3A_1160] : memref<16x2048xf32, #tpu.memory_space<vmem>> -> memref<16x128xf32, #tpu.memory_space<vmem>>
      %dma_wait3A_1166 = arith.constant 0 : i32
      %dma_wait3A_1167 = tpu.memref_slice %arg2[%dma_wait3A_1166, %multiple_of3A_1157] : memref<16x1000000xf32, #tpu.memory_space<hbm>> -> memref<16x128xf32, #tpu.memory_space<hbm>>
      tpu.wait_dma2 semaphore(%arg16 : memref<!tpu.dma_semaphore, #tpu.memory_space<semaphore_mem>>) src(%dma_wait3A_1167 : memref<16x128xf32, #tpu.memory_space<hbm>>) dst(%dma_wait3A_1165 : memref<16x128xf32, #tpu.memory_space<vmem>>)
      %scan3A_1168 = arith.constant 0 : i32
      scf.yield %scan3A_1168 : i32
    }
    %scan3A_743 = arith.constant 16 : i32
    %get3A_744 = arith.constant 80 : index
    %get3A_745 = tpu.vector_load %arg9[%get3A_744] {strides = array<i32>} : memref<128xi32, #tpu.memory_space<vmem>>, vector<16xi32>,
    %mul3A_746 = arith.constant 128 : i32
    %mul3A_747 = vector.broadcast %mul3A_746 : i32 to vector<16xi32>
    %mul3A_748 = arith.muli %iota3A, %mul3A_747 : vector<16xi32>
    %add3A_749 = arith.addi %mul3A_748, %get3A_745 : vector<16xi32>
    %add3A_750 = arith.constant 80 : i32
    %add3A_751 = vector.broadcast %add3A_750 : i32 to vector<16xi32>
    %add3A_752 = arith.addi %iota3A, %add3A_751 : vector<16xi32>
    %broadcast_in_dim3A_753 = arith.constant 0 : i32
    %broadcast_in_dim3A_754 = vector.broadcast %broadcast_in_dim3A_753 : i32 to vector<16xi32>
    %gather3A_755 = tpu.vector_load_idx %arg12[%broadcast_in_dim3A_754, %add3A_749] : memref<16x2048xf32, #tpu.memory_space<vmem>>[vector<16xi32>, vector<16xi32>], vector<16xf32>,
    tpu.vector_store_idx %arg14[%broadcast_in_dim3A_754, %add3A_752], %gather3A_755 : memref<16x128xf32, #tpu.memory_space<vmem>>[vector<16xi32>, vector<16xi32>], vector<16xf32>,
    %broadcast_in_dim3A_756 = arith.constant 1 : i32
    %broadcast_in_dim3A_757 = vector.broadcast %broadcast_in_dim3A_756 : i32 to vector<16xi32>
    %gather3A_758 = tpu.vector_load_idx %arg12[%broadcast_in_dim3A_757, %add3A_749] : memref<16x2048xf32, #tpu.memory_space<vmem>>[vector<16xi32>, vector<16xi32>], vector<16xf32>,
    tpu.vector_store_idx %arg14[%broadcast_in_dim3A_757, %add3A_752], %gather3A_758 : memref<16x128xf32, #tpu.memory_space<vmem>>[vector<16xi32>, vector<16xi32>], vector<16xf32>,
    %broadcast_in_dim3A_759 = arith.constant 2 : i32
    %broadcast_in_dim3A_760 = vector.broadcast %broadcast_in_dim3A_759 : i32 to vector<16xi32>
    %gather3A_761 = tpu.vector_load_idx %arg12[%broadcast_in_dim3A_760, %add3A_749] : memref<16x2048xf32, #tpu.memory_space<vmem>>[vector<16xi32>, vector<16xi32>], vector<16xf32>,
    tpu.vector_store_idx %arg14[%broadcast_in_dim3A_760, %add3A_752], %gather3A_761 : memref<16x128xf32, #tpu.memory_space<vmem>>[vector<16xi32>, vector<16xi32>], vector<16xf32>,
    %broadcast_in_dim3A_762 = arith.constant 3 : i32
    %broadcast_in_dim3A_763 = vector.broadcast %broadcast_in_dim3A_762 : i32 to vector<16xi32>
    %gather3A_764 = tpu.vector_load_idx %arg12[%broadcast_in_dim3A_763, %add3A_749] : memref<16x2048xf32, #tpu.memory_space<vmem>>[vector<16xi32>, vector<16xi32>], vector<16xf32>,
    tpu.vector_store_idx %arg14[%broadcast_in_dim3A_763, %add3A_752], %gather3A_764 : memref<16x128xf32, #tpu.memory_space<vmem>>[vector<16xi32>, vector<16xi32>], vector<16xf32>,
    %broadcast_in_dim3A_765 = arith.constant 4 : i32
    %broadcast_in_dim3A_766 = vector.broadcast %broadcast_in_dim3A_765 : i32 to vector<16xi32>
    %gather3A_767 = tpu.vector_load_idx %arg12[%broadcast_in_dim3A_766, %add3A_749] : memref<16x2048xf32, #tpu.memory_space<vmem>>[vector<16xi32>, vector<16xi32>], vector<16xf32>,
    tpu.vector_store_idx %arg14[%broadcast_in_dim3A_766, %add3A_752], %gather3A_767 : memref<16x128xf32, #tpu.memory_space<vmem>>[vector<16xi32>, vector<16xi32>], vector<16xf32>,
    %broadcast_in_dim3A_768 = arith.constant 5 : i32
    %broadcast_in_dim3A_769 = vector.broadcast %broadcast_in_dim3A_768 : i32 to vector<16xi32>
    %gather3A_770 = tpu.vector_load_idx %arg12[%broadcast_in_dim3A_769, %add3A_749] : memref<16x2048xf32, #tpu.memory_space<vmem>>[vector<16xi32>, vector<16xi32>], vector<16xf32>,
    tpu.vector_store_idx %arg14[%broadcast_in_dim3A_769, %add3A_752], %gather3A_770 : memref<16x128xf32, #tpu.memory_space<vmem>>[vector<16xi32>, vector<16xi32>], vector<16xf32>,
    %broadcast_in_dim3A_771 = arith.constant 6 : i32
    %broadcast_in_dim3A_772 = vector.broadcast %broadcast_in_dim3A_771 : i32 to vector<16xi32>
    %gather3A_773 = tpu.vector_load_idx %arg12[%broadcast_in_dim3A_772, %add3A_749] : memref<16x2048xf32, #tpu.memory_space<vmem>>[vector<16xi32>, vector<16xi32>], vector<16xf32>,
    tpu.vector_store_idx %arg14[%broadcast_in_dim3A_772, %add3A_752], %gather3A_773 : memref<16x128xf32, #tpu.memory_space<vmem>>[vector<16xi32>, vector<16xi32>], vector<16xf32>,
    %broadcast_in_dim3A_774 = arith.constant 7 : i32
    %broadcast_in_dim3A_775 = vector.broadcast %broadcast_in_dim3A_774 : i32 to vector<16xi32>
    %gather3A_776 = tpu.vector_load_idx %arg12[%broadcast_in_dim3A_775, %add3A_749] : memref<16x2048xf32, #tpu.memory_space<vmem>>[vector<16xi32>, vector<16xi32>], vector<16xf32>,
    tpu.vector_store_idx %arg14[%broadcast_in_dim3A_775, %add3A_752], %gather3A_776 : memref<16x128xf32, #tpu.memory_space<vmem>>[vector<16xi32>, vector<16xi32>], vector<16xf32>,
    %broadcast_in_dim3A_777 = arith.constant 8 : i32
    %broadcast_in_dim3A_778 = vector.broadcast %broadcast_in_dim3A_777 : i32 to vector<16xi32>
    %gather3A_779 = tpu.vector_load_idx %arg12[%broadcast_in_dim3A_778, %add3A_749] : memref<16x2048xf32, #tpu.memory_space<vmem>>[vector<16xi32>, vector<16xi32>], vector<16xf32>,
    tpu.vector_store_idx %arg14[%broadcast_in_dim3A_778, %add3A_752], %gather3A_779 : memref<16x128xf32, #tpu.memory_space<vmem>>[vector<16xi32>, vector<16xi32>], vector<16xf32>,
    %broadcast_in_dim3A_780 = arith.constant 9 : i32
    %broadcast_in_dim3A_781 = vector.broadcast %broadcast_in_dim3A_780 : i32 to vector<16xi32>
    %gather3A_782 = tpu.vector_load_idx %arg12[%broadcast_in_dim3A_781, %add3A_749] : memref<16x2048xf32, #tpu.memory_space<vmem>>[vector<16xi32>, vector<16xi32>], vector<16xf32>,
    tpu.vector_store_idx %arg14[%broadcast_in_dim3A_781, %add3A_752], %gather3A_782 : memref<16x128xf32, #tpu.memory_space<vmem>>[vector<16xi32>, vector<16xi32>], vector<16xf32>,
    %broadcast_in_dim3A_783 = arith.constant 10 : i32
    %broadcast_in_dim3A_784 = vector.broadcast %broadcast_in_dim3A_783 : i32 to vector<16xi32>
    %gather3A_785 = tpu.vector_load_idx %arg12[%broadcast_in_dim3A_784, %add3A_749] : memref<16x2048xf32, #tpu.memory_space<vmem>>[vector<16xi32>, vector<16xi32>], vector<16xf32>,
    tpu.vector_store_idx %arg14[%broadcast_in_dim3A_784, %add3A_752], %gather3A_785 : memref<16x128xf32, #tpu.memory_space<vmem>>[vector<16xi32>, vector<16xi32>], vector<16xf32>,
    %broadcast_in_dim3A_786 = arith.constant 11 : i32
    %broadcast_in_dim3A_787 = vector.broadcast %broadcast_in_dim3A_786 : i32 to vector<16xi32>
    %gather3A_788 = tpu.vector_load_idx %arg12[%broadcast_in_dim3A_787, %add3A_749] : memref<16x2048xf32, #tpu.memory_space<vmem>>[vector<16xi32>, vector<16xi32>], vector<16xf32>,
    tpu.vector_store_idx %arg14[%broadcast_in_dim3A_787, %add3A_752], %gather3A_788 : memref<16x128xf32, #tpu.memory_space<vmem>>[vector<16xi32>, vector<16xi32>], vector<16xf32>,
    %broadcast_in_dim3A_789 = arith.constant 12 : i32
    %broadcast_in_dim3A_790 = vector.broadcast %broadcast_in_dim3A_789 : i32 to vector<16xi32>
    %gather3A_791 = tpu.vector_load_idx %arg12[%broadcast_in_dim3A_790, %add3A_749] : memref<16x2048xf32, #tpu.memory_space<vmem>>[vector<16xi32>, vector<16xi32>], vector<16xf32>,
    tpu.vector_store_idx %arg14[%broadcast_in_dim3A_790, %add3A_752], %gather3A_791 : memref<16x128xf32, #tpu.memory_space<vmem>>[vector<16xi32>, vector<16xi32>], vector<16xf32>,
    %broadcast_in_dim3A_792 = arith.constant 13 : i32
    %broadcast_in_dim3A_793 = vector.broadcast %broadcast_in_dim3A_792 : i32 to vector<16xi32>
    %gather3A_794 = tpu.vector_load_idx %arg12[%broadcast_in_dim3A_793, %add3A_749] : memref<16x2048xf32, #tpu.memory_space<vmem>>[vector<16xi32>, vector<16xi32>], vector<16xf32>,
    tpu.vector_store_idx %arg14[%broadcast_in_dim3A_793, %add3A_752], %gather3A_794 : memref<16x128xf32, #tpu.memory_space<vmem>>[vector<16xi32>, vector<16xi32>], vector<16xf32>,
    %broadcast_in_dim3A_795 = arith.constant 14 : i32
    %broadcast_in_dim3A_796 = vector.broadcast %broadcast_in_dim3A_795 : i32 to vector<16xi32>
    %gather3A_797 = tpu.vector_load_idx %arg12[%broadcast_in_dim3A_796, %add3A_749] : memref<16x2048xf32, #tpu.memory_space<vmem>>[vector<16xi32>, vector<16xi32>], vector<16xf32>,
    tpu.vector_store_idx %arg14[%broadcast_in_dim3A_796, %add3A_752], %gather3A_797 : memref<16x128xf32, #tpu.memory_space<vmem>>[vector<16xi32>, vector<16xi32>], vector<16xf32>,
    %broadcast_in_dim3A_798 = arith.constant 15 : i32
    %broadcast_in_dim3A_799 = vector.broadcast %broadcast_in_dim3A_798 : i32 to vector<16xi32>
    %gather3A_800 = tpu.vector_load_idx %arg12[%broadcast_in_dim3A_799, %add3A_749] : memref<16x2048xf32, #tpu.memory_space<vmem>>[vector<16xi32>, vector<16xi32>], vector<16xf32>,
    tpu.vector_store_idx %arg14[%broadcast_in_dim3A_799, %add3A_752], %gather3A_800 : memref<16x128xf32, #tpu.memory_space<vmem>>[vector<16xi32>, vector<16xi32>], vector<16xf32>,
    %scan3A_801 = arith.constant 0 : i32
    %scan3A_802 = arith.constant 0 : i32
    %scan3A_803 = arith.constant 16 : i32
    %scan3A_804 = arith.addi %scan3A_802, %scan3A_803 : i32
    %scan3A_805 = arith.constant 1 : i32
    %scan3A_806 = scf.for %scan3A_1149 = %scan3A_802 to %scan3A_804 step %scan3A_805 iter_args(%scan3A_1150 = %scan3A_801) -> (i32)  : i32 {
      %add3A_1151 = arith.constant 96 : i32
      %add3A_1152 = arith.addi %add3A_1151, %scan3A_1149 : i32
      %get3A_1153 = arith.index_cast %add3A_1152 : i32 to index
      %get3A_1154 = tpu.vector_load %arg8[%get3A_1153] {strides = array<i32>} : memref<144xi32, #tpu.memory_space<vmem>>, vector<16xi32>,
      %slice3A = vector.extract_strided_slice %get3A_1154 {offsets = [0], sizes = [1], strides = [1]} : vector<16xi32> to vector<1xi32>
      %squeeze3A = vector.extract %slice3A[0] : i32 from vector<1xi32>
      %mul3A_1155 = arith.constant 128 : i32
      %mul3A_1156 = arith.muli %squeeze3A, %mul3A_1155 : i32
      %multiple_of3A_1157 = tpu.assume_multiple %mul3A_1156, 128 : i32
      %mul3A_1158 = arith.constant 128 : i32
      %mul3A_1159 = arith.muli %scan3A_1149, %mul3A_1158 : i32
      %multiple_of3A_1160 = tpu.assume_multiple %mul3A_1159, 128 : i32
      %dma_start3A = arith.constant 0 : i32
      %dma_start3A_1161 = tpu.memref_slice %arg12[%dma_start3A, %multiple_of3A_1160] : memref<16x2048xf32, #tpu.memory_space<vmem>> -> memref<16x128xf32, #tpu.memory_space<vmem>>
      %dma_start3A_1162 = arith.constant 0 : i32
      %dma_start3A_1163 = tpu.memref_slice %arg2[%dma_start3A_1162, %multiple_of3A_1157] : memref<16x1000000xf32, #tpu.memory_space<hbm>> -> memref<16x128xf32, #tpu.memory_space<hbm>>
      %dma_start3A_1164 = arith.constant 0 : i32
      %dma_start3A_1165 = tpu.memref_slice %arg12[%dma_start3A_1164, %multiple_of3A_1160] : memref<16x2048xf32, #tpu.memory_space<vmem>> -> memref<16x128xf32, #tpu.memory_space<vmem>>
      %dma_start3A_1166 = arith.constant 0 : i32
      %dma_start3A_1167 = tpu.memref_slice %arg2[%dma_start3A_1166, %multiple_of3A_1157] : memref<16x1000000xf32, #tpu.memory_space<hbm>> -> memref<16x128xf32, #tpu.memory_space<hbm>>
      tpu.enqueue_dma source(%dma_start3A_1167 : memref<16x128xf32, #tpu.memory_space<hbm>>) target(%dma_start3A_1165 : memref<16x128xf32, #tpu.memory_space<vmem>>) target_semaphore(%arg16 : memref<!tpu.dma_semaphore, #tpu.memory_space<semaphore_mem>>)
      %scan3A_1168 = arith.constant 0 : i32
      scf.yield %scan3A_1168 : i32
    }
    %scan3A_807 = arith.constant 16 : i32
    %scan3A_808 = arith.constant 0 : i32
    %scan3A_809 = arith.constant 0 : i32
    %scan3A_810 = arith.constant 16 : i32
    %scan3A_811 = arith.addi %scan3A_809, %scan3A_810 : i32
    %scan3A_812 = arith.constant 1 : i32
    %scan3A_813 = scf.for %scan3A_1149 = %scan3A_809 to %scan3A_811 step %scan3A_812 iter_args(%scan3A_1150 = %scan3A_808) -> (i32)  : i32 {
      %add3A_1151 = arith.constant 80 : i32
      %add3A_1152 = arith.addi %add3A_1151, %scan3A_1149 : i32
      %get3A_1153 = arith.index_cast %add3A_1152 : i32 to index
      %get3A_1154 = tpu.vector_load %arg10[%get3A_1153] {strides = array<i32>} : memref<144xi32, #tpu.memory_space<vmem>>, vector<16xi32>,
      %slice3A = vector.extract_strided_slice %get3A_1154 {offsets = [0], sizes = [1], strides = [1]} : vector<16xi32> to vector<1xi32>
      %squeeze3A = vector.extract %slice3A[0] : i32 from vector<1xi32>
      %mul3A_1155 = arith.constant 128 : i32
      %mul3A_1156 = arith.muli %squeeze3A, %mul3A_1155 : i32
      %multiple_of3A_1157 = tpu.assume_multiple %mul3A_1156, 128 : i32
      %mul3A_1158 = arith.constant 128 : i32
      %mul3A_1159 = arith.muli %scan3A_1149, %mul3A_1158 : i32
      %multiple_of3A_1160 = tpu.assume_multiple %mul3A_1159, 128 : i32
      %dma_wait3A = arith.constant 0 : i32
      %dma_wait3A_1161 = tpu.memref_slice %arg13[%dma_wait3A, %multiple_of3A_1160] : memref<16x2048xf32, #tpu.memory_space<vmem>> -> memref<16x128xf32, #tpu.memory_space<vmem>>
      %dma_wait3A_1162 = arith.constant 0 : i32
      %dma_wait3A_1163 = tpu.memref_slice %arg3[%dma_wait3A_1162, %multiple_of3A_1157] : memref<16x1000000xf32, #tpu.memory_space<hbm>> -> memref<16x128xf32, #tpu.memory_space<hbm>>
      %dma_wait3A_1164 = arith.constant 0 : i32
      %dma_wait3A_1165 = tpu.memref_slice %arg13[%dma_wait3A_1164, %multiple_of3A_1160] : memref<16x2048xf32, #tpu.memory_space<vmem>> -> memref<16x128xf32, #tpu.memory_space<vmem>>
      %dma_wait3A_1166 = arith.constant 0 : i32
      %dma_wait3A_1167 = tpu.memref_slice %arg3[%dma_wait3A_1166, %multiple_of3A_1157] : memref<16x1000000xf32, #tpu.memory_space<hbm>> -> memref<16x128xf32, #tpu.memory_space<hbm>>
      tpu.wait_dma2 semaphore(%arg17 : memref<!tpu.dma_semaphore, #tpu.memory_space<semaphore_mem>>) src(%dma_wait3A_1167 : memref<16x128xf32, #tpu.memory_space<hbm>>) dst(%dma_wait3A_1165 : memref<16x128xf32, #tpu.memory_space<vmem>>)
      %scan3A_1168 = arith.constant 0 : i32
      scf.yield %scan3A_1168 : i32
    }
    %scan3A_814 = arith.constant 16 : i32
    %get3A_815 = arith.constant 80 : index
    %get3A_816 = tpu.vector_load %arg11[%get3A_815] {strides = array<i32>} : memref<128xi32, #tpu.memory_space<vmem>>, vector<16xi32>,
    %mul3A_817 = arith.constant 128 : i32
    %mul3A_818 = vector.broadcast %mul3A_817 : i32 to vector<16xi32>
    %mul3A_819 = arith.muli %iota3A, %mul3A_818 : vector<16xi32>
    %add3A_820 = arith.addi %mul3A_819, %get3A_816 : vector<16xi32>
    %add3A_821 = arith.constant 80 : i32
    %add3A_822 = vector.broadcast %add3A_821 : i32 to vector<16xi32>
    %add3A_823 = arith.addi %iota3A, %add3A_822 : vector<16xi32>
    %broadcast_in_dim3A_824 = arith.constant 0 : i32
    %broadcast_in_dim3A_825 = vector.broadcast %broadcast_in_dim3A_824 : i32 to vector<16xi32>
    %gather3A_826 = tpu.vector_load_idx %arg13[%broadcast_in_dim3A_825, %add3A_820] : memref<16x2048xf32, #tpu.memory_space<vmem>>[vector<16xi32>, vector<16xi32>], vector<16xf32>,
    tpu.vector_store_idx %arg15[%broadcast_in_dim3A_825, %add3A_823], %gather3A_826 : memref<16x128xf32, #tpu.memory_space<vmem>>[vector<16xi32>, vector<16xi32>], vector<16xf32>,
    %broadcast_in_dim3A_827 = arith.constant 1 : i32
    %broadcast_in_dim3A_828 = vector.broadcast %broadcast_in_dim3A_827 : i32 to vector<16xi32>
    %gather3A_829 = tpu.vector_load_idx %arg13[%broadcast_in_dim3A_828, %add3A_820] : memref<16x2048xf32, #tpu.memory_space<vmem>>[vector<16xi32>, vector<16xi32>], vector<16xf32>,
    tpu.vector_store_idx %arg15[%broadcast_in_dim3A_828, %add3A_823], %gather3A_829 : memref<16x128xf32, #tpu.memory_space<vmem>>[vector<16xi32>, vector<16xi32>], vector<16xf32>,
    %broadcast_in_dim3A_830 = arith.constant 2 : i32
    %broadcast_in_dim3A_831 = vector.broadcast %broadcast_in_dim3A_830 : i32 to vector<16xi32>
    %gather3A_832 = tpu.vector_load_idx %arg13[%broadcast_in_dim3A_831, %add3A_820] : memref<16x2048xf32, #tpu.memory_space<vmem>>[vector<16xi32>, vector<16xi32>], vector<16xf32>,
    tpu.vector_store_idx %arg15[%broadcast_in_dim3A_831, %add3A_823], %gather3A_832 : memref<16x128xf32, #tpu.memory_space<vmem>>[vector<16xi32>, vector<16xi32>], vector<16xf32>,
    %broadcast_in_dim3A_833 = arith.constant 3 : i32
    %broadcast_in_dim3A_834 = vector.broadcast %broadcast_in_dim3A_833 : i32 to vector<16xi32>
    %gather3A_835 = tpu.vector_load_idx %arg13[%broadcast_in_dim3A_834, %add3A_820] : memref<16x2048xf32, #tpu.memory_space<vmem>>[vector<16xi32>, vector<16xi32>], vector<16xf32>,
    tpu.vector_store_idx %arg15[%broadcast_in_dim3A_834, %add3A_823], %gather3A_835 : memref<16x128xf32, #tpu.memory_space<vmem>>[vector<16xi32>, vector<16xi32>], vector<16xf32>,
    %broadcast_in_dim3A_836 = arith.constant 4 : i32
    %broadcast_in_dim3A_837 = vector.broadcast %broadcast_in_dim3A_836 : i32 to vector<16xi32>
    %gather3A_838 = tpu.vector_load_idx %arg13[%broadcast_in_dim3A_837, %add3A_820] : memref<16x2048xf32, #tpu.memory_space<vmem>>[vector<16xi32>, vector<16xi32>], vector<16xf32>,
    tpu.vector_store_idx %arg15[%broadcast_in_dim3A_837, %add3A_823], %gather3A_838 : memref<16x128xf32, #tpu.memory_space<vmem>>[vector<16xi32>, vector<16xi32>], vector<16xf32>,
    %broadcast_in_dim3A_839 = arith.constant 5 : i32
    %broadcast_in_dim3A_840 = vector.broadcast %broadcast_in_dim3A_839 : i32 to vector<16xi32>
    %gather3A_841 = tpu.vector_load_idx %arg13[%broadcast_in_dim3A_840, %add3A_820] : memref<16x2048xf32, #tpu.memory_space<vmem>>[vector<16xi32>, vector<16xi32>], vector<16xf32>,
    tpu.vector_store_idx %arg15[%broadcast_in_dim3A_840, %add3A_823], %gather3A_841 : memref<16x128xf32, #tpu.memory_space<vmem>>[vector<16xi32>, vector<16xi32>], vector<16xf32>,
    %broadcast_in_dim3A_842 = arith.constant 6 : i32
    %broadcast_in_dim3A_843 = vector.broadcast %broadcast_in_dim3A_842 : i32 to vector<16xi32>
    %gather3A_844 = tpu.vector_load_idx %arg13[%broadcast_in_dim3A_843, %add3A_820] : memref<16x2048xf32, #tpu.memory_space<vmem>>[vector<16xi32>, vector<16xi32>], vector<16xf32>,
    tpu.vector_store_idx %arg15[%broadcast_in_dim3A_843, %add3A_823], %gather3A_844 : memref<16x128xf32, #tpu.memory_space<vmem>>[vector<16xi32>, vector<16xi32>], vector<16xf32>,
    %broadcast_in_dim3A_845 = arith.constant 7 : i32
    %broadcast_in_dim3A_846 = vector.broadcast %broadcast_in_dim3A_845 : i32 to vector<16xi32>
    %gather3A_847 = tpu.vector_load_idx %arg13[%broadcast_in_dim3A_846, %add3A_820] : memref<16x2048xf32, #tpu.memory_space<vmem>>[vector<16xi32>, vector<16xi32>], vector<16xf32>,
    tpu.vector_store_idx %arg15[%broadcast_in_dim3A_846, %add3A_823], %gather3A_847 : memref<16x128xf32, #tpu.memory_space<vmem>>[vector<16xi32>, vector<16xi32>], vector<16xf32>,
    %broadcast_in_dim3A_848 = arith.constant 8 : i32
    %broadcast_in_dim3A_849 = vector.broadcast %broadcast_in_dim3A_848 : i32 to vector<16xi32>
    %gather3A_850 = tpu.vector_load_idx %arg13[%broadcast_in_dim3A_849, %add3A_820] : memref<16x2048xf32, #tpu.memory_space<vmem>>[vector<16xi32>, vector<16xi32>], vector<16xf32>,
    tpu.vector_store_idx %arg15[%broadcast_in_dim3A_849, %add3A_823], %gather3A_850 : memref<16x128xf32, #tpu.memory_space<vmem>>[vector<16xi32>, vector<16xi32>], vector<16xf32>,
    %broadcast_in_dim3A_851 = arith.constant 9 : i32
    %broadcast_in_dim3A_852 = vector.broadcast %broadcast_in_dim3A_851 : i32 to vector<16xi32>
    %gather3A_853 = tpu.vector_load_idx %arg13[%broadcast_in_dim3A_852, %add3A_820] : memref<16x2048xf32, #tpu.memory_space<vmem>>[vector<16xi32>, vector<16xi32>], vector<16xf32>,
    tpu.vector_store_idx %arg15[%broadcast_in_dim3A_852, %add3A_823], %gather3A_853 : memref<16x128xf32, #tpu.memory_space<vmem>>[vector<16xi32>, vector<16xi32>], vector<16xf32>,
    %broadcast_in_dim3A_854 = arith.constant 10 : i32
    %broadcast_in_dim3A_855 = vector.broadcast %broadcast_in_dim3A_854 : i32 to vector<16xi32>
    %gather3A_856 = tpu.vector_load_idx %arg13[%broadcast_in_dim3A_855, %add3A_820] : memref<16x2048xf32, #tpu.memory_space<vmem>>[vector<16xi32>, vector<16xi32>], vector<16xf32>,
    tpu.vector_store_idx %arg15[%broadcast_in_dim3A_855, %add3A_823], %gather3A_856 : memref<16x128xf32, #tpu.memory_space<vmem>>[vector<16xi32>, vector<16xi32>], vector<16xf32>,
    %broadcast_in_dim3A_857 = arith.constant 11 : i32
    %broadcast_in_dim3A_858 = vector.broadcast %broadcast_in_dim3A_857 : i32 to vector<16xi32>
    %gather3A_859 = tpu.vector_load_idx %arg13[%broadcast_in_dim3A_858, %add3A_820] : memref<16x2048xf32, #tpu.memory_space<vmem>>[vector<16xi32>, vector<16xi32>], vector<16xf32>,
    tpu.vector_store_idx %arg15[%broadcast_in_dim3A_858, %add3A_823], %gather3A_859 : memref<16x128xf32, #tpu.memory_space<vmem>>[vector<16xi32>, vector<16xi32>], vector<16xf32>,
    %broadcast_in_dim3A_860 = arith.constant 12 : i32
    %broadcast_in_dim3A_861 = vector.broadcast %broadcast_in_dim3A_860 : i32 to vector<16xi32>
    %gather3A_862 = tpu.vector_load_idx %arg13[%broadcast_in_dim3A_861, %add3A_820] : memref<16x2048xf32, #tpu.memory_space<vmem>>[vector<16xi32>, vector<16xi32>], vector<16xf32>,
    tpu.vector_store_idx %arg15[%broadcast_in_dim3A_861, %add3A_823], %gather3A_862 : memref<16x128xf32, #tpu.memory_space<vmem>>[vector<16xi32>, vector<16xi32>], vector<16xf32>,
    %broadcast_in_dim3A_863 = arith.constant 13 : i32
    %broadcast_in_dim3A_864 = vector.broadcast %broadcast_in_dim3A_863 : i32 to vector<16xi32>
    %gather3A_865 = tpu.vector_load_idx %arg13[%broadcast_in_dim3A_864, %add3A_820] : memref<16x2048xf32, #tpu.memory_space<vmem>>[vector<16xi32>, vector<16xi32>], vector<16xf32>,
    tpu.vector_store_idx %arg15[%broadcast_in_dim3A_864, %add3A_823], %gather3A_865 : memref<16x128xf32, #tpu.memory_space<vmem>>[vector<16xi32>, vector<16xi32>], vector<16xf32>,
    %broadcast_in_dim3A_866 = arith.constant 14 : i32
    %broadcast_in_dim3A_867 = vector.broadcast %broadcast_in_dim3A_866 : i32 to vector<16xi32>
    %gather3A_868 = tpu.vector_load_idx %arg13[%broadcast_in_dim3A_867, %add3A_820] : memref<16x2048xf32, #tpu.memory_space<vmem>>[vector<16xi32>, vector<16xi32>], vector<16xf32>,
    tpu.vector_store_idx %arg15[%broadcast_in_dim3A_867, %add3A_823], %gather3A_868 : memref<16x128xf32, #tpu.memory_space<vmem>>[vector<16xi32>, vector<16xi32>], vector<16xf32>,
    %broadcast_in_dim3A_869 = arith.constant 15 : i32
    %broadcast_in_dim3A_870 = vector.broadcast %broadcast_in_dim3A_869 : i32 to vector<16xi32>
    %gather3A_871 = tpu.vector_load_idx %arg13[%broadcast_in_dim3A_870, %add3A_820] : memref<16x2048xf32, #tpu.memory_space<vmem>>[vector<16xi32>, vector<16xi32>], vector<16xf32>,
    tpu.vector_store_idx %arg15[%broadcast_in_dim3A_870, %add3A_823], %gather3A_871 : memref<16x128xf32, #tpu.memory_space<vmem>>[vector<16xi32>, vector<16xi32>], vector<16xf32>,
    %scan3A_872 = arith.constant 0 : i32
    %scan3A_873 = arith.constant 0 : i32
    %scan3A_874 = arith.constant 16 : i32
    %scan3A_875 = arith.addi %scan3A_873, %scan3A_874 : i32
    %scan3A_876 = arith.constant 1 : i32
    %scan3A_877 = scf.for %scan3A_1149 = %scan3A_873 to %scan3A_875 step %scan3A_876 iter_args(%scan3A_1150 = %scan3A_872) -> (i32)  : i32 {
      %add3A_1151 = arith.constant 96 : i32
      %add3A_1152 = arith.addi %add3A_1151, %scan3A_1149 : i32
      %get3A_1153 = arith.index_cast %add3A_1152 : i32 to index
      %get3A_1154 = tpu.vector_load %arg10[%get3A_1153] {strides = array<i32>} : memref<144xi32, #tpu.memory_space<vmem>>, vector<16xi32>,
      %slice3A = vector.extract_strided_slice %get3A_1154 {offsets = [0], sizes = [1], strides = [1]} : vector<16xi32> to vector<1xi32>
      %squeeze3A = vector.extract %slice3A[0] : i32 from vector<1xi32>
      %mul3A_1155 = arith.constant 128 : i32
      %mul3A_1156 = arith.muli %squeeze3A, %mul3A_1155 : i32
      %multiple_of3A_1157 = tpu.assume_multiple %mul3A_1156, 128 : i32
      %mul3A_1158 = arith.constant 128 : i32
      %mul3A_1159 = arith.muli %scan3A_1149, %mul3A_1158 : i32
      %multiple_of3A_1160 = tpu.assume_multiple %mul3A_1159, 128 : i32
      %dma_start3A = arith.constant 0 : i32
      %dma_start3A_1161 = tpu.memref_slice %arg13[%dma_start3A, %multiple_of3A_1160] : memref<16x2048xf32, #tpu.memory_space<vmem>> -> memref<16x128xf32, #tpu.memory_space<vmem>>
      %dma_start3A_1162 = arith.constant 0 : i32
      %dma_start3A_1163 = tpu.memref_slice %arg3[%dma_start3A_1162, %multiple_of3A_1157] : memref<16x1000000xf32, #tpu.memory_space<hbm>> -> memref<16x128xf32, #tpu.memory_space<hbm>>
      %dma_start3A_1164 = arith.constant 0 : i32
      %dma_start3A_1165 = tpu.memref_slice %arg13[%dma_start3A_1164, %multiple_of3A_1160] : memref<16x2048xf32, #tpu.memory_space<vmem>> -> memref<16x128xf32, #tpu.memory_space<vmem>>
      %dma_start3A_1166 = arith.constant 0 : i32
      %dma_start3A_1167 = tpu.memref_slice %arg3[%dma_start3A_1166, %multiple_of3A_1157] : memref<16x1000000xf32, #tpu.memory_space<hbm>> -> memref<16x128xf32, #tpu.memory_space<hbm>>
      tpu.enqueue_dma source(%dma_start3A_1167 : memref<16x128xf32, #tpu.memory_space<hbm>>) target(%dma_start3A_1165 : memref<16x128xf32, #tpu.memory_space<vmem>>) target_semaphore(%arg17 : memref<!tpu.dma_semaphore, #tpu.memory_space<semaphore_mem>>)
      %scan3A_1168 = arith.constant 0 : i32
      scf.yield %scan3A_1168 : i32
    }
    %scan3A_878 = arith.constant 16 : i32
    %scan3A_879 = arith.constant 0 : i32
    %scan3A_880 = arith.constant 0 : i32
    %scan3A_881 = arith.constant 16 : i32
    %scan3A_882 = arith.addi %scan3A_880, %scan3A_881 : i32
    %scan3A_883 = arith.constant 1 : i32
    %scan3A_884 = scf.for %scan3A_1149 = %scan3A_880 to %scan3A_882 step %scan3A_883 iter_args(%scan3A_1150 = %scan3A_879) -> (i32)  : i32 {
      %add3A_1151 = arith.constant 96 : i32
      %add3A_1152 = arith.addi %add3A_1151, %scan3A_1149 : i32
      %get3A_1153 = arith.index_cast %add3A_1152 : i32 to index
      %get3A_1154 = tpu.vector_load %arg8[%get3A_1153] {strides = array<i32>} : memref<144xi32, #tpu.memory_space<vmem>>, vector<16xi32>,
      %slice3A = vector.extract_strided_slice %get3A_1154 {offsets = [0], sizes = [1], strides = [1]} : vector<16xi32> to vector<1xi32>
      %squeeze3A = vector.extract %slice3A[0] : i32 from vector<1xi32>
      %mul3A_1155 = arith.constant 128 : i32
      %mul3A_1156 = arith.muli %squeeze3A, %mul3A_1155 : i32
      %multiple_of3A_1157 = tpu.assume_multiple %mul3A_1156, 128 : i32
      %mul3A_1158 = arith.constant 128 : i32
      %mul3A_1159 = arith.muli %scan3A_1149, %mul3A_1158 : i32
      %multiple_of3A_1160 = tpu.assume_multiple %mul3A_1159, 128 : i32
      %dma_wait3A = arith.constant 0 : i32
      %dma_wait3A_1161 = tpu.memref_slice %arg12[%dma_wait3A, %multiple_of3A_1160] : memref<16x2048xf32, #tpu.memory_space<vmem>> -> memref<16x128xf32, #tpu.memory_space<vmem>>
      %dma_wait3A_1162 = arith.constant 0 : i32
      %dma_wait3A_1163 = tpu.memref_slice %arg2[%dma_wait3A_1162, %multiple_of3A_1157] : memref<16x1000000xf32, #tpu.memory_space<hbm>> -> memref<16x128xf32, #tpu.memory_space<hbm>>
      %dma_wait3A_1164 = arith.constant 0 : i32
      %dma_wait3A_1165 = tpu.memref_slice %arg12[%dma_wait3A_1164, %multiple_of3A_1160] : memref<16x2048xf32, #tpu.memory_space<vmem>> -> memref<16x128xf32, #tpu.memory_space<vmem>>
      %dma_wait3A_1166 = arith.constant 0 : i32
      %dma_wait3A_1167 = tpu.memref_slice %arg2[%dma_wait3A_1166, %multiple_of3A_1157] : memref<16x1000000xf32, #tpu.memory_space<hbm>> -> memref<16x128xf32, #tpu.memory_space<hbm>>
      tpu.wait_dma2 semaphore(%arg16 : memref<!tpu.dma_semaphore, #tpu.memory_space<semaphore_mem>>) src(%dma_wait3A_1167 : memref<16x128xf32, #tpu.memory_space<hbm>>) dst(%dma_wait3A_1165 : memref<16x128xf32, #tpu.memory_space<vmem>>)
      %scan3A_1168 = arith.constant 0 : i32
      scf.yield %scan3A_1168 : i32
    }
    %scan3A_885 = arith.constant 16 : i32
    %get3A_886 = arith.constant 96 : index
    %get3A_887 = tpu.vector_load %arg9[%get3A_886] {strides = array<i32>} : memref<128xi32, #tpu.memory_space<vmem>>, vector<16xi32>,
    %mul3A_888 = arith.constant 128 : i32
    %mul3A_889 = vector.broadcast %mul3A_888 : i32 to vector<16xi32>
    %mul3A_890 = arith.muli %iota3A, %mul3A_889 : vector<16xi32>
    %add3A_891 = arith.addi %mul3A_890, %get3A_887 : vector<16xi32>
    %add3A_892 = arith.constant 96 : i32
    %add3A_893 = vector.broadcast %add3A_892 : i32 to vector<16xi32>
    %add3A_894 = arith.addi %iota3A, %add3A_893 : vector<16xi32>
    %broadcast_in_dim3A_895 = arith.constant 0 : i32
    %broadcast_in_dim3A_896 = vector.broadcast %broadcast_in_dim3A_895 : i32 to vector<16xi32>
    %gather3A_897 = tpu.vector_load_idx %arg12[%broadcast_in_dim3A_896, %add3A_891] : memref<16x2048xf32, #tpu.memory_space<vmem>>[vector<16xi32>, vector<16xi32>], vector<16xf32>,
    tpu.vector_store_idx %arg14[%broadcast_in_dim3A_896, %add3A_894], %gather3A_897 : memref<16x128xf32, #tpu.memory_space<vmem>>[vector<16xi32>, vector<16xi32>], vector<16xf32>,
    %broadcast_in_dim3A_898 = arith.constant 1 : i32
    %broadcast_in_dim3A_899 = vector.broadcast %broadcast_in_dim3A_898 : i32 to vector<16xi32>
    %gather3A_900 = tpu.vector_load_idx %arg12[%broadcast_in_dim3A_899, %add3A_891] : memref<16x2048xf32, #tpu.memory_space<vmem>>[vector<16xi32>, vector<16xi32>], vector<16xf32>,
    tpu.vector_store_idx %arg14[%broadcast_in_dim3A_899, %add3A_894], %gather3A_900 : memref<16x128xf32, #tpu.memory_space<vmem>>[vector<16xi32>, vector<16xi32>], vector<16xf32>,
    %broadcast_in_dim3A_901 = arith.constant 2 : i32
    %broadcast_in_dim3A_902 = vector.broadcast %broadcast_in_dim3A_901 : i32 to vector<16xi32>
    %gather3A_903 = tpu.vector_load_idx %arg12[%broadcast_in_dim3A_902, %add3A_891] : memref<16x2048xf32, #tpu.memory_space<vmem>>[vector<16xi32>, vector<16xi32>], vector<16xf32>,
    tpu.vector_store_idx %arg14[%broadcast_in_dim3A_902, %add3A_894], %gather3A_903 : memref<16x128xf32, #tpu.memory_space<vmem>>[vector<16xi32>, vector<16xi32>], vector<16xf32>,
    %broadcast_in_dim3A_904 = arith.constant 3 : i32
    %broadcast_in_dim3A_905 = vector.broadcast %broadcast_in_dim3A_904 : i32 to vector<16xi32>
    %gather3A_906 = tpu.vector_load_idx %arg12[%broadcast_in_dim3A_905, %add3A_891] : memref<16x2048xf32, #tpu.memory_space<vmem>>[vector<16xi32>, vector<16xi32>], vector<16xf32>,
    tpu.vector_store_idx %arg14[%broadcast_in_dim3A_905, %add3A_894], %gather3A_906 : memref<16x128xf32, #tpu.memory_space<vmem>>[vector<16xi32>, vector<16xi32>], vector<16xf32>,
    %broadcast_in_dim3A_907 = arith.constant 4 : i32
    %broadcast_in_dim3A_908 = vector.broadcast %broadcast_in_dim3A_907 : i32 to vector<16xi32>
    %gather3A_909 = tpu.vector_load_idx %arg12[%broadcast_in_dim3A_908, %add3A_891] : memref<16x2048xf32, #tpu.memory_space<vmem>>[vector<16xi32>, vector<16xi32>], vector<16xf32>,
    tpu.vector_store_idx %arg14[%broadcast_in_dim3A_908, %add3A_894], %gather3A_909 : memref<16x128xf32, #tpu.memory_space<vmem>>[vector<16xi32>, vector<16xi32>], vector<16xf32>,
    %broadcast_in_dim3A_910 = arith.constant 5 : i32
    %broadcast_in_dim3A_911 = vector.broadcast %broadcast_in_dim3A_910 : i32 to vector<16xi32>
    %gather3A_912 = tpu.vector_load_idx %arg12[%broadcast_in_dim3A_911, %add3A_891] : memref<16x2048xf32, #tpu.memory_space<vmem>>[vector<16xi32>, vector<16xi32>], vector<16xf32>,
    tpu.vector_store_idx %arg14[%broadcast_in_dim3A_911, %add3A_894], %gather3A_912 : memref<16x128xf32, #tpu.memory_space<vmem>>[vector<16xi32>, vector<16xi32>], vector<16xf32>,
    %broadcast_in_dim3A_913 = arith.constant 6 : i32
    %broadcast_in_dim3A_914 = vector.broadcast %broadcast_in_dim3A_913 : i32 to vector<16xi32>
    %gather3A_915 = tpu.vector_load_idx %arg12[%broadcast_in_dim3A_914, %add3A_891] : memref<16x2048xf32, #tpu.memory_space<vmem>>[vector<16xi32>, vector<16xi32>], vector<16xf32>,
    tpu.vector_store_idx %arg14[%broadcast_in_dim3A_914, %add3A_894], %gather3A_915 : memref<16x128xf32, #tpu.memory_space<vmem>>[vector<16xi32>, vector<16xi32>], vector<16xf32>,
    %broadcast_in_dim3A_916 = arith.constant 7 : i32
    %broadcast_in_dim3A_917 = vector.broadcast %broadcast_in_dim3A_916 : i32 to vector<16xi32>
    %gather3A_918 = tpu.vector_load_idx %arg12[%broadcast_in_dim3A_917, %add3A_891] : memref<16x2048xf32, #tpu.memory_space<vmem>>[vector<16xi32>, vector<16xi32>], vector<16xf32>,
    tpu.vector_store_idx %arg14[%broadcast_in_dim3A_917, %add3A_894], %gather3A_918 : memref<16x128xf32, #tpu.memory_space<vmem>>[vector<16xi32>, vector<16xi32>], vector<16xf32>,
    %broadcast_in_dim3A_919 = arith.constant 8 : i32
    %broadcast_in_dim3A_920 = vector.broadcast %broadcast_in_dim3A_919 : i32 to vector<16xi32>
    %gather3A_921 = tpu.vector_load_idx %arg12[%broadcast_in_dim3A_920, %add3A_891] : memref<16x2048xf32, #tpu.memory_space<vmem>>[vector<16xi32>, vector<16xi32>], vector<16xf32>,
    tpu.vector_store_idx %arg14[%broadcast_in_dim3A_920, %add3A_894], %gather3A_921 : memref<16x128xf32, #tpu.memory_space<vmem>>[vector<16xi32>, vector<16xi32>], vector<16xf32>,
    %broadcast_in_dim3A_922 = arith.constant 9 : i32
    %broadcast_in_dim3A_923 = vector.broadcast %broadcast_in_dim3A_922 : i32 to vector<16xi32>
    %gather3A_924 = tpu.vector_load_idx %arg12[%broadcast_in_dim3A_923, %add3A_891] : memref<16x2048xf32, #tpu.memory_space<vmem>>[vector<16xi32>, vector<16xi32>], vector<16xf32>,
    tpu.vector_store_idx %arg14[%broadcast_in_dim3A_923, %add3A_894], %gather3A_924 : memref<16x128xf32, #tpu.memory_space<vmem>>[vector<16xi32>, vector<16xi32>], vector<16xf32>,
    %broadcast_in_dim3A_925 = arith.constant 10 : i32
    %broadcast_in_dim3A_926 = vector.broadcast %broadcast_in_dim3A_925 : i32 to vector<16xi32>
    %gather3A_927 = tpu.vector_load_idx %arg12[%broadcast_in_dim3A_926, %add3A_891] : memref<16x2048xf32, #tpu.memory_space<vmem>>[vector<16xi32>, vector<16xi32>], vector<16xf32>,
    tpu.vector_store_idx %arg14[%broadcast_in_dim3A_926, %add3A_894], %gather3A_927 : memref<16x128xf32, #tpu.memory_space<vmem>>[vector<16xi32>, vector<16xi32>], vector<16xf32>,
    %broadcast_in_dim3A_928 = arith.constant 11 : i32
    %broadcast_in_dim3A_929 = vector.broadcast %broadcast_in_dim3A_928 : i32 to vector<16xi32>
    %gather3A_930 = tpu.vector_load_idx %arg12[%broadcast_in_dim3A_929, %add3A_891] : memref<16x2048xf32, #tpu.memory_space<vmem>>[vector<16xi32>, vector<16xi32>], vector<16xf32>,
    tpu.vector_store_idx %arg14[%broadcast_in_dim3A_929, %add3A_894], %gather3A_930 : memref<16x128xf32, #tpu.memory_space<vmem>>[vector<16xi32>, vector<16xi32>], vector<16xf32>,
    %broadcast_in_dim3A_931 = arith.constant 12 : i32
    %broadcast_in_dim3A_932 = vector.broadcast %broadcast_in_dim3A_931 : i32 to vector<16xi32>
    %gather3A_933 = tpu.vector_load_idx %arg12[%broadcast_in_dim3A_932, %add3A_891] : memref<16x2048xf32, #tpu.memory_space<vmem>>[vector<16xi32>, vector<16xi32>], vector<16xf32>,
    tpu.vector_store_idx %arg14[%broadcast_in_dim3A_932, %add3A_894], %gather3A_933 : memref<16x128xf32, #tpu.memory_space<vmem>>[vector<16xi32>, vector<16xi32>], vector<16xf32>,
    %broadcast_in_dim3A_934 = arith.constant 13 : i32
    %broadcast_in_dim3A_935 = vector.broadcast %broadcast_in_dim3A_934 : i32 to vector<16xi32>
    %gather3A_936 = tpu.vector_load_idx %arg12[%broadcast_in_dim3A_935, %add3A_891] : memref<16x2048xf32, #tpu.memory_space<vmem>>[vector<16xi32>, vector<16xi32>], vector<16xf32>,
    tpu.vector_store_idx %arg14[%broadcast_in_dim3A_935, %add3A_894], %gather3A_936 : memref<16x128xf32, #tpu.memory_space<vmem>>[vector<16xi32>, vector<16xi32>], vector<16xf32>,
    %broadcast_in_dim3A_937 = arith.constant 14 : i32
    %broadcast_in_dim3A_938 = vector.broadcast %broadcast_in_dim3A_937 : i32 to vector<16xi32>
    %gather3A_939 = tpu.vector_load_idx %arg12[%broadcast_in_dim3A_938, %add3A_891] : memref<16x2048xf32, #tpu.memory_space<vmem>>[vector<16xi32>, vector<16xi32>], vector<16xf32>,
    tpu.vector_store_idx %arg14[%broadcast_in_dim3A_938, %add3A_894], %gather3A_939 : memref<16x128xf32, #tpu.memory_space<vmem>>[vector<16xi32>, vector<16xi32>], vector<16xf32>,
    %broadcast_in_dim3A_940 = arith.constant 15 : i32
    %broadcast_in_dim3A_941 = vector.broadcast %broadcast_in_dim3A_940 : i32 to vector<16xi32>
    %gather3A_942 = tpu.vector_load_idx %arg12[%broadcast_in_dim3A_941, %add3A_891] : memref<16x2048xf32, #tpu.memory_space<vmem>>[vector<16xi32>, vector<16xi32>], vector<16xf32>,
    tpu.vector_store_idx %arg14[%broadcast_in_dim3A_941, %add3A_894], %gather3A_942 : memref<16x128xf32, #tpu.memory_space<vmem>>[vector<16xi32>, vector<16xi32>], vector<16xf32>,
    %scan3A_943 = arith.constant 0 : i32
    %scan3A_944 = arith.constant 0 : i32
    %scan3A_945 = arith.constant 16 : i32
    %scan3A_946 = arith.addi %scan3A_944, %scan3A_945 : i32
    %scan3A_947 = arith.constant 1 : i32
    %scan3A_948 = scf.for %scan3A_1149 = %scan3A_944 to %scan3A_946 step %scan3A_947 iter_args(%scan3A_1150 = %scan3A_943) -> (i32)  : i32 {
      %add3A_1151 = arith.constant 112 : i32
      %add3A_1152 = arith.addi %add3A_1151, %scan3A_1149 : i32
      %get3A_1153 = arith.index_cast %add3A_1152 : i32 to index
      %get3A_1154 = tpu.vector_load %arg8[%get3A_1153] {strides = array<i32>} : memref<144xi32, #tpu.memory_space<vmem>>, vector<16xi32>,
      %slice3A = vector.extract_strided_slice %get3A_1154 {offsets = [0], sizes = [1], strides = [1]} : vector<16xi32> to vector<1xi32>
      %squeeze3A = vector.extract %slice3A[0] : i32 from vector<1xi32>
      %mul3A_1155 = arith.constant 128 : i32
      %mul3A_1156 = arith.muli %squeeze3A, %mul3A_1155 : i32
      %multiple_of3A_1157 = tpu.assume_multiple %mul3A_1156, 128 : i32
      %mul3A_1158 = arith.constant 128 : i32
      %mul3A_1159 = arith.muli %scan3A_1149, %mul3A_1158 : i32
      %multiple_of3A_1160 = tpu.assume_multiple %mul3A_1159, 128 : i32
      %dma_start3A = arith.constant 0 : i32
      %dma_start3A_1161 = tpu.memref_slice %arg12[%dma_start3A, %multiple_of3A_1160] : memref<16x2048xf32, #tpu.memory_space<vmem>> -> memref<16x128xf32, #tpu.memory_space<vmem>>
      %dma_start3A_1162 = arith.constant 0 : i32
      %dma_start3A_1163 = tpu.memref_slice %arg2[%dma_start3A_1162, %multiple_of3A_1157] : memref<16x1000000xf32, #tpu.memory_space<hbm>> -> memref<16x128xf32, #tpu.memory_space<hbm>>
      %dma_start3A_1164 = arith.constant 0 : i32
      %dma_start3A_1165 = tpu.memref_slice %arg12[%dma_start3A_1164, %multiple_of3A_1160] : memref<16x2048xf32, #tpu.memory_space<vmem>> -> memref<16x128xf32, #tpu.memory_space<vmem>>
      %dma_start3A_1166 = arith.constant 0 : i32
      %dma_start3A_1167 = tpu.memref_slice %arg2[%dma_start3A_1166, %multiple_of3A_1157] : memref<16x1000000xf32, #tpu.memory_space<hbm>> -> memref<16x128xf32, #tpu.memory_space<hbm>>
      tpu.enqueue_dma source(%dma_start3A_1167 : memref<16x128xf32, #tpu.memory_space<hbm>>) target(%dma_start3A_1165 : memref<16x128xf32, #tpu.memory_space<vmem>>) target_semaphore(%arg16 : memref<!tpu.dma_semaphore, #tpu.memory_space<semaphore_mem>>)
      %scan3A_1168 = arith.constant 0 : i32
      scf.yield %scan3A_1168 : i32
    }
    %scan3A_949 = arith.constant 16 : i32
    %scan3A_950 = arith.constant 0 : i32
    %scan3A_951 = arith.constant 0 : i32
    %scan3A_952 = arith.constant 16 : i32
    %scan3A_953 = arith.addi %scan3A_951, %scan3A_952 : i32
    %scan3A_954 = arith.constant 1 : i32
    %scan3A_955 = scf.for %scan3A_1149 = %scan3A_951 to %scan3A_953 step %scan3A_954 iter_args(%scan3A_1150 = %scan3A_950) -> (i32)  : i32 {
      %add3A_1151 = arith.constant 96 : i32
      %add3A_1152 = arith.addi %add3A_1151, %scan3A_1149 : i32
      %get3A_1153 = arith.index_cast %add3A_1152 : i32 to index
      %get3A_1154 = tpu.vector_load %arg10[%get3A_1153] {strides = array<i32>} : memref<144xi32, #tpu.memory_space<vmem>>, vector<16xi32>,
      %slice3A = vector.extract_strided_slice %get3A_1154 {offsets = [0], sizes = [1], strides = [1]} : vector<16xi32> to vector<1xi32>
      %squeeze3A = vector.extract %slice3A[0] : i32 from vector<1xi32>
      %mul3A_1155 = arith.constant 128 : i32
      %mul3A_1156 = arith.muli %squeeze3A, %mul3A_1155 : i32
      %multiple_of3A_1157 = tpu.assume_multiple %mul3A_1156, 128 : i32
      %mul3A_1158 = arith.constant 128 : i32
      %mul3A_1159 = arith.muli %scan3A_1149, %mul3A_1158 : i32
      %multiple_of3A_1160 = tpu.assume_multiple %mul3A_1159, 128 : i32
      %dma_wait3A = arith.constant 0 : i32
      %dma_wait3A_1161 = tpu.memref_slice %arg13[%dma_wait3A, %multiple_of3A_1160] : memref<16x2048xf32, #tpu.memory_space<vmem>> -> memref<16x128xf32, #tpu.memory_space<vmem>>
      %dma_wait3A_1162 = arith.constant 0 : i32
      %dma_wait3A_1163 = tpu.memref_slice %arg3[%dma_wait3A_1162, %multiple_of3A_1157] : memref<16x1000000xf32, #tpu.memory_space<hbm>> -> memref<16x128xf32, #tpu.memory_space<hbm>>
      %dma_wait3A_1164 = arith.constant 0 : i32
      %dma_wait3A_1165 = tpu.memref_slice %arg13[%dma_wait3A_1164, %multiple_of3A_1160] : memref<16x2048xf32, #tpu.memory_space<vmem>> -> memref<16x128xf32, #tpu.memory_space<vmem>>
      %dma_wait3A_1166 = arith.constant 0 : i32
      %dma_wait3A_1167 = tpu.memref_slice %arg3[%dma_wait3A_1166, %multiple_of3A_1157] : memref<16x1000000xf32, #tpu.memory_space<hbm>> -> memref<16x128xf32, #tpu.memory_space<hbm>>
      tpu.wait_dma2 semaphore(%arg17 : memref<!tpu.dma_semaphore, #tpu.memory_space<semaphore_mem>>) src(%dma_wait3A_1167 : memref<16x128xf32, #tpu.memory_space<hbm>>) dst(%dma_wait3A_1165 : memref<16x128xf32, #tpu.memory_space<vmem>>)
      %scan3A_1168 = arith.constant 0 : i32
      scf.yield %scan3A_1168 : i32
    }
    %scan3A_956 = arith.constant 16 : i32
    %get3A_957 = arith.constant 96 : index
    %get3A_958 = tpu.vector_load %arg11[%get3A_957] {strides = array<i32>} : memref<128xi32, #tpu.memory_space<vmem>>, vector<16xi32>,
    %mul3A_959 = arith.constant 128 : i32
    %mul3A_960 = vector.broadcast %mul3A_959 : i32 to vector<16xi32>
    %mul3A_961 = arith.muli %iota3A, %mul3A_960 : vector<16xi32>
    %add3A_962 = arith.addi %mul3A_961, %get3A_958 : vector<16xi32>
    %add3A_963 = arith.constant 96 : i32
    %add3A_964 = vector.broadcast %add3A_963 : i32 to vector<16xi32>
    %add3A_965 = arith.addi %iota3A, %add3A_964 : vector<16xi32>
    %broadcast_in_dim3A_966 = arith.constant 0 : i32
    %broadcast_in_dim3A_967 = vector.broadcast %broadcast_in_dim3A_966 : i32 to vector<16xi32>
    %gather3A_968 = tpu.vector_load_idx %arg13[%broadcast_in_dim3A_967, %add3A_962] : memref<16x2048xf32, #tpu.memory_space<vmem>>[vector<16xi32>, vector<16xi32>], vector<16xf32>,
    tpu.vector_store_idx %arg15[%broadcast_in_dim3A_967, %add3A_965], %gather3A_968 : memref<16x128xf32, #tpu.memory_space<vmem>>[vector<16xi32>, vector<16xi32>], vector<16xf32>,
    %broadcast_in_dim3A_969 = arith.constant 1 : i32
    %broadcast_in_dim3A_970 = vector.broadcast %broadcast_in_dim3A_969 : i32 to vector<16xi32>
    %gather3A_971 = tpu.vector_load_idx %arg13[%broadcast_in_dim3A_970, %add3A_962] : memref<16x2048xf32, #tpu.memory_space<vmem>>[vector<16xi32>, vector<16xi32>], vector<16xf32>,
    tpu.vector_store_idx %arg15[%broadcast_in_dim3A_970, %add3A_965], %gather3A_971 : memref<16x128xf32, #tpu.memory_space<vmem>>[vector<16xi32>, vector<16xi32>], vector<16xf32>,
    %broadcast_in_dim3A_972 = arith.constant 2 : i32
    %broadcast_in_dim3A_973 = vector.broadcast %broadcast_in_dim3A_972 : i32 to vector<16xi32>
    %gather3A_974 = tpu.vector_load_idx %arg13[%broadcast_in_dim3A_973, %add3A_962] : memref<16x2048xf32, #tpu.memory_space<vmem>>[vector<16xi32>, vector<16xi32>], vector<16xf32>,
    tpu.vector_store_idx %arg15[%broadcast_in_dim3A_973, %add3A_965], %gather3A_974 : memref<16x128xf32, #tpu.memory_space<vmem>>[vector<16xi32>, vector<16xi32>], vector<16xf32>,
    %broadcast_in_dim3A_975 = arith.constant 3 : i32
    %broadcast_in_dim3A_976 = vector.broadcast %broadcast_in_dim3A_975 : i32 to vector<16xi32>
    %gather3A_977 = tpu.vector_load_idx %arg13[%broadcast_in_dim3A_976, %add3A_962] : memref<16x2048xf32, #tpu.memory_space<vmem>>[vector<16xi32>, vector<16xi32>], vector<16xf32>,
    tpu.vector_store_idx %arg15[%broadcast_in_dim3A_976, %add3A_965], %gather3A_977 : memref<16x128xf32, #tpu.memory_space<vmem>>[vector<16xi32>, vector<16xi32>], vector<16xf32>,
    %broadcast_in_dim3A_978 = arith.constant 4 : i32
    %broadcast_in_dim3A_979 = vector.broadcast %broadcast_in_dim3A_978 : i32 to vector<16xi32>
    %gather3A_980 = tpu.vector_load_idx %arg13[%broadcast_in_dim3A_979, %add3A_962] : memref<16x2048xf32, #tpu.memory_space<vmem>>[vector<16xi32>, vector<16xi32>], vector<16xf32>,
    tpu.vector_store_idx %arg15[%broadcast_in_dim3A_979, %add3A_965], %gather3A_980 : memref<16x128xf32, #tpu.memory_space<vmem>>[vector<16xi32>, vector<16xi32>], vector<16xf32>,
    %broadcast_in_dim3A_981 = arith.constant 5 : i32
    %broadcast_in_dim3A_982 = vector.broadcast %broadcast_in_dim3A_981 : i32 to vector<16xi32>
    %gather3A_983 = tpu.vector_load_idx %arg13[%broadcast_in_dim3A_982, %add3A_962] : memref<16x2048xf32, #tpu.memory_space<vmem>>[vector<16xi32>, vector<16xi32>], vector<16xf32>,
    tpu.vector_store_idx %arg15[%broadcast_in_dim3A_982, %add3A_965], %gather3A_983 : memref<16x128xf32, #tpu.memory_space<vmem>>[vector<16xi32>, vector<16xi32>], vector<16xf32>,
    %broadcast_in_dim3A_984 = arith.constant 6 : i32
    %broadcast_in_dim3A_985 = vector.broadcast %broadcast_in_dim3A_984 : i32 to vector<16xi32>
    %gather3A_986 = tpu.vector_load_idx %arg13[%broadcast_in_dim3A_985, %add3A_962] : memref<16x2048xf32, #tpu.memory_space<vmem>>[vector<16xi32>, vector<16xi32>], vector<16xf32>,
    tpu.vector_store_idx %arg15[%broadcast_in_dim3A_985, %add3A_965], %gather3A_986 : memref<16x128xf32, #tpu.memory_space<vmem>>[vector<16xi32>, vector<16xi32>], vector<16xf32>,
    %broadcast_in_dim3A_987 = arith.constant 7 : i32
    %broadcast_in_dim3A_988 = vector.broadcast %broadcast_in_dim3A_987 : i32 to vector<16xi32>
    %gather3A_989 = tpu.vector_load_idx %arg13[%broadcast_in_dim3A_988, %add3A_962] : memref<16x2048xf32, #tpu.memory_space<vmem>>[vector<16xi32>, vector<16xi32>], vector<16xf32>,
    tpu.vector_store_idx %arg15[%broadcast_in_dim3A_988, %add3A_965], %gather3A_989 : memref<16x128xf32, #tpu.memory_space<vmem>>[vector<16xi32>, vector<16xi32>], vector<16xf32>,
    %broadcast_in_dim3A_990 = arith.constant 8 : i32
    %broadcast_in_dim3A_991 = vector.broadcast %broadcast_in_dim3A_990 : i32 to vector<16xi32>
    %gather3A_992 = tpu.vector_load_idx %arg13[%broadcast_in_dim3A_991, %add3A_962] : memref<16x2048xf32, #tpu.memory_space<vmem>>[vector<16xi32>, vector<16xi32>], vector<16xf32>,
    tpu.vector_store_idx %arg15[%broadcast_in_dim3A_991, %add3A_965], %gather3A_992 : memref<16x128xf32, #tpu.memory_space<vmem>>[vector<16xi32>, vector<16xi32>], vector<16xf32>,
    %broadcast_in_dim3A_993 = arith.constant 9 : i32
    %broadcast_in_dim3A_994 = vector.broadcast %broadcast_in_dim3A_993 : i32 to vector<16xi32>
    %gather3A_995 = tpu.vector_load_idx %arg13[%broadcast_in_dim3A_994, %add3A_962] : memref<16x2048xf32, #tpu.memory_space<vmem>>[vector<16xi32>, vector<16xi32>], vector<16xf32>,
    tpu.vector_store_idx %arg15[%broadcast_in_dim3A_994, %add3A_965], %gather3A_995 : memref<16x128xf32, #tpu.memory_space<vmem>>[vector<16xi32>, vector<16xi32>], vector<16xf32>,
    %broadcast_in_dim3A_996 = arith.constant 10 : i32
    %broadcast_in_dim3A_997 = vector.broadcast %broadcast_in_dim3A_996 : i32 to vector<16xi32>
    %gather3A_998 = tpu.vector_load_idx %arg13[%broadcast_in_dim3A_997, %add3A_962] : memref<16x2048xf32, #tpu.memory_space<vmem>>[vector<16xi32>, vector<16xi32>], vector<16xf32>,
    tpu.vector_store_idx %arg15[%broadcast_in_dim3A_997, %add3A_965], %gather3A_998 : memref<16x128xf32, #tpu.memory_space<vmem>>[vector<16xi32>, vector<16xi32>], vector<16xf32>,
    %broadcast_in_dim3A_999 = arith.constant 11 : i32
    %broadcast_in_dim3A_1000 = vector.broadcast %broadcast_in_dim3A_999 : i32 to vector<16xi32>
    %gather3A_1001 = tpu.vector_load_idx %arg13[%broadcast_in_dim3A_1000, %add3A_962] : memref<16x2048xf32, #tpu.memory_space<vmem>>[vector<16xi32>, vector<16xi32>], vector<16xf32>,
    tpu.vector_store_idx %arg15[%broadcast_in_dim3A_1000, %add3A_965], %gather3A_1001 : memref<16x128xf32, #tpu.memory_space<vmem>>[vector<16xi32>, vector<16xi32>], vector<16xf32>,
    %broadcast_in_dim3A_1002 = arith.constant 12 : i32
    %broadcast_in_dim3A_1003 = vector.broadcast %broadcast_in_dim3A_1002 : i32 to vector<16xi32>
    %gather3A_1004 = tpu.vector_load_idx %arg13[%broadcast_in_dim3A_1003, %add3A_962] : memref<16x2048xf32, #tpu.memory_space<vmem>>[vector<16xi32>, vector<16xi32>], vector<16xf32>,
    tpu.vector_store_idx %arg15[%broadcast_in_dim3A_1003, %add3A_965], %gather3A_1004 : memref<16x128xf32, #tpu.memory_space<vmem>>[vector<16xi32>, vector<16xi32>], vector<16xf32>,
    %broadcast_in_dim3A_1005 = arith.constant 13 : i32
    %broadcast_in_dim3A_1006 = vector.broadcast %broadcast_in_dim3A_1005 : i32 to vector<16xi32>
    %gather3A_1007 = tpu.vector_load_idx %arg13[%broadcast_in_dim3A_1006, %add3A_962] : memref<16x2048xf32, #tpu.memory_space<vmem>>[vector<16xi32>, vector<16xi32>], vector<16xf32>,
    tpu.vector_store_idx %arg15[%broadcast_in_dim3A_1006, %add3A_965], %gather3A_1007 : memref<16x128xf32, #tpu.memory_space<vmem>>[vector<16xi32>, vector<16xi32>], vector<16xf32>,
    %broadcast_in_dim3A_1008 = arith.constant 14 : i32
    %broadcast_in_dim3A_1009 = vector.broadcast %broadcast_in_dim3A_1008 : i32 to vector<16xi32>
    %gather3A_1010 = tpu.vector_load_idx %arg13[%broadcast_in_dim3A_1009, %add3A_962] : memref<16x2048xf32, #tpu.memory_space<vmem>>[vector<16xi32>, vector<16xi32>], vector<16xf32>,
    tpu.vector_store_idx %arg15[%broadcast_in_dim3A_1009, %add3A_965], %gather3A_1010 : memref<16x128xf32, #tpu.memory_space<vmem>>[vector<16xi32>, vector<16xi32>], vector<16xf32>,
    %broadcast_in_dim3A_1011 = arith.constant 15 : i32
    %broadcast_in_dim3A_1012 = vector.broadcast %broadcast_in_dim3A_1011 : i32 to vector<16xi32>
    %gather3A_1013 = tpu.vector_load_idx %arg13[%broadcast_in_dim3A_1012, %add3A_962] : memref<16x2048xf32, #tpu.memory_space<vmem>>[vector<16xi32>, vector<16xi32>], vector<16xf32>,
    tpu.vector_store_idx %arg15[%broadcast_in_dim3A_1012, %add3A_965], %gather3A_1013 : memref<16x128xf32, #tpu.memory_space<vmem>>[vector<16xi32>, vector<16xi32>], vector<16xf32>,
    %scan3A_1014 = arith.constant 0 : i32
    %scan3A_1015 = arith.constant 0 : i32
    %scan3A_1016 = arith.constant 16 : i32
    %scan3A_1017 = arith.addi %scan3A_1015, %scan3A_1016 : i32
    %scan3A_1018 = arith.constant 1 : i32
    %scan3A_1019 = scf.for %scan3A_1149 = %scan3A_1015 to %scan3A_1017 step %scan3A_1018 iter_args(%scan3A_1150 = %scan3A_1014) -> (i32)  : i32 {
      %add3A_1151 = arith.constant 112 : i32
      %add3A_1152 = arith.addi %add3A_1151, %scan3A_1149 : i32
      %get3A_1153 = arith.index_cast %add3A_1152 : i32 to index
      %get3A_1154 = tpu.vector_load %arg10[%get3A_1153] {strides = array<i32>} : memref<144xi32, #tpu.memory_space<vmem>>, vector<16xi32>,
      %slice3A = vector.extract_strided_slice %get3A_1154 {offsets = [0], sizes = [1], strides = [1]} : vector<16xi32> to vector<1xi32>
      %squeeze3A = vector.extract %slice3A[0] : i32 from vector<1xi32>
      %mul3A_1155 = arith.constant 128 : i32
      %mul3A_1156 = arith.muli %squeeze3A, %mul3A_1155 : i32
      %multiple_of3A_1157 = tpu.assume_multiple %mul3A_1156, 128 : i32
      %mul3A_1158 = arith.constant 128 : i32
      %mul3A_1159 = arith.muli %scan3A_1149, %mul3A_1158 : i32
      %multiple_of3A_1160 = tpu.assume_multiple %mul3A_1159, 128 : i32
      %dma_start3A = arith.constant 0 : i32
      %dma_start3A_1161 = tpu.memref_slice %arg13[%dma_start3A, %multiple_of3A_1160] : memref<16x2048xf32, #tpu.memory_space<vmem>> -> memref<16x128xf32, #tpu.memory_space<vmem>>
      %dma_start3A_1162 = arith.constant 0 : i32
      %dma_start3A_1163 = tpu.memref_slice %arg3[%dma_start3A_1162, %multiple_of3A_1157] : memref<16x1000000xf32, #tpu.memory_space<hbm>> -> memref<16x128xf32, #tpu.memory_space<hbm>>
      %dma_start3A_1164 = arith.constant 0 : i32
      %dma_start3A_1165 = tpu.memref_slice %arg13[%dma_start3A_1164, %multiple_of3A_1160] : memref<16x2048xf32, #tpu.memory_space<vmem>> -> memref<16x128xf32, #tpu.memory_space<vmem>>
      %dma_start3A_1166 = arith.constant 0 : i32
      %dma_start3A_1167 = tpu.memref_slice %arg3[%dma_start3A_1166, %multiple_of3A_1157] : memref<16x1000000xf32, #tpu.memory_space<hbm>> -> memref<16x128xf32, #tpu.memory_space<hbm>>
      tpu.enqueue_dma source(%dma_start3A_1167 : memref<16x128xf32, #tpu.memory_space<hbm>>) target(%dma_start3A_1165 : memref<16x128xf32, #tpu.memory_space<vmem>>) target_semaphore(%arg17 : memref<!tpu.dma_semaphore, #tpu.memory_space<semaphore_mem>>)
      %scan3A_1168 = arith.constant 0 : i32
      scf.yield %scan3A_1168 : i32
    }
    %scan3A_1020 = arith.constant 16 : i32
    %scan3A_1021 = arith.constant 0 : i32
    %scan3A_1022 = arith.constant 0 : i32
    %scan3A_1023 = arith.constant 16 : i32
    %scan3A_1024 = arith.addi %scan3A_1022, %scan3A_1023 : i32
    %scan3A_1025 = arith.constant 1 : i32
    %scan3A_1026 = scf.for %scan3A_1149 = %scan3A_1022 to %scan3A_1024 step %scan3A_1025 iter_args(%scan3A_1150 = %scan3A_1021) -> (i32)  : i32 {
      %add3A_1151 = arith.constant 112 : i32
      %add3A_1152 = arith.addi %add3A_1151, %scan3A_1149 : i32
      %get3A_1153 = arith.index_cast %add3A_1152 : i32 to index
      %get3A_1154 = tpu.vector_load %arg8[%get3A_1153] {strides = array<i32>} : memref<144xi32, #tpu.memory_space<vmem>>, vector<16xi32>,
      %slice3A = vector.extract_strided_slice %get3A_1154 {offsets = [0], sizes = [1], strides = [1]} : vector<16xi32> to vector<1xi32>
      %squeeze3A = vector.extract %slice3A[0] : i32 from vector<1xi32>
      %mul3A_1155 = arith.constant 128 : i32
      %mul3A_1156 = arith.muli %squeeze3A, %mul3A_1155 : i32
      %multiple_of3A_1157 = tpu.assume_multiple %mul3A_1156, 128 : i32
      %mul3A_1158 = arith.constant 128 : i32
      %mul3A_1159 = arith.muli %scan3A_1149, %mul3A_1158 : i32
      %multiple_of3A_1160 = tpu.assume_multiple %mul3A_1159, 128 : i32
      %dma_wait3A = arith.constant 0 : i32
      %dma_wait3A_1161 = tpu.memref_slice %arg12[%dma_wait3A, %multiple_of3A_1160] : memref<16x2048xf32, #tpu.memory_space<vmem>> -> memref<16x128xf32, #tpu.memory_space<vmem>>
      %dma_wait3A_1162 = arith.constant 0 : i32
      %dma_wait3A_1163 = tpu.memref_slice %arg2[%dma_wait3A_1162, %multiple_of3A_1157] : memref<16x1000000xf32, #tpu.memory_space<hbm>> -> memref<16x128xf32, #tpu.memory_space<hbm>>
      %dma_wait3A_1164 = arith.constant 0 : i32
      %dma_wait3A_1165 = tpu.memref_slice %arg12[%dma_wait3A_1164, %multiple_of3A_1160] : memref<16x2048xf32, #tpu.memory_space<vmem>> -> memref<16x128xf32, #tpu.memory_space<vmem>>
      %dma_wait3A_1166 = arith.constant 0 : i32
      %dma_wait3A_1167 = tpu.memref_slice %arg2[%dma_wait3A_1166, %multiple_of3A_1157] : memref<16x1000000xf32, #tpu.memory_space<hbm>> -> memref<16x128xf32, #tpu.memory_space<hbm>>
      tpu.wait_dma2 semaphore(%arg16 : memref<!tpu.dma_semaphore, #tpu.memory_space<semaphore_mem>>) src(%dma_wait3A_1167 : memref<16x128xf32, #tpu.memory_space<hbm>>) dst(%dma_wait3A_1165 : memref<16x128xf32, #tpu.memory_space<vmem>>)
      %scan3A_1168 = arith.constant 0 : i32
      scf.yield %scan3A_1168 : i32
    }
    %scan3A_1027 = arith.constant 16 : i32
    %get3A_1028 = arith.constant 112 : index
    %get3A_1029 = tpu.vector_load %arg9[%get3A_1028] {strides = array<i32>} : memref<128xi32, #tpu.memory_space<vmem>>, vector<16xi32>,
    %mul3A_1030 = arith.constant 128 : i32
    %mul3A_1031 = vector.broadcast %mul3A_1030 : i32 to vector<16xi32>
    %mul3A_1032 = arith.muli %iota3A, %mul3A_1031 : vector<16xi32>
    %add3A_1033 = arith.addi %mul3A_1032, %get3A_1029 : vector<16xi32>
    %add3A_1034 = arith.constant 112 : i32
    %add3A_1035 = vector.broadcast %add3A_1034 : i32 to vector<16xi32>
    %add3A_1036 = arith.addi %iota3A, %add3A_1035 : vector<16xi32>
    %broadcast_in_dim3A_1037 = arith.constant 0 : i32
    %broadcast_in_dim3A_1038 = vector.broadcast %broadcast_in_dim3A_1037 : i32 to vector<16xi32>
    %gather3A_1039 = tpu.vector_load_idx %arg12[%broadcast_in_dim3A_1038, %add3A_1033] : memref<16x2048xf32, #tpu.memory_space<vmem>>[vector<16xi32>, vector<16xi32>], vector<16xf32>,
    tpu.vector_store_idx %arg14[%broadcast_in_dim3A_1038, %add3A_1036], %gather3A_1039 : memref<16x128xf32, #tpu.memory_space<vmem>>[vector<16xi32>, vector<16xi32>], vector<16xf32>,
    %broadcast_in_dim3A_1040 = arith.constant 1 : i32
    %broadcast_in_dim3A_1041 = vector.broadcast %broadcast_in_dim3A_1040 : i32 to vector<16xi32>
    %gather3A_1042 = tpu.vector_load_idx %arg12[%broadcast_in_dim3A_1041, %add3A_1033] : memref<16x2048xf32, #tpu.memory_space<vmem>>[vector<16xi32>, vector<16xi32>], vector<16xf32>,
    tpu.vector_store_idx %arg14[%broadcast_in_dim3A_1041, %add3A_1036], %gather3A_1042 : memref<16x128xf32, #tpu.memory_space<vmem>>[vector<16xi32>, vector<16xi32>], vector<16xf32>,
    %broadcast_in_dim3A_1043 = arith.constant 2 : i32
    %broadcast_in_dim3A_1044 = vector.broadcast %broadcast_in_dim3A_1043 : i32 to vector<16xi32>
    %gather3A_1045 = tpu.vector_load_idx %arg12[%broadcast_in_dim3A_1044, %add3A_1033] : memref<16x2048xf32, #tpu.memory_space<vmem>>[vector<16xi32>, vector<16xi32>], vector<16xf32>,
    tpu.vector_store_idx %arg14[%broadcast_in_dim3A_1044, %add3A_1036], %gather3A_1045 : memref<16x128xf32, #tpu.memory_space<vmem>>[vector<16xi32>, vector<16xi32>], vector<16xf32>,
    %broadcast_in_dim3A_1046 = arith.constant 3 : i32
    %broadcast_in_dim3A_1047 = vector.broadcast %broadcast_in_dim3A_1046 : i32 to vector<16xi32>
    %gather3A_1048 = tpu.vector_load_idx %arg12[%broadcast_in_dim3A_1047, %add3A_1033] : memref<16x2048xf32, #tpu.memory_space<vmem>>[vector<16xi32>, vector<16xi32>], vector<16xf32>,
    tpu.vector_store_idx %arg14[%broadcast_in_dim3A_1047, %add3A_1036], %gather3A_1048 : memref<16x128xf32, #tpu.memory_space<vmem>>[vector<16xi32>, vector<16xi32>], vector<16xf32>,
    %broadcast_in_dim3A_1049 = arith.constant 4 : i32
    %broadcast_in_dim3A_1050 = vector.broadcast %broadcast_in_dim3A_1049 : i32 to vector<16xi32>
    %gather3A_1051 = tpu.vector_load_idx %arg12[%broadcast_in_dim3A_1050, %add3A_1033] : memref<16x2048xf32, #tpu.memory_space<vmem>>[vector<16xi32>, vector<16xi32>], vector<16xf32>,
    tpu.vector_store_idx %arg14[%broadcast_in_dim3A_1050, %add3A_1036], %gather3A_1051 : memref<16x128xf32, #tpu.memory_space<vmem>>[vector<16xi32>, vector<16xi32>], vector<16xf32>,
    %broadcast_in_dim3A_1052 = arith.constant 5 : i32
    %broadcast_in_dim3A_1053 = vector.broadcast %broadcast_in_dim3A_1052 : i32 to vector<16xi32>
    %gather3A_1054 = tpu.vector_load_idx %arg12[%broadcast_in_dim3A_1053, %add3A_1033] : memref<16x2048xf32, #tpu.memory_space<vmem>>[vector<16xi32>, vector<16xi32>], vector<16xf32>,
    tpu.vector_store_idx %arg14[%broadcast_in_dim3A_1053, %add3A_1036], %gather3A_1054 : memref<16x128xf32, #tpu.memory_space<vmem>>[vector<16xi32>, vector<16xi32>], vector<16xf32>,
    %broadcast_in_dim3A_1055 = arith.constant 6 : i32
    %broadcast_in_dim3A_1056 = vector.broadcast %broadcast_in_dim3A_1055 : i32 to vector<16xi32>
    %gather3A_1057 = tpu.vector_load_idx %arg12[%broadcast_in_dim3A_1056, %add3A_1033] : memref<16x2048xf32, #tpu.memory_space<vmem>>[vector<16xi32>, vector<16xi32>], vector<16xf32>,
    tpu.vector_store_idx %arg14[%broadcast_in_dim3A_1056, %add3A_1036], %gather3A_1057 : memref<16x128xf32, #tpu.memory_space<vmem>>[vector<16xi32>, vector<16xi32>], vector<16xf32>,
    %broadcast_in_dim3A_1058 = arith.constant 7 : i32
    %broadcast_in_dim3A_1059 = vector.broadcast %broadcast_in_dim3A_1058 : i32 to vector<16xi32>
    %gather3A_1060 = tpu.vector_load_idx %arg12[%broadcast_in_dim3A_1059, %add3A_1033] : memref<16x2048xf32, #tpu.memory_space<vmem>>[vector<16xi32>, vector<16xi32>], vector<16xf32>,
    tpu.vector_store_idx %arg14[%broadcast_in_dim3A_1059, %add3A_1036], %gather3A_1060 : memref<16x128xf32, #tpu.memory_space<vmem>>[vector<16xi32>, vector<16xi32>], vector<16xf32>,
    %broadcast_in_dim3A_1061 = arith.constant 8 : i32
    %broadcast_in_dim3A_1062 = vector.broadcast %broadcast_in_dim3A_1061 : i32 to vector<16xi32>
    %gather3A_1063 = tpu.vector_load_idx %arg12[%broadcast_in_dim3A_1062, %add3A_1033] : memref<16x2048xf32, #tpu.memory_space<vmem>>[vector<16xi32>, vector<16xi32>], vector<16xf32>,
    tpu.vector_store_idx %arg14[%broadcast_in_dim3A_1062, %add3A_1036], %gather3A_1063 : memref<16x128xf32, #tpu.memory_space<vmem>>[vector<16xi32>, vector<16xi32>], vector<16xf32>,
    %broadcast_in_dim3A_1064 = arith.constant 9 : i32
    %broadcast_in_dim3A_1065 = vector.broadcast %broadcast_in_dim3A_1064 : i32 to vector<16xi32>
    %gather3A_1066 = tpu.vector_load_idx %arg12[%broadcast_in_dim3A_1065, %add3A_1033] : memref<16x2048xf32, #tpu.memory_space<vmem>>[vector<16xi32>, vector<16xi32>], vector<16xf32>,
    tpu.vector_store_idx %arg14[%broadcast_in_dim3A_1065, %add3A_1036], %gather3A_1066 : memref<16x128xf32, #tpu.memory_space<vmem>>[vector<16xi32>, vector<16xi32>], vector<16xf32>,
    %broadcast_in_dim3A_1067 = arith.constant 10 : i32
    %broadcast_in_dim3A_1068 = vector.broadcast %broadcast_in_dim3A_1067 : i32 to vector<16xi32>
    %gather3A_1069 = tpu.vector_load_idx %arg12[%broadcast_in_dim3A_1068, %add3A_1033] : memref<16x2048xf32, #tpu.memory_space<vmem>>[vector<16xi32>, vector<16xi32>], vector<16xf32>,
    tpu.vector_store_idx %arg14[%broadcast_in_dim3A_1068, %add3A_1036], %gather3A_1069 : memref<16x128xf32, #tpu.memory_space<vmem>>[vector<16xi32>, vector<16xi32>], vector<16xf32>,
    %broadcast_in_dim3A_1070 = arith.constant 11 : i32
    %broadcast_in_dim3A_1071 = vector.broadcast %broadcast_in_dim3A_1070 : i32 to vector<16xi32>
    %gather3A_1072 = tpu.vector_load_idx %arg12[%broadcast_in_dim3A_1071, %add3A_1033] : memref<16x2048xf32, #tpu.memory_space<vmem>>[vector<16xi32>, vector<16xi32>], vector<16xf32>,
    tpu.vector_store_idx %arg14[%broadcast_in_dim3A_1071, %add3A_1036], %gather3A_1072 : memref<16x128xf32, #tpu.memory_space<vmem>>[vector<16xi32>, vector<16xi32>], vector<16xf32>,
    %broadcast_in_dim3A_1073 = arith.constant 12 : i32
    %broadcast_in_dim3A_1074 = vector.broadcast %broadcast_in_dim3A_1073 : i32 to vector<16xi32>
    %gather3A_1075 = tpu.vector_load_idx %arg12[%broadcast_in_dim3A_1074, %add3A_1033] : memref<16x2048xf32, #tpu.memory_space<vmem>>[vector<16xi32>, vector<16xi32>], vector<16xf32>,
    tpu.vector_store_idx %arg14[%broadcast_in_dim3A_1074, %add3A_1036], %gather3A_1075 : memref<16x128xf32, #tpu.memory_space<vmem>>[vector<16xi32>, vector<16xi32>], vector<16xf32>,
    %broadcast_in_dim3A_1076 = arith.constant 13 : i32
    %broadcast_in_dim3A_1077 = vector.broadcast %broadcast_in_dim3A_1076 : i32 to vector<16xi32>
    %gather3A_1078 = tpu.vector_load_idx %arg12[%broadcast_in_dim3A_1077, %add3A_1033] : memref<16x2048xf32, #tpu.memory_space<vmem>>[vector<16xi32>, vector<16xi32>], vector<16xf32>,
    tpu.vector_store_idx %arg14[%broadcast_in_dim3A_1077, %add3A_1036], %gather3A_1078 : memref<16x128xf32, #tpu.memory_space<vmem>>[vector<16xi32>, vector<16xi32>], vector<16xf32>,
    %broadcast_in_dim3A_1079 = arith.constant 14 : i32
    %broadcast_in_dim3A_1080 = vector.broadcast %broadcast_in_dim3A_1079 : i32 to vector<16xi32>
    %gather3A_1081 = tpu.vector_load_idx %arg12[%broadcast_in_dim3A_1080, %add3A_1033] : memref<16x2048xf32, #tpu.memory_space<vmem>>[vector<16xi32>, vector<16xi32>], vector<16xf32>,
    tpu.vector_store_idx %arg14[%broadcast_in_dim3A_1080, %add3A_1036], %gather3A_1081 : memref<16x128xf32, #tpu.memory_space<vmem>>[vector<16xi32>, vector<16xi32>], vector<16xf32>,
    %broadcast_in_dim3A_1082 = arith.constant 15 : i32
    %broadcast_in_dim3A_1083 = vector.broadcast %broadcast_in_dim3A_1082 : i32 to vector<16xi32>
    %gather3A_1084 = tpu.vector_load_idx %arg12[%broadcast_in_dim3A_1083, %add3A_1033] : memref<16x2048xf32, #tpu.memory_space<vmem>>[vector<16xi32>, vector<16xi32>], vector<16xf32>,
    tpu.vector_store_idx %arg14[%broadcast_in_dim3A_1083, %add3A_1036], %gather3A_1084 : memref<16x128xf32, #tpu.memory_space<vmem>>[vector<16xi32>, vector<16xi32>], vector<16xf32>,
    %scan3A_1085 = arith.constant 0 : i32
    %scan3A_1086 = arith.constant 0 : i32
    %scan3A_1087 = arith.constant 16 : i32
    %scan3A_1088 = arith.addi %scan3A_1086, %scan3A_1087 : i32
    %scan3A_1089 = arith.constant 1 : i32
    %scan3A_1090 = scf.for %scan3A_1149 = %scan3A_1086 to %scan3A_1088 step %scan3A_1089 iter_args(%scan3A_1150 = %scan3A_1085) -> (i32)  : i32 {
      %add3A_1151 = arith.constant 112 : i32
      %add3A_1152 = arith.addi %add3A_1151, %scan3A_1149 : i32
      %get3A_1153 = arith.index_cast %add3A_1152 : i32 to index
      %get3A_1154 = tpu.vector_load %arg10[%get3A_1153] {strides = array<i32>} : memref<144xi32, #tpu.memory_space<vmem>>, vector<16xi32>,
      %slice3A = vector.extract_strided_slice %get3A_1154 {offsets = [0], sizes = [1], strides = [1]} : vector<16xi32> to vector<1xi32>
      %squeeze3A = vector.extract %slice3A[0] : i32 from vector<1xi32>
      %mul3A_1155 = arith.constant 128 : i32
      %mul3A_1156 = arith.muli %squeeze3A, %mul3A_1155 : i32
      %multiple_of3A_1157 = tpu.assume_multiple %mul3A_1156, 128 : i32
      %mul3A_1158 = arith.constant 128 : i32
      %mul3A_1159 = arith.muli %scan3A_1149, %mul3A_1158 : i32
      %multiple_of3A_1160 = tpu.assume_multiple %mul3A_1159, 128 : i32
      %dma_wait3A = arith.constant 0 : i32
      %dma_wait3A_1161 = tpu.memref_slice %arg13[%dma_wait3A, %multiple_of3A_1160] : memref<16x2048xf32, #tpu.memory_space<vmem>> -> memref<16x128xf32, #tpu.memory_space<vmem>>
      %dma_wait3A_1162 = arith.constant 0 : i32
      %dma_wait3A_1163 = tpu.memref_slice %arg3[%dma_wait3A_1162, %multiple_of3A_1157] : memref<16x1000000xf32, #tpu.memory_space<hbm>> -> memref<16x128xf32, #tpu.memory_space<hbm>>
      %dma_wait3A_1164 = arith.constant 0 : i32
      %dma_wait3A_1165 = tpu.memref_slice %arg13[%dma_wait3A_1164, %multiple_of3A_1160] : memref<16x2048xf32, #tpu.memory_space<vmem>> -> memref<16x128xf32, #tpu.memory_space<vmem>>
      %dma_wait3A_1166 = arith.constant 0 : i32
      %dma_wait3A_1167 = tpu.memref_slice %arg3[%dma_wait3A_1166, %multiple_of3A_1157] : memref<16x1000000xf32, #tpu.memory_space<hbm>> -> memref<16x128xf32, #tpu.memory_space<hbm>>
      tpu.wait_dma2 semaphore(%arg17 : memref<!tpu.dma_semaphore, #tpu.memory_space<semaphore_mem>>) src(%dma_wait3A_1167 : memref<16x128xf32, #tpu.memory_space<hbm>>) dst(%dma_wait3A_1165 : memref<16x128xf32, #tpu.memory_space<vmem>>)
      %scan3A_1168 = arith.constant 0 : i32
      scf.yield %scan3A_1168 : i32
    }
    %scan3A_1091 = arith.constant 16 : i32
    %get3A_1092 = arith.constant 112 : index
    %get3A_1093 = tpu.vector_load %arg11[%get3A_1092] {strides = array<i32>} : memref<128xi32, #tpu.memory_space<vmem>>, vector<16xi32>,
    %mul3A_1094 = arith.constant 128 : i32
    %mul3A_1095 = vector.broadcast %mul3A_1094 : i32 to vector<16xi32>
    %mul3A_1096 = arith.muli %iota3A, %mul3A_1095 : vector<16xi32>
    %add3A_1097 = arith.addi %mul3A_1096, %get3A_1093 : vector<16xi32>
    %add3A_1098 = arith.constant 112 : i32
    %add3A_1099 = vector.broadcast %add3A_1098 : i32 to vector<16xi32>
    %add3A_1100 = arith.addi %iota3A, %add3A_1099 : vector<16xi32>
    %broadcast_in_dim3A_1101 = arith.constant 0 : i32
    %broadcast_in_dim3A_1102 = vector.broadcast %broadcast_in_dim3A_1101 : i32 to vector<16xi32>
    %gather3A_1103 = tpu.vector_load_idx %arg13[%broadcast_in_dim3A_1102, %add3A_1097] : memref<16x2048xf32, #tpu.memory_space<vmem>>[vector<16xi32>, vector<16xi32>], vector<16xf32>,
    tpu.vector_store_idx %arg15[%broadcast_in_dim3A_1102, %add3A_1100], %gather3A_1103 : memref<16x128xf32, #tpu.memory_space<vmem>>[vector<16xi32>, vector<16xi32>], vector<16xf32>,
    %broadcast_in_dim3A_1104 = arith.constant 1 : i32
    %broadcast_in_dim3A_1105 = vector.broadcast %broadcast_in_dim3A_1104 : i32 to vector<16xi32>
    %gather3A_1106 = tpu.vector_load_idx %arg13[%broadcast_in_dim3A_1105, %add3A_1097] : memref<16x2048xf32, #tpu.memory_space<vmem>>[vector<16xi32>, vector<16xi32>], vector<16xf32>,
    tpu.vector_store_idx %arg15[%broadcast_in_dim3A_1105, %add3A_1100], %gather3A_1106 : memref<16x128xf32, #tpu.memory_space<vmem>>[vector<16xi32>, vector<16xi32>], vector<16xf32>,
    %broadcast_in_dim3A_1107 = arith.constant 2 : i32
    %broadcast_in_dim3A_1108 = vector.broadcast %broadcast_in_dim3A_1107 : i32 to vector<16xi32>
    %gather3A_1109 = tpu.vector_load_idx %arg13[%broadcast_in_dim3A_1108, %add3A_1097] : memref<16x2048xf32, #tpu.memory_space<vmem>>[vector<16xi32>, vector<16xi32>], vector<16xf32>,
    tpu.vector_store_idx %arg15[%broadcast_in_dim3A_1108, %add3A_1100], %gather3A_1109 : memref<16x128xf32, #tpu.memory_space<vmem>>[vector<16xi32>, vector<16xi32>], vector<16xf32>,
    %broadcast_in_dim3A_1110 = arith.constant 3 : i32
    %broadcast_in_dim3A_1111 = vector.broadcast %broadcast_in_dim3A_1110 : i32 to vector<16xi32>
    %gather3A_1112 = tpu.vector_load_idx %arg13[%broadcast_in_dim3A_1111, %add3A_1097] : memref<16x2048xf32, #tpu.memory_space<vmem>>[vector<16xi32>, vector<16xi32>], vector<16xf32>,
    tpu.vector_store_idx %arg15[%broadcast_in_dim3A_1111, %add3A_1100], %gather3A_1112 : memref<16x128xf32, #tpu.memory_space<vmem>>[vector<16xi32>, vector<16xi32>], vector<16xf32>,
    %broadcast_in_dim3A_1113 = arith.constant 4 : i32
    %broadcast_in_dim3A_1114 = vector.broadcast %broadcast_in_dim3A_1113 : i32 to vector<16xi32>
    %gather3A_1115 = tpu.vector_load_idx %arg13[%broadcast_in_dim3A_1114, %add3A_1097] : memref<16x2048xf32, #tpu.memory_space<vmem>>[vector<16xi32>, vector<16xi32>], vector<16xf32>,
    tpu.vector_store_idx %arg15[%broadcast_in_dim3A_1114, %add3A_1100], %gather3A_1115 : memref<16x128xf32, #tpu.memory_space<vmem>>[vector<16xi32>, vector<16xi32>], vector<16xf32>,
    %broadcast_in_dim3A_1116 = arith.constant 5 : i32
    %broadcast_in_dim3A_1117 = vector.broadcast %broadcast_in_dim3A_1116 : i32 to vector<16xi32>
    %gather3A_1118 = tpu.vector_load_idx %arg13[%broadcast_in_dim3A_1117, %add3A_1097] : memref<16x2048xf32, #tpu.memory_space<vmem>>[vector<16xi32>, vector<16xi32>], vector<16xf32>,
    tpu.vector_store_idx %arg15[%broadcast_in_dim3A_1117, %add3A_1100], %gather3A_1118 : memref<16x128xf32, #tpu.memory_space<vmem>>[vector<16xi32>, vector<16xi32>], vector<16xf32>,
    %broadcast_in_dim3A_1119 = arith.constant 6 : i32
    %broadcast_in_dim3A_1120 = vector.broadcast %broadcast_in_dim3A_1119 : i32 to vector<16xi32>
    %gather3A_1121 = tpu.vector_load_idx %arg13[%broadcast_in_dim3A_1120, %add3A_1097] : memref<16x2048xf32, #tpu.memory_space<vmem>>[vector<16xi32>, vector<16xi32>], vector<16xf32>,
    tpu.vector_store_idx %arg15[%broadcast_in_dim3A_1120, %add3A_1100], %gather3A_1121 : memref<16x128xf32, #tpu.memory_space<vmem>>[vector<16xi32>, vector<16xi32>], vector<16xf32>,
    %broadcast_in_dim3A_1122 = arith.constant 7 : i32
    %broadcast_in_dim3A_1123 = vector.broadcast %broadcast_in_dim3A_1122 : i32 to vector<16xi32>
    %gather3A_1124 = tpu.vector_load_idx %arg13[%broadcast_in_dim3A_1123, %add3A_1097] : memref<16x2048xf32, #tpu.memory_space<vmem>>[vector<16xi32>, vector<16xi32>], vector<16xf32>,
    tpu.vector_store_idx %arg15[%broadcast_in_dim3A_1123, %add3A_1100], %gather3A_1124 : memref<16x128xf32, #tpu.memory_space<vmem>>[vector<16xi32>, vector<16xi32>], vector<16xf32>,
    %broadcast_in_dim3A_1125 = arith.constant 8 : i32
    %broadcast_in_dim3A_1126 = vector.broadcast %broadcast_in_dim3A_1125 : i32 to vector<16xi32>
    %gather3A_1127 = tpu.vector_load_idx %arg13[%broadcast_in_dim3A_1126, %add3A_1097] : memref<16x2048xf32, #tpu.memory_space<vmem>>[vector<16xi32>, vector<16xi32>], vector<16xf32>,
    tpu.vector_store_idx %arg15[%broadcast_in_dim3A_1126, %add3A_1100], %gather3A_1127 : memref<16x128xf32, #tpu.memory_space<vmem>>[vector<16xi32>, vector<16xi32>], vector<16xf32>,
    %broadcast_in_dim3A_1128 = arith.constant 9 : i32
    %broadcast_in_dim3A_1129 = vector.broadcast %broadcast_in_dim3A_1128 : i32 to vector<16xi32>
    %gather3A_1130 = tpu.vector_load_idx %arg13[%broadcast_in_dim3A_1129, %add3A_1097] : memref<16x2048xf32, #tpu.memory_space<vmem>>[vector<16xi32>, vector<16xi32>], vector<16xf32>,
    tpu.vector_store_idx %arg15[%broadcast_in_dim3A_1129, %add3A_1100], %gather3A_1130 : memref<16x128xf32, #tpu.memory_space<vmem>>[vector<16xi32>, vector<16xi32>], vector<16xf32>,
    %broadcast_in_dim3A_1131 = arith.constant 10 : i32
    %broadcast_in_dim3A_1132 = vector.broadcast %broadcast_in_dim3A_1131 : i32 to vector<16xi32>
    %gather3A_1133 = tpu.vector_load_idx %arg13[%broadcast_in_dim3A_1132, %add3A_1097] : memref<16x2048xf32, #tpu.memory_space<vmem>>[vector<16xi32>, vector<16xi32>], vector<16xf32>,
    tpu.vector_store_idx %arg15[%broadcast_in_dim3A_1132, %add3A_1100], %gather3A_1133 : memref<16x128xf32, #tpu.memory_space<vmem>>[vector<16xi32>, vector<16xi32>], vector<16xf32>,
    %broadcast_in_dim3A_1134 = arith.constant 11 : i32
    %broadcast_in_dim3A_1135 = vector.broadcast %broadcast_in_dim3A_1134 : i32 to vector<16xi32>
    %gather3A_1136 = tpu.vector_load_idx %arg13[%broadcast_in_dim3A_1135, %add3A_1097] : memref<16x2048xf32, #tpu.memory_space<vmem>>[vector<16xi32>, vector<16xi32>], vector<16xf32>,
    tpu.vector_store_idx %arg15[%broadcast_in_dim3A_1135, %add3A_1100], %gather3A_1136 : memref<16x128xf32, #tpu.memory_space<vmem>>[vector<16xi32>, vector<16xi32>], vector<16xf32>,
    %broadcast_in_dim3A_1137 = arith.constant 12 : i32
    %broadcast_in_dim3A_1138 = vector.broadcast %broadcast_in_dim3A_1137 : i32 to vector<16xi32>
    %gather3A_1139 = tpu.vector_load_idx %arg13[%broadcast_in_dim3A_1138, %add3A_1097] : memref<16x2048xf32, #tpu.memory_space<vmem>>[vector<16xi32>, vector<16xi32>], vector<16xf32>,
    tpu.vector_store_idx %arg15[%broadcast_in_dim3A_1138, %add3A_1100], %gather3A_1139 : memref<16x128xf32, #tpu.memory_space<vmem>>[vector<16xi32>, vector<16xi32>], vector<16xf32>,
    %broadcast_in_dim3A_1140 = arith.constant 13 : i32
    %broadcast_in_dim3A_1141 = vector.broadcast %broadcast_in_dim3A_1140 : i32 to vector<16xi32>
    %gather3A_1142 = tpu.vector_load_idx %arg13[%broadcast_in_dim3A_1141, %add3A_1097] : memref<16x2048xf32, #tpu.memory_space<vmem>>[vector<16xi32>, vector<16xi32>], vector<16xf32>,
    tpu.vector_store_idx %arg15[%broadcast_in_dim3A_1141, %add3A_1100], %gather3A_1142 : memref<16x128xf32, #tpu.memory_space<vmem>>[vector<16xi32>, vector<16xi32>], vector<16xf32>,
    %broadcast_in_dim3A_1143 = arith.constant 14 : i32
    %broadcast_in_dim3A_1144 = vector.broadcast %broadcast_in_dim3A_1143 : i32 to vector<16xi32>
    %gather3A_1145 = tpu.vector_load_idx %arg13[%broadcast_in_dim3A_1144, %add3A_1097] : memref<16x2048xf32, #tpu.memory_space<vmem>>[vector<16xi32>, vector<16xi32>], vector<16xf32>,
    tpu.vector_store_idx %arg15[%broadcast_in_dim3A_1144, %add3A_1100], %gather3A_1145 : memref<16x128xf32, #tpu.memory_space<vmem>>[vector<16xi32>, vector<16xi32>], vector<16xf32>,
    %broadcast_in_dim3A_1146 = arith.constant 15 : i32
    %broadcast_in_dim3A_1147 = vector.broadcast %broadcast_in_dim3A_1146 : i32 to vector<16xi32>
    %gather3A_1148 = tpu.vector_load_idx %arg13[%broadcast_in_dim3A_1147, %add3A_1097] : memref<16x2048xf32, #tpu.memory_space<vmem>>[vector<16xi32>, vector<16xi32>], vector<16xf32>,
    tpu.vector_store_idx %arg15[%broadcast_in_dim3A_1147, %add3A_1100], %gather3A_1148 : memref<16x128xf32, #tpu.memory_space<vmem>>[vector<16xi32>, vector<16xi32>], vector<16xf32>,
    "tpu.region"() ({
      %run_scoped3A = tpu.sem_alloc : memref<!tpu.dma_semaphore, #tpu.memory_space<semaphore_mem>>
      %dma_start3A = arith.constant 0 : i32
      %dma_start3A_1149 = tpu.memref_slice %arg6[%dma_start3A, %multiple_of3A] : memref<16x4096xf32, #tpu.memory_space<hbm>> -> memref<16x128xf32, #tpu.memory_space<hbm>>
      %dma_start3A_1150 = arith.constant 0 : i32
      %dma_start3A_1151 = tpu.memref_slice %arg6[%dma_start3A_1150, %multiple_of3A] : memref<16x4096xf32, #tpu.memory_space<hbm>> -> memref<16x128xf32, #tpu.memory_space<hbm>>
      tpu.enqueue_dma source(%arg14 : memref<16x128xf32, #tpu.memory_space<vmem>>) target(%dma_start3A_1151 : memref<16x128xf32, #tpu.memory_space<hbm>>) target_semaphore(%run_scoped3A : memref<!tpu.dma_semaphore, #tpu.memory_space<semaphore_mem>>)
      %dma_wait3A = arith.constant 0 : i32
      %dma_wait3A_1152 = tpu.memref_slice %arg6[%dma_wait3A, %multiple_of3A] : memref<16x4096xf32, #tpu.memory_space<hbm>> -> memref<16x128xf32, #tpu.memory_space<hbm>>
      %dma_wait3A_1153 = arith.constant 0 : i32
      %dma_wait3A_1154 = tpu.memref_slice %arg6[%dma_wait3A_1153, %multiple_of3A] : memref<16x4096xf32, #tpu.memory_space<hbm>> -> memref<16x128xf32, #tpu.memory_space<hbm>>
      tpu.wait_dma2 semaphore(%run_scoped3A : memref<!tpu.dma_semaphore, #tpu.memory_space<semaphore_mem>>) src(%arg14 : memref<16x128xf32, #tpu.memory_space<vmem>>) dst(%dma_wait3A_1154 : memref<16x128xf32, #tpu.memory_space<hbm>>)
      tpu.yield
    }) : () -> ()
    "tpu.region"() ({
      %run_scoped3A = tpu.sem_alloc : memref<!tpu.dma_semaphore, #tpu.memory_space<semaphore_mem>>
      %dma_start3A = arith.constant 0 : i32
      %dma_start3A_1149 = tpu.memref_slice %arg7[%dma_start3A, %multiple_of3A] : memref<16x4096xf32, #tpu.memory_space<hbm>> -> memref<16x128xf32, #tpu.memory_space<hbm>>
      %dma_start3A_1150 = arith.constant 0 : i32
      %dma_start3A_1151 = tpu.memref_slice %arg7[%dma_start3A_1150, %multiple_of3A] : memref<16x4096xf32, #tpu.memory_space<hbm>> -> memref<16x128xf32, #tpu.memory_space<hbm>>
      tpu.enqueue_dma source(%arg15 : memref<16x128xf32, #tpu.memory_space<vmem>>) target(%dma_start3A_1151 : memref<16x128xf32, #tpu.memory_space<hbm>>) target_semaphore(%run_scoped3A : memref<!tpu.dma_semaphore, #tpu.memory_space<semaphore_mem>>)
      %dma_wait3A = arith.constant 0 : i32
      %dma_wait3A_1152 = tpu.memref_slice %arg7[%dma_wait3A, %multiple_of3A] : memref<16x4096xf32, #tpu.memory_space<hbm>> -> memref<16x128xf32, #tpu.memory_space<hbm>>
      %dma_wait3A_1153 = arith.constant 0 : i32
      %dma_wait3A_1154 = tpu.memref_slice %arg7[%dma_wait3A_1153, %multiple_of3A] : memref<16x4096xf32, #tpu.memory_space<hbm>> -> memref<16x128xf32, #tpu.memory_space<hbm>>
      tpu.wait_dma2 semaphore(%run_scoped3A : memref<!tpu.dma_semaphore, #tpu.memory_space<semaphore_mem>>) src(%arg15 : memref<16x128xf32, #tpu.memory_space<vmem>>) dst(%dma_wait3A_1154 : memref<16x128xf32, #tpu.memory_space<hbm>>)
      tpu.yield
    }) : () -> ()
    return
  }
}

module attributes {stable_mosaic.version = 14 : i64} {
  func.func @_loss_body(%arg0: i32, %arg1: memref<16x2048xf32, #tpu.memory_space<vmem>>, %arg2: memref<16x4096xf32, #tpu.memory_space<vmem>>, %arg3: memref<1x1xf32, #tpu.memory_space<smem>>) attributes {dimension_semantics = [#tpu.dimension_semantics<arbitrary>], iteration_bounds = array<i64: 2>, scalar_prefetch = 0 : i64, scratch_operands = 0 : i64, tpu.core_type = #tpu.core_type<tc>, window_params = [{transform_indices = @transform_0, window_bounds = array<i64: 16, 2048>}, {pipeline_mode = #tpu.pipeline_mode<synchronous>, transform_indices = @transform_1, window_bounds = array<i64: 16, 4096>}, {transform_indices = @transform_2, window_bounds = array<i64: 1, 1>}]} {
    %get3A = arith.constant 0 : index
    %get3A_0 = arith.constant 0 : index
    %get3A_1 = vector.load %arg1[%get3A, %get3A_0] : memref<16x2048xf32, #tpu.memory_space<vmem>>, vector<16x2048xf32>
    %mul3A = arith.constant 1.44269502 : f32
    %mul3A_2 = vector.broadcast %mul3A : f32 to vector<16x2048xf32>
    %mul3A_3 = arith.mulf %get3A_1, %mul3A_2 : vector<16x2048xf32>
    %get3A_4 = arith.constant 0 : index
    %get3A_5 = arith.constant 0 : index
    %get3A_6 = vector.load %arg2[%get3A_4, %get3A_5] : memref<16x4096xf32, #tpu.memory_space<vmem>>, vector<16x4096xf32>
    %dot_general3A = arith.constant dense<0.000000e+00> : vector<2048x4096xf32>
    %dot_general3A_7 = tpu.matmul %mul3A_3, %get3A_6, %dot_general3A {dimension_numbers = #tpu.dot_dimension_numbers<[0], [0], [1], [1], [0, 1, 1, 1], [], []>, transpose_lhs_hint = false} : vector<16x2048xf32>, vector<16x4096xf32>, vector<2048x4096xf32> -> vector<2048x4096xf32>
    %exp23A = math.exp2 %dot_general3A_7 : vector<2048x4096xf32>
    %add3A = arith.constant 1.000000e+00 : f32
    %add3A_8 = vector.broadcast %add3A : f32 to vector<2048x4096xf32>
    %add3A_9 = arith.addf %add3A_8, %exp23A : vector<2048x4096xf32>
    %log3A = math.log %add3A_9 : vector<2048x4096xf32>
    %mul3A_10 = arith.constant 2048 : i32
    %mul3A_11 = arith.muli %arg0, %mul3A_10 : i32
    %add3A_12 = arith.constant 0 : i32
    %add3A_13 = arith.addi %add3A_12, %mul3A_11 : i32
    %get3A_14 = arith.constant 0 : index
    %get3A_15 = arith.index_cast %add3A_13 : i32 to index
    %get3A_16 = vector.load %arg2[%get3A_14, %get3A_15] : memref<16x4096xf32, #tpu.memory_space<vmem>>, vector<16x2048xf32>
    %mul3A_17 = arith.mulf %mul3A_3, %get3A_16 : vector<16x2048xf32>
    %reduce_sum3A = vector.shape_cast %mul3A_17 : vector<16x2048xf32> to vector<1x16x2048xf32>
    %reduce_sum3A_18 = arith.constant dense<0.000000e+00> : vector<1xf32>
    %reduce_sum3A_19 = vector.multi_reduction <add>, %reduce_sum3A, %reduce_sum3A_18 [1, 2] : vector<1x16x2048xf32> to vector<1xf32>
    %reduce_sum3A_20 = vector.shape_cast %reduce_sum3A_19 : vector<1xf32> to vector<1x1x1xf32>
    %reduce_sum3A_21 = vector.extract %reduce_sum3A_20[0, 0, 0] : f32 from vector<1x1x1xf32>
    %reduce_sum3A_22 = vector.shape_cast %log3A : vector<2048x4096xf32> to vector<1x2048x4096xf32>
    %reduce_sum3A_23 = arith.constant dense<0.000000e+00> : vector<1xf32>
    %reduce_sum3A_24 = vector.multi_reduction <add>, %reduce_sum3A_22, %reduce_sum3A_23 [1, 2] : vector<1x2048x4096xf32> to vector<1xf32>
    %reduce_sum3A_25 = vector.shape_cast %reduce_sum3A_24 : vector<1xf32> to vector<1x1x1xf32>
    %reduce_sum3A_26 = vector.extract %reduce_sum3A_25[0, 0, 0] : f32 from vector<1x1x1xf32>
    %mul3A_27 = arith.constant 0.693147182 : f32
    %mul3A_28 = arith.mulf %reduce_sum3A_21, %mul3A_27 : f32
    %sub3A = arith.subf %reduce_sum3A_26, %mul3A_28 : f32
    %eq3A = arith.constant 0 : i32
    %eq3A_29 = arith.cmpi eq, %arg0, %eq3A : i32
    %convert_element_type3A = arith.extui %eq3A_29 : i1 to i32
    %cond3A = arith.constant 0 : i32
    %cond3A_30 = arith.cmpi ne, %convert_element_type3A, %cond3A : i32
    scf.if %cond3A_30 {
      %swap3A_37 = arith.constant 0.000000e+00 : f32
      %swap3A_38 = arith.constant 0 : index
      %swap3A_39 = arith.constant 0 : index
      %swap3A_40 = memref.load %arg3[%swap3A_38, %swap3A_39] : memref<1x1xf32, #tpu.memory_space<smem>>
      memref.store %swap3A_37, %arg3[%swap3A_38, %swap3A_39] : memref<1x1xf32, #tpu.memory_space<smem>>
    } else {
    }
    %get3A_31 = arith.constant 0 : index
    %get3A_32 = arith.constant 0 : index
    %get3A_33 = memref.load %arg3[%get3A_31, %get3A_32] : memref<1x1xf32, #tpu.memory_space<smem>>
    %add3A_34 = arith.addf %get3A_33, %sub3A : f32
    %swap3A = arith.constant 0 : index
    %swap3A_35 = arith.constant 0 : index
    %swap3A_36 = memref.load %arg3[%swap3A, %swap3A_35] : memref<1x1xf32, #tpu.memory_space<smem>>
    memref.store %add3A_34, %arg3[%swap3A, %swap3A_35] : memref<1x1xf32, #tpu.memory_space<smem>>
    return
  }
  func.func @transform_0(%arg0: i32) -> (i32, i32) {
    %c0_i32 = arith.constant 0 : i32
    %c0_i32_0 = arith.constant 0 : i32
    return %c0_i32, %arg0 : i32, i32
  }
  func.func @transform_1(%arg0: i32) -> (i32, i32) {
    %c0_i32 = arith.constant 0 : i32
    %c0_i32_0 = arith.constant 0 : i32
    %c0_i32_1 = arith.constant 0 : i32
    return %c0_i32, %c0_i32_0 : i32, i32
  }
  func.func @transform_2(%arg0: i32) -> (i32, i32) {
    %c0_i32 = arith.constant 0 : i32
    %c0_i32_0 = arith.constant 0 : i32
    %c0_i32_1 = arith.constant 0 : i32
    return %c0_i32, %c0_i32_0 : i32, i32
  }
}

</mosaic_0001>

<sc_bundles>
// kernel: kernel.4.cloned.1.call-start
scs
__scs_entry_jumppad:
0x0: {  	(pc) =	sbr.rel $0x88, $3  }
0x1: {  	(tag) =	ssettag $0x0;
	lr =	simm.s32 $0x1  }
0x2: {  	[smem:$0x3F9D] =	sst lr;
	_ =	strace $0xD0000000  }
0x3: {  	_ = 	snop  }
0x4: {  	_ = 	snop  }
0x5: {  	_ = 	snop  }
0x6: {  	_ = 	snop  }
0x7: {  	_ = 	snop  }
__scs_overlays_trampoline_lowered:
0x8: {  	[smem:$0x3FAC] =	sst s0  }
0x9: {  	[smem:$0x3FAD] =	sst s1  }
0xa: {  	[smem:$0x3FAE] =	sst s2  }
0xb: {  	[smem:$0x3FAF] =	sst s3  }
0xc: {  	[smem:$0x3FB0] =	sst s4  }
0xd: {  	[smem:$0x3FB1] =	sst s5  }
0xe: {  	[smem:$0x3FB2] =	sst s6  }
0xf: {  	[smem:$0x3FB3] =	sst s7  }
0x10: {  	[smem:$0x3FB4] =	sst s8  }
0x11: {  	[smem:$0x3FB5] =	sst s9;
	s0 =	simm.s32 @!p0 $0x0  }
0x12: {  	s1 =	sld [smem:$0x3F9B];
	s0 =	simm.s32 @p0 $0x1  }
0x13: {  	[smem:$0x3FB6] =	sst s0;
	s0 =	simm.s32 @!p1 $0x0  }
0x14: {  	s2 =	sld [smem:$0x3F9A];
	s0 =	simm.s32 @p1 $0x1  }
0x15: {  	[smem:$0x3FB7] =	sst s0;
	s0 =	simm.s32 @!p2 $0x0  }
0x16: {  	s3 =	sld [smem:$0x3FDB];
	s0 =	simm.s32 @p2 $0x1  }
0x17: {  	s4 =	simm.s32 $0x1BF5;
	[smem:$0x3FB9] =	sst s0  }
0x18: {  	s0 =	sld [smem:$0x3F9C];
	_ =	swait.ge [sflag:s4], $0x0  }
0x19: {  	s7 =	sld [smem:$0x3F9D]  }
0x1a: {  	s8 =	sadd.s32 $0xFFFFE003, lr  }
0x1b: {  	s9 =	sadd.s32 $0xFFFFFEF7, lr;
	s5 =	simm.s32 $0xFFFFFFFF;
	p2 =	slt.u32 s8, $0xFFFFF086  }
0x1c: {  	p1 =	slt.u32 s9, $0xF7A;
	s5 =	simm.s32 @!p2 $0x0  }
0x1d: {  	s5 =	simm.s32 @p1 $0x1;
	p0 =	seq.s32 s7, s2  }
0x1e: {  	s7 =	smul.u32 @!p0 $0xF7A, s2;
	p2 =	seq.s32 @!p0 s5, $0x0  }
0x1f: {  	s9 =	smul.u32 $0xF7A, s1;
	s8 =	simm.s32 @!p0 $0x1BF5;
	p2 =	por !p2, p0  }
0x20: {  	[sflag:s8] =	ssyncset.s32 @!p0 $0xFFFFF086;
	s6 =	sadd.s32 @!p0 s3, s7;
	s7 =	simm.s32 @!p0 $0x108  }
0x21: {  	s3 =	sadd.s32 s3, s9;
	s6 =	sadd.s32 @!p0 $0x88, s6;
	s7 =	simm.s32 @p2 $0x1082  }
0x22: {  	[simem:s7], [sflag:s8] =	dma.local @!p0 [hbm:s6], $0xF7A  }
0x23: {  	s9 =	sor.u32 $0xD0000000, s2;
	s6 =	simm.s32 $0x108;
	_ =	swait.ge @!p0 [sflag:s8], $0x0  }
0x24: {  	s3 =	sadd.s32 $0x88, s3;
	s6 =	simm.s32 @!p1 $0x1082;
	[sflag:s4] =	ssyncset.s32 $0xFFFFF086  }
0x25: {  	[simem:s6], [sflag:s4] =	dma.local [hbm:s3], $0xF7A  }
0x26: {  	[smem:$0x3F9D] =	sst s1;
	(tag) =	ssettag s2;
	_ =	strace s9  }
0x27: {  	s1 =	sld [smem:$0x3FAD]  }
0x28: {  	s2 =	sld [smem:$0x3FAE]  }
0x29: {  	s4 =	sld [smem:$0x3FB0]  }
0x2a: {  	p0 =	seq.s32 s5, $0x0;
	s5 =	sld [smem:$0x3FB1]  }
0x2b: {  	s6 =	sld [smem:$0x3FB2]  }
0x2c: {  	s7 =	sld [smem:$0x3FB3]  }
0x2d: {  	s3 =	simm.s32 $0x108;
	s8 =	sld [smem:$0x3FB4]  }
0x2e: {  	s3 =	simm.s32 @!p0 $0x1082;
	s9 =	sld [smem:$0x3FB5]  }
0x2f: {  	lr =	sadd.s32 s0, s3;
	s0 =	sld [smem:$0x3FAC]  }
0x30: {  	s3 =	sld [smem:$0x3FAF]  }
0x31: {  	[smem:$0x3FB8] =	sst s10  }
0x32: {  	s10 =	sld [smem:$0x3FB6];
	_ =	sdelay $0x3  }
0x33: {  	p0 =	seq.s32 s10, $0x1;
	s10 =	sld [smem:$0x3FB8];
	_ =	sdelay $0x3  }
0x34: {  	[smem:$0x3FB8] =	sst s10  }
0x35: {  	s10 =	sld [smem:$0x3FB7];
	_ =	sdelay $0x3  }
0x36: {  	p1 =	seq.s32 s10, $0x1;
	s10 =	sld [smem:$0x3FB8];
	_ =	sdelay $0x3  }
0x37: {  	[smem:$0x3FB8] =	sst s10  }
0x38: {  	s10 =	sld [smem:$0x3FB9]  }
0x39: {  	_ = 	snop;
	(pc) =	sbr.ind lr, $3  }
0x3a: {  	_ = 	snop  }
0x3b: {  	_ = 	snop  }
0x3c: {  	p2 =	seq.s32 s10, $0x1;
	s10 =	sld [smem:$0x3FB8]  }
0x3d: {  	_ =	shalt  }
0x3e: {  	_ =	shalt  }
0x3f: {  	_ =	shalt  }
0x40: {  	_ =	shalt  }
0x41: {  	_ =	shalt  }
0x42: {  	_ =	shalt  }
0x43: {  	_ =	shalt  }
0x44: {  	_ =	shalt  }
0x45: {  	_ =	shalt  }
0x46: {  	_ =	shalt  }
0x47: {  	_ =	shalt  }
0x48: {  	_ =	shalt  }
0x49: {  	_ =	shalt  }
0x4a: {  	_ =	shalt  }
0x4b: {  	_ =	shalt  }
0x4c: {  	_ =	shalt  }
0x4d: {  	_ =	shalt  }
0x4e: {  	_ =	shalt  }
0x4f: {  	_ =	shalt  }
0x50: {  	_ =	shalt  }
0x51: {  	_ =	shalt  }
0x52: {  	_ =	shalt  }
0x53: {  	_ =	shalt  }
0x54: {  	_ =	shalt  }
0x55: {  	_ =	shalt  }
0x56: {  	_ =	shalt  }
0x57: {  	_ =	shalt  }
0x58: {  	_ =	shalt  }
0x59: {  	_ =	shalt  }
0x5a: {  	_ =	shalt  }
0x5b: {  	_ =	shalt  }
0x5c: {  	_ =	shalt  }
0x5d: {  	_ =	shalt  }
0x5e: {  	_ =	shalt  }
0x5f: {  	_ =	shalt  }
0x60: {  	_ =	shalt  }
0x61: {  	_ =	shalt  }
0x62: {  	_ =	shalt  }
0x63: {  	_ =	shalt  }
0x64: {  	_ =	shalt  }
0x65: {  	_ =	shalt  }
0x66: {  	_ =	shalt  }
0x67: {  	_ =	shalt  }
0x68: {  	_ =	shalt  }
0x69: {  	_ =	shalt  }
0x6a: {  	_ =	shalt  }
0x6b: {  	_ =	shalt  }
0x6c: {  	_ =	shalt  }
0x6d: {  	_ =	shalt  }
0x6e: {  	_ =	shalt  }
0x6f: {  	_ =	shalt  }
0x70: {  	_ =	shalt  }
0x71: {  	_ =	shalt  }
0x72: {  	_ =	shalt  }
0x73: {  	_ =	shalt  }
0x74: {  	_ =	shalt  }
0x75: {  	_ =	shalt  }
0x76: {  	_ =	shalt  }
0x77: {  	_ =	shalt  }
0x78: {  	_ =	shalt  }
0x79: {  	_ =	shalt  }
0x7a: {  	_ =	shalt  }
0x7b: {  	_ =	shalt  }
0x7c: {  	_ =	shalt  }
0x7d: {  	_ =	shalt  }
0x7e: {  	_ =	shalt  }
0x7f: {  	_ =	shalt  }
0x80: {  	_ =	shalt  }
0x81: {  	_ =	shalt  }
0x82: {  	_ =	shalt  }
0x83: {  	_ =	shalt  }
0x84: {  	_ =	shalt  }
0x85: {  	_ =	shalt  }
0x86: {  	_ =	shalt  }
0x87: {  	_ =	shalt  }
.Lfunc_end0:
.L_simem_size_0:
called_computation_lowered:
.L_overlay_start_0:
0x88: {  	s2 =	sld [smem:$0x3FD9]  }
0x89: {  	s3 =	sld [smem:$0x3FFE];
	_ =	sdelay $0x1  }
0x8a: {  	s1 =	srdreg.scid  }
0x8b: {  	s0 =	sand.u32 $0x1, s1  }
0x8c: {  	s17 =	sshll.u32 s0, $0xA;
	s2 =	sadd.s32 s3, s2  }
0x8d: {  	s2 =	sadd.s32 s2, s17  }
0x8e: {  	[smem:$0x3FC4] =	sst s2  }
0x8f: {  	_ = 	snop  }
0x90: {  	s2 =	sld [smem:$0x3FC9]  }
0x91: {  	s18 =	sld [smem:$0x3FC8]  }
0x92: {  	s4 =	sld [smem:$0x3FC7]  }
0x93: {  	s5 =	sld [smem:$0x3FC6];
	(tm) =	ssettm $0x1  }
0x94: {  	s6 =	sld [smem:$0x3FFB];
	_ =	sdelay $0x3  }
0x95: {  	_ =	strace s6  }
0x96: {  	s6 =	sld [smem:$0x3FFC];
	_ =	sdelay $0x3  }
0x97: {  	_ =	strace s6  }
0x98: {  	s6 =	sld [smem:$0x3FFD];
	_ =	sdelay $0x3  }
0x99: {  	_ =	strace s6  }
0x9a: {  	_ =	strace $0x8FFFFFFF  }
0x9b: {  	s19 =	sld [smem:$0x3FDB];
	_ =	sdelay $0x1  }
0x9c: {  	s7 =	simm.s32 $_scs_section_size  }
0x9d: {  	s8 =	simm.s32 $_size__tile_overlayer_lowered;
	s9 =	simm.s32 $_tile_overlayer_lowered  }
0x9e: {  	s22 =	simm.s32 $0x1BFF;
	s21 =	sshll.u32 s9, $0x1;
	s6 =	sadd.s32 s7, s19  }
0x9f: {  	s10 =	simm.s32 $0x0;
	s20 =	sshll.u32 s8, $0x1;
	s8 =	sadd.s32 s21, s6  }
0xa0: {  	[timem:s10], [sflag:s22] =	dma.local [hbm:s8], s20  }
0xa1: {  	_ =	swait.ge [sflag:s22], s20  }
0xa2: {  	s7 =	ssub.s32 $0x0, s20;
	[sflag:s22] =	ssyncset.done $0x0  }
0xa3: {  	[sflag:s22] =	ssyncadd.s32 s7;
	_ =	sdelay $0x1  }
0xa4: {  	s23 =	simm.s32 $0x1B8B  }
0xa5: {  	_ =	swait.ge [sflag:s23], $0x1  }
0xa6: {  	[sflag:s23] =	ssyncset.done $0x0  }
0xa7: {  	s25 =	simm.s32 $0x1B8E;
	s24 =	sld [smem:$0x3FFE];
	[sflag:s23] =	ssyncadd.s32 $0xFFFFFFFF  }
0xa8: {  	s26 =	simm.s32 $execute0_lowered;
	[smem:$0x3FD2] =	sst s25  }
0xa9: {  	s8 =	sshll.u32 s26, $0x1;
	_ =	strace $0x80000046;
	[dreg:$0x1] =	wrdreg $0xFFFFFFFF  }
0xaa: {  	s28 =	simm.s32 $_size_execute0_lowered;
	s6 =	sadd.s32 s6, s8;
	[dreg:$0x0] =	wrdreg $0x0  }
0xab: {  	s8 =	sshll.u32 s28, $0x1;
	[dreg:$0x2] =	wrdreg s6  }
0xac: {  	[dreg:$0x3] =	wrdreg s8  }
0xad: {  	[dreg:$0x4] =	wrdreg $0xC0  }
0xae: {  	_ =	task [dreg:s10], $0x5FFFF  }
0xaf: {  	[dreg:$0x1] =	wrdreg $0xFFFFFFFF  }
0xb0: {  	[dreg:$0x0] =	wrdreg $0x60  }
0xb1: {  	[dreg:$0x2] =	wrdreg s4  }
0xb2: {  	[dreg:$0x3] =	wrdreg s5  }
0xb3: {  	[dreg:$0x4] =	wrdreg s2  }
0xb4: {  	[dreg:$0x5] =	wrdreg s18  }
0xb5: {  	[dreg:$0x6] =	wrdreg s24  }
0xb6: {  	[dreg:$0x7] =	wrdreg $0x9  }
0xb7: {  	_ =	task.clear_ibuf [dreg:s10], $0x8FFFF;
	_ =	strace $0x90000046  }
0xb8: {  	s29 =	simm.s32 $0x9;
	_ =	strace $0x80000048  }
0xb9: {  	_ =	swait.ge [sflag:s29], $0x1  }
0xba: {  	[sflag:s29] =	ssyncadd.s32 $0xFFFFFFFF  }
0xbb: {  	_ =	strace $0x90000048  }
0xbc: {  	_ =	sfence  }
0xbd: {  	s30 =	sld [smem:$0x0];
	_ =	sdelay $0x2  }
0xbe: {  	s31 =	sshll.u32 s1, $0xD;
	s1 =	sshrl.u32 s1, $0x2  }
0xbf: {  	s3 =	sand.u32 $0x4000, s31;
	s1 =	sadd.s32 s1, s30  }
0xc0: {  	s0 =	sor.u32 s3, s0;
	s1 =	sshll.u32 s1, $0x11  }
0xc1: {  	s0 =	sor.u32 s1, s0  }
0xc2: {  	s0 =	sadd.s32 $0x8F2B, s0  }
0xc3: {  	[sflag:s0] =	ssyncadd.remote.s32 $0x1  }
0xc4: {  	_ =	sfence.sel $0xFFFF  }
0xc5: {  	[dreg:$0x0] =	wrdreg $0xFFFFFFFF;
	(pc) =	sbr.abs _section_cstart, $3  }
0xc6: {  	[dreg:$0x1] =	wrdreg $0xFFFFFFFF  }
0xc7: {  	_ =	task.clear_ibuf [dreg:s10], $0x2FFFF;
	_ =	strace $0x9FFFFFFF  }
0xc8: {  	(tm) =	ssettm $0x7FFFFFFF  }
0xc9: {  	_ =	shalt  }
tec
execute0_lowered:
.L_overlay_start_1:
0x0: {  	(tag) =	ssettag $0x1  }
0x1: {  	v0 =	vlaneseq.u32  }
0x2: {  	s0 =	rddreg [dreg:$0x0];
	v1 =	vmul.u32 $0x400, v0;
	v5 =	vor.u32 $0x80, v0  }
0x3: {  	s1 =	rddreg [dreg:$0x1];
	v6 =	vor.u32 $0x100, v0;
	v7 =	vor.u32 $0x180, v0;
	v8 =	vor.u32 $0x200, v0  }
0x4: {  	s5 =	rddreg [dreg:$0x2];
	v9 =	vor.u32 $0x280, v0;
	v10 =	vor.u32 $0x300, v0;
	v11 =	vor.u32 $0x380, v0  }
0x5: {  	s6 =	rddreg [dreg:$0x3];
	v12 =	vor.u32 $0x400, v0;
	v13 =	vor.u32 $0x480, v0;
	v14 =	vor.u32 $0x500, v0  }
0x6: {  	s7 =	rddreg [dreg:$0x4];
	v15 =	vor.u32 $0x580, v0;
	v16 =	vor.u32 $0x600, v0;
	v17 =	vor.u32 $0x680, v0  }
0x7: {  	s2 =	rddreg [dreg:$0x5];
	v18 =	vor.u32 $0x700, v0;
	v19 =	vor.u32 $0x780, v0;
	v20 =	vor.u32 $0x10, v0  }
0x8: {  	s4 =	simm.s32 $0x0;
	s8 =	srdreg.scid;
	s3 =	stileid.u32;
	v21 =	vor.u32 $0x90, v0;
	v22 =	vor.u32 $0x110, v0;
	v23 =	vor.u32 $0x190, v0  }
0x9: {  	s12 =	simm.s32 $0x1;
	s13 =	simm.s32 $0x10300;
	s14 =	simm.s32 $0x2;
	v24 =	vor.u32 $0x210, v0;
	v25 =	vor.u32 $0x290, v0;
	v26 =	vor.u32 $0x310, v0  }
0xa: {  	s15 =	simm.s32 $0x10B00;
	s16 =	simm.s32 $0x300;
	s17 =	simm.s32 $0x8300;
	v27 =	vor.u32 $0x390, v0;
	v28 =	vor.u32 $0x410, v0;
	v29 =	vor.u32 $0x490, v0  }
0xb: {  	s18 =	simm.s32 $0x400;
	s19 =	simm.s32 $0x8000;
	s20 =	simm.s32 $0x0;
	v30 =	vor.u32 $0x510, v0;
	v31 =	vor.u32 $0x590, v0;
	v32 =	vor.u32 $0x610, v0  }
0xc: {  	[smem:$0x7FF] =	sst s4;
	s8 =	sand.u32 $0x1, s8;
	s9 =	sshll.u32 s3, $0x1;
	v33 =	vor.u32 $0x690, v0;
	v34 =	vor.u32 $0x710, v0;
	v35 =	vor.u32 $0x790, v0  }
0xd: {  	v2 =	vor.u32 $0x20, v0;
	v37 =	vor.u32 $0xA0, v0;
	v38 =	vor.u32 $0x120, v0;
	_ =	strace $0x80000047;
	s9 =	sor.u32 s8, s9;
	s8 =	ssub.s32 $0x2, s8  }
0xe: {  	v39 =	vor.u32 $0x1A0, v0;
	v40 =	vor.u32 $0x220, v0;
	v41 =	vor.u32 $0x2A0, v0;
	s10 =	sshll.u32 s9, $0x7;
	s11 =	sshrl.u32 s8, $0x1;
	s9 =	sshll.u32 s9, $0x4  }
0xf: {  	v42 =	vor.u32 $0x320, v0;
	v43 =	vor.u32 $0x3A0, v0;
	v3 =	vor.u32 $0x6A0, v0;
	[tilespmem:$0x1FFD0] =	vst v2;
	s10 =	sadd.s32 s10, s7;
	s11 =	ssub.s32 s8, s11;
	s5 =	sadd.s32 s5, s9  }
0x10: {  	v44 =	vor.u32 $0x420, v0;
	v45 =	vor.u32 $0x4A0, v0;
	v4 =	vor.u32 $0x720, v0;
	[tilespmem:$0x1FFE0] =	vst v3;
	s6 =	sadd.s32 s6, s9;
	s7 =	sadd.s32 $0xC00, s10;
	s8 =	sadd.s32 $0x2C00, s10  }
0x11: {  	v46 =	vor.u32 $0x520, v0;
	v47 =	vor.u32 $0x5A0, v0;
	v36 =	vor.u32 $0x620, v0;
	[tilespmem:$0x1FFF0] =	vst v4;
	s9 =	smax.u32 s11, $0x1;
	s10 =	simm.s32 $0x3;
	s11 =	simm.s32 $0x180  }
.LBB2_1:
0x12: {  	[tilespmem:s4], [sflag:$0x3] =	stream.linear.gather [hbm4b:s5+s4], $0x80, $0x38;
	[tilespmem:$0x11300] =	vst v63  }
0x13: {  	_ =	swait.ge [sflag:s10], $0x80  }
0x14: {  	[sflag:s10] =	ssyncset.done $0x0  }
0x15: {  	[sflag:s10] =	ssyncadd.s32 $0xFFFFFF80  }
0x16: {  	v48 =	vld [tilespmem:$0x0];
	_ =	sdelay $0x1  }
0x17: {  	v49 =	vld [tilespmem:$0x10];
	_ =	sdelay $0x1  }
0x18: {  	v50 =	vld [tilespmem:$0x20]  }
0x19: {  	v51 =	vand.u32 $0x7F, v48  }
0x1a: {  	v54 =	vld [tilespmem:$0x30];
	v48 =	vshrl.u32 v48, $0x7;
	[tilespmem:$0x100] =	vst v51  }
0x1b: {  	v55 =	vand.u32 $0x7F, v49;
	[tilespmem:$0x0] =	vst v48  }
0x1c: {  	v57 =	vld [tilespmem:$0x40];
	v56 =	vshrl.u32 v49, $0x7;
	[tilespmem:$0x110] =	vst v55  }
0x1d: {  	v58 =	vand.u32 $0x7F, v50;
	[tilespmem:$0x10] =	vst v56  }
0x1e: {  	v63 =	vld [tilespmem:$0x60];
	v59 =	vshrl.u32 v50, $0x7;
	[tilespmem:$0x120] =	vst v58  }
0x1f: {  	v60 =	vld [tilespmem:$0x50];
	v61 =	vand.u32 $0x7F, v54;
	[tilespmem:$0x20] =	vst v59  }
0x20: {  	v62 =	vshrl.u32 v54, $0x7;
	[tilespmem:$0x130] =	vst v61  }
0x21: {  	v52 =	vand.u32 $0x7F, v57;
	[tilespmem:$0x30] =	vst v62  }
0x22: {  	v53 =	vshrl.u32 v57, $0x7;
	v54 =	vld [tilespmem:$0x70];
	[tilespmem:$0x140] =	vst v52  }
0x23: {  	v57 =	vand.u32 $0x7F, v63;
	[tilespmem:$0x40] =	vst v53  }
0x24: {  	v55 =	vand.u32 $0x7F, v60;
	[tilespmem:$0x160] =	vst v57  }
0x25: {  	v56 =	vshrl.u32 v60, $0x7;
	[tilespmem:$0x150] =	vst v55  }
0x26: {  	v58 =	vshrl.u32 v63, $0x7;
	[tilespmem:$0x50] =	vst v56  }
0x27: {  	[tilespmem:$0x60] =	vst v58;
	v59 =	vand.u32 $0x7F, v54  }
0x28: {  	v60 =	vshrl.u32 v54, $0x7;
	[tilespmem:$0x170] =	vst v59  }
0x29: {  	[tilespmem:$0x70] =	vst v60  }
0x2a: {  	[tilespmem:s11], [sflag:$0x3] =	stream.linear.gather [hbm4b:s6+s4], $0x80, $0x38;
	[tilespmem:$0x11300] =	vst v63  }
0x2b: {  	_ =	swait.ge [sflag:s10], $0x80  }
0x2c: {  	[sflag:s10] =	ssyncset.done $0x0  }
0x2d: {  	[sflag:s10] =	ssyncadd.s32 $0xFFFFFF80  }
0x2e: {  	v61 =	vld [tilespmem:$0x180];
	_ =	sdelay $0x1  }
0x2f: {  	v62 =	vld [tilespmem:$0x190];
	_ =	sdelay $0x1  }
0x30: {  	v63 =	vld [tilespmem:$0x1A0]  }
0x31: {  	v54 =	vand.u32 $0x7F, v61  }
0x32: {  	v55 =	vld [tilespmem:$0x1B0];
	v48 =	vshrl.u32 v61, $0x7;
	[tilespmem:$0x280] =	vst v54  }
0x33: {  	v56 =	vand.u32 $0x7F, v62;
	[tilespmem:$0x180] =	vst v48  }
0x34: {  	v58 =	vld [tilespmem:$0x1C0];
	v57 =	vshrl.u32 v62, $0x7;
	[tilespmem:$0x290] =	vst v56  }
0x35: {  	v59 =	vand.u32 $0x7F, v63;
	[tilespmem:$0x190] =	vst v57  }
0x36: {  	v60 =	vshrl.u32 v63, $0x7;
	v61 =	vld [tilespmem:$0x1D0];
	[tilespmem:$0x2A0] =	vst v59  }
0x37: {  	v62 =	vand.u32 $0x7F, v55;
	[tilespmem:$0x1A0] =	vst v60  }
0x38: {  	v63 =	vshrl.u32 v55, $0x7;
	[tilespmem:$0x2B0] =	vst v62;
	v54 =	vld [tilespmem:$0x1E0]  }
0x39: {  	v55 =	vand.u32 $0x7F, v58;
	[tilespmem:$0x1B0] =	vst v63  }
0x3a: {  	[tilespmem:$0x2C0] =	vst v55;
	v56 =	vshrl.u32 v58, $0x7;
	v57 =	vld [tilespmem:$0x1F0]  }
0x3b: {  	[tilespmem:$0x1C0] =	vst v56;
	v58 =	vand.u32 $0x7F, v61  }
0x3c: {  	v59 =	vshrl.u32 v61, $0x7;
	[tilespmem:$0x2D0] =	vst v58  }
0x3d: {  	[tilespmem:$0x1D0] =	vst v59;
	v60 =	vand.u32 $0x7F, v54  }
0x3e: {  	v61 =	vshrl.u32 v54, $0x7;
	[tilespmem:$0x2E0] =	vst v60  }
0x3f: {  	v62 =	vand.u32 $0x7F, v57;
	[tilespmem:$0x1E0] =	vst v61  }
0x40: {  	v63 =	vshrl.u32 v57, $0x7;
	[tilespmem:$0x2F0] =	vst v62  }
0x41: {  	s21 =	simm.s32 $0x0;
	[tilespmem:$0x1F0] =	vst v63  }
0x42: {  	v48 =	vld [tilespmem:s21+$0x0];
	_ =	sdelay $0x4  }
0x43: {  	(v2sf) =	vpush v48, $0x0;
	_ =	sdelay $0xe  }
0x44: {  	s31 =	spop (v2sf)  }
0x45: {  	s21 =	sshll.u32 s31, $0x7  }
0x46: {  	s22 =	simm.s32 $0x1;
	s21 =	sand.u32 $0x1FFFFF80, s21  }
0x47: {  	s23 =	simm.s32 $0x8;
	s26 =	simm.s32 $0x4300;
	s21 =	sadd.s32 s0, s21  }
0x48: {  	[tilespmem:s16], [sflag:$0x1] =	stream.linear.gather [hbm4b:s21+s4], $0x400, $0x38;
	[tilespmem:$0x11300] =	vst v63  }
0x49: {  	s24 =	simm.s32 $0x0;
	s25 =	sadd.s32 $0xF4280, s21;
	s21 =	simm.s32 $0x700  }
.LBB2_2:
0x4a: {  	[tilespmem:s26], [sflag:$0x1] =	stream.linear.gather [hbm4b:s25+s24], $0x400, $0x38;
	[tilespmem:$0x11300] =	vst v63  }
0x4b: {  	p0 =	sne.s32 s23, $0x3C;
	v48 =	vld [tilespmem:s22+$0x0];
	s22 =	sshra.s32 s23, $0x2;
	s23 =	sadd.s32 $0x4, s23  }
0x4c: {  	_ =	sdelay $0x3  }
0x4d: {  	(v2sf) =	vpush v48, $0x0;
	_ =	sdelay $0xe  }
0x4e: {  	s24 =	spop (v2sf)  }
.Ltmp0:
0x4f: {  	s24 =	sshll.u32 s24, $0x7;
	(pc) =	sbr.rel @p0 .LBB2_2-.Ltmp0, $4  }
0x50: {  	s24 =	sand.u32 $0x1FFFFF80, s24  }
0x51: {  	s25 =	sadd.s32 s0, s24;
	s24 =	simm.s32 $0x0  }
0x52: {  	[tilespmem:s21], [sflag:$0x1] =	stream.linear.gather [hbm4b:s25+s24], $0x400, $0x38;
	[tilespmem:$0x11300] =	vst v63  }
0x53: {  	s26 =	sadd.s32 $0x4000, s21;
	s25 =	sadd.s32 $0xF4280, s25;
	s21 =	sadd.s32 $0x400, s21  }
0x54: {  	[tilespmem:s26], [sflag:$0x1] =	stream.linear.gather [hbm4b:s25+s24], $0x400, $0x38;
	[tilespmem:$0x11300] =	vst v63  }
0x55: {  	v48 =	vld [tilespmem:s22+$0x0];
	_ =	sdelay $0x4  }
0x56: {  	(v2sf) =	vpush v48, $0x0;
	_ =	sdelay $0xe  }
0x57: {  	s30 =	spop (v2sf)  }
0x58: {  	s22 =	sshll.u32 s30, $0x7  }
0x59: {  	p1 =	por $0x1, $0x1;
	s22 =	sand.u32 $0x1FFFFF80, s22  }
.Ltmp1:
0x5a: {  	s22 =	sadd.s32 s0, s22;
	(pc) =	sbr.rel @!p1 .LBB2_4-.Ltmp1, $4  }
0x5b: {  	[tilespmem:s21], [sflag:$0x1] =	stream.linear.gather [hbm4b:s22+s24], $0x400, $0x38;
	[tilespmem:$0x11300] =	vst v63  }
0x5c: {  	s31 =	sadd.s32 $0x4000, s21;
	s22 =	sadd.s32 $0xF4280, s22  }
0x5d: {  	[tilespmem:s31], [sflag:$0x1] =	stream.linear.gather [hbm4b:s22+s24], $0x400, $0x38;
	[tilespmem:$0x11300] =	vst v63  }
0x5e: {  	p0 =	por $0x0, $0x0;
	s21 =	simm.s32 $0x8300;
	s22 =	simm.s32 $0x0  }
0x5f: {  	v48 =	vld [tilespmem:s22+$0x180];
	_ =	sdelay $0x4  }
0x60: {  	(v2sf) =	vpush v48, $0x0;
	_ =	sdelay $0xe  }
0x61: {  	p1 =	por $0x1, $0x1;
	s31 =	spop (v2sf)  }
.Ltmp2:
0x62: {  	s22 =	sshll.u32 s31, $0x7;
	(pc) =	sbr.rel @!p1 .LBB2_6-.Ltmp2, $4  }
0x63: {  	s25 =	simm.s32 $0xC300;
	s23 =	sand.u32 $0x1FFFFF80, s22  }
0x64: {  	p0 =	por $0x1, $0x1;
	s22 =	simm.s32 $0x1;
	s24 =	sadd.s32 s1, s23  }
0x65: {  	[tilespmem:s21], [sflag:$0x2] =	stream.linear.gather [hbm4b:s24+s4], $0x400, $0x38;
	[tilespmem:$0x11300] =	vst v63  }
0x66: {  	s23 =	simm.s32 $0x8;
	s24 =	sadd.s32 $0xF4280, s24;
	s21 =	simm.s32 $0x8700  }
.LBB2_7:
0x67: {  	[tilespmem:s25], [sflag:$0x2] =	stream.linear.gather [hbm4b:s24+s4], $0x400, $0x38;
	[tilespmem:$0x11300] =	vst v63  }
0x68: {  	p1 =	sne.s32 s23, $0x3C;
	v48 =	vld [tilespmem:s22+$0x180];
	s22 =	sshra.s32 s23, $0x2;
	s23 =	sadd.s32 $0x4, s23  }
0x69: {  	_ =	sdelay $0x3  }
0x6a: {  	(v2sf) =	vpush v48, $0x0;
	_ =	sdelay $0xe  }
0x6b: {  	s24 =	spop (v2sf)  }
.Ltmp3:
0x6c: {  	s24 =	sshll.u32 s24, $0x7;
	(pc) =	sbr.rel @p1 .LBB2_7-.Ltmp3, $4  }
0x6d: {  	s24 =	sand.u32 $0x1FFFFF80, s24  }
0x6e: {  	s24 =	sadd.s32 s1, s24  }
0x6f: {  	[tilespmem:s21], [sflag:$0x2] =	stream.linear.gather [hbm4b:s24+s4], $0x400, $0x38;
	[tilespmem:$0x11300] =	vst v63  }
0x70: {  	s25 =	sadd.s32 $0x4000, s21;
	s24 =	sadd.s32 $0xF4280, s24;
	s21 =	sadd.s32 $0x400, s21  }
.LBB2_8:
0x71: {  	[tilespmem:s25], [sflag:$0x2] =	stream.linear.gather @p0 [hbm4b:s24+s4], $0x400, $0x38;
	[tilespmem:$0x11300] =	vst v63  }
0x72: {  	v48 =	vld [tilespmem:s22+$0x180];
	_ =	sdelay $0x4  }
0x73: {  	(v2sf) =	vpush v48, $0x0;
	_ =	sdelay $0xe  }
0x74: {  	s25 =	spop (v2sf)  }
0x75: {  	s22 =	sshll.u32 s25, $0x7  }
0x76: {  	s22 =	sand.u32 $0x1FFFFF80, s22  }
0x77: {  	s22 =	sadd.s32 s1, s22  }
0x78: {  	[tilespmem:s21], [sflag:$0x2] =	stream.linear.gather [hbm4b:s22+s4], $0x400, $0x38;
	[tilespmem:$0x11300] =	vst v63  }
0x79: {  	s26 =	sadd.s32 $0x4000, s21;
	s22 =	sadd.s32 $0xF4280, s22  }
0x7a: {  	[tilespmem:s26], [sflag:$0x2] =	stream.linear.gather [hbm4b:s22+s4], $0x400, $0x38;
	[tilespmem:$0x11300] =	vst v63  }
0x7b: {  	_ =	swait.ge [sflag:s12], $0x800  }
0x7c: {  	[sflag:s12] =	ssyncset.done $0x0  }
0x7d: {  	[sflag:s12] =	ssyncadd.s32 $0xFFFFF800  }
0x7e: {  	_ =	swait.ge [sflag:s12], $0x800  }
0x7f: {  	[sflag:s12] =	ssyncset.done $0x0  }
0x80: {  	[sflag:s12] =	ssyncadd.s32 $0xFFFFF800  }
0x81: {  	_ =	swait.ge [sflag:s12], $0x800  }
0x82: {  	[sflag:s12] =	ssyncset.done $0x0  }
0x83: {  	[sflag:s12] =	ssyncadd.s32 $0xFFFFF800  }
0x84: {  	_ =	swait.ge [sflag:s12], $0x800  }
0x85: {  	[sflag:s12] =	ssyncset.done $0x0  }
0x86: {  	[sflag:s12] =	ssyncadd.s32 $0xFFFFF800  }
0x87: {  	_ =	swait.ge [sflag:s12], $0x800  }
0x88: {  	[sflag:s12] =	ssyncset.done $0x0  }
0x89: {  	[sflag:s12] =	ssyncadd.s32 $0xFFFFF800  }
0x8a: {  	_ =	swait.ge [sflag:s12], $0x800  }
0x8b: {  	[sflag:s12] =	ssyncset.done $0x0  }
0x8c: {  	[sflag:s12] =	ssyncadd.s32 $0xFFFFF800  }
0x8d: {  	_ =	swait.ge [sflag:s12], $0x800  }
0x8e: {  	[sflag:s12] =	ssyncset.done $0x0  }
0x8f: {  	[sflag:s12] =	ssyncadd.s32 $0xFFFFF800  }
0x90: {  	_ =	swait.ge [sflag:s12], $0x800  }
0x91: {  	[sflag:s12] =	ssyncset.done $0x0  }
0x92: {  	[sflag:s12] =	ssyncadd.s32 $0xFFFFF800  }
0x93: {  	_ =	swait.ge [sflag:s12], $0x800  }
0x94: {  	[sflag:s12] =	ssyncset.done $0x0  }
0x95: {  	[sflag:s12] =	ssyncadd.s32 $0xFFFFF800  }
0x96: {  	_ =	swait.ge [sflag:s12], $0x800  }
0x97: {  	[sflag:s12] =	ssyncset.done $0x0  }
0x98: {  	[sflag:s12] =	ssyncadd.s32 $0xFFFFF800  }
0x99: {  	_ =	swait.ge [sflag:s12], $0x800  }
0x9a: {  	[sflag:s12] =	ssyncset.done $0x0  }
0x9b: {  	[sflag:s12] =	ssyncadd.s32 $0xFFFFF800  }
0x9c: {  	_ =	swait.ge [sflag:s12], $0x800  }
0x9d: {  	[sflag:s12] =	ssyncset.done $0x0  }
0x9e: {  	[sflag:s12] =	ssyncadd.s32 $0xFFFFF800  }
0x9f: {  	_ =	swait.ge [sflag:s12], $0x800  }
0xa0: {  	[sflag:s12] =	ssyncset.done $0x0  }
0xa1: {  	[sflag:s12] =	ssyncadd.s32 $0xFFFFF800  }
0xa2: {  	_ =	swait.ge [sflag:s12], $0x800  }
0xa3: {  	[sflag:s12] =	ssyncset.done $0x0  }
0xa4: {  	[sflag:s12] =	ssyncadd.s32 $0xFFFFF800  }
0xa5: {  	_ =	swait.ge [sflag:s12], $0x800  }
0xa6: {  	[sflag:s12] =	ssyncset.done $0x0  }
0xa7: {  	[sflag:s12] =	ssyncadd.s32 $0xFFFFF800  }
0xa8: {  	_ =	swait.ge [sflag:s12], $0x800  }
0xa9: {  	[sflag:s12] =	ssyncset.done $0x0  }
0xaa: {  	[sflag:s12] =	ssyncadd.s32 $0xFFFFF800  }
0xab: {  	v62 =	vld [tilespmem:$0x100];
	_ =	sdelay $0x4  }
0xac: {  	v49 =	vshll.u32 v62, $0x3  }
0xad: {  	v49 =	vadd.s32 v1, v49  }
0xae: {  	v48 =	vand.u32 $0x7F, v62;
	v49 =	vand.u32 $0xFFFFFC00, v49  }
0xaf: {  	v48 =	vor.u32 v48, v49;
	_ =	sdelay $0x3  }
0xb0: {  	s28 =	simm.s32 $0x300  }
0xb1: {  	v49 =	vld.idx.msk [tilespmem:v48+s28+$0x0], $0xffff  }
0xb2: {  	v50 =	vor.u32 $0x80, v48;
	_ =	sdelay $0x3  }
0xb3: {  	[tilespmem:v0+s13+$0x0] =	vst.idx.msk $0xffff, v49  }
0xb4: {  	v49 =	vld.idx.msk [tilespmem:v50+s28+$0x0], $0xffff  }
0xb5: {  	v63 =	vor.u32 $0x100, v48;
	_ =	sdelay $0x3  }
0xb6: {  	[tilespmem:v5+s13+$0x0] =	vst.idx.msk $0xffff, v49  }
0xb7: {  	v49 =	vld.idx.msk [tilespmem:v63+s28+$0x0], $0xffff  }
0xb8: {  	v52 =	vor.u32 $0x180, v48;
	_ =	sdelay $0x3  }
0xb9: {  	[tilespmem:v6+s13+$0x0] =	vst.idx.msk $0xffff, v49  }
0xba: {  	v49 =	vld.idx.msk [tilespmem:v52+s28+$0x0], $0xffff  }
0xbb: {  	v53 =	vor.u32 $0x200, v48;
	_ =	sdelay $0x3  }
0xbc: {  	[tilespmem:v7+s13+$0x0] =	vst.idx.msk $0xffff, v49  }
0xbd: {  	v49 =	vld.idx.msk [tilespmem:v53+s28+$0x0], $0xffff  }
0xbe: {  	v54 =	vor.u32 $0x280, v48;
	_ =	sdelay $0x3  }
0xbf: {  	[tilespmem:v8+s13+$0x0] =	vst.idx.msk $0xffff, v49  }
0xc0: {  	v49 =	vld.idx.msk [tilespmem:v54+s28+$0x0], $0xffff  }
0xc1: {  	v55 =	vor.u32 $0x300, v48;
	_ =	sdelay $0x3  }
0xc2: {  	[tilespmem:v9+s13+$0x0] =	vst.idx.msk $0xffff, v49  }
0xc3: {  	v49 =	vld.idx.msk [tilespmem:v55+s28+$0x0], $0xffff  }
0xc4: {  	v56 =	vor.u32 $0x380, v48;
	_ =	sdelay $0x3  }
0xc5: {  	[tilespmem:v10+s13+$0x0] =	vst.idx.msk $0xffff, v49  }
0xc6: {  	v49 =	vld.idx.msk [tilespmem:v56+s28+$0x0], $0xffff  }
0xc7: {  	v57 =	vadd.s32 $0x4000, v48;
	_ =	sdelay $0x3  }
0xc8: {  	[tilespmem:v11+s13+$0x0] =	vst.idx.msk $0xffff, v49  }
0xc9: {  	v49 =	vld.idx.msk [tilespmem:v57+s28+$0x0], $0xffff  }
0xca: {  	v58 =	vadd.s32 $0x4080, v48;
	_ =	sdelay $0x3  }
0xcb: {  	[tilespmem:v12+s13+$0x0] =	vst.idx.msk $0xffff, v49  }
0xcc: {  	v49 =	vld.idx.msk [tilespmem:v58+s28+$0x0], $0xffff  }
0xcd: {  	v59 =	vadd.s32 $0x4100, v48;
	_ =	sdelay $0x3  }
0xce: {  	[tilespmem:v13+s13+$0x0] =	vst.idx.msk $0xffff, v49  }
0xcf: {  	v49 =	vld.idx.msk [tilespmem:v59+s28+$0x0], $0xffff  }
0xd0: {  	v60 =	vadd.s32 $0x4180, v48;
	_ =	sdelay $0x3  }
0xd1: {  	[tilespmem:v14+s13+$0x0] =	vst.idx.msk $0xffff, v49  }
0xd2: {  	v49 =	vld.idx.msk [tilespmem:v60+s28+$0x0], $0xffff  }
0xd3: {  	v61 =	vadd.s32 $0x4200, v48;
	_ =	sdelay $0x3  }
0xd4: {  	[tilespmem:v15+s13+$0x0] =	vst.idx.msk $0xffff, v49  }
0xd5: {  	v49 =	vld.idx.msk [tilespmem:v61+s28+$0x0], $0xffff  }
0xd6: {  	v62 =	vadd.s32 $0x4280, v48;
	_ =	sdelay $0x3  }
0xd7: {  	[tilespmem:v16+s13+$0x0] =	vst.idx.msk $0xffff, v49  }
0xd8: {  	v49 =	vld.idx.msk [tilespmem:v62+s28+$0x0], $0xffff  }
0xd9: {  	v63 =	vadd.s32 $0x4300, v48;
	_ =	sdelay $0x3  }
0xda: {  	[tilespmem:v17+s13+$0x0] =	vst.idx.msk $0xffff, v49  }
0xdb: {  	v49 =	vld.idx.msk [tilespmem:v63+s28+$0x0], $0xffff  }
0xdc: {  	v48 =	vadd.s32 $0x4380, v48;
	_ =	sdelay $0x3  }
0xdd: {  	[tilespmem:v18+s13+$0x0] =	vst.idx.msk $0xffff, v49  }
0xde: {  	v48 =	vld.idx.msk [tilespmem:v48+s28+$0x0], $0xffff;
	_ =	sdelay $0x4  }
0xdf: {  	s29 =	simm.s32 $0x0;
	[tilespmem:v19+s13+$0x0] =	vst.idx.msk $0xffff, v48  }
0xe0: {  	v48 =	vld [tilespmem:s29+$0x10];
	_ =	sdelay $0x4  }
0xe1: {  	(v2sf) =	vpush v48, $0x0;
	_ =	sdelay $0xe  }
0xe2: {  	s30 =	spop (v2sf)  }
0xe3: {  	s22 =	sshll.u32 s30, $0x7  }
0xe4: {  	s22 =	sand.u32 $0x1FFFFF80, s22  }
0xe5: {  	s23 =	simm.s32 $0x8;
	s25 =	simm.s32 $0x4300;
	s31 =	sadd.s32 s0, s22  }
0xe6: {  	[tilespmem:s28], [sflag:$0x1] =	stream.linear.gather [hbm4b:s31+s4], $0x400, $0x38;
	[tilespmem:$0x11300] =	vst v63  }
0xe7: {  	s21 =	simm.s32 $0x700;
	s22 =	simm.s32 $0x1;
	s24 =	sadd.s32 $0xF4280, s31  }
.LBB2_9:
0xe8: {  	[tilespmem:s25], [sflag:$0x1] =	stream.linear.gather [hbm4b:s24+s4], $0x400, $0x38;
	[tilespmem:$0x11300] =	vst v63  }
0xe9: {  	p0 =	sne.s32 s23, $0x3C;
	v48 =	vld [tilespmem:s22+$0x10];
	s22 =	sshra.s32 s23, $0x2;
	s23 =	sadd.s32 $0x4, s23  }
0xea: {  	_ =	sdelay $0x3  }
0xeb: {  	(v2sf) =	vpush v48, $0x0;
	_ =	sdelay $0xe  }
0xec: {  	s24 =	spop (v2sf)  }
.Ltmp4:
0xed: {  	s24 =	sshll.u32 s24, $0x7;
	(pc) =	sbr.rel @p0 .LBB2_9-.Ltmp4, $4  }
0xee: {  	s24 =	sand.u32 $0x1FFFFF80, s24  }
0xef: {  	s24 =	sadd.s32 s0, s24  }
0xf0: {  	[tilespmem:s21], [sflag:$0x1] =	stream.linear.gather [hbm4b:s24+s4], $0x400, $0x38;
	[tilespmem:$0x11300] =	vst v63  }
0xf1: {  	s25 =	sadd.s32 $0x4000, s21;
	s24 =	sadd.s32 $0xF4280, s24;
	s21 =	sadd.s32 $0x400, s21  }
0xf2: {  	[tilespmem:s25], [sflag:$0x1] =	stream.linear.gather [hbm4b:s24+s4], $0x400, $0x38;
	[tilespmem:$0x11300] =	vst v63  }
0xf3: {  	v48 =	vld [tilespmem:s22+$0x10];
	_ =	sdelay $0x4  }
0xf4: {  	(v2sf) =	vpush v48, $0x0;
	_ =	sdelay $0xe  }
0xf5: {  	s25 =	spop (v2sf)  }
0xf6: {  	s22 =	sshll.u32 s25, $0x7  }
0xf7: {  	s22 =	sand.u32 $0x1FFFFF80, s22  }
0xf8: {  	s22 =	sadd.s32 s0, s22  }
0xf9: {  	[tilespmem:s21], [sflag:$0x1] =	stream.linear.gather [hbm4b:s22+s4], $0x400, $0x38;
	[tilespmem:$0x11300] =	vst v63  }
0xfa: {  	s26 =	sadd.s32 $0x4000, s21;
	s22 =	sadd.s32 $0xF4280, s22  }
0xfb: {  	[tilespmem:s26], [sflag:$0x1] =	stream.linear.gather [hbm4b:s22+s4], $0x400, $0x38;
	[tilespmem:$0x11300] =	vst v63  }
0xfc: {  	_ =	swait.ge [sflag:s14], $0x800  }
0xfd: {  	[sflag:s14] =	ssyncset.done $0x0  }
0xfe: {  	[sflag:s14] =	ssyncadd.s32 $0xFFFFF800  }
0xff: {  	_ =	swait.ge [sflag:s14], $0x800  }
0x100: {  	[sflag:s14] =	ssyncset.done $0x0  }
0x101: {  	[sflag:s14] =	ssyncadd.s32 $0xFFFFF800  }
0x102: {  	_ =	swait.ge [sflag:s14], $0x800  }
0x103: {  	[sflag:s14] =	ssyncset.done $0x0  }
0x104: {  	[sflag:s14] =	ssyncadd.s32 $0xFFFFF800  }
0x105: {  	_ =	swait.ge [sflag:s14], $0x800  }
0x106: {  	[sflag:s14] =	ssyncset.done $0x0  }
0x107: {  	[sflag:s14] =	ssyncadd.s32 $0xFFFFF800  }
0x108: {  	_ =	swait.ge [sflag:s14], $0x800  }
0x109: {  	[sflag:s14] =	ssyncset.done $0x0  }
0x10a: {  	[sflag:s14] =	ssyncadd.s32 $0xFFFFF800  }
0x10b: {  	_ =	swait.ge [sflag:s14], $0x800  }
0x10c: {  	[sflag:s14] =	ssyncset.done $0x0  }
0x10d: {  	[sflag:s14] =	ssyncadd.s32 $0xFFFFF800  }
0x10e: {  	_ =	swait.ge [sflag:s14], $0x800  }
0x10f: {  	[sflag:s14] =	ssyncset.done $0x0  }
0x110: {  	[sflag:s14] =	ssyncadd.s32 $0xFFFFF800  }
0x111: {  	_ =	swait.ge [sflag:s14], $0x800  }
0x112: {  	[sflag:s14] =	ssyncset.done $0x0  }
0x113: {  	[sflag:s14] =	ssyncadd.s32 $0xFFFFF800  }
0x114: {  	_ =	swait.ge [sflag:s14], $0x800  }
0x115: {  	[sflag:s14] =	ssyncset.done $0x0  }
0x116: {  	[sflag:s14] =	ssyncadd.s32 $0xFFFFF800  }
0x117: {  	_ =	swait.ge [sflag:s14], $0x800  }
0x118: {  	[sflag:s14] =	ssyncset.done $0x0  }
0x119: {  	[sflag:s14] =	ssyncadd.s32 $0xFFFFF800  }
0x11a: {  	_ =	swait.ge [sflag:s14], $0x800  }
0x11b: {  	[sflag:s14] =	ssyncset.done $0x0  }
0x11c: {  	[sflag:s14] =	ssyncadd.s32 $0xFFFFF800  }
0x11d: {  	_ =	swait.ge [sflag:s14], $0x800  }
0x11e: {  	[sflag:s14] =	ssyncset.done $0x0  }
0x11f: {  	[sflag:s14] =	ssyncadd.s32 $0xFFFFF800  }
0x120: {  	_ =	swait.ge [sflag:s14], $0x800  }
0x121: {  	[sflag:s14] =	ssyncset.done $0x0  }
0x122: {  	[sflag:s14] =	ssyncadd.s32 $0xFFFFF800  }
0x123: {  	_ =	swait.ge [sflag:s14], $0x800  }
0x124: {  	[sflag:s14] =	ssyncset.done $0x0  }
0x125: {  	[sflag:s14] =	ssyncadd.s32 $0xFFFFF800  }
0x126: {  	_ =	swait.ge [sflag:s14], $0x800  }
0x127: {  	[sflag:s14] =	ssyncset.done $0x0  }
0x128: {  	[sflag:s14] =	ssyncadd.s32 $0xFFFFF800  }
0x129: {  	_ =	swait.ge [sflag:s14], $0x800  }
0x12a: {  	[sflag:s14] =	ssyncset.done $0x0  }
0x12b: {  	[sflag:s14] =	ssyncadd.s32 $0xFFFFF800  }
0x12c: {  	v62 =	vld [tilespmem:$0x280];
	_ =	sdelay $0x4  }
0x12d: {  	v49 =	vshll.u32 v62, $0x3  }
0x12e: {  	v49 =	vadd.s32 v1, v49  }
0x12f: {  	v48 =	vand.u32 $0x7F, v62;
	v49 =	vand.u32 $0xFFFFFC00, v49  }
0x130: {  	v48 =	vor.u32 v48, v49;
	_ =	sdelay $0x3  }
0x131: {  	s28 =	simm.s32 $0x8300  }
0x132: {  	v49 =	vld.idx.msk [tilespmem:v48+s28+$0x0], $0xffff  }
0x133: {  	v50 =	vor.u32 $0x80, v48;
	_ =	sdelay $0x3  }
0x134: {  	[tilespmem:v0+s15+$0x0] =	vst.idx.msk $0xffff, v49  }
0x135: {  	v49 =	vld.idx.msk [tilespmem:v50+s28+$0x0], $0xffff  }
0x136: {  	v63 =	vor.u32 $0x100, v48;
	_ =	sdelay $0x3  }
0x137: {  	[tilespmem:v5+s15+$0x0] =	vst.idx.msk $0xffff, v49  }
0x138: {  	v49 =	vld.idx.msk [tilespmem:v63+s28+$0x0], $0xffff  }
0x139: {  	v52 =	vor.u32 $0x180, v48;
	_ =	sdelay $0x3  }
0x13a: {  	[tilespmem:v6+s15+$0x0] =	vst.idx.msk $0xffff, v49  }
0x13b: {  	v49 =	vld.idx.msk [tilespmem:v52+s28+$0x0], $0xffff  }
0x13c: {  	v53 =	vor.u32 $0x200, v48;
	_ =	sdelay $0x3  }
0x13d: {  	[tilespmem:v7+s15+$0x0] =	vst.idx.msk $0xffff, v49  }
0x13e: {  	v49 =	vld.idx.msk [tilespmem:v53+s28+$0x0], $0xffff  }
0x13f: {  	v54 =	vor.u32 $0x280, v48;
	_ =	sdelay $0x3  }
0x140: {  	[tilespmem:v8+s15+$0x0] =	vst.idx.msk $0xffff, v49  }
0x141: {  	v49 =	vld.idx.msk [tilespmem:v54+s28+$0x0], $0xffff  }
0x142: {  	v55 =	vor.u32 $0x300, v48;
	_ =	sdelay $0x3  }
0x143: {  	[tilespmem:v9+s15+$0x0] =	vst.idx.msk $0xffff, v49  }
0x144: {  	v49 =	vld.idx.msk [tilespmem:v55+s28+$0x0], $0xffff  }
0x145: {  	v56 =	vor.u32 $0x380, v48;
	_ =	sdelay $0x3  }
0x146: {  	[tilespmem:v10+s15+$0x0] =	vst.idx.msk $0xffff, v49  }
0x147: {  	v49 =	vld.idx.msk [tilespmem:v56+s28+$0x0], $0xffff  }
0x148: {  	v57 =	vadd.s32 $0x4000, v48;
	_ =	sdelay $0x3  }
0x149: {  	[tilespmem:v11+s15+$0x0] =	vst.idx.msk $0xffff, v49  }
0x14a: {  	v49 =	vld.idx.msk [tilespmem:v57+s28+$0x0], $0xffff  }
0x14b: {  	v58 =	vadd.s32 $0x4080, v48;
	_ =	sdelay $0x3  }
0x14c: {  	[tilespmem:v12+s15+$0x0] =	vst.idx.msk $0xffff, v49  }
0x14d: {  	v49 =	vld.idx.msk [tilespmem:v58+s28+$0x0], $0xffff  }
0x14e: {  	v59 =	vadd.s32 $0x4100, v48;
	_ =	sdelay $0x3  }
0x14f: {  	[tilespmem:v13+s15+$0x0] =	vst.idx.msk $0xffff, v49  }
0x150: {  	v49 =	vld.idx.msk [tilespmem:v59+s28+$0x0], $0xffff  }
0x151: {  	v60 =	vadd.s32 $0x4180, v48;
	_ =	sdelay $0x3  }
0x152: {  	[tilespmem:v14+s15+$0x0] =	vst.idx.msk $0xffff, v49  }
0x153: {  	v49 =	vld.idx.msk [tilespmem:v60+s28+$0x0], $0xffff  }
0x154: {  	v61 =	vadd.s32 $0x4200, v48;
	_ =	sdelay $0x3  }
0x155: {  	[tilespmem:v15+s15+$0x0] =	vst.idx.msk $0xffff, v49  }
0x156: {  	v49 =	vld.idx.msk [tilespmem:v61+s28+$0x0], $0xffff  }
0x157: {  	v62 =	vadd.s32 $0x4280, v48;
	_ =	sdelay $0x3  }
0x158: {  	[tilespmem:v16+s15+$0x0] =	vst.idx.msk $0xffff, v49  }
0x159: {  	v49 =	vld.idx.msk [tilespmem:v62+s28+$0x0], $0xffff  }
0x15a: {  	v63 =	vadd.s32 $0x4300, v48;
	_ =	sdelay $0x3  }
0x15b: {  	[tilespmem:v17+s15+$0x0] =	vst.idx.msk $0xffff, v49  }
0x15c: {  	v49 =	vld.idx.msk [tilespmem:v63+s28+$0x0], $0xffff  }
0x15d: {  	v48 =	vadd.s32 $0x4380, v48;
	_ =	sdelay $0x3  }
0x15e: {  	[tilespmem:v18+s15+$0x0] =	vst.idx.msk $0xffff, v49  }
0x15f: {  	v48 =	vld.idx.msk [tilespmem:v48+s28+$0x0], $0xffff;
	_ =	sdelay $0x4  }
0x160: {  	s29 =	simm.s32 $0x0;
	[tilespmem:v19+s15+$0x0] =	vst.idx.msk $0xffff, v48  }
0x161: {  	v48 =	vld [tilespmem:s29+$0x190];
	_ =	sdelay $0x4  }
0x162: {  	(v2sf) =	vpush v48, $0x0;
	_ =	sdelay $0xe  }
0x163: {  	s30 =	spop (v2sf)  }
0x164: {  	s22 =	sshll.u32 s30, $0x7  }
0x165: {  	s22 =	sand.u32 $0x1FFFFF80, s22  }
0x166: {  	s23 =	simm.s32 $0x8;
	s25 =	simm.s32 $0xC300;
	s31 =	sadd.s32 s1, s22  }
0x167: {  	[tilespmem:s28], [sflag:$0x2] =	stream.linear.gather [hbm4b:s31+s4], $0x400, $0x38;
	[tilespmem:$0x11300] =	vst v63  }
0x168: {  	s21 =	simm.s32 $0x8700;
	s22 =	simm.s32 $0x1;
	s24 =	sadd.s32 $0xF4280, s31  }
.LBB2_11:
0x169: {  	[tilespmem:s25], [sflag:$0x2] =	stream.linear.gather [hbm4b:s24+s4], $0x400, $0x38;
	[tilespmem:$0x11300] =	vst v63  }
0x16a: {  	p0 =	sne.s32 s23, $0x3C;
	v48 =	vld [tilespmem:s22+$0x190];
	s22 =	sshra.s32 s23, $0x2;
	s23 =	sadd.s32 $0x4, s23  }
0x16b: {  	_ =	sdelay $0x3  }
0x16c: {  	(v2sf) =	vpush v48, $0x0;
	_ =	sdelay $0xe  }
0x16d: {  	s24 =	spop (v2sf)  }
.Ltmp5:
0x16e: {  	s24 =	sshll.u32 s24, $0x7;
	(pc) =	sbr.rel @p0 .LBB2_11-.Ltmp5, $4  }
0x16f: {  	s24 =	sand.u32 $0x1FFFFF80, s24  }
0x170: {  	s24 =	sadd.s32 s1, s24  }
0x171: {  	[tilespmem:s21], [sflag:$0x2] =	stream.linear.gather [hbm4b:s24+s4], $0x400, $0x38;
	[tilespmem:$0x11300] =	vst v63  }
0x172: {  	s25 =	sadd.s32 $0x4000, s21;
	s24 =	sadd.s32 $0xF4280, s24;
	s21 =	sadd.s32 $0x400, s21  }
0x173: {  	[tilespmem:s25], [sflag:$0x2] =	stream.linear.gather [hbm4b:s24+s4], $0x400, $0x38;
	[tilespmem:$0x11300] =	vst v63  }
0x174: {  	v48 =	vld [tilespmem:s22+$0x190];
	_ =	sdelay $0x4  }
0x175: {  	(v2sf) =	vpush v48, $0x0;
	_ =	sdelay $0xe  }
0x176: {  	s25 =	spop (v2sf)  }
0x177: {  	s22 =	sshll.u32 s25, $0x7  }
0x178: {  	s22 =	sand.u32 $0x1FFFFF80, s22  }
0x179: {  	s22 =	sadd.s32 s1, s22  }
0x17a: {  	[tilespmem:s21], [sflag:$0x2] =	stream.linear.gather [hbm4b:s22+s4], $0x400, $0x38;
	[tilespmem:$0x11300] =	vst v63  }
0x17b: {  	s26 =	sadd.s32 $0x4000, s21;
	s22 =	sadd.s32 $0xF4280, s22  }
0x17c: {  	[tilespmem:s26], [sflag:$0x2] =	stream.linear.gather [hbm4b:s22+s4], $0x400, $0x38;
	[tilespmem:$0x11300] =	vst v63  }
0x17d: {  	_ =	swait.ge [sflag:s12], $0x800  }
0x17e: {  	[sflag:s12] =	ssyncset.done $0x0  }
0x17f: {  	[sflag:s12] =	ssyncadd.s32 $0xFFFFF800  }
0x180: {  	_ =	swait.ge [sflag:s12], $0x800  }
0x181: {  	[sflag:s12] =	ssyncset.done $0x0  }
0x182: {  	[sflag:s12] =	ssyncadd.s32 $0xFFFFF800  }
0x183: {  	_ =	swait.ge [sflag:s12], $0x800  }
0x184: {  	[sflag:s12] =	ssyncset.done $0x0  }
0x185: {  	[sflag:s12] =	ssyncadd.s32 $0xFFFFF800  }
0x186: {  	_ =	swait.ge [sflag:s12], $0x800  }
0x187: {  	[sflag:s12] =	ssyncset.done $0x0  }
0x188: {  	[sflag:s12] =	ssyncadd.s32 $0xFFFFF800  }
0x189: {  	_ =	swait.ge [sflag:s12], $0x800  }
0x18a: {  	[sflag:s12] =	ssyncset.done $0x0  }
0x18b: {  	[sflag:s12] =	ssyncadd.s32 $0xFFFFF800  }
0x18c: {  	_ =	swait.ge [sflag:s12], $0x800  }
0x18d: {  	[sflag:s12] =	ssyncset.done $0x0  }
0x18e: {  	[sflag:s12] =	ssyncadd.s32 $0xFFFFF800  }
0x18f: {  	_ =	swait.ge [sflag:s12], $0x800  }
0x190: {  	[sflag:s12] =	ssyncset.done $0x0  }
0x191: {  	[sflag:s12] =	ssyncadd.s32 $0xFFFFF800  }
0x192: {  	_ =	swait.ge [sflag:s12], $0x800  }
0x193: {  	[sflag:s12] =	ssyncset.done $0x0  }
0x194: {  	[sflag:s12] =	ssyncadd.s32 $0xFFFFF800  }
0x195: {  	_ =	swait.ge [sflag:s12], $0x800  }
0x196: {  	[sflag:s12] =	ssyncset.done $0x0  }
0x197: {  	[sflag:s12] =	ssyncadd.s32 $0xFFFFF800  }
0x198: {  	_ =	swait.ge [sflag:s12], $0x800  }
0x199: {  	[sflag:s12] =	ssyncset.done $0x0  }
0x19a: {  	[sflag:s12] =	ssyncadd.s32 $0xFFFFF800  }
0x19b: {  	_ =	swait.ge [sflag:s12], $0x800  }
0x19c: {  	[sflag:s12] =	ssyncset.done $0x0  }
0x19d: {  	[sflag:s12] =	ssyncadd.s32 $0xFFFFF800  }
0x19e: {  	_ =	swait.ge [sflag:s12], $0x800  }
0x19f: {  	[sflag:s12] =	ssyncset.done $0x0  }
0x1a0: {  	[sflag:s12] =	ssyncadd.s32 $0xFFFFF800  }
0x1a1: {  	_ =	swait.ge [sflag:s12], $0x800  }
0x1a2: {  	[sflag:s12] =	ssyncset.done $0x0  }
0x1a3: {  	[sflag:s12] =	ssyncadd.s32 $0xFFFFF800  }
0x1a4: {  	_ =	swait.ge [sflag:s12], $0x800  }
0x1a5: {  	[sflag:s12] =	ssyncset.done $0x0  }
0x1a6: {  	[sflag:s12] =	ssyncadd.s32 $0xFFFFF800  }
0x1a7: {  	_ =	swait.ge [sflag:s12], $0x800  }
0x1a8: {  	[sflag:s12] =	ssyncset.done $0x0  }
0x1a9: {  	[sflag:s12] =	ssyncadd.s32 $0xFFFFF800  }
0x1aa: {  	_ =	swait.ge [sflag:s12], $0x800  }
0x1ab: {  	[sflag:s12] =	ssyncset.done $0x0  }
0x1ac: {  	[sflag:s12] =	ssyncadd.s32 $0xFFFFF800  }
0x1ad: {  	v62 =	vld [tilespmem:$0x110];
	_ =	sdelay $0x4  }
0x1ae: {  	v49 =	vshll.u32 v62, $0x3  }
0x1af: {  	v49 =	vadd.s32 v1, v49  }
0x1b0: {  	v48 =	vand.u32 $0x7F, v62;
	v49 =	vand.u32 $0xFFFFFC00, v49  }
0x1b1: {  	v48 =	vor.u32 v48, v49;
	_ =	sdelay $0x3  }
0x1b2: {  	s28 =	simm.s32 $0x300  }
0x1b3: {  	v49 =	vld.idx.msk [tilespmem:v48+s28+$0x0], $0xffff  }
0x1b4: {  	v50 =	vor.u32 $0x80, v48;
	_ =	sdelay $0x3  }
0x1b5: {  	[tilespmem:v20+s13+$0x0] =	vst.idx.msk $0xffff, v49  }
0x1b6: {  	v49 =	vld.idx.msk [tilespmem:v50+s28+$0x0], $0xffff  }
0x1b7: {  	v63 =	vor.u32 $0x100, v48;
	_ =	sdelay $0x3  }
0x1b8: {  	[tilespmem:v21+s13+$0x0] =	vst.idx.msk $0xffff, v49  }
0x1b9: {  	v49 =	vld.idx.msk [tilespmem:v63+s28+$0x0], $0xffff  }
0x1ba: {  	v52 =	vor.u32 $0x180, v48;
	_ =	sdelay $0x3  }
0x1bb: {  	[tilespmem:v22+s13+$0x0] =	vst.idx.msk $0xffff, v49  }
0x1bc: {  	v49 =	vld.idx.msk [tilespmem:v52+s28+$0x0], $0xffff  }
0x1bd: {  	v53 =	vor.u32 $0x200, v48;
	_ =	sdelay $0x3  }
0x1be: {  	[tilespmem:v23+s13+$0x0] =	vst.idx.msk $0xffff, v49  }
0x1bf: {  	v49 =	vld.idx.msk [tilespmem:v53+s28+$0x0], $0xffff  }
0x1c0: {  	v54 =	vor.u32 $0x280, v48;
	_ =	sdelay $0x3  }
0x1c1: {  	[tilespmem:v24+s13+$0x0] =	vst.idx.msk $0xffff, v49  }
0x1c2: {  	v49 =	vld.idx.msk [tilespmem:v54+s28+$0x0], $0xffff  }
0x1c3: {  	v55 =	vor.u32 $0x300, v48;
	_ =	sdelay $0x3  }
0x1c4: {  	[tilespmem:v25+s13+$0x0] =	vst.idx.msk $0xffff, v49  }
0x1c5: {  	v49 =	vld.idx.msk [tilespmem:v55+s28+$0x0], $0xffff  }
0x1c6: {  	v56 =	vor.u32 $0x380, v48;
	_ =	sdelay $0x3  }
0x1c7: {  	[tilespmem:v26+s13+$0x0] =	vst.idx.msk $0xffff, v49  }
0x1c8: {  	v49 =	vld.idx.msk [tilespmem:v56+s28+$0x0], $0xffff  }
0x1c9: {  	v57 =	vadd.s32 $0x4000, v48;
	_ =	sdelay $0x3  }
0x1ca: {  	[tilespmem:v27+s13+$0x0] =	vst.idx.msk $0xffff, v49  }
0x1cb: {  	v49 =	vld.idx.msk [tilespmem:v57+s28+$0x0], $0xffff  }
0x1cc: {  	v58 =	vadd.s32 $0x4080, v48;
	_ =	sdelay $0x3  }
0x1cd: {  	[tilespmem:v28+s13+$0x0] =	vst.idx.msk $0xffff, v49  }
0x1ce: {  	v49 =	vld.idx.msk [tilespmem:v58+s28+$0x0], $0xffff  }
0x1cf: {  	v59 =	vadd.s32 $0x4100, v48;
	_ =	sdelay $0x3  }
0x1d0: {  	[tilespmem:v29+s13+$0x0] =	vst.idx.msk $0xffff, v49  }
0x1d1: {  	v49 =	vld.idx.msk [tilespmem:v59+s28+$0x0], $0xffff  }
0x1d2: {  	v60 =	vadd.s32 $0x4180, v48;
	_ =	sdelay $0x3  }
0x1d3: {  	[tilespmem:v30+s13+$0x0] =	vst.idx.msk $0xffff, v49  }
0x1d4: {  	v49 =	vld.idx.msk [tilespmem:v60+s28+$0x0], $0xffff  }
0x1d5: {  	v61 =	vadd.s32 $0x4200, v48;
	_ =	sdelay $0x3  }
0x1d6: {  	[tilespmem:v31+s13+$0x0] =	vst.idx.msk $0xffff, v49  }
0x1d7: {  	v49 =	vld.idx.msk [tilespmem:v61+s28+$0x0], $0xffff  }
0x1d8: {  	v62 =	vadd.s32 $0x4280, v48;
	_ =	sdelay $0x3  }
0x1d9: {  	[tilespmem:v32+s13+$0x0] =	vst.idx.msk $0xffff, v49  }
0x1da: {  	v49 =	vld.idx.msk [tilespmem:v62+s28+$0x0], $0xffff  }
0x1db: {  	v63 =	vadd.s32 $0x4300, v48;
	_ =	sdelay $0x3  }
0x1dc: {  	[tilespmem:v33+s13+$0x0] =	vst.idx.msk $0xffff, v49  }
0x1dd: {  	v49 =	vld.idx.msk [tilespmem:v63+s28+$0x0], $0xffff  }
0x1de: {  	v48 =	vadd.s32 $0x4380, v48;
	_ =	sdelay $0x3  }
0x1df: {  	[tilespmem:v34+s13+$0x0] =	vst.idx.msk $0xffff, v49  }
0x1e0: {  	v48 =	vld.idx.msk [tilespmem:v48+s28+$0x0], $0xffff;
	_ =	sdelay $0x4  }
0x1e1: {  	s29 =	simm.s32 $0x0;
	[tilespmem:v35+s13+$0x0] =	vst.idx.msk $0xffff, v48  }
0x1e2: {  	v48 =	vld [tilespmem:s29+$0x20];
	_ =	sdelay $0x4  }
0x1e3: {  	(v2sf) =	vpush v48, $0x0;
	_ =	sdelay $0xe  }
0x1e4: {  	s30 =	spop (v2sf)  }
0x1e5: {  	s22 =	sshll.u32 s30, $0x7  }
0x1e6: {  	s22 =	sand.u32 $0x1FFFFF80, s22  }
0x1e7: {  	s23 =	simm.s32 $0x8;
	s25 =	simm.s32 $0x4300;
	s31 =	sadd.s32 s0, s22  }
0x1e8: {  	[tilespmem:s28], [sflag:$0x1] =	stream.linear.gather [hbm4b:s31+s4], $0x400, $0x38;
	[tilespmem:$0x11300] =	vst v63  }
0x1e9: {  	s21 =	simm.s32 $0x700;
	s22 =	simm.s32 $0x1;
	s24 =	sadd.s32 $0xF4280, s31  }
.LBB2_13:
0x1ea: {  	[tilespmem:s25], [sflag:$0x1] =	stream.linear.gather [hbm4b:s24+s4], $0x400, $0x38;
	[tilespmem:$0x11300] =	vst v63  }
0x1eb: {  	p0 =	sne.s32 s23, $0x3C;
	v48 =	vld [tilespmem:s22+$0x20];
	s22 =	sshra.s32 s23, $0x2;
	s23 =	sadd.s32 $0x4, s23  }
0x1ec: {  	_ =	sdelay $0x3  }
0x1ed: {  	(v2sf) =	vpush v48, $0x0;
	_ =	sdelay $0xe  }
0x1ee: {  	s24 =	spop (v2sf)  }
.Ltmp6:
0x1ef: {  	s24 =	sshll.u32 s24, $0x7;
	(pc) =	sbr.rel @p0 .LBB2_13-.Ltmp6, $4  }
0x1f0: {  	s24 =	sand.u32 $0x1FFFFF80, s24  }
0x1f1: {  	s24 =	sadd.s32 s0, s24  }
0x1f2: {  	[tilespmem:s21], [sflag:$0x1] =	stream.linear.gather [hbm4b:s24+s4], $0x400, $0x38;
	[tilespmem:$0x11300] =	vst v63  }
0x1f3: {  	s25 =	sadd.s32 $0x4000, s21;
	s24 =	sadd.s32 $0xF4280, s24;
	s21 =	sadd.s32 $0x400, s21  }
0x1f4: {  	[tilespmem:s25], [sflag:$0x1] =	stream.linear.gather [hbm4b:s24+s4], $0x400, $0x38;
	[tilespmem:$0x11300] =	vst v63  }
0x1f5: {  	v48 =	vld [tilespmem:s22+$0x20];
	_ =	sdelay $0x4  }
0x1f6: {  	(v2sf) =	vpush v48, $0x0;
	_ =	sdelay $0xe  }
0x1f7: {  	s25 =	spop (v2sf)  }
0x1f8: {  	s22 =	sshll.u32 s25, $0x7  }
0x1f9: {  	s22 =	sand.u32 $0x1FFFFF80, s22  }
0x1fa: {  	s22 =	sadd.s32 s0, s22  }
0x1fb: {  	[tilespmem:s21], [sflag:$0x1] =	stream.linear.gather [hbm4b:s22+s4], $0x400, $0x38;
	[tilespmem:$0x11300] =	vst v63  }
0x1fc: {  	s26 =	sadd.s32 $0x4000, s21;
	s22 =	sadd.s32 $0xF4280, s22  }
0x1fd: {  	[tilespmem:s26], [sflag:$0x1] =	stream.linear.gather [hbm4b:s22+s4], $0x400, $0x38;
	[tilespmem:$0x11300] =	vst v63  }
0x1fe: {  	_ =	swait.ge [sflag:s14], $0x800  }
0x1ff: {  	[sflag:s14] =	ssyncset.done $0x0  }
0x200: {  	[sflag:s14] =	ssyncadd.s32 $0xFFFFF800  }
0x201: {  	_ =	swait.ge [sflag:s14], $0x800  }
0x202: {  	[sflag:s14] =	ssyncset.done $0x0  }
0x203: {  	[sflag:s14] =	ssyncadd.s32 $0xFFFFF800  }
0x204: {  	_ =	swait.ge [sflag:s14], $0x800  }
0x205: {  	[sflag:s14] =	ssyncset.done $0x0  }
0x206: {  	[sflag:s14] =	ssyncadd.s32 $0xFFFFF800  }
0x207: {  	_ =	swait.ge [sflag:s14], $0x800  }
0x208: {  	[sflag:s14] =	ssyncset.done $0x0  }
0x209: {  	[sflag:s14] =	ssyncadd.s32 $0xFFFFF800  }
0x20a: {  	_ =	swait.ge [sflag:s14], $0x800  }
0x20b: {  	[sflag:s14] =	ssyncset.done $0x0  }
0x20c: {  	[sflag:s14] =	ssyncadd.s32 $0xFFFFF800  }
0x20d: {  	_ =	swait.ge [sflag:s14], $0x800  }
0x20e: {  	[sflag:s14] =	ssyncset.done $0x0  }
0x20f: {  	[sflag:s14] =	ssyncadd.s32 $0xFFFFF800  }
0x210: {  	_ =	swait.ge [sflag:s14], $0x800  }
0x211: {  	[sflag:s14] =	ssyncset.done $0x0  }
0x212: {  	[sflag:s14] =	ssyncadd.s32 $0xFFFFF800  }
0x213: {  	_ =	swait.ge [sflag:s14], $0x800  }
0x214: {  	[sflag:s14] =	ssyncset.done $0x0  }
0x215: {  	[sflag:s14] =	ssyncadd.s32 $0xFFFFF800  }
0x216: {  	_ =	swait.ge [sflag:s14], $0x800  }
0x217: {  	[sflag:s14] =	ssyncset.done $0x0  }
0x218: {  	[sflag:s14] =	ssyncadd.s32 $0xFFFFF800  }
0x219: {  	_ =	swait.ge [sflag:s14], $0x800  }
0x21a: {  	[sflag:s14] =	ssyncset.done $0x0  }
0x21b: {  	[sflag:s14] =	ssyncadd.s32 $0xFFFFF800  }
0x21c: {  	_ =	swait.ge [sflag:s14], $0x800  }
0x21d: {  	[sflag:s14] =	ssyncset.done $0x0  }
0x21e: {  	[sflag:s14] =	ssyncadd.s32 $0xFFFFF800  }
0x21f: {  	_ =	swait.ge [sflag:s14], $0x800  }
0x220: {  	[sflag:s14] =	ssyncset.done $0x0  }
0x221: {  	[sflag:s14] =	ssyncadd.s32 $0xFFFFF800  }
0x222: {  	_ =	swait.ge [sflag:s14], $0x800  }
0x223: {  	[sflag:s14] =	ssyncset.done $0x0  }
0x224: {  	[sflag:s14] =	ssyncadd.s32 $0xFFFFF800  }
0x225: {  	_ =	swait.ge [sflag:s14], $0x800  }
0x226: {  	[sflag:s14] =	ssyncset.done $0x0  }
0x227: {  	[sflag:s14] =	ssyncadd.s32 $0xFFFFF800  }
0x228: {  	_ =	swait.ge [sflag:s14], $0x800  }
0x229: {  	[sflag:s14] =	ssyncset.done $0x0  }
0x22a: {  	[sflag:s14] =	ssyncadd.s32 $0xFFFFF800  }
0x22b: {  	_ =	swait.ge [sflag:s14], $0x800  }
0x22c: {  	[sflag:s14] =	ssyncset.done $0x0  }
0x22d: {  	[sflag:s14] =	ssyncadd.s32 $0xFFFFF800  }
0x22e: {  	v62 =	vld [tilespmem:$0x290];
	_ =	sdelay $0x4  }
0x22f: {  	v49 =	vshll.u32 v62, $0x3  }
0x230: {  	v49 =	vadd.s32 v1, v49  }
0x231: {  	v48 =	vand.u32 $0x7F, v62;
	v49 =	vand.u32 $0xFFFFFC00, v49  }
0x232: {  	v48 =	vor.u32 v48, v49;
	_ =	sdelay $0x3  }
0x233: {  	s28 =	simm.s32 $0x8300  }
0x234: {  	v49 =	vld.idx.msk [tilespmem:v48+s28+$0x0], $0xffff  }
0x235: {  	v50 =	vor.u32 $0x80, v48;
	_ =	sdelay $0x3  }
0x236: {  	[tilespmem:v20+s15+$0x0] =	vst.idx.msk $0xffff, v49  }
0x237: {  	v49 =	vld.idx.msk [tilespmem:v50+s28+$0x0], $0xffff  }
0x238: {  	v63 =	vor.u32 $0x100, v48;
	_ =	sdelay $0x3  }
0x239: {  	[tilespmem:v21+s15+$0x0] =	vst.idx.msk $0xffff, v49  }
0x23a: {  	v49 =	vld.idx.msk [tilespmem:v63+s28+$0x0], $0xffff  }
0x23b: {  	v52 =	vor.u32 $0x180, v48;
	_ =	sdelay $0x3  }
0x23c: {  	[tilespmem:v22+s15+$0x0] =	vst.idx.msk $0xffff, v49  }
0x23d: {  	v49 =	vld.idx.msk [tilespmem:v52+s28+$0x0], $0xffff  }
0x23e: {  	v53 =	vor.u32 $0x200, v48;
	_ =	sdelay $0x3  }
0x23f: {  	[tilespmem:v23+s15+$0x0] =	vst.idx.msk $0xffff, v49  }
0x240: {  	v49 =	vld.idx.msk [tilespmem:v53+s28+$0x0], $0xffff  }
0x241: {  	v54 =	vor.u32 $0x280, v48;
	_ =	sdelay $0x3  }
0x242: {  	[tilespmem:v24+s15+$0x0] =	vst.idx.msk $0xffff, v49  }
0x243: {  	v49 =	vld.idx.msk [tilespmem:v54+s28+$0x0], $0xffff  }
0x244: {  	v55 =	vor.u32 $0x300, v48;
	_ =	sdelay $0x3  }
0x245: {  	[tilespmem:v25+s15+$0x0] =	vst.idx.msk $0xffff, v49  }
0x246: {  	v49 =	vld.idx.msk [tilespmem:v55+s28+$0x0], $0xffff  }
0x247: {  	v56 =	vor.u32 $0x380, v48;
	_ =	sdelay $0x3  }
0x248: {  	[tilespmem:v26+s15+$0x0] =	vst.idx.msk $0xffff, v49  }
0x249: {  	v49 =	vld.idx.msk [tilespmem:v56+s28+$0x0], $0xffff  }
0x24a: {  	v57 =	vadd.s32 $0x4000, v48;
	_ =	sdelay $0x3  }
0x24b: {  	[tilespmem:v27+s15+$0x0] =	vst.idx.msk $0xffff, v49  }
0x24c: {  	v49 =	vld.idx.msk [tilespmem:v57+s28+$0x0], $0xffff  }
0x24d: {  	v58 =	vadd.s32 $0x4080, v48;
	_ =	sdelay $0x3  }
0x24e: {  	[tilespmem:v28+s15+$0x0] =	vst.idx.msk $0xffff, v49  }
0x24f: {  	v49 =	vld.idx.msk [tilespmem:v58+s28+$0x0], $0xffff  }
0x250: {  	v59 =	vadd.s32 $0x4100, v48;
	_ =	sdelay $0x3  }
0x251: {  	[tilespmem:v29+s15+$0x0] =	vst.idx.msk $0xffff, v49  }
0x252: {  	v49 =	vld.idx.msk [tilespmem:v59+s28+$0x0], $0xffff  }
0x253: {  	v60 =	vadd.s32 $0x4180, v48;
	_ =	sdelay $0x3  }
0x254: {  	[tilespmem:v30+s15+$0x0] =	vst.idx.msk $0xffff, v49  }
0x255: {  	v49 =	vld.idx.msk [tilespmem:v60+s28+$0x0], $0xffff  }
0x256: {  	v61 =	vadd.s32 $0x4200, v48;
	_ =	sdelay $0x3  }
0x257: {  	[tilespmem:v31+s15+$0x0] =	vst.idx.msk $0xffff, v49  }
0x258: {  	v49 =	vld.idx.msk [tilespmem:v61+s28+$0x0], $0xffff  }
0x259: {  	v62 =	vadd.s32 $0x4280, v48;
	_ =	sdelay $0x3  }
0x25a: {  	[tilespmem:v32+s15+$0x0] =	vst.idx.msk $0xffff, v49  }
0x25b: {  	v49 =	vld.idx.msk [tilespmem:v62+s28+$0x0], $0xffff  }
0x25c: {  	v63 =	vadd.s32 $0x4300, v48;
	_ =	sdelay $0x3  }
0x25d: {  	[tilespmem:v33+s15+$0x0] =	vst.idx.msk $0xffff, v49  }
0x25e: {  	v49 =	vld.idx.msk [tilespmem:v63+s28+$0x0], $0xffff  }
0x25f: {  	v48 =	vadd.s32 $0x4380, v48;
	_ =	sdelay $0x3  }
0x260: {  	[tilespmem:v34+s15+$0x0] =	vst.idx.msk $0xffff, v49  }
0x261: {  	v48 =	vld.idx.msk [tilespmem:v48+s28+$0x0], $0xffff;
	_ =	sdelay $0x4  }
0x262: {  	s29 =	simm.s32 $0x0;
	[tilespmem:v35+s15+$0x0] =	vst.idx.msk $0xffff, v48  }
0x263: {  	v48 =	vld [tilespmem:s29+$0x1A0];
	_ =	sdelay $0x4  }
0x264: {  	(v2sf) =	vpush v48, $0x0;
	_ =	sdelay $0xe  }
0x265: {  	s30 =	spop (v2sf)  }
0x266: {  	s22 =	sshll.u32 s30, $0x7  }
0x267: {  	s22 =	sand.u32 $0x1FFFFF80, s22  }
0x268: {  	s23 =	simm.s32 $0x8;
	s25 =	simm.s32 $0xC300;
	s31 =	sadd.s32 s1, s22  }
0x269: {  	[tilespmem:s28], [sflag:$0x2] =	stream.linear.gather [hbm4b:s31+s4], $0x400, $0x38;
	[tilespmem:$0x11300] =	vst v63  }
0x26a: {  	s21 =	simm.s32 $0x8700;
	s22 =	simm.s32 $0x1;
	s24 =	sadd.s32 $0xF4280, s31  }
.LBB2_15:
0x26b: {  	[tilespmem:s25], [sflag:$0x2] =	stream.linear.gather [hbm4b:s24+s4], $0x400, $0x38;
	[tilespmem:$0x11300] =	vst v63  }
0x26c: {  	p0 =	sne.s32 s23, $0x3C;
	v48 =	vld [tilespmem:s22+$0x1A0];
	s22 =	sshra.s32 s23, $0x2;
	s23 =	sadd.s32 $0x4, s23  }
0x26d: {  	_ =	sdelay $0x3  }
0x26e: {  	(v2sf) =	vpush v48, $0x0;
	_ =	sdelay $0xe  }
0x26f: {  	s24 =	spop (v2sf)  }
.Ltmp7:
0x270: {  	s24 =	sshll.u32 s24, $0x7;
	(pc) =	sbr.rel @p0 .LBB2_15-.Ltmp7, $4  }
0x271: {  	s24 =	sand.u32 $0x1FFFFF80, s24  }
0x272: {  	s24 =	sadd.s32 s1, s24  }
0x273: {  	[tilespmem:s21], [sflag:$0x2] =	stream.linear.gather [hbm4b:s24+s4], $0x400, $0x38;
	[tilespmem:$0x11300] =	vst v63  }
0x274: {  	s25 =	sadd.s32 $0x4000, s21;
	s24 =	sadd.s32 $0xF4280, s24;
	s21 =	sadd.s32 $0x400, s21  }
0x275: {  	[tilespmem:s25], [sflag:$0x2] =	stream.linear.gather [hbm4b:s24+s4], $0x400, $0x38;
	[tilespmem:$0x11300] =	vst v63  }
0x276: {  	v48 =	vld [tilespmem:s22+$0x1A0];
	_ =	sdelay $0x4  }
0x277: {  	(v2sf) =	vpush v48, $0x0;
	_ =	sdelay $0xe  }
0x278: {  	s25 =	spop (v2sf)  }
0x279: {  	s22 =	sshll.u32 s25, $0x7  }
0x27a: {  	s22 =	sand.u32 $0x1FFFFF80, s22  }
0x27b: {  	s22 =	sadd.s32 s1, s22  }
0x27c: {  	[tilespmem:s21], [sflag:$0x2] =	stream.linear.gather [hbm4b:s22+s4], $0x400, $0x38;
	[tilespmem:$0x11300] =	vst v63  }
0x27d: {  	s26 =	sadd.s32 $0x4000, s21;
	s22 =	sadd.s32 $0xF4280, s22  }
0x27e: {  	[tilespmem:s26], [sflag:$0x2] =	stream.linear.gather [hbm4b:s22+s4], $0x400, $0x38;
	[tilespmem:$0x11300] =	vst v63  }
0x27f: {  	_ =	swait.ge [sflag:s12], $0x800  }
0x280: {  	[sflag:s12] =	ssyncset.done $0x0  }
0x281: {  	[sflag:s12] =	ssyncadd.s32 $0xFFFFF800  }
0x282: {  	_ =	swait.ge [sflag:s12], $0x800  }
0x283: {  	[sflag:s12] =	ssyncset.done $0x0  }
0x284: {  	[sflag:s12] =	ssyncadd.s32 $0xFFFFF800  }
0x285: {  	_ =	swait.ge [sflag:s12], $0x800  }
0x286: {  	[sflag:s12] =	ssyncset.done $0x0  }
0x287: {  	[sflag:s12] =	ssyncadd.s32 $0xFFFFF800  }
0x288: {  	_ =	swait.ge [sflag:s12], $0x800  }
0x289: {  	[sflag:s12] =	ssyncset.done $0x0  }
0x28a: {  	[sflag:s12] =	ssyncadd.s32 $0xFFFFF800  }
0x28b: {  	_ =	swait.ge [sflag:s12], $0x800  }
0x28c: {  	[sflag:s12] =	ssyncset.done $0x0  }
0x28d: {  	[sflag:s12] =	ssyncadd.s32 $0xFFFFF800  }
0x28e: {  	_ =	swait.ge [sflag:s12], $0x800  }
0x28f: {  	[sflag:s12] =	ssyncset.done $0x0  }
0x290: {  	[sflag:s12] =	ssyncadd.s32 $0xFFFFF800  }
0x291: {  	_ =	swait.ge [sflag:s12], $0x800  }
0x292: {  	[sflag:s12] =	ssyncset.done $0x0  }
0x293: {  	[sflag:s12] =	ssyncadd.s32 $0xFFFFF800  }
0x294: {  	_ =	swait.ge [sflag:s12], $0x800  }
0x295: {  	[sflag:s12] =	ssyncset.done $0x0  }
0x296: {  	[sflag:s12] =	ssyncadd.s32 $0xFFFFF800  }
0x297: {  	_ =	swait.ge [sflag:s12], $0x800  }
0x298: {  	[sflag:s12] =	ssyncset.done $0x0  }
0x299: {  	[sflag:s12] =	ssyncadd.s32 $0xFFFFF800  }
0x29a: {  	_ =	swait.ge [sflag:s12], $0x800  }
0x29b: {  	[sflag:s12] =	ssyncset.done $0x0  }
0x29c: {  	[sflag:s12] =	ssyncadd.s32 $0xFFFFF800  }
0x29d: {  	_ =	swait.ge [sflag:s12], $0x800  }
0x29e: {  	[sflag:s12] =	ssyncset.done $0x0  }
0x29f: {  	[sflag:s12] =	ssyncadd.s32 $0xFFFFF800  }
0x2a0: {  	_ =	swait.ge [sflag:s12], $0x800  }
0x2a1: {  	[sflag:s12] =	ssyncset.done $0x0  }
0x2a2: {  	[sflag:s12] =	ssyncadd.s32 $0xFFFFF800  }
0x2a3: {  	_ =	swait.ge [sflag:s12], $0x800  }
0x2a4: {  	[sflag:s12] =	ssyncset.done $0x0  }
0x2a5: {  	[sflag:s12] =	ssyncadd.s32 $0xFFFFF800  }
0x2a6: {  	_ =	swait.ge [sflag:s12], $0x800  }
0x2a7: {  	[sflag:s12] =	ssyncset.done $0x0  }
0x2a8: {  	[sflag:s12] =	ssyncadd.s32 $0xFFFFF800  }
0x2a9: {  	_ =	swait.ge [sflag:s12], $0x800  }
0x2aa: {  	[sflag:s12] =	ssyncset.done $0x0  }
0x2ab: {  	[sflag:s12] =	ssyncadd.s32 $0xFFFFF800  }
0x2ac: {  	_ =	swait.ge [sflag:s12], $0x800  }
0x2ad: {  	[sflag:s12] =	ssyncset.done $0x0  }
0x2ae: {  	[sflag:s12] =	ssyncadd.s32 $0xFFFFF800  }
0x2af: {  	v62 =	vld [tilespmem:$0x120];
	_ =	sdelay $0x4  }
0x2b0: {  	v49 =	vshll.u32 v62, $0x3  }
0x2b1: {  	v49 =	vadd.s32 v1, v49  }
0x2b2: {  	v48 =	vand.u32 $0x7F, v62;
	v49 =	vand.u32 $0xFFFFFC00, v49  }
0x2b3: {  	v48 =	vor.u32 v48, v49;
	_ =	sdelay $0x3  }
0x2b4: {  	s28 =	simm.s32 $0x300  }
0x2b5: {  	v49 =	vld.idx.msk [tilespmem:v48+s28+$0x0], $0xffff  }
0x2b6: {  	v50 =	vor.u32 $0x80, v48;
	_ =	sdelay $0x3  }
0x2b7: {  	[tilespmem:v2+s13+$0x0] =	vst.idx.msk $0xffff, v49  }
0x2b8: {  	v49 =	vld.idx.msk [tilespmem:v50+s28+$0x0], $0xffff  }
0x2b9: {  	v63 =	vor.u32 $0x100, v48;
	_ =	sdelay $0x3  }
0x2ba: {  	[tilespmem:v37+s13+$0x0] =	vst.idx.msk $0xffff, v49  }
0x2bb: {  	v49 =	vld.idx.msk [tilespmem:v63+s28+$0x0], $0xffff  }
0x2bc: {  	v52 =	vor.u32 $0x180, v48;
	_ =	sdelay $0x3  }
0x2bd: {  	[tilespmem:v38+s13+$0x0] =	vst.idx.msk $0xffff, v49  }
0x2be: {  	v49 =	vld.idx.msk [tilespmem:v52+s28+$0x0], $0xffff  }
0x2bf: {  	v53 =	vor.u32 $0x200, v48;
	_ =	sdelay $0x3  }
0x2c0: {  	[tilespmem:v39+s13+$0x0] =	vst.idx.msk $0xffff, v49  }
0x2c1: {  	v49 =	vld.idx.msk [tilespmem:v53+s28+$0x0], $0xffff  }
0x2c2: {  	v54 =	vor.u32 $0x280, v48;
	_ =	sdelay $0x3  }
0x2c3: {  	[tilespmem:v40+s13+$0x0] =	vst.idx.msk $0xffff, v49  }
0x2c4: {  	v49 =	vld.idx.msk [tilespmem:v54+s28+$0x0], $0xffff  }
0x2c5: {  	v55 =	vor.u32 $0x300, v48;
	_ =	sdelay $0x3  }
0x2c6: {  	[tilespmem:v41+s13+$0x0] =	vst.idx.msk $0xffff, v49  }
0x2c7: {  	v49 =	vld.idx.msk [tilespmem:v55+s28+$0x0], $0xffff  }
0x2c8: {  	v56 =	vor.u32 $0x380, v48;
	_ =	sdelay $0x3  }
0x2c9: {  	[tilespmem:v42+s13+$0x0] =	vst.idx.msk $0xffff, v49  }
0x2ca: {  	v49 =	vld.idx.msk [tilespmem:v56+s28+$0x0], $0xffff  }
0x2cb: {  	v57 =	vadd.s32 $0x4000, v48;
	_ =	sdelay $0x3  }
0x2cc: {  	[tilespmem:v43+s13+$0x0] =	vst.idx.msk $0xffff, v49  }
0x2cd: {  	v49 =	vld.idx.msk [tilespmem:v57+s28+$0x0], $0xffff  }
0x2ce: {  	v58 =	vadd.s32 $0x4080, v48;
	_ =	sdelay $0x3  }
0x2cf: {  	[tilespmem:v44+s13+$0x0] =	vst.idx.msk $0xffff, v49  }
0x2d0: {  	v49 =	vld.idx.msk [tilespmem:v58+s28+$0x0], $0xffff  }
0x2d1: {  	v59 =	vadd.s32 $0x4100, v48;
	_ =	sdelay $0x3  }
0x2d2: {  	[tilespmem:v45+s13+$0x0] =	vst.idx.msk $0xffff, v49  }
0x2d3: {  	v49 =	vld.idx.msk [tilespmem:v59+s28+$0x0], $0xffff  }
0x2d4: {  	v60 =	vadd.s32 $0x4180, v48;
	_ =	sdelay $0x3  }
0x2d5: {  	[tilespmem:v46+s13+$0x0] =	vst.idx.msk $0xffff, v49  }
0x2d6: {  	v49 =	vld.idx.msk [tilespmem:v60+s28+$0x0], $0xffff  }
0x2d7: {  	v61 =	vadd.s32 $0x4200, v48;
	_ =	sdelay $0x3  }
0x2d8: {  	[tilespmem:v47+s13+$0x0] =	vst.idx.msk $0xffff, v49  }
0x2d9: {  	v49 =	vld.idx.msk [tilespmem:v61+s28+$0x0], $0xffff  }
0x2da: {  	v62 =	vadd.s32 $0x4280, v48;
	_ =	sdelay $0x3  }
0x2db: {  	[tilespmem:v36+s13+$0x0] =	vst.idx.msk $0xffff, v49  }
0x2dc: {  	v49 =	vld.idx.msk [tilespmem:v62+s28+$0x0], $0xffff  }
0x2dd: {  	v63 =	vadd.s32 $0x4300, v48;
	_ =	sdelay $0x3  }
0x2de: {  	[tilespmem:v3+s13+$0x0] =	vst.idx.msk $0xffff, v49  }
0x2df: {  	v49 =	vld.idx.msk [tilespmem:v63+s28+$0x0], $0xffff  }
0x2e0: {  	v48 =	vadd.s32 $0x4380, v48;
	_ =	sdelay $0x3  }
0x2e1: {  	[tilespmem:v4+s13+$0x0] =	vst.idx.msk $0xffff, v49  }
0x2e2: {  	v49 =	vld.idx.msk [tilespmem:v48+s28+$0x0], $0xffff;
	v48 =	vor.u32 $0x7A0, v0;
	_ =	sdelay $0x4  }
0x2e3: {  	s29 =	simm.s32 $0x0;
	[tilespmem:v48+s13+$0x0] =	vst.idx.msk $0xffff, v49  }
0x2e4: {  	v49 =	vld [tilespmem:s29+$0x30];
	_ =	sdelay $0x4  }
0x2e5: {  	(v2sf) =	vpush v49, $0x0;
	_ =	sdelay $0xe  }
0x2e6: {  	s30 =	spop (v2sf)  }
0x2e7: {  	s22 =	sshll.u32 s30, $0x7  }
0x2e8: {  	s22 =	sand.u32 $0x1FFFFF80, s22  }
0x2e9: {  	s23 =	simm.s32 $0x8;
	s25 =	simm.s32 $0x4300;
	s31 =	sadd.s32 s0, s22  }
0x2ea: {  	[tilespmem:s28], [sflag:$0x1] =	stream.linear.gather [hbm4b:s31+s4], $0x400, $0x38;
	[tilespmem:$0x11300] =	vst v63  }
0x2eb: {  	s21 =	simm.s32 $0x700;
	s22 =	simm.s32 $0x1;
	s24 =	sadd.s32 $0xF4280, s31  }
.LBB2_17:
0x2ec: {  	[tilespmem:s25], [sflag:$0x1] =	stream.linear.gather [hbm4b:s24+s4], $0x400, $0x38;
	[tilespmem:$0x11300] =	vst v63  }
0x2ed: {  	p0 =	sne.s32 s23, $0x3C;
	v49 =	vld [tilespmem:s22+$0x30];
	s22 =	sshra.s32 s23, $0x2;
	s23 =	sadd.s32 $0x4, s23  }
0x2ee: {  	_ =	sdelay $0x3  }
0x2ef: {  	(v2sf) =	vpush v49, $0x0;
	_ =	sdelay $0xe  }
0x2f0: {  	s24 =	spop (v2sf)  }
.Ltmp8:
0x2f1: {  	s24 =	sshll.u32 s24, $0x7;
	(pc) =	sbr.rel @p0 .LBB2_17-.Ltmp8, $4  }
0x2f2: {  	s24 =	sand.u32 $0x1FFFFF80, s24  }
0x2f3: {  	s24 =	sadd.s32 s0, s24  }
0x2f4: {  	[tilespmem:s21], [sflag:$0x1] =	stream.linear.gather [hbm4b:s24+s4], $0x400, $0x38;
	[tilespmem:$0x11300] =	vst v63  }
0x2f5: {  	s25 =	sadd.s32 $0x4000, s21;
	s24 =	sadd.s32 $0xF4280, s24;
	s21 =	sadd.s32 $0x400, s21  }
0x2f6: {  	[tilespmem:s25], [sflag:$0x1] =	stream.linear.gather [hbm4b:s24+s4], $0x400, $0x38;
	[tilespmem:$0x11300] =	vst v63  }
0x2f7: {  	v49 =	vld [tilespmem:s22+$0x30];
	_ =	sdelay $0x4  }
0x2f8: {  	(v2sf) =	vpush v49, $0x0;
	_ =	sdelay $0xe  }
0x2f9: {  	s25 =	spop (v2sf)  }
0x2fa: {  	s22 =	sshll.u32 s25, $0x7  }
0x2fb: {  	s22 =	sand.u32 $0x1FFFFF80, s22  }
0x2fc: {  	s22 =	sadd.s32 s0, s22  }
0x2fd: {  	[tilespmem:s21], [sflag:$0x1] =	stream.linear.gather [hbm4b:s22+s4], $0x400, $0x38;
	[tilespmem:$0x11300] =	vst v63  }
0x2fe: {  	s26 =	sadd.s32 $0x4000, s21;
	s22 =	sadd.s32 $0xF4280, s22  }
0x2ff: {  	[tilespmem:s26], [sflag:$0x1] =	stream.linear.gather [hbm4b:s22+s4], $0x400, $0x38;
	[tilespmem:$0x11300] =	vst v63  }
0x300: {  	_ =	swait.ge [sflag:s14], $0x800  }
0x301: {  	[sflag:s14] =	ssyncset.done $0x0  }
0x302: {  	[sflag:s14] =	ssyncadd.s32 $0xFFFFF800  }
0x303: {  	_ =	swait.ge [sflag:s14], $0x800  }
0x304: {  	[sflag:s14] =	ssyncset.done $0x0  }
0x305: {  	[sflag:s14] =	ssyncadd.s32 $0xFFFFF800  }
0x306: {  	_ =	swait.ge [sflag:s14], $0x800  }
0x307: {  	[sflag:s14] =	ssyncset.done $0x0  }
0x308: {  	[sflag:s14] =	ssyncadd.s32 $0xFFFFF800  }
0x309: {  	_ =	swait.ge [sflag:s14], $0x800  }
0x30a: {  	[sflag:s14] =	ssyncset.done $0x0  }
0x30b: {  	[sflag:s14] =	ssyncadd.s32 $0xFFFFF800  }
0x30c: {  	_ =	swait.ge [sflag:s14], $0x800  }
0x30d: {  	[sflag:s14] =	ssyncset.done $0x0  }
0x30e: {  	[sflag:s14] =	ssyncadd.s32 $0xFFFFF800  }
0x30f: {  	_ =	swait.ge [sflag:s14], $0x800  }
0x310: {  	[sflag:s14] =	ssyncset.done $0x0  }
0x311: {  	[sflag:s14] =	ssyncadd.s32 $0xFFFFF800  }
0x312: {  	_ =	swait.ge [sflag:s14], $0x800  }
0x313: {  	[sflag:s14] =	ssyncset.done $0x0  }
0x314: {  	[sflag:s14] =	ssyncadd.s32 $0xFFFFF800  }
0x315: {  	_ =	swait.ge [sflag:s14], $0x800  }
0x316: {  	[sflag:s14] =	ssyncset.done $0x0  }
0x317: {  	[sflag:s14] =	ssyncadd.s32 $0xFFFFF800  }
0x318: {  	_ =	swait.ge [sflag:s14], $0x800  }
0x319: {  	[sflag:s14] =	ssyncset.done $0x0  }
0x31a: {  	[sflag:s14] =	ssyncadd.s32 $0xFFFFF800  }
0x31b: {  	_ =	swait.ge [sflag:s14], $0x800  }
0x31c: {  	[sflag:s14] =	ssyncset.done $0x0  }
0x31d: {  	[sflag:s14] =	ssyncadd.s32 $0xFFFFF800  }
0x31e: {  	_ =	swait.ge [sflag:s14], $0x800  }
0x31f: {  	[sflag:s14] =	ssyncset.done $0x0  }
0x320: {  	[sflag:s14] =	ssyncadd.s32 $0xFFFFF800  }
0x321: {  	_ =	swait.ge [sflag:s14], $0x800  }
0x322: {  	[sflag:s14] =	ssyncset.done $0x0  }
0x323: {  	[sflag:s14] =	ssyncadd.s32 $0xFFFFF800  }
0x324: {  	_ =	swait.ge [sflag:s14], $0x800  }
0x325: {  	[sflag:s14] =	ssyncset.done $0x0  }
0x326: {  	[sflag:s14] =	ssyncadd.s32 $0xFFFFF800  }
0x327: {  	_ =	swait.ge [sflag:s14], $0x800  }
0x328: {  	[sflag:s14] =	ssyncset.done $0x0  }
0x329: {  	[sflag:s14] =	ssyncadd.s32 $0xFFFFF800  }
0x32a: {  	_ =	swait.ge [sflag:s14], $0x800  }
0x32b: {  	[sflag:s14] =	ssyncset.done $0x0  }
0x32c: {  	[sflag:s14] =	ssyncadd.s32 $0xFFFFF800  }
0x32d: {  	_ =	swait.ge [sflag:s14], $0x800  }
0x32e: {  	[sflag:s14] =	ssyncset.done $0x0  }
0x32f: {  	[sflag:s14] =	ssyncadd.s32 $0xFFFFF800  }
0x330: {  	v60 =	vld [tilespmem:$0x2A0];
	_ =	sdelay $0x4  }
0x331: {  	v50 =	vshll.u32 v60, $0x3  }
0x332: {  	v50 =	vadd.s32 v1, v50  }
0x333: {  	v49 =	vand.u32 $0x7F, v60;
	v50 =	vand.u32 $0xFFFFFC00, v50  }
0x334: {  	v49 =	vor.u32 v49, v50;
	_ =	sdelay $0x3  }
0x335: {  	s28 =	simm.s32 $0x8300  }
0x336: {  	v50 =	vld.idx.msk [tilespmem:v49+s28+$0x0], $0xffff  }
0x337: {  	v51 =	vor.u32 $0x80, v49;
	_ =	sdelay $0x3  }
0x338: {  	[tilespmem:v2+s15+$0x0] =	vst.idx.msk $0xffff, v50  }
0x339: {  	v50 =	vld.idx.msk [tilespmem:v51+s28+$0x0], $0xffff  }
0x33a: {  	v61 =	vor.u32 $0x100, v49;
	_ =	sdelay $0x3  }
0x33b: {  	[tilespmem:v37+s15+$0x0] =	vst.idx.msk $0xffff, v50  }
0x33c: {  	v50 =	vld.idx.msk [tilespmem:v61+s28+$0x0], $0xffff  }
0x33d: {  	v62 =	vor.u32 $0x180, v49;
	_ =	sdelay $0x3  }
0x33e: {  	[tilespmem:v38+s15+$0x0] =	vst.idx.msk $0xffff, v50  }
0x33f: {  	v50 =	vld.idx.msk [tilespmem:v62+s28+$0x0], $0xffff  }
0x340: {  	v63 =	vor.u32 $0x200, v49;
	_ =	sdelay $0x3  }
0x341: {  	[tilespmem:v39+s15+$0x0] =	vst.idx.msk $0xffff, v50  }
0x342: {  	v50 =	vld.idx.msk [tilespmem:v63+s28+$0x0], $0xffff  }
0x343: {  	v54 =	vor.u32 $0x280, v49;
	_ =	sdelay $0x3  }
0x344: {  	[tilespmem:v40+s15+$0x0] =	vst.idx.msk $0xffff, v50  }
0x345: {  	v50 =	vld.idx.msk [tilespmem:v54+s28+$0x0], $0xffff  }
0x346: {  	v55 =	vor.u32 $0x300, v49;
	_ =	sdelay $0x3  }
0x347: {  	[tilespmem:v41+s15+$0x0] =	vst.idx.msk $0xffff, v50  }
0x348: {  	v50 =	vld.idx.msk [tilespmem:v55+s28+$0x0], $0xffff  }
0x349: {  	v56 =	vor.u32 $0x380, v49;
	_ =	sdelay $0x3  }
0x34a: {  	[tilespmem:v42+s15+$0x0] =	vst.idx.msk $0xffff, v50  }
0x34b: {  	v50 =	vld.idx.msk [tilespmem:v56+s28+$0x0], $0xffff  }
0x34c: {  	v57 =	vadd.s32 $0x4000, v49;
	_ =	sdelay $0x3  }
0x34d: {  	[tilespmem:v43+s15+$0x0] =	vst.idx.msk $0xffff, v50  }
0x34e: {  	v50 =	vld.idx.msk [tilespmem:v57+s28+$0x0], $0xffff  }
0x34f: {  	v58 =	vadd.s32 $0x4080, v49;
	_ =	sdelay $0x3  }
0x350: {  	[tilespmem:v44+s15+$0x0] =	vst.idx.msk $0xffff, v50  }
0x351: {  	v50 =	vld.idx.msk [tilespmem:v58+s28+$0x0], $0xffff  }
0x352: {  	v59 =	vadd.s32 $0x4100, v49;
	_ =	sdelay $0x3  }
0x353: {  	[tilespmem:v45+s15+$0x0] =	vst.idx.msk $0xffff, v50  }
0x354: {  	v50 =	vld.idx.msk [tilespmem:v59+s28+$0x0], $0xffff  }
0x355: {  	v60 =	vadd.s32 $0x4180, v49;
	_ =	sdelay $0x3  }
0x356: {  	[tilespmem:v46+s15+$0x0] =	vst.idx.msk $0xffff, v50  }
0x357: {  	v50 =	vld.idx.msk [tilespmem:v60+s28+$0x0], $0xffff  }
0x358: {  	v61 =	vadd.s32 $0x4200, v49;
	_ =	sdelay $0x3  }
0x359: {  	[tilespmem:v47+s15+$0x0] =	vst.idx.msk $0xffff, v50  }
0x35a: {  	v50 =	vld.idx.msk [tilespmem:v61+s28+$0x0], $0xffff  }
0x35b: {  	v62 =	vadd.s32 $0x4280, v49;
	_ =	sdelay $0x3  }
0x35c: {  	[tilespmem:v36+s15+$0x0] =	vst.idx.msk $0xffff, v50  }
0x35d: {  	v50 =	vld.idx.msk [tilespmem:v62+s28+$0x0], $0xffff  }
0x35e: {  	v63 =	vadd.s32 $0x4300, v49;
	_ =	sdelay $0x3  }
0x35f: {  	[tilespmem:v3+s15+$0x0] =	vst.idx.msk $0xffff, v50  }
0x360: {  	v50 =	vld.idx.msk [tilespmem:v63+s28+$0x0], $0xffff  }
0x361: {  	v49 =	vadd.s32 $0x4380, v49;
	_ =	sdelay $0x3  }
0x362: {  	[tilespmem:v4+s15+$0x0] =	vst.idx.msk $0xffff, v50  }
0x363: {  	v49 =	vld.idx.msk [tilespmem:v49+s28+$0x0], $0xffff;
	_ =	sdelay $0x4  }
0x364: {  	s29 =	simm.s32 $0x0;
	[tilespmem:v48+s15+$0x0] =	vst.idx.msk $0xffff, v49  }
0x365: {  	v48 =	vld [tilespmem:s29+$0x1B0];
	_ =	sdelay $0x4  }
0x366: {  	(v2sf) =	vpush v48, $0x0;
	_ =	sdelay $0xe  }
0x367: {  	s30 =	spop (v2sf)  }
0x368: {  	s22 =	sshll.u32 s30, $0x7  }
0x369: {  	s22 =	sand.u32 $0x1FFFFF80, s22  }
0x36a: {  	s23 =	simm.s32 $0x8;
	s25 =	simm.s32 $0xC300;
	s31 =	sadd.s32 s1, s22  }
0x36b: {  	[tilespmem:s28], [sflag:$0x2] =	stream.linear.gather [hbm4b:s31+s4], $0x400, $0x38;
	[tilespmem:$0x11300] =	vst v63  }
0x36c: {  	s21 =	simm.s32 $0x8700;
	s22 =	simm.s32 $0x1;
	s24 =	sadd.s32 $0xF4280, s31  }
.LBB2_19:
0x36d: {  	[tilespmem:s25], [sflag:$0x2] =	stream.linear.gather [hbm4b:s24+s4], $0x400, $0x38;
	[tilespmem:$0x11300] =	vst v63  }
0x36e: {  	p0 =	sne.s32 s23, $0x3C;
	v48 =	vld [tilespmem:s22+$0x1B0];
	s22 =	sshra.s32 s23, $0x2;
	s23 =	sadd.s32 $0x4, s23  }
0x36f: {  	_ =	sdelay $0x3  }
0x370: {  	(v2sf) =	vpush v48, $0x0;
	_ =	sdelay $0xe  }
0x371: {  	s24 =	spop (v2sf)  }
.Ltmp9:
0x372: {  	s24 =	sshll.u32 s24, $0x7;
	(pc) =	sbr.rel @p0 .LBB2_19-.Ltmp9, $4  }
0x373: {  	s24 =	sand.u32 $0x1FFFFF80, s24  }
0x374: {  	s24 =	sadd.s32 s1, s24  }
0x375: {  	[tilespmem:s21], [sflag:$0x2] =	stream.linear.gather [hbm4b:s24+s4], $0x400, $0x38;
	[tilespmem:$0x11300] =	vst v63  }
0x376: {  	s25 =	sadd.s32 $0x4000, s21;
	s24 =	sadd.s32 $0xF4280, s24;
	s21 =	sadd.s32 $0x400, s21  }
0x377: {  	[tilespmem:s25], [sflag:$0x2] =	stream.linear.gather [hbm4b:s24+s4], $0x400, $0x38;
	[tilespmem:$0x11300] =	vst v63  }
0x378: {  	v48 =	vld [tilespmem:s22+$0x1B0];
	_ =	sdelay $0x4  }
0x379: {  	(v2sf) =	vpush v48, $0x0;
	_ =	sdelay $0xe  }
0x37a: {  	s25 =	spop (v2sf)  }
0x37b: {  	s22 =	sshll.u32 s25, $0x7  }
0x37c: {  	s22 =	sand.u32 $0x1FFFFF80, s22  }
0x37d: {  	s22 =	sadd.s32 s1, s22  }
0x37e: {  	[tilespmem:s21], [sflag:$0x2] =	stream.linear.gather [hbm4b:s22+s4], $0x400, $0x38;
	[tilespmem:$0x11300] =	vst v63  }
0x37f: {  	s26 =	sadd.s32 $0x4000, s21;
	s22 =	sadd.s32 $0xF4280, s22  }
0x380: {  	[tilespmem:s26], [sflag:$0x2] =	stream.linear.gather [hbm4b:s22+s4], $0x400, $0x38;
	[tilespmem:$0x11300] =	vst v63  }
0x381: {  	_ =	swait.ge [sflag:s12], $0x800  }
0x382: {  	[sflag:s12] =	ssyncset.done $0x0  }
0x383: {  	[sflag:s12] =	ssyncadd.s32 $0xFFFFF800  }
0x384: {  	_ =	swait.ge [sflag:s12], $0x800  }
0x385: {  	[sflag:s12] =	ssyncset.done $0x0  }
0x386: {  	[sflag:s12] =	ssyncadd.s32 $0xFFFFF800  }
0x387: {  	_ =	swait.ge [sflag:s12], $0x800  }
0x388: {  	[sflag:s12] =	ssyncset.done $0x0  }
0x389: {  	[sflag:s12] =	ssyncadd.s32 $0xFFFFF800  }
0x38a: {  	_ =	swait.ge [sflag:s12], $0x800  }
0x38b: {  	[sflag:s12] =	ssyncset.done $0x0  }
0x38c: {  	[sflag:s12] =	ssyncadd.s32 $0xFFFFF800  }
0x38d: {  	_ =	swait.ge [sflag:s12], $0x800  }
0x38e: {  	[sflag:s12] =	ssyncset.done $0x0  }
0x38f: {  	[sflag:s12] =	ssyncadd.s32 $0xFFFFF800  }
0x390: {  	_ =	swait.ge [sflag:s12], $0x800  }
0x391: {  	[sflag:s12] =	ssyncset.done $0x0  }
0x392: {  	[sflag:s12] =	ssyncadd.s32 $0xFFFFF800  }
0x393: {  	_ =	swait.ge [sflag:s12], $0x800  }
0x394: {  	[sflag:s12] =	ssyncset.done $0x0  }
0x395: {  	[sflag:s12] =	ssyncadd.s32 $0xFFFFF800  }
0x396: {  	_ =	swait.ge [sflag:s12], $0x800  }
0x397: {  	[sflag:s12] =	ssyncset.done $0x0  }
0x398: {  	[sflag:s12] =	ssyncadd.s32 $0xFFFFF800  }
0x399: {  	_ =	swait.ge [sflag:s12], $0x800  }
0x39a: {  	[sflag:s12] =	ssyncset.done $0x0  }
0x39b: {  	[sflag:s12] =	ssyncadd.s32 $0xFFFFF800  }
0x39c: {  	_ =	swait.ge [sflag:s12], $0x800  }
0x39d: {  	[sflag:s12] =	ssyncset.done $0x0  }
0x39e: {  	[sflag:s12] =	ssyncadd.s32 $0xFFFFF800  }
0x39f: {  	_ =	swait.ge [sflag:s12], $0x800  }
0x3a0: {  	[sflag:s12] =	ssyncset.done $0x0  }
0x3a1: {  	[sflag:s12] =	ssyncadd.s32 $0xFFFFF800  }
0x3a2: {  	_ =	swait.ge [sflag:s12], $0x800  }
0x3a3: {  	[sflag:s12] =	ssyncset.done $0x0  }
0x3a4: {  	[sflag:s12] =	ssyncadd.s32 $0xFFFFF800  }
0x3a5: {  	_ =	swait.ge [sflag:s12], $0x800  }
0x3a6: {  	[sflag:s12] =	ssyncset.done $0x0  }
0x3a7: {  	[sflag:s12] =	ssyncadd.s32 $0xFFFFF800  }
0x3a8: {  	_ =	swait.ge [sflag:s12], $0x800  }
0x3a9: {  	[sflag:s12] =	ssyncset.done $0x0  }
0x3aa: {  	[sflag:s12] =	ssyncadd.s32 $0xFFFFF800  }
0x3ab: {  	_ =	swait.ge [sflag:s12], $0x800  }
0x3ac: {  	[sflag:s12] =	ssyncset.done $0x0  }
0x3ad: {  	[sflag:s12] =	ssyncadd.s32 $0xFFFFF800  }
0x3ae: {  	_ =	swait.ge [sflag:s12], $0x800  }
0x3af: {  	[sflag:s12] =	ssyncset.done $0x0  }
0x3b0: {  	[sflag:s12] =	ssyncadd.s32 $0xFFFFF800  }
0x3b1: {  	v63 =	vld [tilespmem:$0x130];
	_ =	sdelay $0x4  }
0x3b2: {  	v49 =	vshll.u32 v63, $0x3  }
0x3b3: {  	v49 =	vadd.s32 v1, v49  }
0x3b4: {  	v48 =	vand.u32 $0x7F, v63;
	v49 =	vand.u32 $0xFFFFFC00, v49  }
0x3b5: {  	v63 =	vor.u32 v48, v49;
	_ =	sdelay $0x3  }
0x3b6: {  	s28 =	simm.s32 $0x300  }
0x3b7: {  	v48 =	vor.u32 $0x30, v0;
	v49 =	vld.idx.msk [tilespmem:v63+s28+$0x0], $0xffff  }
0x3b8: {  	v50 =	vor.u32 $0x80, v63;
	_ =	sdelay $0x3  }
0x3b9: {  	[tilespmem:v48+s13+$0x0] =	vst.idx.msk $0xffff, v49  }
0x3ba: {  	v49 =	vor.u32 $0xB0, v0;
	v50 =	vld.idx.msk [tilespmem:v50+s28+$0x0], $0xffff  }
0x3bb: {  	v51 =	vor.u32 $0x100, v63;
	_ =	sdelay $0x3  }
0x3bc: {  	[tilespmem:v49+s13+$0x0] =	vst.idx.msk $0xffff, v50  }
0x3bd: {  	v50 =	vor.u32 $0x130, v0;
	v51 =	vld.idx.msk [tilespmem:v51+s28+$0x0], $0xffff  }
0x3be: {  	v52 =	vor.u32 $0x180, v63;
	_ =	sdelay $0x3  }
0x3bf: {  	[tilespmem:v50+s13+$0x0] =	vst.idx.msk $0xffff, v51  }
0x3c0: {  	v51 =	vor.u32 $0x1B0, v0;
	v52 =	vld.idx.msk [tilespmem:v52+s28+$0x0], $0xffff  }
0x3c1: {  	v53 =	vor.u32 $0x200, v63;
	_ =	sdelay $0x3  }
0x3c2: {  	[tilespmem:v51+s13+$0x0] =	vst.idx.msk $0xffff, v52  }
0x3c3: {  	v52 =	vor.u32 $0x230, v0;
	v53 =	vld.idx.msk [tilespmem:v53+s28+$0x0], $0xffff  }
0x3c4: {  	v54 =	vor.u32 $0x280, v63;
	_ =	sdelay $0x3  }
0x3c5: {  	[tilespmem:v52+s13+$0x0] =	vst.idx.msk $0xffff, v53  }
0x3c6: {  	v53 =	vor.u32 $0x2B0, v0;
	v54 =	vld.idx.msk [tilespmem:v54+s28+$0x0], $0xffff  }
0x3c7: {  	v55 =	vor.u32 $0x300, v63;
	_ =	sdelay $0x3  }
0x3c8: {  	[tilespmem:v53+s13+$0x0] =	vst.idx.msk $0xffff, v54  }
0x3c9: {  	v54 =	vor.u32 $0x330, v0;
	v55 =	vld.idx.msk [tilespmem:v55+s28+$0x0], $0xffff  }
0x3ca: {  	v56 =	vor.u32 $0x380, v63;
	_ =	sdelay $0x3  }
0x3cb: {  	[tilespmem:v54+s13+$0x0] =	vst.idx.msk $0xffff, v55  }
0x3cc: {  	v55 =	vor.u32 $0x3B0, v0;
	v56 =	vld.idx.msk [tilespmem:v56+s28+$0x0], $0xffff  }
0x3cd: {  	v57 =	vadd.s32 $0x4000, v63;
	_ =	sdelay $0x3  }
0x3ce: {  	[tilespmem:v55+s13+$0x0] =	vst.idx.msk $0xffff, v56  }
0x3cf: {  	v56 =	vor.u32 $0x430, v0;
	v57 =	vld.idx.msk [tilespmem:v57+s28+$0x0], $0xffff  }
0x3d0: {  	v58 =	vadd.s32 $0x4080, v63;
	_ =	sdelay $0x3  }
0x3d1: {  	[tilespmem:v56+s13+$0x0] =	vst.idx.msk $0xffff, v57  }
0x3d2: {  	v57 =	vor.u32 $0x4B0, v0;
	v58 =	vld.idx.msk [tilespmem:v58+s28+$0x0], $0xffff  }
0x3d3: {  	v59 =	vadd.s32 $0x4100, v63;
	_ =	sdelay $0x3  }
0x3d4: {  	[tilespmem:v57+s13+$0x0] =	vst.idx.msk $0xffff, v58  }
0x3d5: {  	v58 =	vor.u32 $0x530, v0;
	v59 =	vld.idx.msk [tilespmem:v59+s28+$0x0], $0xffff  }
0x3d6: {  	v60 =	vadd.s32 $0x4180, v63;
	_ =	sdelay $0x3  }
0x3d7: {  	[tilespmem:v58+s13+$0x0] =	vst.idx.msk $0xffff, v59  }
0x3d8: {  	v59 =	vor.u32 $0x5B0, v0;
	v60 =	vld.idx.msk [tilespmem:v60+s28+$0x0], $0xffff  }
0x3d9: {  	v61 =	vadd.s32 $0x4200, v63;
	_ =	sdelay $0x3  }
0x3da: {  	[tilespmem:v59+s13+$0x0] =	vst.idx.msk $0xffff, v60  }
0x3db: {  	v60 =	vor.u32 $0x630, v0;
	v61 =	vld.idx.msk [tilespmem:v61+s28+$0x0], $0xffff  }
0x3dc: {  	v62 =	vadd.s32 $0x4280, v63;
	_ =	sdelay $0x3  }
0x3dd: {  	[tilespmem:v60+s13+$0x0] =	vst.idx.msk $0xffff, v61  }
0x3de: {  	v61 =	vor.u32 $0x6B0, v0;
	v62 =	vld.idx.msk [tilespmem:v62+s28+$0x0], $0xffff  }
0x3df: {  	v2 =	vadd.s32 $0x4300, v63;
	_ =	sdelay $0x3  }
0x3e0: {  	[tilespmem:v61+s13+$0x0] =	vst.idx.msk $0xffff, v62  }
0x3e1: {  	v62 =	vor.u32 $0x730, v0;
	v2 =	vld.idx.msk [tilespmem:v2+s28+$0x0], $0xffff  }
0x3e2: {  	v63 =	vadd.s32 $0x4380, v63;
	_ =	sdelay $0x3  }
0x3e3: {  	[tilespmem:v62+s13+$0x0] =	vst.idx.msk $0xffff, v2  }
0x3e4: {  	v2 =	vld.idx.msk [tilespmem:v63+s28+$0x0], $0xffff;
	v63 =	vor.u32 $0x7B0, v0;
	_ =	sdelay $0x4  }
0x3e5: {  	s29 =	simm.s32 $0x0;
	[tilespmem:v63+s13+$0x0] =	vst.idx.msk $0xffff, v2  }
0x3e6: {  	v2 =	vld [tilespmem:s29+$0x40];
	_ =	sdelay $0x4  }
0x3e7: {  	(v2sf) =	vpush v2, $0x0;
	_ =	sdelay $0xe  }
0x3e8: {  	s30 =	spop (v2sf)  }
0x3e9: {  	s22 =	sshll.u32 s30, $0x7  }
0x3ea: {  	s22 =	sand.u32 $0x1FFFFF80, s22  }
0x3eb: {  	s23 =	simm.s32 $0x8;
	s25 =	simm.s32 $0x4300;
	s31 =	sadd.s32 s0, s22  }
0x3ec: {  	[tilespmem:s28], [sflag:$0x1] =	stream.linear.gather [hbm4b:s31+s4], $0x400, $0x38;
	[tilespmem:$0x11300] =	vst v63  }
0x3ed: {  	s21 =	simm.s32 $0x700;
	s22 =	simm.s32 $0x1;
	s24 =	sadd.s32 $0xF4280, s31  }
.LBB2_21:
0x3ee: {  	[tilespmem:s25], [sflag:$0x1] =	stream.linear.gather [hbm4b:s24+s4], $0x400, $0x38;
	[tilespmem:$0x11300] =	vst v63  }
0x3ef: {  	p0 =	sne.s32 s23, $0x3C;
	v2 =	vld [tilespmem:s22+$0x40];
	s22 =	sshra.s32 s23, $0x2;
	s23 =	sadd.s32 $0x4, s23  }
0x3f0: {  	_ =	sdelay $0x3  }
0x3f1: {  	(v2sf) =	vpush v2, $0x0;
	_ =	sdelay $0xe  }
0x3f2: {  	s24 =	spop (v2sf)  }
.Ltmp10:
0x3f3: {  	s24 =	sshll.u32 s24, $0x7;
	(pc) =	sbr.rel @p0 .LBB2_21-.Ltmp10, $4  }
0x3f4: {  	s24 =	sand.u32 $0x1FFFFF80, s24  }
0x3f5: {  	s24 =	sadd.s32 s0, s24  }
0x3f6: {  	[tilespmem:s21], [sflag:$0x1] =	stream.linear.gather [hbm4b:s24+s4], $0x400, $0x38;
	[tilespmem:$0x11300] =	vst v63  }
0x3f7: {  	s25 =	sadd.s32 $0x4000, s21;
	s24 =	sadd.s32 $0xF4280, s24;
	s21 =	sadd.s32 $0x400, s21  }
0x3f8: {  	[tilespmem:s25], [sflag:$0x1] =	stream.linear.gather [hbm4b:s24+s4], $0x400, $0x38;
	[tilespmem:$0x11300] =	vst v63  }
0x3f9: {  	v2 =	vld [tilespmem:s22+$0x40];
	_ =	sdelay $0x4  }
0x3fa: {  	(v2sf) =	vpush v2, $0x0;
	_ =	sdelay $0xe  }
0x3fb: {  	s25 =	spop (v2sf)  }
0x3fc: {  	s22 =	sshll.u32 s25, $0x7  }
0x3fd: {  	s22 =	sand.u32 $0x1FFFFF80, s22  }
0x3fe: {  	s22 =	sadd.s32 s0, s22  }
0x3ff: {  	[tilespmem:s21], [sflag:$0x1] =	stream.linear.gather [hbm4b:s22+s4], $0x400, $0x38;
	[tilespmem:$0x11300] =	vst v63  }
0x400: {  	s26 =	sadd.s32 $0x4000, s21;
	s22 =	sadd.s32 $0xF4280, s22  }
0x401: {  	[tilespmem:s26], [sflag:$0x1] =	stream.linear.gather [hbm4b:s22+s4], $0x400, $0x38;
	[tilespmem:$0x11300] =	vst v63  }
0x402: {  	_ =	swait.ge [sflag:s14], $0x800  }
0x403: {  	[sflag:s14] =	ssyncset.done $0x0  }
0x404: {  	[sflag:s14] =	ssyncadd.s32 $0xFFFFF800  }
0x405: {  	_ =	swait.ge [sflag:s14], $0x800  }
0x406: {  	[sflag:s14] =	ssyncset.done $0x0  }
0x407: {  	[sflag:s14] =	ssyncadd.s32 $0xFFFFF800  }
0x408: {  	_ =	swait.ge [sflag:s14], $0x800  }
0x409: {  	[sflag:s14] =	ssyncset.done $0x0  }
0x40a: {  	[sflag:s14] =	ssyncadd.s32 $0xFFFFF800  }
0x40b: {  	_ =	swait.ge [sflag:s14], $0x800  }
0x40c: {  	[sflag:s14] =	ssyncset.done $0x0  }
0x40d: {  	[sflag:s14] =	ssyncadd.s32 $0xFFFFF800  }
0x40e: {  	_ =	swait.ge [sflag:s14], $0x800  }
0x40f: {  	[sflag:s14] =	ssyncset.done $0x0  }
0x410: {  	[sflag:s14] =	ssyncadd.s32 $0xFFFFF800  }
0x411: {  	_ =	swait.ge [sflag:s14], $0x800  }
0x412: {  	[sflag:s14] =	ssyncset.done $0x0  }
0x413: {  	[sflag:s14] =	ssyncadd.s32 $0xFFFFF800  }
0x414: {  	_ =	swait.ge [sflag:s14], $0x800  }
0x415: {  	[sflag:s14] =	ssyncset.done $0x0  }
0x416: {  	[sflag:s14] =	ssyncadd.s32 $0xFFFFF800  }
0x417: {  	_ =	swait.ge [sflag:s14], $0x800  }
0x418: {  	[sflag:s14] =	ssyncset.done $0x0  }
0x419: {  	[sflag:s14] =	ssyncadd.s32 $0xFFFFF800  }
0x41a: {  	_ =	swait.ge [sflag:s14], $0x800  }
0x41b: {  	[sflag:s14] =	ssyncset.done $0x0  }
0x41c: {  	[sflag:s14] =	ssyncadd.s32 $0xFFFFF800  }
0x41d: {  	_ =	swait.ge [sflag:s14], $0x800  }
0x41e: {  	[sflag:s14] =	ssyncset.done $0x0  }
0x41f: {  	[sflag:s14] =	ssyncadd.s32 $0xFFFFF800  }
0x420: {  	_ =	swait.ge [sflag:s14], $0x800  }
0x421: {  	[sflag:s14] =	ssyncset.done $0x0  }
0x422: {  	[sflag:s14] =	ssyncadd.s32 $0xFFFFF800  }
0x423: {  	_ =	swait.ge [sflag:s14], $0x800  }
0x424: {  	[sflag:s14] =	ssyncset.done $0x0  }
0x425: {  	[sflag:s14] =	ssyncadd.s32 $0xFFFFF800  }
0x426: {  	_ =	swait.ge [sflag:s14], $0x800  }
0x427: {  	[sflag:s14] =	ssyncset.done $0x0  }
0x428: {  	[sflag:s14] =	ssyncadd.s32 $0xFFFFF800  }
0x429: {  	_ =	swait.ge [sflag:s14], $0x800  }
0x42a: {  	[sflag:s14] =	ssyncset.done $0x0  }
0x42b: {  	[sflag:s14] =	ssyncadd.s32 $0xFFFFF800  }
0x42c: {  	_ =	swait.ge [sflag:s14], $0x800  }
0x42d: {  	[sflag:s14] =	ssyncset.done $0x0  }
0x42e: {  	[sflag:s14] =	ssyncadd.s32 $0xFFFFF800  }
0x42f: {  	_ =	swait.ge [sflag:s14], $0x800  }
0x430: {  	[sflag:s14] =	ssyncset.done $0x0  }
0x431: {  	[sflag:s14] =	ssyncadd.s32 $0xFFFFF800  }
0x432: {  	v2 =	vld [tilespmem:$0x2B0];
	_ =	sdelay $0x4  }
0x433: {  	v3 =	vshll.u32 v2, $0x3  }
0x434: {  	v3 =	vadd.s32 v1, v3  }
0x435: {  	v2 =	vand.u32 $0x7F, v2;
	v3 =	vand.u32 $0xFFFFFC00, v3  }
0x436: {  	v2 =	vor.u32 v2, v3;
	_ =	sdelay $0x3  }
0x437: {  	s28 =	simm.s32 $0x8300  }
0x438: {  	v3 =	vld.idx.msk [tilespmem:v2+s28+$0x0], $0xffff  }
0x439: {  	v4 =	vor.u32 $0x80, v2;
	_ =	sdelay $0x3  }
0x43a: {  	[tilespmem:v48+s15+$0x0] =	vst.idx.msk $0xffff, v3  }
0x43b: {  	v3 =	vld.idx.msk [tilespmem:v4+s28+$0x0], $0xffff  }
0x43c: {  	v4 =	vor.u32 $0x100, v2;
	_ =	sdelay $0x3  }
0x43d: {  	[tilespmem:v49+s15+$0x0] =	vst.idx.msk $0xffff, v3  }
0x43e: {  	v3 =	vld.idx.msk [tilespmem:v4+s28+$0x0], $0xffff  }
0x43f: {  	v4 =	vor.u32 $0x180, v2;
	_ =	sdelay $0x3  }
0x440: {  	[tilespmem:v50+s15+$0x0] =	vst.idx.msk $0xffff, v3  }
0x441: {  	v3 =	vld.idx.msk [tilespmem:v4+s28+$0x0], $0xffff  }
0x442: {  	v4 =	vor.u32 $0x200, v2;
	_ =	sdelay $0x3  }
0x443: {  	[tilespmem:v51+s15+$0x0] =	vst.idx.msk $0xffff, v3  }
0x444: {  	v3 =	vld.idx.msk [tilespmem:v4+s28+$0x0], $0xffff  }
0x445: {  	v4 =	vor.u32 $0x280, v2;
	_ =	sdelay $0x3  }
0x446: {  	[tilespmem:v52+s15+$0x0] =	vst.idx.msk $0xffff, v3  }
0x447: {  	v3 =	vld.idx.msk [tilespmem:v4+s28+$0x0], $0xffff  }
0x448: {  	v4 =	vor.u32 $0x300, v2;
	_ =	sdelay $0x3  }
0x449: {  	[tilespmem:v53+s15+$0x0] =	vst.idx.msk $0xffff, v3  }
0x44a: {  	v3 =	vld.idx.msk [tilespmem:v4+s28+$0x0], $0xffff  }
0x44b: {  	v4 =	vor.u32 $0x380, v2;
	_ =	sdelay $0x3  }
0x44c: {  	[tilespmem:v54+s15+$0x0] =	vst.idx.msk $0xffff, v3  }
0x44d: {  	v3 =	vld.idx.msk [tilespmem:v4+s28+$0x0], $0xffff  }
0x44e: {  	v4 =	vadd.s32 $0x4000, v2;
	_ =	sdelay $0x3  }
0x44f: {  	[tilespmem:v55+s15+$0x0] =	vst.idx.msk $0xffff, v3  }
0x450: {  	v3 =	vld.idx.msk [tilespmem:v4+s28+$0x0], $0xffff  }
0x451: {  	v4 =	vadd.s32 $0x4080, v2;
	_ =	sdelay $0x3  }
0x452: {  	[tilespmem:v56+s15+$0x0] =	vst.idx.msk $0xffff, v3  }
0x453: {  	v3 =	vld.idx.msk [tilespmem:v4+s28+$0x0], $0xffff  }
0x454: {  	v4 =	vadd.s32 $0x4100, v2;
	_ =	sdelay $0x3  }
0x455: {  	[tilespmem:v57+s15+$0x0] =	vst.idx.msk $0xffff, v3  }
0x456: {  	v3 =	vld.idx.msk [tilespmem:v4+s28+$0x0], $0xffff  }
0x457: {  	v4 =	vadd.s32 $0x4180, v2;
	_ =	sdelay $0x3  }
0x458: {  	[tilespmem:v58+s15+$0x0] =	vst.idx.msk $0xffff, v3  }
0x459: {  	v3 =	vld.idx.msk [tilespmem:v4+s28+$0x0], $0xffff  }
0x45a: {  	v4 =	vadd.s32 $0x4200, v2;
	_ =	sdelay $0x3  }
0x45b: {  	[tilespmem:v59+s15+$0x0] =	vst.idx.msk $0xffff, v3  }
0x45c: {  	v3 =	vld.idx.msk [tilespmem:v4+s28+$0x0], $0xffff  }
0x45d: {  	v4 =	vadd.s32 $0x4280, v2;
	_ =	sdelay $0x3  }
0x45e: {  	[tilespmem:v60+s15+$0x0] =	vst.idx.msk $0xffff, v3  }
0x45f: {  	v3 =	vld.idx.msk [tilespmem:v4+s28+$0x0], $0xffff  }
0x460: {  	v4 =	vadd.s32 $0x4300, v2;
	_ =	sdelay $0x3  }
0x461: {  	[tilespmem:v61+s15+$0x0] =	vst.idx.msk $0xffff, v3  }
0x462: {  	v3 =	vld.idx.msk [tilespmem:v4+s28+$0x0], $0xffff  }
0x463: {  	v2 =	vadd.s32 $0x4380, v2;
	_ =	sdelay $0x3  }
0x464: {  	[tilespmem:v62+s15+$0x0] =	vst.idx.msk $0xffff, v3  }
0x465: {  	v2 =	vld.idx.msk [tilespmem:v2+s28+$0x0], $0xffff;
	_ =	sdelay $0x4  }
0x466: {  	s29 =	simm.s32 $0x0;
	[tilespmem:v63+s15+$0x0] =	vst.idx.msk $0xffff, v2  }
0x467: {  	v2 =	vld [tilespmem:s29+$0x1C0];
	_ =	sdelay $0x4  }
0x468: {  	(v2sf) =	vpush v2, $0x0;
	_ =	sdelay $0xe  }
0x469: {  	s30 =	spop (v2sf)  }
0x46a: {  	s22 =	sshll.u32 s30, $0x7  }
0x46b: {  	s22 =	sand.u32 $0x1FFFFF80, s22  }
0x46c: {  	s23 =	simm.s32 $0x8;
	s25 =	simm.s32 $0xC300;
	s31 =	sadd.s32 s1, s22  }
0x46d: {  	[tilespmem:s28], [sflag:$0x2] =	stream.linear.gather [hbm4b:s31+s4], $0x400, $0x38;
	[tilespmem:$0x11300] =	vst v63  }
0x46e: {  	s21 =	simm.s32 $0x8700;
	s22 =	simm.s32 $0x1;
	s24 =	sadd.s32 $0xF4280, s31  }
.LBB2_23:
0x46f: {  	[tilespmem:s25], [sflag:$0x2] =	stream.linear.gather [hbm4b:s24+s4], $0x400, $0x38;
	[tilespmem:$0x11300] =	vst v63  }
0x470: {  	p0 =	sne.s32 s23, $0x3C;
	v2 =	vld [tilespmem:s22+$0x1C0];
	s22 =	sshra.s32 s23, $0x2;
	s23 =	sadd.s32 $0x4, s23  }
0x471: {  	_ =	sdelay $0x3  }
0x472: {  	(v2sf) =	vpush v2, $0x0;
	_ =	sdelay $0xe  }
0x473: {  	s24 =	spop (v2sf)  }
.Ltmp11:
0x474: {  	s24 =	sshll.u32 s24, $0x7;
	(pc) =	sbr.rel @p0 .LBB2_23-.Ltmp11, $4  }
0x475: {  	s24 =	sand.u32 $0x1FFFFF80, s24  }
0x476: {  	s24 =	sadd.s32 s1, s24  }
0x477: {  	[tilespmem:s21], [sflag:$0x2] =	stream.linear.gather [hbm4b:s24+s4], $0x400, $0x38;
	[tilespmem:$0x11300] =	vst v63  }
0x478: {  	s25 =	sadd.s32 $0x4000, s21;
	s24 =	sadd.s32 $0xF4280, s24;
	s21 =	sadd.s32 $0x400, s21  }
0x479: {  	[tilespmem:s25], [sflag:$0x2] =	stream.linear.gather [hbm4b:s24+s4], $0x400, $0x38;
	[tilespmem:$0x11300] =	vst v63  }
0x47a: {  	v2 =	vld [tilespmem:s22+$0x1C0];
	_ =	sdelay $0x4  }
0x47b: {  	(v2sf) =	vpush v2, $0x0;
	_ =	sdelay $0xe  }
0x47c: {  	s25 =	spop (v2sf)  }
0x47d: {  	s22 =	sshll.u32 s25, $0x7  }
0x47e: {  	s22 =	sand.u32 $0x1FFFFF80, s22  }
0x47f: {  	s22 =	sadd.s32 s1, s22  }
0x480: {  	[tilespmem:s21], [sflag:$0x2] =	stream.linear.gather [hbm4b:s22+s4], $0x400, $0x38;
	[tilespmem:$0x11300] =	vst v63  }
0x481: {  	s26 =	sadd.s32 $0x4000, s21;
	s22 =	sadd.s32 $0xF4280, s22  }
0x482: {  	[tilespmem:s26], [sflag:$0x2] =	stream.linear.gather [hbm4b:s22+s4], $0x400, $0x38;
	[tilespmem:$0x11300] =	vst v63  }
0x483: {  	_ =	swait.ge [sflag:s12], $0x800  }
0x484: {  	[sflag:s12] =	ssyncset.done $0x0  }
0x485: {  	[sflag:s12] =	ssyncadd.s32 $0xFFFFF800  }
0x486: {  	_ =	swait.ge [sflag:s12], $0x800  }
0x487: {  	[sflag:s12] =	ssyncset.done $0x0  }
0x488: {  	[sflag:s12] =	ssyncadd.s32 $0xFFFFF800  }
0x489: {  	_ =	swait.ge [sflag:s12], $0x800  }
0x48a: {  	[sflag:s12] =	ssyncset.done $0x0  }
0x48b: {  	[sflag:s12] =	ssyncadd.s32 $0xFFFFF800  }
0x48c: {  	_ =	swait.ge [sflag:s12], $0x800  }
0x48d: {  	[sflag:s12] =	ssyncset.done $0x0  }
0x48e: {  	[sflag:s12] =	ssyncadd.s32 $0xFFFFF800  }
0x48f: {  	_ =	swait.ge [sflag:s12], $0x800  }
0x490: {  	[sflag:s12] =	ssyncset.done $0x0  }
0x491: {  	[sflag:s12] =	ssyncadd.s32 $0xFFFFF800  }
0x492: {  	_ =	swait.ge [sflag:s12], $0x800  }
0x493: {  	[sflag:s12] =	ssyncset.done $0x0  }
0x494: {  	[sflag:s12] =	ssyncadd.s32 $0xFFFFF800  }
0x495: {  	_ =	swait.ge [sflag:s12], $0x800  }
0x496: {  	[sflag:s12] =	ssyncset.done $0x0  }
0x497: {  	[sflag:s12] =	ssyncadd.s32 $0xFFFFF800  }
0x498: {  	_ =	swait.ge [sflag:s12], $0x800  }
0x499: {  	[sflag:s12] =	ssyncset.done $0x0  }
0x49a: {  	[sflag:s12] =	ssyncadd.s32 $0xFFFFF800  }
0x49b: {  	_ =	swait.ge [sflag:s12], $0x800  }
0x49c: {  	[sflag:s12] =	ssyncset.done $0x0  }
0x49d: {  	[sflag:s12] =	ssyncadd.s32 $0xFFFFF800  }
0x49e: {  	_ =	swait.ge [sflag:s12], $0x800  }
0x49f: {  	[sflag:s12] =	ssyncset.done $0x0  }
0x4a0: {  	[sflag:s12] =	ssyncadd.s32 $0xFFFFF800  }
0x4a1: {  	_ =	swait.ge [sflag:s12], $0x800  }
0x4a2: {  	[sflag:s12] =	ssyncset.done $0x0  }
0x4a3: {  	[sflag:s12] =	ssyncadd.s32 $0xFFFFF800  }
0x4a4: {  	_ =	swait.ge [sflag:s12], $0x800  }
0x4a5: {  	[sflag:s12] =	ssyncset.done $0x0  }
0x4a6: {  	[sflag:s12] =	ssyncadd.s32 $0xFFFFF800  }
0x4a7: {  	_ =	swait.ge [sflag:s12], $0x800  }
0x4a8: {  	[sflag:s12] =	ssyncset.done $0x0  }
0x4a9: {  	[sflag:s12] =	ssyncadd.s32 $0xFFFFF800  }
0x4aa: {  	_ =	swait.ge [sflag:s12], $0x800  }
0x4ab: {  	[sflag:s12] =	ssyncset.done $0x0  }
0x4ac: {  	[sflag:s12] =	ssyncadd.s32 $0xFFFFF800  }
0x4ad: {  	_ =	swait.ge [sflag:s12], $0x800  }
0x4ae: {  	[sflag:s12] =	ssyncset.done $0x0  }
0x4af: {  	[sflag:s12] =	ssyncadd.s32 $0xFFFFF800  }
0x4b0: {  	_ =	swait.ge [sflag:s12], $0x800  }
0x4b1: {  	[sflag:s12] =	ssyncset.done $0x0  }
0x4b2: {  	[sflag:s12] =	ssyncadd.s32 $0xFFFFF800  }
0x4b3: {  	v2 =	vld [tilespmem:$0x140];
	_ =	sdelay $0x4  }
0x4b4: {  	v3 =	vshll.u32 v2, $0x3  }
0x4b5: {  	v3 =	vadd.s32 v1, v3  }
0x4b6: {  	v2 =	vand.u32 $0x7F, v2;
	v3 =	vand.u32 $0xFFFFFC00, v3  }
0x4b7: {  	v2 =	vor.u32 v2, v3;
	_ =	sdelay $0x3  }
0x4b8: {  	s28 =	simm.s32 $0x300  }
0x4b9: {  	v48 =	vor.u32 $0x40, v0;
	v3 =	vld.idx.msk [tilespmem:v2+s28+$0x0], $0xffff  }
0x4ba: {  	v4 =	vor.u32 $0x80, v2;
	_ =	sdelay $0x3  }
0x4bb: {  	[tilespmem:v48+s13+$0x0] =	vst.idx.msk $0xffff, v3  }
0x4bc: {  	v49 =	vor.u32 $0xC0, v0;
	v3 =	vld.idx.msk [tilespmem:v4+s28+$0x0], $0xffff  }
0x4bd: {  	v4 =	vor.u32 $0x100, v2;
	_ =	sdelay $0x3  }
0x4be: {  	[tilespmem:v49+s13+$0x0] =	vst.idx.msk $0xffff, v3  }
0x4bf: {  	v50 =	vor.u32 $0x140, v0;
	v3 =	vld.idx.msk [tilespmem:v4+s28+$0x0], $0xffff  }
0x4c0: {  	v4 =	vor.u32 $0x180, v2;
	_ =	sdelay $0x3  }
0x4c1: {  	[tilespmem:v50+s13+$0x0] =	vst.idx.msk $0xffff, v3  }
0x4c2: {  	v51 =	vor.u32 $0x1C0, v0;
	v3 =	vld.idx.msk [tilespmem:v4+s28+$0x0], $0xffff  }
0x4c3: {  	v4 =	vor.u32 $0x200, v2;
	_ =	sdelay $0x3  }
0x4c4: {  	[tilespmem:v51+s13+$0x0] =	vst.idx.msk $0xffff, v3  }
0x4c5: {  	v52 =	vor.u32 $0x240, v0;
	v3 =	vld.idx.msk [tilespmem:v4+s28+$0x0], $0xffff  }
0x4c6: {  	v4 =	vor.u32 $0x280, v2;
	_ =	sdelay $0x3  }
0x4c7: {  	[tilespmem:v52+s13+$0x0] =	vst.idx.msk $0xffff, v3  }
0x4c8: {  	v53 =	vor.u32 $0x2C0, v0;
	v3 =	vld.idx.msk [tilespmem:v4+s28+$0x0], $0xffff  }
0x4c9: {  	v4 =	vor.u32 $0x300, v2;
	_ =	sdelay $0x3  }
0x4ca: {  	[tilespmem:v53+s13+$0x0] =	vst.idx.msk $0xffff, v3  }
0x4cb: {  	v54 =	vor.u32 $0x340, v0;
	v3 =	vld.idx.msk [tilespmem:v4+s28+$0x0], $0xffff  }
0x4cc: {  	v4 =	vor.u32 $0x380, v2;
	_ =	sdelay $0x3  }
0x4cd: {  	[tilespmem:v54+s13+$0x0] =	vst.idx.msk $0xffff, v3  }
0x4ce: {  	v55 =	vor.u32 $0x3C0, v0;
	v3 =	vld.idx.msk [tilespmem:v4+s28+$0x0], $0xffff  }
0x4cf: {  	v4 =	vadd.s32 $0x4000, v2;
	_ =	sdelay $0x3  }
0x4d0: {  	[tilespmem:v55+s13+$0x0] =	vst.idx.msk $0xffff, v3  }
0x4d1: {  	v56 =	vor.u32 $0x440, v0;
	v3 =	vld.idx.msk [tilespmem:v4+s28+$0x0], $0xffff  }
0x4d2: {  	v4 =	vadd.s32 $0x4080, v2;
	_ =	sdelay $0x3  }
0x4d3: {  	[tilespmem:v56+s13+$0x0] =	vst.idx.msk $0xffff, v3  }
0x4d4: {  	v57 =	vor.u32 $0x4C0, v0;
	v3 =	vld.idx.msk [tilespmem:v4+s28+$0x0], $0xffff  }
0x4d5: {  	v4 =	vadd.s32 $0x4100, v2;
	_ =	sdelay $0x3  }
0x4d6: {  	[tilespmem:v57+s13+$0x0] =	vst.idx.msk $0xffff, v3  }
0x4d7: {  	v58 =	vor.u32 $0x540, v0;
	v3 =	vld.idx.msk [tilespmem:v4+s28+$0x0], $0xffff  }
0x4d8: {  	v4 =	vadd.s32 $0x4180, v2;
	_ =	sdelay $0x3  }
0x4d9: {  	[tilespmem:v58+s13+$0x0] =	vst.idx.msk $0xffff, v3  }
0x4da: {  	v59 =	vor.u32 $0x5C0, v0;
	v3 =	vld.idx.msk [tilespmem:v4+s28+$0x0], $0xffff  }
0x4db: {  	v4 =	vadd.s32 $0x4200, v2;
	_ =	sdelay $0x3  }
0x4dc: {  	[tilespmem:v59+s13+$0x0] =	vst.idx.msk $0xffff, v3  }
0x4dd: {  	v60 =	vor.u32 $0x640, v0;
	v3 =	vld.idx.msk [tilespmem:v4+s28+$0x0], $0xffff  }
0x4de: {  	v4 =	vadd.s32 $0x4280, v2;
	_ =	sdelay $0x3  }
0x4df: {  	[tilespmem:v60+s13+$0x0] =	vst.idx.msk $0xffff, v3  }
0x4e0: {  	v61 =	vor.u32 $0x6C0, v0;
	v3 =	vld.idx.msk [tilespmem:v4+s28+$0x0], $0xffff  }
0x4e1: {  	v4 =	vadd.s32 $0x4300, v2;
	_ =	sdelay $0x3  }
0x4e2: {  	[tilespmem:v61+s13+$0x0] =	vst.idx.msk $0xffff, v3  }
0x4e3: {  	v62 =	vor.u32 $0x740, v0;
	v3 =	vld.idx.msk [tilespmem:v4+s28+$0x0], $0xffff  }
0x4e4: {  	v2 =	vadd.s32 $0x4380, v2;
	_ =	sdelay $0x3  }
0x4e5: {  	[tilespmem:v62+s13+$0x0] =	vst.idx.msk $0xffff, v3  }
0x4e6: {  	v63 =	vor.u32 $0x7C0, v0;
	v2 =	vld.idx.msk [tilespmem:v2+s28+$0x0], $0xffff;
	_ =	sdelay $0x4  }
0x4e7: {  	s29 =	simm.s32 $0x0;
	[tilespmem:v63+s13+$0x0] =	vst.idx.msk $0xffff, v2  }
0x4e8: {  	v2 =	vld [tilespmem:s29+$0x50];
	_ =	sdelay $0x4  }
0x4e9: {  	(v2sf) =	vpush v2, $0x0;
	_ =	sdelay $0xe  }
0x4ea: {  	s30 =	spop (v2sf)  }
0x4eb: {  	s22 =	sshll.u32 s30, $0x7  }
0x4ec: {  	s22 =	sand.u32 $0x1FFFFF80, s22  }
0x4ed: {  	s23 =	simm.s32 $0x8;
	s25 =	simm.s32 $0x4300;
	s31 =	sadd.s32 s0, s22  }
0x4ee: {  	[tilespmem:s28], [sflag:$0x1] =	stream.linear.gather [hbm4b:s31+s4], $0x400, $0x38;
	[tilespmem:$0x11300] =	vst v63  }
0x4ef: {  	s21 =	simm.s32 $0x700;
	s22 =	simm.s32 $0x1;
	s24 =	sadd.s32 $0xF4280, s31  }
.LBB2_25:
0x4f0: {  	[tilespmem:s25], [sflag:$0x1] =	stream.linear.gather [hbm4b:s24+s4], $0x400, $0x38;
	[tilespmem:$0x11300] =	vst v63  }
0x4f1: {  	p0 =	sne.s32 s23, $0x3C;
	v2 =	vld [tilespmem:s22+$0x50];
	s22 =	sshra.s32 s23, $0x2;
	s23 =	sadd.s32 $0x4, s23  }
0x4f2: {  	_ =	sdelay $0x3  }
0x4f3: {  	(v2sf) =	vpush v2, $0x0;
	_ =	sdelay $0xe  }
0x4f4: {  	s24 =	spop (v2sf)  }
.Ltmp12:
0x4f5: {  	s24 =	sshll.u32 s24, $0x7;
	(pc) =	sbr.rel @p0 .LBB2_25-.Ltmp12, $4  }
0x4f6: {  	s24 =	sand.u32 $0x1FFFFF80, s24  }
0x4f7: {  	s24 =	sadd.s32 s0, s24  }
0x4f8: {  	[tilespmem:s21], [sflag:$0x1] =	stream.linear.gather [hbm4b:s24+s4], $0x400, $0x38;
	[tilespmem:$0x11300] =	vst v63  }
0x4f9: {  	s25 =	sadd.s32 $0x4000, s21;
	s24 =	sadd.s32 $0xF4280, s24;
	s21 =	sadd.s32 $0x400, s21  }
0x4fa: {  	[tilespmem:s25], [sflag:$0x1] =	stream.linear.gather [hbm4b:s24+s4], $0x400, $0x38;
	[tilespmem:$0x11300] =	vst v63  }
0x4fb: {  	v2 =	vld [tilespmem:s22+$0x50];
	_ =	sdelay $0x4  }
0x4fc: {  	(v2sf) =	vpush v2, $0x0;
	_ =	sdelay $0xe  }
0x4fd: {  	s25 =	spop (v2sf)  }
0x4fe: {  	s22 =	sshll.u32 s25, $0x7  }
0x4ff: {  	s22 =	sand.u32 $0x1FFFFF80, s22  }
0x500: {  	s22 =	sadd.s32 s0, s22  }
0x501: {  	[tilespmem:s21], [sflag:$0x1] =	stream.linear.gather [hbm4b:s22+s4], $0x400, $0x38;
	[tilespmem:$0x11300] =	vst v63  }
0x502: {  	s26 =	sadd.s32 $0x4000, s21;
	s22 =	sadd.s32 $0xF4280, s22  }
0x503: {  	[tilespmem:s26], [sflag:$0x1] =	stream.linear.gather [hbm4b:s22+s4], $0x400, $0x38;
	[tilespmem:$0x11300] =	vst v63  }
0x504: {  	_ =	swait.ge [sflag:s14], $0x800  }
0x505: {  	[sflag:s14] =	ssyncset.done $0x0  }
0x506: {  	[sflag:s14] =	ssyncadd.s32 $0xFFFFF800  }
0x507: {  	_ =	swait.ge [sflag:s14], $0x800  }
0x508: {  	[sflag:s14] =	ssyncset.done $0x0  }
0x509: {  	[sflag:s14] =	ssyncadd.s32 $0xFFFFF800  }
0x50a: {  	_ =	swait.ge [sflag:s14], $0x800  }
0x50b: {  	[sflag:s14] =	ssyncset.done $0x0  }
0x50c: {  	[sflag:s14] =	ssyncadd.s32 $0xFFFFF800  }
0x50d: {  	_ =	swait.ge [sflag:s14], $0x800  }
0x50e: {  	[sflag:s14] =	ssyncset.done $0x0  }
0x50f: {  	[sflag:s14] =	ssyncadd.s32 $0xFFFFF800  }
0x510: {  	_ =	swait.ge [sflag:s14], $0x800  }
0x511: {  	[sflag:s14] =	ssyncset.done $0x0  }
0x512: {  	[sflag:s14] =	ssyncadd.s32 $0xFFFFF800  }
0x513: {  	_ =	swait.ge [sflag:s14], $0x800  }
0x514: {  	[sflag:s14] =	ssyncset.done $0x0  }
0x515: {  	[sflag:s14] =	ssyncadd.s32 $0xFFFFF800  }
0x516: {  	_ =	swait.ge [sflag:s14], $0x800  }
0x517: {  	[sflag:s14] =	ssyncset.done $0x0  }
0x518: {  	[sflag:s14] =	ssyncadd.s32 $0xFFFFF800  }
0x519: {  	_ =	swait.ge [sflag:s14], $0x800  }
0x51a: {  	[sflag:s14] =	ssyncset.done $0x0  }
0x51b: {  	[sflag:s14] =	ssyncadd.s32 $0xFFFFF800  }
0x51c: {  	_ =	swait.ge [sflag:s14], $0x800  }
0x51d: {  	[sflag:s14] =	ssyncset.done $0x0  }
0x51e: {  	[sflag:s14] =	ssyncadd.s32 $0xFFFFF800  }
0x51f: {  	_ =	swait.ge [sflag:s14], $0x800  }
0x520: {  	[sflag:s14] =	ssyncset.done $0x0  }
0x521: {  	[sflag:s14] =	ssyncadd.s32 $0xFFFFF800  }
0x522: {  	_ =	swait.ge [sflag:s14], $0x800  }
0x523: {  	[sflag:s14] =	ssyncset.done $0x0  }
0x524: {  	[sflag:s14] =	ssyncadd.s32 $0xFFFFF800  }
0x525: {  	_ =	swait.ge [sflag:s14], $0x800  }
0x526: {  	[sflag:s14] =	ssyncset.done $0x0  }
0x527: {  	[sflag:s14] =	ssyncadd.s32 $0xFFFFF800  }
0x528: {  	_ =	swait.ge [sflag:s14], $0x800  }
0x529: {  	[sflag:s14] =	ssyncset.done $0x0  }
0x52a: {  	[sflag:s14] =	ssyncadd.s32 $0xFFFFF800  }
0x52b: {  	_ =	swait.ge [sflag:s14], $0x800  }
0x52c: {  	[sflag:s14] =	ssyncset.done $0x0  }
0x52d: {  	[sflag:s14] =	ssyncadd.s32 $0xFFFFF800  }
0x52e: {  	_ =	swait.ge [sflag:s14], $0x800  }
0x52f: {  	[sflag:s14] =	ssyncset.done $0x0  }
0x530: {  	[sflag:s14] =	ssyncadd.s32 $0xFFFFF800  }
0x531: {  	_ =	swait.ge [sflag:s14], $0x800  }
0x532: {  	[sflag:s14] =	ssyncset.done $0x0  }
0x533: {  	[sflag:s14] =	ssyncadd.s32 $0xFFFFF800  }
0x534: {  	v2 =	vld [tilespmem:$0x2C0];
	_ =	sdelay $0x4  }
0x535: {  	v3 =	vshll.u32 v2, $0x3  }
0x536: {  	v3 =	vadd.s32 v1, v3  }
0x537: {  	v2 =	vand.u32 $0x7F, v2;
	v3 =	vand.u32 $0xFFFFFC00, v3  }
0x538: {  	v2 =	vor.u32 v2, v3;
	_ =	sdelay $0x3  }
0x539: {  	s28 =	simm.s32 $0x8300  }
0x53a: {  	v3 =	vld.idx.msk [tilespmem:v2+s28+$0x0], $0xffff  }
0x53b: {  	v4 =	vor.u32 $0x80, v2;
	_ =	sdelay $0x3  }
0x53c: {  	[tilespmem:v48+s15+$0x0] =	vst.idx.msk $0xffff, v3  }
0x53d: {  	v3 =	vld.idx.msk [tilespmem:v4+s28+$0x0], $0xffff  }
0x53e: {  	v4 =	vor.u32 $0x100, v2;
	_ =	sdelay $0x3  }
0x53f: {  	[tilespmem:v49+s15+$0x0] =	vst.idx.msk $0xffff, v3  }
0x540: {  	v3 =	vld.idx.msk [tilespmem:v4+s28+$0x0], $0xffff  }
0x541: {  	v4 =	vor.u32 $0x180, v2;
	_ =	sdelay $0x3  }
0x542: {  	[tilespmem:v50+s15+$0x0] =	vst.idx.msk $0xffff, v3  }
0x543: {  	v3 =	vld.idx.msk [tilespmem:v4+s28+$0x0], $0xffff  }
0x544: {  	v4 =	vor.u32 $0x200, v2;
	_ =	sdelay $0x3  }
0x545: {  	[tilespmem:v51+s15+$0x0] =	vst.idx.msk $0xffff, v3  }
0x546: {  	v3 =	vld.idx.msk [tilespmem:v4+s28+$0x0], $0xffff  }
0x547: {  	v4 =	vor.u32 $0x280, v2;
	_ =	sdelay $0x3  }
0x548: {  	[tilespmem:v52+s15+$0x0] =	vst.idx.msk $0xffff, v3  }
0x549: {  	v3 =	vld.idx.msk [tilespmem:v4+s28+$0x0], $0xffff  }
0x54a: {  	v4 =	vor.u32 $0x300, v2;
	_ =	sdelay $0x3  }
0x54b: {  	[tilespmem:v53+s15+$0x0] =	vst.idx.msk $0xffff, v3  }
0x54c: {  	v3 =	vld.idx.msk [tilespmem:v4+s28+$0x0], $0xffff  }
0x54d: {  	v4 =	vor.u32 $0x380, v2;
	_ =	sdelay $0x3  }
0x54e: {  	[tilespmem:v54+s15+$0x0] =	vst.idx.msk $0xffff, v3  }
0x54f: {  	v3 =	vld.idx.msk [tilespmem:v4+s28+$0x0], $0xffff  }
0x550: {  	v4 =	vadd.s32 $0x4000, v2;
	_ =	sdelay $0x3  }
0x551: {  	[tilespmem:v55+s15+$0x0] =	vst.idx.msk $0xffff, v3  }
0x552: {  	v3 =	vld.idx.msk [tilespmem:v4+s28+$0x0], $0xffff  }
0x553: {  	v4 =	vadd.s32 $0x4080, v2;
	_ =	sdelay $0x3  }
0x554: {  	[tilespmem:v56+s15+$0x0] =	vst.idx.msk $0xffff, v3  }
0x555: {  	v3 =	vld.idx.msk [tilespmem:v4+s28+$0x0], $0xffff  }
0x556: {  	v4 =	vadd.s32 $0x4100, v2;
	_ =	sdelay $0x3  }
0x557: {  	[tilespmem:v57+s15+$0x0] =	vst.idx.msk $0xffff, v3  }
0x558: {  	v3 =	vld.idx.msk [tilespmem:v4+s28+$0x0], $0xffff  }
0x559: {  	v4 =	vadd.s32 $0x4180, v2;
	_ =	sdelay $0x3  }
0x55a: {  	[tilespmem:v58+s15+$0x0] =	vst.idx.msk $0xffff, v3  }
0x55b: {  	v3 =	vld.idx.msk [tilespmem:v4+s28+$0x0], $0xffff  }
0x55c: {  	v4 =	vadd.s32 $0x4200, v2;
	_ =	sdelay $0x3  }
0x55d: {  	[tilespmem:v59+s15+$0x0] =	vst.idx.msk $0xffff, v3  }
0x55e: {  	v3 =	vld.idx.msk [tilespmem:v4+s28+$0x0], $0xffff  }
0x55f: {  	v4 =	vadd.s32 $0x4280, v2;
	_ =	sdelay $0x3  }
0x560: {  	[tilespmem:v60+s15+$0x0] =	vst.idx.msk $0xffff, v3  }
0x561: {  	v3 =	vld.idx.msk [tilespmem:v4+s28+$0x0], $0xffff  }
0x562: {  	v4 =	vadd.s32 $0x4300, v2;
	_ =	sdelay $0x3  }
0x563: {  	[tilespmem:v61+s15+$0x0] =	vst.idx.msk $0xffff, v3  }
0x564: {  	v3 =	vld.idx.msk [tilespmem:v4+s28+$0x0], $0xffff  }
0x565: {  	v2 =	vadd.s32 $0x4380, v2;
	_ =	sdelay $0x3  }
0x566: {  	[tilespmem:v62+s15+$0x0] =	vst.idx.msk $0xffff, v3  }
0x567: {  	v2 =	vld.idx.msk [tilespmem:v2+s28+$0x0], $0xffff;
	_ =	sdelay $0x4  }
0x568: {  	s29 =	simm.s32 $0x0;
	[tilespmem:v63+s15+$0x0] =	vst.idx.msk $0xffff, v2  }
0x569: {  	v2 =	vld [tilespmem:s29+$0x1D0];
	_ =	sdelay $0x4  }
0x56a: {  	(v2sf) =	vpush v2, $0x0;
	_ =	sdelay $0xe  }
0x56b: {  	s30 =	spop (v2sf)  }
0x56c: {  	s22 =	sshll.u32 s30, $0x7  }
0x56d: {  	s22 =	sand.u32 $0x1FFFFF80, s22  }
0x56e: {  	s23 =	simm.s32 $0x8;
	s25 =	simm.s32 $0xC300;
	s31 =	sadd.s32 s1, s22  }
0x56f: {  	[tilespmem:s28], [sflag:$0x2] =	stream.linear.gather [hbm4b:s31+s4], $0x400, $0x38;
	[tilespmem:$0x11300] =	vst v63  }
0x570: {  	s21 =	simm.s32 $0x8700;
	s22 =	simm.s32 $0x1;
	s24 =	sadd.s32 $0xF4280, s31  }
.LBB2_27:
0x571: {  	[tilespmem:s25], [sflag:$0x2] =	stream.linear.gather [hbm4b:s24+s4], $0x400, $0x38;
	[tilespmem:$0x11300] =	vst v63  }
0x572: {  	p0 =	sne.s32 s23, $0x3C;
	v2 =	vld [tilespmem:s22+$0x1D0];
	s22 =	sshra.s32 s23, $0x2;
	s23 =	sadd.s32 $0x4, s23  }
0x573: {  	_ =	sdelay $0x3  }
0x574: {  	(v2sf) =	vpush v2, $0x0;
	_ =	sdelay $0xe  }
0x575: {  	s24 =	spop (v2sf)  }
.Ltmp13:
0x576: {  	s24 =	sshll.u32 s24, $0x7;
	(pc) =	sbr.rel @p0 .LBB2_27-.Ltmp13, $4  }
0x577: {  	s24 =	sand.u32 $0x1FFFFF80, s24  }
0x578: {  	s24 =	sadd.s32 s1, s24  }
0x579: {  	[tilespmem:s21], [sflag:$0x2] =	stream.linear.gather [hbm4b:s24+s4], $0x400, $0x38;
	[tilespmem:$0x11300] =	vst v63  }
0x57a: {  	s25 =	sadd.s32 $0x4000, s21;
	s24 =	sadd.s32 $0xF4280, s24;
	s21 =	sadd.s32 $0x400, s21  }
0x57b: {  	[tilespmem:s25], [sflag:$0x2] =	stream.linear.gather [hbm4b:s24+s4], $0x400, $0x38;
	[tilespmem:$0x11300] =	vst v63  }
0x57c: {  	v2 =	vld [tilespmem:s22+$0x1D0];
	_ =	sdelay $0x4  }
0x57d: {  	(v2sf) =	vpush v2, $0x0;
	_ =	sdelay $0xe  }
0x57e: {  	s25 =	spop (v2sf)  }
0x57f: {  	s22 =	sshll.u32 s25, $0x7  }
0x580: {  	s22 =	sand.u32 $0x1FFFFF80, s22  }
0x581: {  	s22 =	sadd.s32 s1, s22  }
0x582: {  	[tilespmem:s21], [sflag:$0x2] =	stream.linear.gather [hbm4b:s22+s4], $0x400, $0x38;
	[tilespmem:$0x11300] =	vst v63  }
0x583: {  	s26 =	sadd.s32 $0x4000, s21;
	s22 =	sadd.s32 $0xF4280, s22  }
0x584: {  	[tilespmem:s26], [sflag:$0x2] =	stream.linear.gather [hbm4b:s22+s4], $0x400, $0x38;
	[tilespmem:$0x11300] =	vst v63  }
0x585: {  	_ =	swait.ge [sflag:s12], $0x800  }
0x586: {  	[sflag:s12] =	ssyncset.done $0x0  }
0x587: {  	[sflag:s12] =	ssyncadd.s32 $0xFFFFF800  }
0x588: {  	_ =	swait.ge [sflag:s12], $0x800  }
0x589: {  	[sflag:s12] =	ssyncset.done $0x0  }
0x58a: {  	[sflag:s12] =	ssyncadd.s32 $0xFFFFF800  }
0x58b: {  	_ =	swait.ge [sflag:s12], $0x800  }
0x58c: {  	[sflag:s12] =	ssyncset.done $0x0  }
0x58d: {  	[sflag:s12] =	ssyncadd.s32 $0xFFFFF800  }
0x58e: {  	_ =	swait.ge [sflag:s12], $0x800  }
0x58f: {  	[sflag:s12] =	ssyncset.done $0x0  }
0x590: {  	[sflag:s12] =	ssyncadd.s32 $0xFFFFF800  }
0x591: {  	_ =	swait.ge [sflag:s12], $0x800  }
0x592: {  	[sflag:s12] =	ssyncset.done $0x0  }
0x593: {  	[sflag:s12] =	ssyncadd.s32 $0xFFFFF800  }
0x594: {  	_ =	swait.ge [sflag:s12], $0x800  }
0x595: {  	[sflag:s12] =	ssyncset.done $0x0  }
0x596: {  	[sflag:s12] =	ssyncadd.s32 $0xFFFFF800  }
0x597: {  	_ =	swait.ge [sflag:s12], $0x800  }
0x598: {  	[sflag:s12] =	ssyncset.done $0x0  }
0x599: {  	[sflag:s12] =	ssyncadd.s32 $0xFFFFF800  }
0x59a: {  	_ =	swait.ge [sflag:s12], $0x800  }
0x59b: {  	[sflag:s12] =	ssyncset.done $0x0  }
0x59c: {  	[sflag:s12] =	ssyncadd.s32 $0xFFFFF800  }
0x59d: {  	_ =	swait.ge [sflag:s12], $0x800  }
0x59e: {  	[sflag:s12] =	ssyncset.done $0x0  }
0x59f: {  	[sflag:s12] =	ssyncadd.s32 $0xFFFFF800  }
0x5a0: {  	_ =	swait.ge [sflag:s12], $0x800  }
0x5a1: {  	[sflag:s12] =	ssyncset.done $0x0  }
0x5a2: {  	[sflag:s12] =	ssyncadd.s32 $0xFFFFF800  }
0x5a3: {  	_ =	swait.ge [sflag:s12], $0x800  }
0x5a4: {  	[sflag:s12] =	ssyncset.done $0x0  }
0x5a5: {  	[sflag:s12] =	ssyncadd.s32 $0xFFFFF800  }
0x5a6: {  	_ =	swait.ge [sflag:s12], $0x800  }
0x5a7: {  	[sflag:s12] =	ssyncset.done $0x0  }
0x5a8: {  	[sflag:s12] =	ssyncadd.s32 $0xFFFFF800  }
0x5a9: {  	_ =	swait.ge [sflag:s12], $0x800  }
0x5aa: {  	[sflag:s12] =	ssyncset.done $0x0  }
0x5ab: {  	[sflag:s12] =	ssyncadd.s32 $0xFFFFF800  }
0x5ac: {  	_ =	swait.ge [sflag:s12], $0x800  }
0x5ad: {  	[sflag:s12] =	ssyncset.done $0x0  }
0x5ae: {  	[sflag:s12] =	ssyncadd.s32 $0xFFFFF800  }
0x5af: {  	_ =	swait.ge [sflag:s12], $0x800  }
0x5b0: {  	[sflag:s12] =	ssyncset.done $0x0  }
0x5b1: {  	[sflag:s12] =	ssyncadd.s32 $0xFFFFF800  }
0x5b2: {  	_ =	swait.ge [sflag:s12], $0x800  }
0x5b3: {  	[sflag:s12] =	ssyncset.done $0x0  }
0x5b4: {  	[sflag:s12] =	ssyncadd.s32 $0xFFFFF800  }
0x5b5: {  	v2 =	vld [tilespmem:$0x150];
	_ =	sdelay $0x4  }
0x5b6: {  	v3 =	vshll.u32 v2, $0x3  }
0x5b7: {  	v3 =	vadd.s32 v1, v3  }
0x5b8: {  	v2 =	vand.u32 $0x7F, v2;
	v3 =	vand.u32 $0xFFFFFC00, v3  }
0x5b9: {  	v2 =	vor.u32 v2, v3;
	_ =	sdelay $0x3  }
0x5ba: {  	s28 =	simm.s32 $0x300  }
0x5bb: {  	v48 =	vor.u32 $0x50, v0;
	v3 =	vld.idx.msk [tilespmem:v2+s28+$0x0], $0xffff  }
0x5bc: {  	v4 =	vor.u32 $0x80, v2;
	_ =	sdelay $0x3  }
0x5bd: {  	[tilespmem:v48+s13+$0x0] =	vst.idx.msk $0xffff, v3  }
0x5be: {  	v49 =	vor.u32 $0xD0, v0;
	v3 =	vld.idx.msk [tilespmem:v4+s28+$0x0], $0xffff  }
0x5bf: {  	v4 =	vor.u32 $0x100, v2;
	_ =	sdelay $0x3  }
0x5c0: {  	[tilespmem:v49+s13+$0x0] =	vst.idx.msk $0xffff, v3  }
0x5c1: {  	v50 =	vor.u32 $0x150, v0;
	v3 =	vld.idx.msk [tilespmem:v4+s28+$0x0], $0xffff  }
0x5c2: {  	v4 =	vor.u32 $0x180, v2;
	_ =	sdelay $0x3  }
0x5c3: {  	[tilespmem:v50+s13+$0x0] =	vst.idx.msk $0xffff, v3  }
0x5c4: {  	v51 =	vor.u32 $0x1D0, v0;
	v3 =	vld.idx.msk [tilespmem:v4+s28+$0x0], $0xffff  }
0x5c5: {  	v4 =	vor.u32 $0x200, v2;
	_ =	sdelay $0x3  }
0x5c6: {  	[tilespmem:v51+s13+$0x0] =	vst.idx.msk $0xffff, v3  }
0x5c7: {  	v52 =	vor.u32 $0x250, v0;
	v3 =	vld.idx.msk [tilespmem:v4+s28+$0x0], $0xffff  }
0x5c8: {  	v4 =	vor.u32 $0x280, v2;
	_ =	sdelay $0x3  }
0x5c9: {  	[tilespmem:v52+s13+$0x0] =	vst.idx.msk $0xffff, v3  }
0x5ca: {  	v53 =	vor.u32 $0x2D0, v0;
	v3 =	vld.idx.msk [tilespmem:v4+s28+$0x0], $0xffff  }
0x5cb: {  	v4 =	vor.u32 $0x300, v2;
	_ =	sdelay $0x3  }
0x5cc: {  	[tilespmem:v53+s13+$0x0] =	vst.idx.msk $0xffff, v3  }
0x5cd: {  	v54 =	vor.u32 $0x350, v0;
	v3 =	vld.idx.msk [tilespmem:v4+s28+$0x0], $0xffff  }
0x5ce: {  	v4 =	vor.u32 $0x380, v2;
	_ =	sdelay $0x3  }
0x5cf: {  	[tilespmem:v54+s13+$0x0] =	vst.idx.msk $0xffff, v3  }
0x5d0: {  	v55 =	vor.u32 $0x3D0, v0;
	v3 =	vld.idx.msk [tilespmem:v4+s28+$0x0], $0xffff  }
0x5d1: {  	v4 =	vadd.s32 $0x4000, v2;
	_ =	sdelay $0x3  }
0x5d2: {  	[tilespmem:v55+s13+$0x0] =	vst.idx.msk $0xffff, v3  }
0x5d3: {  	v56 =	vor.u32 $0x450, v0;
	v3 =	vld.idx.msk [tilespmem:v4+s28+$0x0], $0xffff  }
0x5d4: {  	v4 =	vadd.s32 $0x4080, v2;
	_ =	sdelay $0x3  }
0x5d5: {  	[tilespmem:v56+s13+$0x0] =	vst.idx.msk $0xffff, v3  }
0x5d6: {  	v57 =	vor.u32 $0x4D0, v0;
	v3 =	vld.idx.msk [tilespmem:v4+s28+$0x0], $0xffff  }
0x5d7: {  	v4 =	vadd.s32 $0x4100, v2;
	_ =	sdelay $0x3  }
0x5d8: {  	[tilespmem:v57+s13+$0x0] =	vst.idx.msk $0xffff, v3  }
0x5d9: {  	v58 =	vor.u32 $0x550, v0;
	v3 =	vld.idx.msk [tilespmem:v4+s28+$0x0], $0xffff  }
0x5da: {  	v4 =	vadd.s32 $0x4180, v2;
	_ =	sdelay $0x3  }
0x5db: {  	[tilespmem:v58+s13+$0x0] =	vst.idx.msk $0xffff, v3  }
0x5dc: {  	v59 =	vor.u32 $0x5D0, v0;
	v3 =	vld.idx.msk [tilespmem:v4+s28+$0x0], $0xffff  }
0x5dd: {  	v4 =	vadd.s32 $0x4200, v2;
	_ =	sdelay $0x3  }
0x5de: {  	[tilespmem:v59+s13+$0x0] =	vst.idx.msk $0xffff, v3  }
0x5df: {  	v60 =	vor.u32 $0x650, v0;
	v3 =	vld.idx.msk [tilespmem:v4+s28+$0x0], $0xffff  }
0x5e0: {  	v4 =	vadd.s32 $0x4280, v2;
	_ =	sdelay $0x3  }
0x5e1: {  	[tilespmem:v60+s13+$0x0] =	vst.idx.msk $0xffff, v3  }
0x5e2: {  	v61 =	vor.u32 $0x6D0, v0;
	v3 =	vld.idx.msk [tilespmem:v4+s28+$0x0], $0xffff  }
0x5e3: {  	v4 =	vadd.s32 $0x4300, v2;
	_ =	sdelay $0x3  }
0x5e4: {  	[tilespmem:v61+s13+$0x0] =	vst.idx.msk $0xffff, v3  }
0x5e5: {  	v62 =	vor.u32 $0x750, v0;
	v3 =	vld.idx.msk [tilespmem:v4+s28+$0x0], $0xffff  }
0x5e6: {  	v2 =	vadd.s32 $0x4380, v2;
	_ =	sdelay $0x3  }
0x5e7: {  	[tilespmem:v62+s13+$0x0] =	vst.idx.msk $0xffff, v3  }
0x5e8: {  	v63 =	vor.u32 $0x7D0, v0;
	v2 =	vld.idx.msk [tilespmem:v2+s28+$0x0], $0xffff;
	_ =	sdelay $0x4  }
0x5e9: {  	s29 =	simm.s32 $0x0;
	[tilespmem:v63+s13+$0x0] =	vst.idx.msk $0xffff, v2  }
0x5ea: {  	v2 =	vld [tilespmem:s29+$0x60];
	_ =	sdelay $0x4  }
0x5eb: {  	(v2sf) =	vpush v2, $0x0;
	_ =	sdelay $0xe  }
0x5ec: {  	s30 =	spop (v2sf)  }
0x5ed: {  	s22 =	sshll.u32 s30, $0x7  }
0x5ee: {  	s22 =	sand.u32 $0x1FFFFF80, s22  }
0x5ef: {  	s23 =	simm.s32 $0x8;
	s25 =	simm.s32 $0x4300;
	s31 =	sadd.s32 s0, s22  }
0x5f0: {  	[tilespmem:s28], [sflag:$0x1] =	stream.linear.gather [hbm4b:s31+s4], $0x400, $0x38;
	[tilespmem:$0x11300] =	vst v63  }
0x5f1: {  	s21 =	simm.s32 $0x700;
	s22 =	simm.s32 $0x1;
	s24 =	sadd.s32 $0xF4280, s31  }
.LBB2_29:
0x5f2: {  	[tilespmem:s25], [sflag:$0x1] =	stream.linear.gather [hbm4b:s24+s4], $0x400, $0x38;
	[tilespmem:$0x11300] =	vst v63  }
0x5f3: {  	p0 =	sne.s32 s23, $0x3C;
	v2 =	vld [tilespmem:s22+$0x60];
	s22 =	sshra.s32 s23, $0x2;
	s23 =	sadd.s32 $0x4, s23  }
0x5f4: {  	_ =	sdelay $0x3  }
0x5f5: {  	(v2sf) =	vpush v2, $0x0;
	_ =	sdelay $0xe  }
0x5f6: {  	s24 =	spop (v2sf)  }
.Ltmp14:
0x5f7: {  	s24 =	sshll.u32 s24, $0x7;
	(pc) =	sbr.rel @p0 .LBB2_29-.Ltmp14, $4  }
0x5f8: {  	s24 =	sand.u32 $0x1FFFFF80, s24  }
0x5f9: {  	s24 =	sadd.s32 s0, s24  }
0x5fa: {  	[tilespmem:s21], [sflag:$0x1] =	stream.linear.gather [hbm4b:s24+s4], $0x400, $0x38;
	[tilespmem:$0x11300] =	vst v63  }
0x5fb: {  	s25 =	sadd.s32 $0x4000, s21;
	s24 =	sadd.s32 $0xF4280, s24;
	s21 =	sadd.s32 $0x400, s21  }
0x5fc: {  	[tilespmem:s25], [sflag:$0x1] =	stream.linear.gather [hbm4b:s24+s4], $0x400, $0x38;
	[tilespmem:$0x11300] =	vst v63  }
0x5fd: {  	v2 =	vld [tilespmem:s22+$0x60];
	_ =	sdelay $0x4  }
0x5fe: {  	(v2sf) =	vpush v2, $0x0;
	_ =	sdelay $0xe  }
0x5ff: {  	s25 =	spop (v2sf)  }
0x600: {  	s22 =	sshll.u32 s25, $0x7  }
0x601: {  	s22 =	sand.u32 $0x1FFFFF80, s22  }
0x602: {  	s22 =	sadd.s32 s0, s22  }
0x603: {  	[tilespmem:s21], [sflag:$0x1] =	stream.linear.gather [hbm4b:s22+s4], $0x400, $0x38;
	[tilespmem:$0x11300] =	vst v63  }
0x604: {  	s26 =	sadd.s32 $0x4000, s21;
	s22 =	sadd.s32 $0xF4280, s22  }
0x605: {  	[tilespmem:s26], [sflag:$0x1] =	stream.linear.gather [hbm4b:s22+s4], $0x400, $0x38;
	[tilespmem:$0x11300] =	vst v63  }
0x606: {  	_ =	swait.ge [sflag:s14], $0x800  }
0x607: {  	[sflag:s14] =	ssyncset.done $0x0  }
0x608: {  	[sflag:s14] =	ssyncadd.s32 $0xFFFFF800  }
0x609: {  	_ =	swait.ge [sflag:s14], $0x800  }
0x60a: {  	[sflag:s14] =	ssyncset.done $0x0  }
0x60b: {  	[sflag:s14] =	ssyncadd.s32 $0xFFFFF800  }
0x60c: {  	_ =	swait.ge [sflag:s14], $0x800  }
0x60d: {  	[sflag:s14] =	ssyncset.done $0x0  }
0x60e: {  	[sflag:s14] =	ssyncadd.s32 $0xFFFFF800  }
0x60f: {  	_ =	swait.ge [sflag:s14], $0x800  }
0x610: {  	[sflag:s14] =	ssyncset.done $0x0  }
0x611: {  	[sflag:s14] =	ssyncadd.s32 $0xFFFFF800  }
0x612: {  	_ =	swait.ge [sflag:s14], $0x800  }
0x613: {  	[sflag:s14] =	ssyncset.done $0x0  }
0x614: {  	[sflag:s14] =	ssyncadd.s32 $0xFFFFF800  }
0x615: {  	_ =	swait.ge [sflag:s14], $0x800  }
0x616: {  	[sflag:s14] =	ssyncset.done $0x0  }
0x617: {  	[sflag:s14] =	ssyncadd.s32 $0xFFFFF800  }
0x618: {  	_ =	swait.ge [sflag:s14], $0x800  }
0x619: {  	[sflag:s14] =	ssyncset.done $0x0  }
0x61a: {  	[sflag:s14] =	ssyncadd.s32 $0xFFFFF800  }
0x61b: {  	_ =	swait.ge [sflag:s14], $0x800  }
0x61c: {  	[sflag:s14] =	ssyncset.done $0x0  }
0x61d: {  	[sflag:s14] =	ssyncadd.s32 $0xFFFFF800  }
0x61e: {  	_ =	swait.ge [sflag:s14], $0x800  }
0x61f: {  	[sflag:s14] =	ssyncset.done $0x0  }
0x620: {  	[sflag:s14] =	ssyncadd.s32 $0xFFFFF800  }
0x621: {  	_ =	swait.ge [sflag:s14], $0x800  }
0x622: {  	[sflag:s14] =	ssyncset.done $0x0  }
0x623: {  	[sflag:s14] =	ssyncadd.s32 $0xFFFFF800  }
0x624: {  	_ =	swait.ge [sflag:s14], $0x800  }
0x625: {  	[sflag:s14] =	ssyncset.done $0x0  }
0x626: {  	[sflag:s14] =	ssyncadd.s32 $0xFFFFF800  }
0x627: {  	_ =	swait.ge [sflag:s14], $0x800  }
0x628: {  	[sflag:s14] =	ssyncset.done $0x0  }
0x629: {  	[sflag:s14] =	ssyncadd.s32 $0xFFFFF800  }
0x62a: {  	_ =	swait.ge [sflag:s14], $0x800  }
0x62b: {  	[sflag:s14] =	ssyncset.done $0x0  }
0x62c: {  	[sflag:s14] =	ssyncadd.s32 $0xFFFFF800  }
0x62d: {  	_ =	swait.ge [sflag:s14], $0x800  }
0x62e: {  	[sflag:s14] =	ssyncset.done $0x0  }
0x62f: {  	[sflag:s14] =	ssyncadd.s32 $0xFFFFF800  }
0x630: {  	_ =	swait.ge [sflag:s14], $0x800  }
0x631: {  	[sflag:s14] =	ssyncset.done $0x0  }
0x632: {  	[sflag:s14] =	ssyncadd.s32 $0xFFFFF800  }
0x633: {  	_ =	swait.ge [sflag:s14], $0x800  }
0x634: {  	[sflag:s14] =	ssyncset.done $0x0  }
0x635: {  	[sflag:s14] =	ssyncadd.s32 $0xFFFFF800  }
0x636: {  	v2 =	vld [tilespmem:$0x2D0];
	_ =	sdelay $0x4  }
0x637: {  	v3 =	vshll.u32 v2, $0x3  }
0x638: {  	v3 =	vadd.s32 v1, v3  }
0x639: {  	v2 =	vand.u32 $0x7F, v2;
	v3 =	vand.u32 $0xFFFFFC00, v3  }
0x63a: {  	v2 =	vor.u32 v2, v3;
	_ =	sdelay $0x3  }
0x63b: {  	s28 =	simm.s32 $0x8300  }
0x63c: {  	v3 =	vld.idx.msk [tilespmem:v2+s28+$0x0], $0xffff  }
0x63d: {  	v4 =	vor.u32 $0x80, v2;
	_ =	sdelay $0x3  }
0x63e: {  	[tilespmem:v48+s15+$0x0] =	vst.idx.msk $0xffff, v3  }
0x63f: {  	v3 =	vld.idx.msk [tilespmem:v4+s28+$0x0], $0xffff  }
0x640: {  	v4 =	vor.u32 $0x100, v2;
	_ =	sdelay $0x3  }
0x641: {  	[tilespmem:v49+s15+$0x0] =	vst.idx.msk $0xffff, v3  }
0x642: {  	v3 =	vld.idx.msk [tilespmem:v4+s28+$0x0], $0xffff  }
0x643: {  	v4 =	vor.u32 $0x180, v2;
	_ =	sdelay $0x3  }
0x644: {  	[tilespmem:v50+s15+$0x0] =	vst.idx.msk $0xffff, v3  }
0x645: {  	v3 =	vld.idx.msk [tilespmem:v4+s28+$0x0], $0xffff  }
0x646: {  	v4 =	vor.u32 $0x200, v2;
	_ =	sdelay $0x3  }
0x647: {  	[tilespmem:v51+s15+$0x0] =	vst.idx.msk $0xffff, v3  }
0x648: {  	v3 =	vld.idx.msk [tilespmem:v4+s28+$0x0], $0xffff  }
0x649: {  	v4 =	vor.u32 $0x280, v2;
	_ =	sdelay $0x3  }
0x64a: {  	[tilespmem:v52+s15+$0x0] =	vst.idx.msk $0xffff, v3  }
0x64b: {  	v3 =	vld.idx.msk [tilespmem:v4+s28+$0x0], $0xffff  }
0x64c: {  	v4 =	vor.u32 $0x300, v2;
	_ =	sdelay $0x3  }
0x64d: {  	[tilespmem:v53+s15+$0x0] =	vst.idx.msk $0xffff, v3  }
0x64e: {  	v3 =	vld.idx.msk [tilespmem:v4+s28+$0x0], $0xffff  }
0x64f: {  	v4 =	vor.u32 $0x380, v2;
	_ =	sdelay $0x3  }
0x650: {  	[tilespmem:v54+s15+$0x0] =	vst.idx.msk $0xffff, v3  }
0x651: {  	v3 =	vld.idx.msk [tilespmem:v4+s28+$0x0], $0xffff  }
0x652: {  	v4 =	vadd.s32 $0x4000, v2;
	_ =	sdelay $0x3  }
0x653: {  	[tilespmem:v55+s15+$0x0] =	vst.idx.msk $0xffff, v3  }
0x654: {  	v3 =	vld.idx.msk [tilespmem:v4+s28+$0x0], $0xffff  }
0x655: {  	v4 =	vadd.s32 $0x4080, v2;
	_ =	sdelay $0x3  }
0x656: {  	[tilespmem:v56+s15+$0x0] =	vst.idx.msk $0xffff, v3  }
0x657: {  	v3 =	vld.idx.msk [tilespmem:v4+s28+$0x0], $0xffff  }
0x658: {  	v4 =	vadd.s32 $0x4100, v2;
	_ =	sdelay $0x3  }
0x659: {  	[tilespmem:v57+s15+$0x0] =	vst.idx.msk $0xffff, v3  }
0x65a: {  	v3 =	vld.idx.msk [tilespmem:v4+s28+$0x0], $0xffff  }
0x65b: {  	v4 =	vadd.s32 $0x4180, v2;
	_ =	sdelay $0x3  }
0x65c: {  	[tilespmem:v58+s15+$0x0] =	vst.idx.msk $0xffff, v3  }
0x65d: {  	v3 =	vld.idx.msk [tilespmem:v4+s28+$0x0], $0xffff  }
0x65e: {  	v4 =	vadd.s32 $0x4200, v2;
	_ =	sdelay $0x3  }
0x65f: {  	[tilespmem:v59+s15+$0x0] =	vst.idx.msk $0xffff, v3  }
0x660: {  	v3 =	vld.idx.msk [tilespmem:v4+s28+$0x0], $0xffff  }
0x661: {  	v4 =	vadd.s32 $0x4280, v2;
	_ =	sdelay $0x3  }
0x662: {  	[tilespmem:v60+s15+$0x0] =	vst.idx.msk $0xffff, v3  }
0x663: {  	v3 =	vld.idx.msk [tilespmem:v4+s28+$0x0], $0xffff  }
0x664: {  	v4 =	vadd.s32 $0x4300, v2;
	_ =	sdelay $0x3  }
0x665: {  	[tilespmem:v61+s15+$0x0] =	vst.idx.msk $0xffff, v3  }
0x666: {  	v3 =	vld.idx.msk [tilespmem:v4+s28+$0x0], $0xffff  }
0x667: {  	v2 =	vadd.s32 $0x4380, v2;
	_ =	sdelay $0x3  }
0x668: {  	[tilespmem:v62+s15+$0x0] =	vst.idx.msk $0xffff, v3  }
0x669: {  	v2 =	vld.idx.msk [tilespmem:v2+s28+$0x0], $0xffff;
	_ =	sdelay $0x4  }
0x66a: {  	s29 =	simm.s32 $0x0;
	[tilespmem:v63+s15+$0x0] =	vst.idx.msk $0xffff, v2  }
0x66b: {  	v2 =	vld [tilespmem:s29+$0x1E0];
	_ =	sdelay $0x4  }
0x66c: {  	(v2sf) =	vpush v2, $0x0;
	_ =	sdelay $0xe  }
0x66d: {  	s30 =	spop (v2sf)  }
0x66e: {  	s22 =	sshll.u32 s30, $0x7  }
0x66f: {  	s22 =	sand.u32 $0x1FFFFF80, s22  }
0x670: {  	s23 =	simm.s32 $0x8;
	s25 =	simm.s32 $0xC300;
	s31 =	sadd.s32 s1, s22  }
0x671: {  	[tilespmem:s28], [sflag:$0x2] =	stream.linear.gather [hbm4b:s31+s4], $0x400, $0x38;
	[tilespmem:$0x11300] =	vst v63  }
0x672: {  	s21 =	simm.s32 $0x8700;
	s22 =	simm.s32 $0x1;
	s24 =	sadd.s32 $0xF4280, s31  }
.LBB2_31:
0x673: {  	[tilespmem:s25], [sflag:$0x2] =	stream.linear.gather [hbm4b:s24+s4], $0x400, $0x38;
	[tilespmem:$0x11300] =	vst v63  }
0x674: {  	p0 =	sne.s32 s23, $0x3C;
	v2 =	vld [tilespmem:s22+$0x1E0];
	s22 =	sshra.s32 s23, $0x2;
	s23 =	sadd.s32 $0x4, s23  }
0x675: {  	_ =	sdelay $0x3  }
0x676: {  	(v2sf) =	vpush v2, $0x0;
	_ =	sdelay $0xe  }
0x677: {  	s24 =	spop (v2sf)  }
.Ltmp15:
0x678: {  	s24 =	sshll.u32 s24, $0x7;
	(pc) =	sbr.rel @p0 .LBB2_31-.Ltmp15, $4  }
0x679: {  	s24 =	sand.u32 $0x1FFFFF80, s24  }
0x67a: {  	s24 =	sadd.s32 s1, s24  }
0x67b: {  	[tilespmem:s21], [sflag:$0x2] =	stream.linear.gather [hbm4b:s24+s4], $0x400, $0x38;
	[tilespmem:$0x11300] =	vst v63  }
0x67c: {  	s25 =	sadd.s32 $0x4000, s21;
	s24 =	sadd.s32 $0xF4280, s24;
	s21 =	sadd.s32 $0x400, s21  }
0x67d: {  	[tilespmem:s25], [sflag:$0x2] =	stream.linear.gather [hbm4b:s24+s4], $0x400, $0x38;
	[tilespmem:$0x11300] =	vst v63  }
0x67e: {  	v2 =	vld [tilespmem:s22+$0x1E0];
	_ =	sdelay $0x4  }
0x67f: {  	(v2sf) =	vpush v2, $0x0;
	_ =	sdelay $0xe  }
0x680: {  	s25 =	spop (v2sf)  }
0x681: {  	s22 =	sshll.u32 s25, $0x7  }
0x682: {  	s22 =	sand.u32 $0x1FFFFF80, s22  }
0x683: {  	s22 =	sadd.s32 s1, s22  }
0x684: {  	[tilespmem:s21], [sflag:$0x2] =	stream.linear.gather [hbm4b:s22+s4], $0x400, $0x38;
	[tilespmem:$0x11300] =	vst v63  }
0x685: {  	s26 =	sadd.s32 $0x4000, s21;
	s22 =	sadd.s32 $0xF4280, s22  }
0x686: {  	[tilespmem:s26], [sflag:$0x2] =	stream.linear.gather [hbm4b:s22+s4], $0x400, $0x38;
	[tilespmem:$0x11300] =	vst v63  }
0x687: {  	_ =	swait.ge [sflag:s12], $0x800  }
0x688: {  	[sflag:s12] =	ssyncset.done $0x0  }
0x689: {  	[sflag:s12] =	ssyncadd.s32 $0xFFFFF800  }
0x68a: {  	_ =	swait.ge [sflag:s12], $0x800  }
0x68b: {  	[sflag:s12] =	ssyncset.done $0x0  }
0x68c: {  	[sflag:s12] =	ssyncadd.s32 $0xFFFFF800  }
0x68d: {  	_ =	swait.ge [sflag:s12], $0x800  }
0x68e: {  	[sflag:s12] =	ssyncset.done $0x0  }
0x68f: {  	[sflag:s12] =	ssyncadd.s32 $0xFFFFF800  }
0x690: {  	_ =	swait.ge [sflag:s12], $0x800  }
0x691: {  	[sflag:s12] =	ssyncset.done $0x0  }
0x692: {  	[sflag:s12] =	ssyncadd.s32 $0xFFFFF800  }
0x693: {  	_ =	swait.ge [sflag:s12], $0x800  }
0x694: {  	[sflag:s12] =	ssyncset.done $0x0  }
0x695: {  	[sflag:s12] =	ssyncadd.s32 $0xFFFFF800  }
0x696: {  	_ =	swait.ge [sflag:s12], $0x800  }
0x697: {  	[sflag:s12] =	ssyncset.done $0x0  }
0x698: {  	[sflag:s12] =	ssyncadd.s32 $0xFFFFF800  }
0x699: {  	_ =	swait.ge [sflag:s12], $0x800  }
0x69a: {  	[sflag:s12] =	ssyncset.done $0x0  }
0x69b: {  	[sflag:s12] =	ssyncadd.s32 $0xFFFFF800  }
0x69c: {  	_ =	swait.ge [sflag:s12], $0x800  }
0x69d: {  	[sflag:s12] =	ssyncset.done $0x0  }
0x69e: {  	[sflag:s12] =	ssyncadd.s32 $0xFFFFF800  }
0x69f: {  	_ =	swait.ge [sflag:s12], $0x800  }
0x6a0: {  	[sflag:s12] =	ssyncset.done $0x0  }
0x6a1: {  	[sflag:s12] =	ssyncadd.s32 $0xFFFFF800  }
0x6a2: {  	_ =	swait.ge [sflag:s12], $0x800  }
0x6a3: {  	[sflag:s12] =	ssyncset.done $0x0  }
0x6a4: {  	[sflag:s12] =	ssyncadd.s32 $0xFFFFF800  }
0x6a5: {  	_ =	swait.ge [sflag:s12], $0x800  }
0x6a6: {  	[sflag:s12] =	ssyncset.done $0x0  }
0x6a7: {  	[sflag:s12] =	ssyncadd.s32 $0xFFFFF800  }
0x6a8: {  	_ =	swait.ge [sflag:s12], $0x800  }
0x6a9: {  	[sflag:s12] =	ssyncset.done $0x0  }
0x6aa: {  	[sflag:s12] =	ssyncadd.s32 $0xFFFFF800  }
0x6ab: {  	_ =	swait.ge [sflag:s12], $0x800  }
0x6ac: {  	[sflag:s12] =	ssyncset.done $0x0  }
0x6ad: {  	[sflag:s12] =	ssyncadd.s32 $0xFFFFF800  }
0x6ae: {  	_ =	swait.ge [sflag:s12], $0x800  }
0x6af: {  	[sflag:s12] =	ssyncset.done $0x0  }
0x6b0: {  	[sflag:s12] =	ssyncadd.s32 $0xFFFFF800  }
0x6b1: {  	_ =	swait.ge [sflag:s12], $0x800  }
0x6b2: {  	[sflag:s12] =	ssyncset.done $0x0  }
0x6b3: {  	[sflag:s12] =	ssyncadd.s32 $0xFFFFF800  }
0x6b4: {  	_ =	swait.ge [sflag:s12], $0x800  }
0x6b5: {  	[sflag:s12] =	ssyncset.done $0x0  }
0x6b6: {  	[sflag:s12] =	ssyncadd.s32 $0xFFFFF800  }
0x6b7: {  	v2 =	vld [tilespmem:$0x160];
	_ =	sdelay $0x4  }
0x6b8: {  	v3 =	vshll.u32 v2, $0x3  }
0x6b9: {  	v3 =	vadd.s32 v1, v3  }
0x6ba: {  	v2 =	vand.u32 $0x7F, v2;
	v3 =	vand.u32 $0xFFFFFC00, v3  }
0x6bb: {  	v2 =	vor.u32 v2, v3;
	_ =	sdelay $0x3  }
0x6bc: {  	s28 =	simm.s32 $0x300  }
0x6bd: {  	v48 =	vor.u32 $0x60, v0;
	v3 =	vld.idx.msk [tilespmem:v2+s28+$0x0], $0xffff  }
0x6be: {  	v4 =	vor.u32 $0x80, v2;
	_ =	sdelay $0x3  }
0x6bf: {  	[tilespmem:v48+s13+$0x0] =	vst.idx.msk $0xffff, v3  }
0x6c0: {  	v49 =	vor.u32 $0xE0, v0;
	v3 =	vld.idx.msk [tilespmem:v4+s28+$0x0], $0xffff  }
0x6c1: {  	v4 =	vor.u32 $0x100, v2;
	_ =	sdelay $0x3  }
0x6c2: {  	[tilespmem:v49+s13+$0x0] =	vst.idx.msk $0xffff, v3  }
0x6c3: {  	v50 =	vor.u32 $0x160, v0;
	v3 =	vld.idx.msk [tilespmem:v4+s28+$0x0], $0xffff  }
0x6c4: {  	v4 =	vor.u32 $0x180, v2;
	_ =	sdelay $0x3  }
0x6c5: {  	[tilespmem:v50+s13+$0x0] =	vst.idx.msk $0xffff, v3  }
0x6c6: {  	v51 =	vor.u32 $0x1E0, v0;
	v3 =	vld.idx.msk [tilespmem:v4+s28+$0x0], $0xffff  }
0x6c7: {  	v4 =	vor.u32 $0x200, v2;
	_ =	sdelay $0x3  }
0x6c8: {  	[tilespmem:v51+s13+$0x0] =	vst.idx.msk $0xffff, v3  }
0x6c9: {  	v52 =	vor.u32 $0x260, v0;
	v3 =	vld.idx.msk [tilespmem:v4+s28+$0x0], $0xffff  }
0x6ca: {  	v4 =	vor.u32 $0x280, v2;
	_ =	sdelay $0x3  }
0x6cb: {  	[tilespmem:v52+s13+$0x0] =	vst.idx.msk $0xffff, v3  }
0x6cc: {  	v53 =	vor.u32 $0x2E0, v0;
	v3 =	vld.idx.msk [tilespmem:v4+s28+$0x0], $0xffff  }
0x6cd: {  	v4 =	vor.u32 $0x300, v2;
	_ =	sdelay $0x3  }
0x6ce: {  	[tilespmem:v53+s13+$0x0] =	vst.idx.msk $0xffff, v3  }
0x6cf: {  	v54 =	vor.u32 $0x360, v0;
	v3 =	vld.idx.msk [tilespmem:v4+s28+$0x0], $0xffff  }
0x6d0: {  	v4 =	vor.u32 $0x380, v2;
	_ =	sdelay $0x3  }
0x6d1: {  	[tilespmem:v54+s13+$0x0] =	vst.idx.msk $0xffff, v3  }
0x6d2: {  	v55 =	vor.u32 $0x3E0, v0;
	v3 =	vld.idx.msk [tilespmem:v4+s28+$0x0], $0xffff  }
0x6d3: {  	v4 =	vadd.s32 $0x4000, v2;
	_ =	sdelay $0x3  }
0x6d4: {  	[tilespmem:v55+s13+$0x0] =	vst.idx.msk $0xffff, v3  }
0x6d5: {  	v56 =	vor.u32 $0x460, v0;
	v3 =	vld.idx.msk [tilespmem:v4+s28+$0x0], $0xffff  }
0x6d6: {  	v4 =	vadd.s32 $0x4080, v2;
	_ =	sdelay $0x3  }
0x6d7: {  	[tilespmem:v56+s13+$0x0] =	vst.idx.msk $0xffff, v3  }
0x6d8: {  	v57 =	vor.u32 $0x4E0, v0;
	v3 =	vld.idx.msk [tilespmem:v4+s28+$0x0], $0xffff  }
0x6d9: {  	v4 =	vadd.s32 $0x4100, v2;
	_ =	sdelay $0x3  }
0x6da: {  	[tilespmem:v57+s13+$0x0] =	vst.idx.msk $0xffff, v3  }
0x6db: {  	v58 =	vor.u32 $0x560, v0;
	v3 =	vld.idx.msk [tilespmem:v4+s28+$0x0], $0xffff  }
0x6dc: {  	v4 =	vadd.s32 $0x4180, v2;
	_ =	sdelay $0x3  }
0x6dd: {  	[tilespmem:v58+s13+$0x0] =	vst.idx.msk $0xffff, v3  }
0x6de: {  	v59 =	vor.u32 $0x5E0, v0;
	v3 =	vld.idx.msk [tilespmem:v4+s28+$0x0], $0xffff  }
0x6df: {  	v4 =	vadd.s32 $0x4200, v2;
	_ =	sdelay $0x3  }
0x6e0: {  	[tilespmem:v59+s13+$0x0] =	vst.idx.msk $0xffff, v3  }
0x6e1: {  	v60 =	vor.u32 $0x660, v0;
	v3 =	vld.idx.msk [tilespmem:v4+s28+$0x0], $0xffff  }
0x6e2: {  	v4 =	vadd.s32 $0x4280, v2;
	_ =	sdelay $0x3  }
0x6e3: {  	[tilespmem:v60+s13+$0x0] =	vst.idx.msk $0xffff, v3  }
0x6e4: {  	v61 =	vor.u32 $0x6E0, v0;
	v3 =	vld.idx.msk [tilespmem:v4+s28+$0x0], $0xffff  }
0x6e5: {  	v4 =	vadd.s32 $0x4300, v2;
	_ =	sdelay $0x3  }
0x6e6: {  	[tilespmem:v61+s13+$0x0] =	vst.idx.msk $0xffff, v3  }
0x6e7: {  	v62 =	vor.u32 $0x760, v0;
	v3 =	vld.idx.msk [tilespmem:v4+s28+$0x0], $0xffff  }
0x6e8: {  	v2 =	vadd.s32 $0x4380, v2;
	_ =	sdelay $0x3  }
0x6e9: {  	[tilespmem:v62+s13+$0x0] =	vst.idx.msk $0xffff, v3  }
0x6ea: {  	v63 =	vor.u32 $0x7E0, v0;
	v2 =	vld.idx.msk [tilespmem:v2+s28+$0x0], $0xffff;
	_ =	sdelay $0x4  }
0x6eb: {  	s29 =	simm.s32 $0x0;
	[tilespmem:v63+s13+$0x0] =	vst.idx.msk $0xffff, v2  }
0x6ec: {  	v2 =	vld [tilespmem:s29+$0x70];
	_ =	sdelay $0x4  }
0x6ed: {  	(v2sf) =	vpush v2, $0x0;
	_ =	sdelay $0xe  }
0x6ee: {  	s30 =	spop (v2sf)  }
0x6ef: {  	s22 =	sshll.u32 s30, $0x7  }
0x6f0: {  	s22 =	sand.u32 $0x1FFFFF80, s22  }
0x6f1: {  	s23 =	simm.s32 $0x8;
	s25 =	simm.s32 $0x4300;
	s31 =	sadd.s32 s0, s22  }
0x6f2: {  	[tilespmem:s28], [sflag:$0x1] =	stream.linear.gather [hbm4b:s31+s4], $0x400, $0x38;
	[tilespmem:$0x11300] =	vst v63  }
0x6f3: {  	s21 =	simm.s32 $0x700;
	s22 =	simm.s32 $0x1;
	s24 =	sadd.s32 $0xF4280, s31  }
.LBB2_33:
0x6f4: {  	[tilespmem:s25], [sflag:$0x1] =	stream.linear.gather [hbm4b:s24+s4], $0x400, $0x38;
	[tilespmem:$0x11300] =	vst v63  }
0x6f5: {  	p0 =	sne.s32 s23, $0x3C;
	v2 =	vld [tilespmem:s22+$0x70];
	s22 =	sshra.s32 s23, $0x2;
	s23 =	sadd.s32 $0x4, s23  }
0x6f6: {  	_ =	sdelay $0x3  }
0x6f7: {  	(v2sf) =	vpush v2, $0x0;
	_ =	sdelay $0xe  }
0x6f8: {  	s24 =	spop (v2sf)  }
.Ltmp16:
0x6f9: {  	s24 =	sshll.u32 s24, $0x7;
	(pc) =	sbr.rel @p0 .LBB2_33-.Ltmp16, $4  }
0x6fa: {  	s24 =	sand.u32 $0x1FFFFF80, s24  }
0x6fb: {  	s24 =	sadd.s32 s0, s24  }
0x6fc: {  	[tilespmem:s21], [sflag:$0x1] =	stream.linear.gather [hbm4b:s24+s4], $0x400, $0x38;
	[tilespmem:$0x11300] =	vst v63  }
0x6fd: {  	s25 =	sadd.s32 $0x4000, s21;
	s24 =	sadd.s32 $0xF4280, s24;
	s21 =	sadd.s32 $0x400, s21  }
0x6fe: {  	[tilespmem:s25], [sflag:$0x1] =	stream.linear.gather [hbm4b:s24+s4], $0x400, $0x38;
	[tilespmem:$0x11300] =	vst v63  }
0x6ff: {  	v2 =	vld [tilespmem:s22+$0x70];
	_ =	sdelay $0x4  }
0x700: {  	(v2sf) =	vpush v2, $0x0;
	_ =	sdelay $0xe  }
0x701: {  	s25 =	spop (v2sf)  }
0x702: {  	s22 =	sshll.u32 s25, $0x7  }
0x703: {  	s22 =	sand.u32 $0x1FFFFF80, s22  }
0x704: {  	s22 =	sadd.s32 s0, s22  }
0x705: {  	[tilespmem:s21], [sflag:$0x1] =	stream.linear.gather [hbm4b:s22+s4], $0x400, $0x38;
	[tilespmem:$0x11300] =	vst v63  }
0x706: {  	s26 =	sadd.s32 $0x4000, s21;
	s22 =	sadd.s32 $0xF4280, s22  }
0x707: {  	[tilespmem:s26], [sflag:$0x1] =	stream.linear.gather [hbm4b:s22+s4], $0x400, $0x38;
	[tilespmem:$0x11300] =	vst v63  }
0x708: {  	_ =	swait.ge [sflag:s14], $0x800  }
0x709: {  	[sflag:s14] =	ssyncset.done $0x0  }
0x70a: {  	[sflag:s14] =	ssyncadd.s32 $0xFFFFF800  }
0x70b: {  	_ =	swait.ge [sflag:s14], $0x800  }
0x70c: {  	[sflag:s14] =	ssyncset.done $0x0  }
0x70d: {  	[sflag:s14] =	ssyncadd.s32 $0xFFFFF800  }
0x70e: {  	_ =	swait.ge [sflag:s14], $0x800  }
0x70f: {  	[sflag:s14] =	ssyncset.done $0x0  }
0x710: {  	[sflag:s14] =	ssyncadd.s32 $0xFFFFF800  }
0x711: {  	_ =	swait.ge [sflag:s14], $0x800  }
0x712: {  	[sflag:s14] =	ssyncset.done $0x0  }
0x713: {  	[sflag:s14] =	ssyncadd.s32 $0xFFFFF800  }
0x714: {  	_ =	swait.ge [sflag:s14], $0x800  }
0x715: {  	[sflag:s14] =	ssyncset.done $0x0  }
0x716: {  	[sflag:s14] =	ssyncadd.s32 $0xFFFFF800  }
0x717: {  	_ =	swait.ge [sflag:s14], $0x800  }
0x718: {  	[sflag:s14] =	ssyncset.done $0x0  }
0x719: {  	[sflag:s14] =	ssyncadd.s32 $0xFFFFF800  }
0x71a: {  	_ =	swait.ge [sflag:s14], $0x800  }
0x71b: {  	[sflag:s14] =	ssyncset.done $0x0  }
0x71c: {  	[sflag:s14] =	ssyncadd.s32 $0xFFFFF800  }
0x71d: {  	_ =	swait.ge [sflag:s14], $0x800  }
0x71e: {  	[sflag:s14] =	ssyncset.done $0x0  }
0x71f: {  	[sflag:s14] =	ssyncadd.s32 $0xFFFFF800  }
0x720: {  	_ =	swait.ge [sflag:s14], $0x800  }
0x721: {  	[sflag:s14] =	ssyncset.done $0x0  }
0x722: {  	[sflag:s14] =	ssyncadd.s32 $0xFFFFF800  }
0x723: {  	_ =	swait.ge [sflag:s14], $0x800  }
0x724: {  	[sflag:s14] =	ssyncset.done $0x0  }
0x725: {  	[sflag:s14] =	ssyncadd.s32 $0xFFFFF800  }
0x726: {  	_ =	swait.ge [sflag:s14], $0x800  }
0x727: {  	[sflag:s14] =	ssyncset.done $0x0  }
0x728: {  	[sflag:s14] =	ssyncadd.s32 $0xFFFFF800  }
0x729: {  	_ =	swait.ge [sflag:s14], $0x800  }
0x72a: {  	[sflag:s14] =	ssyncset.done $0x0  }
0x72b: {  	[sflag:s14] =	ssyncadd.s32 $0xFFFFF800  }
0x72c: {  	_ =	swait.ge [sflag:s14], $0x800  }
0x72d: {  	[sflag:s14] =	ssyncset.done $0x0  }
0x72e: {  	[sflag:s14] =	ssyncadd.s32 $0xFFFFF800  }
0x72f: {  	_ =	swait.ge [sflag:s14], $0x800  }
0x730: {  	[sflag:s14] =	ssyncset.done $0x0  }
0x731: {  	[sflag:s14] =	ssyncadd.s32 $0xFFFFF800  }
0x732: {  	_ =	swait.ge [sflag:s14], $0x800  }
0x733: {  	[sflag:s14] =	ssyncset.done $0x0  }
0x734: {  	[sflag:s14] =	ssyncadd.s32 $0xFFFFF800  }
0x735: {  	_ =	swait.ge [sflag:s14], $0x800  }
0x736: {  	[sflag:s14] =	ssyncset.done $0x0  }
0x737: {  	[sflag:s14] =	ssyncadd.s32 $0xFFFFF800  }
0x738: {  	v2 =	vld [tilespmem:$0x2E0];
	_ =	sdelay $0x4  }
0x739: {  	v3 =	vshll.u32 v2, $0x3  }
0x73a: {  	v3 =	vadd.s32 v1, v3  }
0x73b: {  	v2 =	vand.u32 $0x7F, v2;
	v3 =	vand.u32 $0xFFFFFC00, v3  }
0x73c: {  	v2 =	vor.u32 v2, v3;
	_ =	sdelay $0x3  }
0x73d: {  	s28 =	simm.s32 $0x8300  }
0x73e: {  	v3 =	vld.idx.msk [tilespmem:v2+s28+$0x0], $0xffff  }
0x73f: {  	v4 =	vor.u32 $0x80, v2;
	_ =	sdelay $0x3  }
0x740: {  	[tilespmem:v48+s15+$0x0] =	vst.idx.msk $0xffff, v3  }
0x741: {  	v3 =	vld.idx.msk [tilespmem:v4+s28+$0x0], $0xffff  }
0x742: {  	v4 =	vor.u32 $0x100, v2;
	_ =	sdelay $0x3  }
0x743: {  	[tilespmem:v49+s15+$0x0] =	vst.idx.msk $0xffff, v3  }
0x744: {  	v3 =	vld.idx.msk [tilespmem:v4+s28+$0x0], $0xffff  }
0x745: {  	v4 =	vor.u32 $0x180, v2;
	_ =	sdelay $0x3  }
0x746: {  	[tilespmem:v50+s15+$0x0] =	vst.idx.msk $0xffff, v3  }
0x747: {  	v3 =	vld.idx.msk [tilespmem:v4+s28+$0x0], $0xffff  }
0x748: {  	v4 =	vor.u32 $0x200, v2;
	_ =	sdelay $0x3  }
0x749: {  	[tilespmem:v51+s15+$0x0] =	vst.idx.msk $0xffff, v3  }
0x74a: {  	v3 =	vld.idx.msk [tilespmem:v4+s28+$0x0], $0xffff  }
0x74b: {  	v4 =	vor.u32 $0x280, v2;
	_ =	sdelay $0x3  }
0x74c: {  	[tilespmem:v52+s15+$0x0] =	vst.idx.msk $0xffff, v3  }
0x74d: {  	v3 =	vld.idx.msk [tilespmem:v4+s28+$0x0], $0xffff  }
0x74e: {  	v4 =	vor.u32 $0x300, v2;
	_ =	sdelay $0x3  }
0x74f: {  	[tilespmem:v53+s15+$0x0] =	vst.idx.msk $0xffff, v3  }
0x750: {  	v3 =	vld.idx.msk [tilespmem:v4+s28+$0x0], $0xffff  }
0x751: {  	v4 =	vor.u32 $0x380, v2;
	_ =	sdelay $0x3  }
0x752: {  	[tilespmem:v54+s15+$0x0] =	vst.idx.msk $0xffff, v3  }
0x753: {  	v3 =	vld.idx.msk [tilespmem:v4+s28+$0x0], $0xffff  }
0x754: {  	v4 =	vadd.s32 $0x4000, v2;
	_ =	sdelay $0x3  }
0x755: {  	[tilespmem:v55+s15+$0x0] =	vst.idx.msk $0xffff, v3  }
0x756: {  	v3 =	vld.idx.msk [tilespmem:v4+s28+$0x0], $0xffff  }
0x757: {  	v4 =	vadd.s32 $0x4080, v2;
	_ =	sdelay $0x3  }
0x758: {  	[tilespmem:v56+s15+$0x0] =	vst.idx.msk $0xffff, v3  }
0x759: {  	v3 =	vld.idx.msk [tilespmem:v4+s28+$0x0], $0xffff  }
0x75a: {  	v4 =	vadd.s32 $0x4100, v2;
	_ =	sdelay $0x3  }
0x75b: {  	[tilespmem:v57+s15+$0x0] =	vst.idx.msk $0xffff, v3  }
0x75c: {  	v3 =	vld.idx.msk [tilespmem:v4+s28+$0x0], $0xffff  }
0x75d: {  	v4 =	vadd.s32 $0x4180, v2;
	_ =	sdelay $0x3  }
0x75e: {  	[tilespmem:v58+s15+$0x0] =	vst.idx.msk $0xffff, v3  }
0x75f: {  	v3 =	vld.idx.msk [tilespmem:v4+s28+$0x0], $0xffff  }
0x760: {  	v4 =	vadd.s32 $0x4200, v2;
	_ =	sdelay $0x3  }
0x761: {  	[tilespmem:v59+s15+$0x0] =	vst.idx.msk $0xffff, v3  }
0x762: {  	v3 =	vld.idx.msk [tilespmem:v4+s28+$0x0], $0xffff  }
0x763: {  	v4 =	vadd.s32 $0x4280, v2;
	_ =	sdelay $0x3  }
0x764: {  	[tilespmem:v60+s15+$0x0] =	vst.idx.msk $0xffff, v3  }
0x765: {  	v3 =	vld.idx.msk [tilespmem:v4+s28+$0x0], $0xffff  }
0x766: {  	v4 =	vadd.s32 $0x4300, v2;
	_ =	sdelay $0x3  }
0x767: {  	[tilespmem:v61+s15+$0x0] =	vst.idx.msk $0xffff, v3  }
0x768: {  	v3 =	vld.idx.msk [tilespmem:v4+s28+$0x0], $0xffff  }
0x769: {  	v2 =	vadd.s32 $0x4380, v2;
	_ =	sdelay $0x3  }
0x76a: {  	[tilespmem:v62+s15+$0x0] =	vst.idx.msk $0xffff, v3  }
0x76b: {  	v2 =	vld.idx.msk [tilespmem:v2+s28+$0x0], $0xffff;
	_ =	sdelay $0x4  }
0x76c: {  	s29 =	simm.s32 $0x0;
	[tilespmem:v63+s15+$0x0] =	vst.idx.msk $0xffff, v2  }
0x76d: {  	v2 =	vld [tilespmem:s29+$0x1F0];
	_ =	sdelay $0x4  }
0x76e: {  	(v2sf) =	vpush v2, $0x0;
	_ =	sdelay $0xe  }
0x76f: {  	s30 =	spop (v2sf)  }
0x770: {  	s22 =	sshll.u32 s30, $0x7  }
0x771: {  	s22 =	sand.u32 $0x1FFFFF80, s22  }
0x772: {  	s23 =	simm.s32 $0x8;
	s25 =	simm.s32 $0xC300;
	s31 =	sadd.s32 s1, s22  }
0x773: {  	[tilespmem:s28], [sflag:$0x2] =	stream.linear.gather [hbm4b:s31+s4], $0x400, $0x38;
	[tilespmem:$0x11300] =	vst v63  }
0x774: {  	s21 =	simm.s32 $0x8700;
	s22 =	simm.s32 $0x1;
	s24 =	sadd.s32 $0xF4280, s31  }
.LBB2_35:
0x775: {  	[tilespmem:s25], [sflag:$0x2] =	stream.linear.gather [hbm4b:s24+s4], $0x400, $0x38;
	[tilespmem:$0x11300] =	vst v63  }
0x776: {  	p0 =	sne.s32 s23, $0x3C;
	v2 =	vld [tilespmem:s22+$0x1F0];
	s22 =	sshra.s32 s23, $0x2;
	s23 =	sadd.s32 $0x4, s23  }
0x777: {  	_ =	sdelay $0x3  }
0x778: {  	(v2sf) =	vpush v2, $0x0;
	_ =	sdelay $0xe  }
0x779: {  	s24 =	spop (v2sf)  }
.Ltmp17:
0x77a: {  	s24 =	sshll.u32 s24, $0x7;
	(pc) =	sbr.rel @p0 .LBB2_35-.Ltmp17, $4  }
0x77b: {  	s24 =	sand.u32 $0x1FFFFF80, s24  }
0x77c: {  	s24 =	sadd.s32 s1, s24  }
0x77d: {  	[tilespmem:s21], [sflag:$0x2] =	stream.linear.gather [hbm4b:s24+s4], $0x400, $0x38;
	[tilespmem:$0x11300] =	vst v63  }
0x77e: {  	s25 =	sadd.s32 $0x4000, s21;
	s24 =	sadd.s32 $0xF4280, s24;
	s21 =	sadd.s32 $0x400, s21  }
0x77f: {  	[tilespmem:s25], [sflag:$0x2] =	stream.linear.gather [hbm4b:s24+s4], $0x400, $0x38;
	[tilespmem:$0x11300] =	vst v63  }
0x780: {  	v2 =	vld [tilespmem:s22+$0x1F0];
	_ =	sdelay $0x4  }
0x781: {  	(v2sf) =	vpush v2, $0x0;
	_ =	sdelay $0xe  }
0x782: {  	s30 =	spop (v2sf)  }
0x783: {  	s22 =	sshll.u32 s30, $0x7  }
0x784: {  	s22 =	sand.u32 $0x1FFFFF80, s22  }
0x785: {  	s22 =	sadd.s32 s1, s22  }
0x786: {  	[tilespmem:s21], [sflag:$0x2] =	stream.linear.gather [hbm4b:s22+s4], $0x400, $0x38;
	[tilespmem:$0x11300] =	vst v63  }
0x787: {  	s31 =	sadd.s32 $0x4000, s21;
	s22 =	sadd.s32 $0xF4280, s22  }
0x788: {  	[tilespmem:s31], [sflag:$0x2] =	stream.linear.gather [hbm4b:s22+s4], $0x400, $0x38;
	[tilespmem:$0x11300] =	vst v63  }
0x789: {  	_ =	swait.ge [sflag:s12], $0x800  }
0x78a: {  	[sflag:s12] =	ssyncset.done $0x0  }
0x78b: {  	[sflag:s12] =	ssyncadd.s32 $0xFFFFF800  }
0x78c: {  	_ =	swait.ge [sflag:s12], $0x800  }
0x78d: {  	[sflag:s12] =	ssyncset.done $0x0  }
0x78e: {  	[sflag:s12] =	ssyncadd.s32 $0xFFFFF800  }
0x78f: {  	_ =	swait.ge [sflag:s12], $0x800  }
0x790: {  	[sflag:s12] =	ssyncset.done $0x0  }
0x791: {  	[sflag:s12] =	ssyncadd.s32 $0xFFFFF800  }
0x792: {  	_ =	swait.ge [sflag:s12], $0x800  }
0x793: {  	[sflag:s12] =	ssyncset.done $0x0  }
0x794: {  	[sflag:s12] =	ssyncadd.s32 $0xFFFFF800  }
0x795: {  	_ =	swait.ge [sflag:s12], $0x800  }
0x796: {  	[sflag:s12] =	ssyncset.done $0x0  }
0x797: {  	[sflag:s12] =	ssyncadd.s32 $0xFFFFF800  }
0x798: {  	_ =	swait.ge [sflag:s12], $0x800  }
0x799: {  	[sflag:s12] =	ssyncset.done $0x0  }
0x79a: {  	[sflag:s12] =	ssyncadd.s32 $0xFFFFF800  }
0x79b: {  	_ =	swait.ge [sflag:s12], $0x800  }
0x79c: {  	[sflag:s12] =	ssyncset.done $0x0  }
0x79d: {  	[sflag:s12] =	ssyncadd.s32 $0xFFFFF800  }
0x79e: {  	_ =	swait.ge [sflag:s12], $0x800  }
0x79f: {  	[sflag:s12] =	ssyncset.done $0x0  }
0x7a0: {  	[sflag:s12] =	ssyncadd.s32 $0xFFFFF800  }
0x7a1: {  	_ =	swait.ge [sflag:s12], $0x800  }
0x7a2: {  	[sflag:s12] =	ssyncset.done $0x0  }
0x7a3: {  	[sflag:s12] =	ssyncadd.s32 $0xFFFFF800  }
0x7a4: {  	_ =	swait.ge [sflag:s12], $0x800  }
0x7a5: {  	[sflag:s12] =	ssyncset.done $0x0  }
0x7a6: {  	[sflag:s12] =	ssyncadd.s32 $0xFFFFF800  }
0x7a7: {  	_ =	swait.ge [sflag:s12], $0x800  }
0x7a8: {  	[sflag:s12] =	ssyncset.done $0x0  }
0x7a9: {  	[sflag:s12] =	ssyncadd.s32 $0xFFFFF800  }
0x7aa: {  	_ =	swait.ge [sflag:s12], $0x800  }
0x7ab: {  	[sflag:s12] =	ssyncset.done $0x0  }
0x7ac: {  	[sflag:s12] =	ssyncadd.s32 $0xFFFFF800  }
0x7ad: {  	_ =	swait.ge [sflag:s12], $0x800  }
0x7ae: {  	[sflag:s12] =	ssyncset.done $0x0  }
0x7af: {  	[sflag:s12] =	ssyncadd.s32 $0xFFFFF800  }
0x7b0: {  	_ =	swait.ge [sflag:s12], $0x800  }
0x7b1: {  	[sflag:s12] =	ssyncset.done $0x0  }
0x7b2: {  	[sflag:s12] =	ssyncadd.s32 $0xFFFFF800  }
0x7b3: {  	_ =	swait.ge [sflag:s12], $0x800  }
0x7b4: {  	[sflag:s12] =	ssyncset.done $0x0  }
0x7b5: {  	[sflag:s12] =	ssyncadd.s32 $0xFFFFF800  }
0x7b6: {  	_ =	swait.ge [sflag:s12], $0x800  }
0x7b7: {  	[sflag:s12] =	ssyncset.done $0x0  }
0x7b8: {  	[sflag:s12] =	ssyncadd.s32 $0xFFFFF800  }
0x7b9: {  	v2 =	vld [tilespmem:$0x170];
	_ =	sdelay $0x4  }
0x7ba: {  	v3 =	vshll.u32 v2, $0x3  }
0x7bb: {  	v3 =	vadd.s32 v1, v3  }
0x7bc: {  	v2 =	vand.u32 $0x7F, v2;
	v3 =	vand.u32 $0xFFFFFC00, v3  }
0x7bd: {  	v2 =	vor.u32 v2, v3;
	_ =	sdelay $0x4  }
0x7be: {  	v4 =	vor.u32 $0x70, v0;
	v3 =	vld.idx.msk [tilespmem:v2+s16+$0x0], $0xffff  }
0x7bf: {  	v48 =	vor.u32 $0x80, v2;
	_ =	sdelay $0x3  }
0x7c0: {  	[tilespmem:v4+s13+$0x0] =	vst.idx.msk $0xffff, v3  }
0x7c1: {  	v3 =	vld.idx.msk [tilespmem:v48+s16+$0x0], $0xffff;
	v48 =	vor.u32 $0xF0, v0  }
0x7c2: {  	v49 =	vor.u32 $0x100, v2;
	_ =	sdelay $0x3  }
0x7c3: {  	[tilespmem:v48+s13+$0x0] =	vst.idx.msk $0xffff, v3  }
0x7c4: {  	v3 =	vld.idx.msk [tilespmem:v49+s16+$0x0], $0xffff;
	v49 =	vor.u32 $0x170, v0  }
0x7c5: {  	v50 =	vor.u32 $0x180, v2;
	_ =	sdelay $0x3  }
0x7c6: {  	[tilespmem:v49+s13+$0x0] =	vst.idx.msk $0xffff, v3  }
0x7c7: {  	v3 =	vld.idx.msk [tilespmem:v50+s16+$0x0], $0xffff;
	v50 =	vor.u32 $0x1F0, v0  }
0x7c8: {  	v51 =	vor.u32 $0x200, v2;
	_ =	sdelay $0x3  }
0x7c9: {  	[tilespmem:v50+s13+$0x0] =	vst.idx.msk $0xffff, v3  }
0x7ca: {  	v3 =	vld.idx.msk [tilespmem:v51+s16+$0x0], $0xffff;
	v51 =	vor.u32 $0x270, v0  }
0x7cb: {  	v52 =	vor.u32 $0x280, v2;
	_ =	sdelay $0x3  }
0x7cc: {  	[tilespmem:v51+s13+$0x0] =	vst.idx.msk $0xffff, v3  }
0x7cd: {  	v3 =	vld.idx.msk [tilespmem:v52+s16+$0x0], $0xffff;
	v52 =	vor.u32 $0x2F0, v0  }
0x7ce: {  	v53 =	vor.u32 $0x300, v2;
	_ =	sdelay $0x3  }
0x7cf: {  	[tilespmem:v52+s13+$0x0] =	vst.idx.msk $0xffff, v3  }
0x7d0: {  	v3 =	vld.idx.msk [tilespmem:v53+s16+$0x0], $0xffff;
	v53 =	vor.u32 $0x370, v0  }
0x7d1: {  	v54 =	vor.u32 $0x380, v2;
	_ =	sdelay $0x3  }
0x7d2: {  	[tilespmem:v53+s13+$0x0] =	vst.idx.msk $0xffff, v3  }
0x7d3: {  	v3 =	vld.idx.msk [tilespmem:v54+s16+$0x0], $0xffff;
	v54 =	vor.u32 $0x3F0, v0  }
0x7d4: {  	v55 =	vadd.s32 $0x4000, v2;
	_ =	sdelay $0x3  }
0x7d5: {  	[tilespmem:v54+s13+$0x0] =	vst.idx.msk $0xffff, v3  }
0x7d6: {  	v3 =	vld.idx.msk [tilespmem:v55+s16+$0x0], $0xffff;
	v55 =	vor.u32 $0x470, v0  }
0x7d7: {  	v56 =	vadd.s32 $0x4080, v2;
	_ =	sdelay $0x3  }
0x7d8: {  	[tilespmem:v55+s13+$0x0] =	vst.idx.msk $0xffff, v3  }
0x7d9: {  	v3 =	vld.idx.msk [tilespmem:v56+s16+$0x0], $0xffff;
	v56 =	vor.u32 $0x4F0, v0  }
0x7da: {  	v57 =	vadd.s32 $0x4100, v2;
	_ =	sdelay $0x3  }
0x7db: {  	[tilespmem:v56+s13+$0x0] =	vst.idx.msk $0xffff, v3  }
0x7dc: {  	v3 =	vld.idx.msk [tilespmem:v57+s16+$0x0], $0xffff;
	v57 =	vor.u32 $0x570, v0  }
0x7dd: {  	v58 =	vadd.s32 $0x4180, v2;
	_ =	sdelay $0x3  }
0x7de: {  	[tilespmem:v57+s13+$0x0] =	vst.idx.msk $0xffff, v3  }
0x7df: {  	v3 =	vld.idx.msk [tilespmem:v58+s16+$0x0], $0xffff;
	v58 =	vor.u32 $0x5F0, v0  }
0x7e0: {  	v59 =	vadd.s32 $0x4200, v2;
	_ =	sdelay $0x3  }
0x7e1: {  	[tilespmem:v58+s13+$0x0] =	vst.idx.msk $0xffff, v3  }
0x7e2: {  	v3 =	vld.idx.msk [tilespmem:v59+s16+$0x0], $0xffff;
	v59 =	vor.u32 $0x670, v0  }
0x7e3: {  	v60 =	vadd.s32 $0x4280, v2;
	_ =	sdelay $0x3  }
0x7e4: {  	[tilespmem:v59+s13+$0x0] =	vst.idx.msk $0xffff, v3  }
0x7e5: {  	v3 =	vld.idx.msk [tilespmem:v60+s16+$0x0], $0xffff;
	v60 =	vor.u32 $0x6F0, v0  }
0x7e6: {  	v61 =	vadd.s32 $0x4300, v2;
	_ =	sdelay $0x3  }
0x7e7: {  	[tilespmem:v60+s13+$0x0] =	vst.idx.msk $0xffff, v3  }
0x7e8: {  	v3 =	vld.idx.msk [tilespmem:v61+s16+$0x0], $0xffff;
	v61 =	vor.u32 $0x770, v0  }
0x7e9: {  	v2 =	vadd.s32 $0x4380, v2;
	_ =	sdelay $0x3  }
0x7ea: {  	[tilespmem:v61+s13+$0x0] =	vst.idx.msk $0xffff, v3  }
0x7eb: {  	v3 =	vor.u32 $0x7F0, v0;
	v2 =	vld.idx.msk [tilespmem:v2+s16+$0x0], $0xffff;
	_ =	sdelay $0x4  }
0x7ec: {  	[tilespmem:v3+s13+$0x0] =	vst.idx.msk $0xffff, v2  }
0x7ed: {  	_ =	swait.ge [sflag:s14], $0x800  }
0x7ee: {  	[sflag:s14] =	ssyncset.done $0x0  }
0x7ef: {  	[sflag:s14] =	ssyncadd.s32 $0xFFFFF800  }
0x7f0: {  	_ =	swait.ge [sflag:s14], $0x800  }
0x7f1: {  	[sflag:s14] =	ssyncset.done $0x0  }
0x7f2: {  	[sflag:s14] =	ssyncadd.s32 $0xFFFFF800  }
0x7f3: {  	_ =	swait.ge [sflag:s14], $0x800  }
0x7f4: {  	[sflag:s14] =	ssyncset.done $0x0  }
0x7f5: {  	[sflag:s14] =	ssyncadd.s32 $0xFFFFF800  }
0x7f6: {  	_ =	swait.ge [sflag:s14], $0x800  }
0x7f7: {  	[sflag:s14] =	ssyncset.done $0x0  }
0x7f8: {  	[sflag:s14] =	ssyncadd.s32 $0xFFFFF800  }
0x7f9: {  	_ =	swait.ge [sflag:s14], $0x800  }
0x7fa: {  	[sflag:s14] =	ssyncset.done $0x0  }
0x7fb: {  	[sflag:s14] =	ssyncadd.s32 $0xFFFFF800  }
0x7fc: {  	_ =	swait.ge [sflag:s14], $0x800  }
0x7fd: {  	[sflag:s14] =	ssyncset.done $0x0  }
0x7fe: {  	[sflag:s14] =	ssyncadd.s32 $0xFFFFF800  }
0x7ff: {  	_ =	swait.ge [sflag:s14], $0x800  }
0x800: {  	[sflag:s14] =	ssyncset.done $0x0  }
0x801: {  	[sflag:s14] =	ssyncadd.s32 $0xFFFFF800  }
0x802: {  	_ =	swait.ge [sflag:s14], $0x800  }
0x803: {  	[sflag:s14] =	ssyncset.done $0x0  }
0x804: {  	[sflag:s14] =	ssyncadd.s32 $0xFFFFF800  }
0x805: {  	_ =	swait.ge [sflag:s14], $0x800  }
0x806: {  	[sflag:s14] =	ssyncset.done $0x0  }
0x807: {  	[sflag:s14] =	ssyncadd.s32 $0xFFFFF800  }
0x808: {  	_ =	swait.ge [sflag:s14], $0x800  }
0x809: {  	[sflag:s14] =	ssyncset.done $0x0  }
0x80a: {  	[sflag:s14] =	ssyncadd.s32 $0xFFFFF800  }
0x80b: {  	_ =	swait.ge [sflag:s14], $0x800  }
0x80c: {  	[sflag:s14] =	ssyncset.done $0x0  }
0x80d: {  	[sflag:s14] =	ssyncadd.s32 $0xFFFFF800  }
0x80e: {  	_ =	swait.ge [sflag:s14], $0x800  }
0x80f: {  	[sflag:s14] =	ssyncset.done $0x0  }
0x810: {  	[sflag:s14] =	ssyncadd.s32 $0xFFFFF800  }
0x811: {  	_ =	swait.ge [sflag:s14], $0x800  }
0x812: {  	[sflag:s14] =	ssyncset.done $0x0  }
0x813: {  	[sflag:s14] =	ssyncadd.s32 $0xFFFFF800  }
0x814: {  	_ =	swait.ge [sflag:s14], $0x800  }
0x815: {  	[sflag:s14] =	ssyncset.done $0x0  }
0x816: {  	[sflag:s14] =	ssyncadd.s32 $0xFFFFF800  }
0x817: {  	_ =	swait.ge [sflag:s14], $0x800  }
0x818: {  	[sflag:s14] =	ssyncset.done $0x0  }
0x819: {  	[sflag:s14] =	ssyncadd.s32 $0xFFFFF800  }
0x81a: {  	_ =	swait.ge [sflag:s14], $0x800  }
0x81b: {  	[sflag:s14] =	ssyncset.done $0x0  }
0x81c: {  	[sflag:s14] =	ssyncadd.s32 $0xFFFFF800  }
0x81d: {  	v2 =	vld [tilespmem:$0x2F0];
	_ =	sdelay $0x4  }
0x81e: {  	v62 =	vshll.u32 v2, $0x3  }
0x81f: {  	v62 =	vadd.s32 v1, v62  }
0x820: {  	v2 =	vand.u32 $0x7F, v2;
	v62 =	vand.u32 $0xFFFFFC00, v62  }
0x821: {  	v2 =	vor.u32 v2, v62;
	_ =	sdelay $0x4  }
0x822: {  	v62 =	vld.idx.msk [tilespmem:v2+s17+$0x0], $0xffff  }
0x823: {  	v63 =	vor.u32 $0x80, v2;
	_ =	sdelay $0x3  }
0x824: {  	[tilespmem:v4+s15+$0x0] =	vst.idx.msk $0xffff, v62  }
0x825: {  	v4 =	vld.idx.msk [tilespmem:v63+s17+$0x0], $0xffff  }
0x826: {  	v62 =	vor.u32 $0x100, v2;
	_ =	sdelay $0x3  }
0x827: {  	[tilespmem:v48+s15+$0x0] =	vst.idx.msk $0xffff, v4  }
0x828: {  	v4 =	vld.idx.msk [tilespmem:v62+s17+$0x0], $0xffff  }
0x829: {  	v62 =	vor.u32 $0x180, v2;
	_ =	sdelay $0x3  }
0x82a: {  	[tilespmem:v49+s15+$0x0] =	vst.idx.msk $0xffff, v4  }
0x82b: {  	v4 =	vld.idx.msk [tilespmem:v62+s17+$0x0], $0xffff  }
0x82c: {  	v63 =	vor.u32 $0x200, v2;
	_ =	sdelay $0x3  }
0x82d: {  	[tilespmem:v50+s15+$0x0] =	vst.idx.msk $0xffff, v4  }
0x82e: {  	v4 =	vld.idx.msk [tilespmem:v63+s17+$0x0], $0xffff  }
0x82f: {  	v62 =	vor.u32 $0x280, v2;
	_ =	sdelay $0x3  }
0x830: {  	[tilespmem:v51+s15+$0x0] =	vst.idx.msk $0xffff, v4  }
0x831: {  	v4 =	vld.idx.msk [tilespmem:v62+s17+$0x0], $0xffff  }
0x832: {  	v63 =	vor.u32 $0x300, v2;
	_ =	sdelay $0x3  }
0x833: {  	[tilespmem:v52+s15+$0x0] =	vst.idx.msk $0xffff, v4  }
0x834: {  	v4 =	vld.idx.msk [tilespmem:v63+s17+$0x0], $0xffff  }
0x835: {  	v52 =	vor.u32 $0x380, v2;
	_ =	sdelay $0x3  }
0x836: {  	[tilespmem:v53+s15+$0x0] =	vst.idx.msk $0xffff, v4  }
0x837: {  	v4 =	vld.idx.msk [tilespmem:v52+s17+$0x0], $0xffff  }
0x838: {  	v53 =	vadd.s32 $0x4000, v2;
	_ =	sdelay $0x3  }
0x839: {  	[tilespmem:v54+s15+$0x0] =	vst.idx.msk $0xffff, v4  }
0x83a: {  	v4 =	vld.idx.msk [tilespmem:v53+s17+$0x0], $0xffff  }
0x83b: {  	v54 =	vadd.s32 $0x4080, v2;
	_ =	sdelay $0x3  }
0x83c: {  	[tilespmem:v55+s15+$0x0] =	vst.idx.msk $0xffff, v4  }
0x83d: {  	v4 =	vld.idx.msk [tilespmem:v54+s17+$0x0], $0xffff  }
0x83e: {  	v55 =	vadd.s32 $0x4100, v2;
	_ =	sdelay $0x3  }
0x83f: {  	[tilespmem:v56+s15+$0x0] =	vst.idx.msk $0xffff, v4  }
0x840: {  	v4 =	vld.idx.msk [tilespmem:v55+s17+$0x0], $0xffff  }
0x841: {  	v56 =	vadd.s32 $0x4180, v2;
	_ =	sdelay $0x3  }
0x842: {  	[tilespmem:v57+s15+$0x0] =	vst.idx.msk $0xffff, v4  }
0x843: {  	v4 =	vld.idx.msk [tilespmem:v56+s17+$0x0], $0xffff  }
0x844: {  	v57 =	vadd.s32 $0x4200, v2;
	_ =	sdelay $0x3  }
0x845: {  	[tilespmem:v58+s15+$0x0] =	vst.idx.msk $0xffff, v4  }
0x846: {  	v4 =	vld.idx.msk [tilespmem:v57+s17+$0x0], $0xffff  }
0x847: {  	v62 =	vadd.s32 $0x4280, v2;
	_ =	sdelay $0x3  }
0x848: {  	[tilespmem:v59+s15+$0x0] =	vst.idx.msk $0xffff, v4  }
0x849: {  	v4 =	vld.idx.msk [tilespmem:v62+s17+$0x0], $0xffff  }
0x84a: {  	v63 =	vadd.s32 $0x4300, v2;
	_ =	sdelay $0x3  }
0x84b: {  	[tilespmem:v60+s15+$0x0] =	vst.idx.msk $0xffff, v4  }
0x84c: {  	v4 =	vld.idx.msk [tilespmem:v63+s17+$0x0], $0xffff  }
0x84d: {  	v2 =	vadd.s32 $0x4380, v2;
	_ =	sdelay $0x3  }
0x84e: {  	[tilespmem:v61+s15+$0x0] =	vst.idx.msk $0xffff, v4  }
0x84f: {  	v2 =	vld.idx.msk [tilespmem:v2+s17+$0x0], $0xffff;
	_ =	sdelay $0x4  }
0x850: {  	[tilespmem:v3+s15+$0x0] =	vst.idx.msk $0xffff, v2  }
0x851: {  	[hbm4b:s7+s18] =	stream.strided.scatter [tilespmem:s13], [sflag:$0x3], $0x800, s19, s18, $0x38;
	[tilespmem:$0x11300] =	vst v63  }
0x852: {  	_ =	swait.ge [sflag:s10], $0x800  }
0x853: {  	s20 =	sadd.s32 $0x1, s20;
	[sflag:s10] =	ssyncset.done $0x0  }
0x854: {  	p0 =	sne.s32 s20, s9;
	[sflag:s10] =	ssyncadd.s32 $0xFFFFF800  }
0x855: {  	[hbm4b:s8+s18] =	stream.strided.scatter [tilespmem:s15], [sflag:$0x3], $0x800, s19, s18, $0x38;
	[tilespmem:$0x11300] =	vst v63  }
.Ltmp18:
0x856: {  	_ = 	snop;
	(pc) =	sbr.rel @p0 .LBB2_1-.Ltmp18, $4  }
.Ltmp19:
0x857: {  	_ =	swait.ge [sflag:s10], $0x800;
	(pc) =	sbr.rel @!p0 .LBB2_37-.Ltmp19, $4  }
0x858: {  	v2 =	vld [tilespmem:$0x1FFD0]  }
0x859: {  	[sflag:s10] =	ssyncset.done $0x0;
	v3 =	vld [tilespmem:$0x1FFE0]  }
0x85a: {  	v4 =	vld [tilespmem:$0x1FFF0];
	[sflag:s10] =	ssyncadd.s32 $0xFFFFF800  }
0x85b: {  	_ = 	snop  }
.LBB2_4:
.Ltmp20:
0x85c: {  	(pc) =	sbr.rel .LBB2_8-.Ltmp20, $2  }
0x85d: {  	_ =	sdelay $0x2  }
0x85e: {  	_ = 	snop  }
.LBB2_6:
.Ltmp21:
0x85f: {  	(pc) =	sbr.rel .LBB2_8-.Ltmp21, $2  }
0x860: {  	_ =	sdelay $0x2  }
0x861: {  	s22 =	simm.s32 $0x1  }
.LBB2_37:
0x862: {  	_ =	sfence.sel $0x180000  }
0x863: {  	[bflag:$0x0] =	sbarrier.arrive $0xFFFF  }
0x864: {  	p0 =	sne.s32 s3, $0x0;
	_ =	strace $0x90000047  }
0x865: {  	s0 =	sadd.s32 @!p0 $0x100000, s2;
	[bflag:$0x2] =	sbarrier.arrive $0xFFFF  }
0x866: {  	[sflag:s0] =	ssyncadd.tile.s32 @!p0 $0x1;
	_ =	shalt  }
.Lfunc_end2:
_tile_overlayer_lowered:
.L_overlay_start_2:
0x867: {  	(tag) =	ssettag $0x2  }
0x868: {  	s0 =	rddreg [dreg:$0x0];
	s2 =	stileid.u32  }
0x869: {  	s1 =	rddreg [dreg:$0x1];
	p0 =	sne.s32 s2, $0x0  }
0x86a: {  	s3 =	rddreg [dreg:$0x2];
	[bflag:$0x3] =	sbarrier.arrive $0xFFFF;
	s2 =	simm.s32 @!p0 $0x1C03  }
0x86b: {  	[timem:s3], [sflag:s2] =	dma.local @!p0 [hbm:s0], s1  }
0x86c: {  	s0 =	simm.s32 @!p0 $0x3  }
0x86d: {  	_ =	swait.ge @!p0 [sflag:s0], s1  }
0x86e: {  	s1 =	ssub.s32 @!p0 $0x0, s1;
	[sflag:s0] =	ssyncset.done @!p0 $0x0  }
0x86f: {  	[sflag:s0] =	ssyncadd.s32 @!p0 s1  }
0x870: {  	[bflag:$0x3] =	sbarrier.arrive $0xFFFF  }
0x871: {  	_ =	shalt  }

</sc_bundles>
